<compile_context>
chip_gen: v7x
topology: tpu7x:2x2x1
jax: 0.10.2.dev20260603
libtpu: 0.0.44.dev20260713+nightly
codegen_flags: <defaults>
</compile_context>

<pallas_src>
import functools

import numpy as np

import jax
import jax.numpy as jnp
from jax import lax
from jax.experimental import pallas as pl
from jax.experimental.pallas import tpu as pltpu
from jax.experimental.pallas import tpu_sc as plsc

N = 10000
E = 320000
D = 128
NC = 2
NS = 16
L = 16
CHUNK = 64
K = 320
G = 64
NBUF = 4
E_PAD = NS * CHUNK * K
NPAD = 10240
STRIPE = NPAD // NS
DUMMY = N
BLK = 1280


def _deg_body(dst_hbm, dinv_hbm, dstv, degv, stripev, dinvv, shared):
    c = lax.axis_index("c")
    s = lax.axis_index("s")
    pltpu.sync_copy(dst_hbm.at[c, s], dstv)

    zeros16 = jnp.zeros((L,), jnp.float32)
    ones16 = jnp.ones((L,), jnp.float32)

    @pl.loop(0, NPAD // L)
    def _(i):
        degv[pl.ds(i * L, L)] = zeros16

    @pl.loop(0, K)
    def _(j):
        @pl.loop(0, CHUNK // L)
        def _(i):
            idx = dstv[j, pl.ds(i * L, L)]
            plsc.addupdate_scatter(degv, [idx], ones16)

    pltpu.sync_copy(degv, shared.at[s])
    plsc.subcore_barrier()

    base = s * STRIPE
    pltpu.sync_copy(shared.at[:, pl.ds(base, STRIPE)], stripev)

    @pl.loop(0, STRIPE // L)
    def _(i):
        tot = stripev[0, pl.ds(i * L, L)]
        for r in range(1, NS):
            tot = tot + stripev[r, pl.ds(i * L, L)]
        d = tot + 1.0
        bits = plsc.bitcast(d, jnp.int32)
        bits = jnp.int32(0x5F3759DF) - (bits >> 1)
        y = plsc.bitcast(bits, jnp.float32)
        for _ in range(3):
            y = y * (1.5 - 0.5 * d * y * y)
        dinvv[pl.ds(i * L, L)] = y

    pltpu.sync_copy(dinvv, dinv_hbm.at[c, pl.ds(base, STRIPE)])


_deg_kernel = functools.partial(
    pl.kernel,
    compiler_params=pltpu.CompilerParams(needs_layout_passes=False),
    out_type=jax.ShapeDtypeStruct((NC, NPAD), jnp.float32),
    mesh=plsc.VectorSubcoreMesh(
        core_axis_name="c", subcore_axis_name="s", num_cores=NC, num_subcores=NS
    ),
    scratch_types=[
        pltpu.VMEM((K, CHUNK), jnp.int32),
        pltpu.VMEM((NPAD,), jnp.float32),
        pltpu.VMEM((NS, STRIPE), jnp.float32),
        pltpu.VMEM((STRIPE,), jnp.float32),
        pltpu.VMEM_SHARED((NS, NPAD), jnp.float32),
    ],
)(_deg_body)


def _edge_body(g_hbm, gp_hbm, src_hbm, dst_hbm, dinv_hbm, b_hbm, out_hbm,
               srcv, dstv, gb0, gb1, gb2, gb3, fb0, fb1, acc_sh, gsem, ssem):
    c = lax.axis_index("c")
    s = lax.axis_index("s")
    gbufs = (gb0, gb1, gb2, gb3)
    fbufs = (fb0, fb1)
    rows0, rows1, rows2 = fb0, fb1, gb0

    pltpu.sync_copy(
        g_hbm.at[pl.ds(c * NPAD + s * STRIPE, STRIPE)],
        acc_sh.at[pl.ds(s * STRIPE, STRIPE)],
    )
    plsc.subcore_barrier()

    def gissue(j, b):
        pltpu.async_copy(gp_hbm.at[srcv.at[j]], gbufs[b], gsem)

    def gwait(b):
        pltpu.make_async_copy(gp_hbm.at[srcv.at[0]], gbufs[b], gsem).wait()

    def sissue(j, u):
        pltpu.async_copy(fbufs[u], acc_sh.at[dstv.at[j]], ssem, add=True)

    def swait(u):
        pltpu.make_async_copy(fbufs[u], acc_sh.at[dstv.at[0]], ssem).wait()

    def unpack_chunk(b, u):
        gb_, fb_ = gbufs[b], fbufs[u]

        @pl.loop(0, CHUNK)
        def _(r):
            for i in range(D // (2 * L)):
                w16 = gb_[r, pl.ds(i * L, L)]
                h2 = plsc.bitcast(w16, jnp.bfloat16)
                va, vb = plsc.unpack(h2, format=plsc.PackFormat.INTERLEAVED)
                fb_[r, pl.ds(2 * i * L, L)] = va
                fb_[r, pl.ds((2 * i + 1) * L, L)] = vb

    @pl.loop(0, K // G)
    def _(p):
        pltpu.sync_copy(src_hbm.at[c, s, pl.ds(p * G, G)], srcv)
        pltpu.sync_copy(dst_hbm.at[c, s, pl.ds(p * G, G)], dstv)

        @pl.when(p > 0)
        def _():
            swait(0)
            swait(1)

        for b in range(NBUF):
            gissue(b, b)

        @pl.loop(0, G, step=NBUF)
        def _(j):
            for b in range(NBUF):
                u = b % 2
                gwait(b)

                @pl.when(j + b >= 2)
                def _():
                    swait(u)
                unpack_chunk(b, u)
                sissue(j + b, u)

                @pl.when(j + b + NBUF < G)
                def _():
                    gissue(j + b + NBUF, b)

    swait(0)
    swait(1)
    plsc.subcore_barrier()

    pltpu.sync_copy(dinv_hbm.at[c, s], rows1.at[pl.ds(0, STRIPE // D)])
    pltpu.sync_copy(b_hbm, rows1.at[pl.ds(8, 1)])
    bvecs = [rows1[8, pl.ds(i * L, L)] for i in range(D // L)]

    @pl.loop(0, STRIPE // CHUNK)
    def _(q):
        base = s * STRIPE + q * CHUNK
        pltpu.sync_copy(acc_sh.at[pl.ds(base, CHUNK)], rows0)

        @pl.loop(0, CHUNK // L)
        def _(t):
            o = q * CHUNK + t * L
            dv = rows1[o // D, pl.ds(o % D, L)]
            for r in range(L):
                sc = jnp.take(dv, jnp.full((L,), r, jnp.int32))
                for i in range(D // L):
                    v = rows0[t * L + r, pl.ds(i * L, L)]
                    rows0[t * L + r, pl.ds(i * L, L)] = jnp.maximum(
                        v * sc + bvecs[i], 0.0)

        pltpu.sync_copy(rows0, out_hbm.at[c, pl.ds(base, CHUNK)])


_edge_kernel = functools.partial(
    pl.kernel,
    compiler_params=pltpu.CompilerParams(
        needs_layout_passes=False, use_tc_tiling_on_sc=False),
    out_type=jax.ShapeDtypeStruct((NC, NPAD, D), jnp.float32),
    mesh=plsc.VectorSubcoreMesh(
        core_axis_name="c", subcore_axis_name="s", num_cores=NC, num_subcores=NS
    ),
    scratch_types=[
        pltpu.VMEM((G, CHUNK), jnp.int32),
        pltpu.VMEM((G, CHUNK), jnp.int32),
        pltpu.VMEM((CHUNK, D // 2), jnp.int32),
        pltpu.VMEM((CHUNK, D // 2), jnp.int32),
        pltpu.VMEM((CHUNK, D // 2), jnp.int32),
        pltpu.VMEM((CHUNK, D // 2), jnp.int32),
        pltpu.VMEM((CHUNK, D), jnp.float32),
        pltpu.VMEM((CHUNK, D), jnp.float32),
        pltpu.VMEM_SHARED((NPAD, D), jnp.float32),
        pltpu.SemaphoreType.DMA,
        pltpu.SemaphoreType.DMA,
    ],
)(_edge_body)


def _mm_body(x_ref, d_ref, w_ref, wa_ref, wb_ref, o_ref, op_ref):
    x = x_ref[0]
    dv = d_ref[0]
    xsv = x * dv
    o_ref[0] = jnp.dot(xsv, w_ref[...], preferred_element_type=jnp.float32)
    ga = jnp.dot(xsv, wa_ref[...], preferred_element_type=jnp.float32)
    gb = jnp.dot(xsv, wb_ref[...], preferred_element_type=jnp.float32)
    ai = lax.convert_element_type(
        lax.bitcast_convert_type(ga.astype(jnp.bfloat16), jnp.uint16),
        jnp.int32)
    bi = lax.convert_element_type(
        lax.bitcast_convert_type(gb.astype(jnp.bfloat16), jnp.uint16),
        jnp.int32)
    op_ref[0] = ai | (bi << 16)


def _matmul(xs, dinv_col, W, WA, WB):
    return pl.pallas_call(
        _mm_body,
        grid=(NC, NPAD // BLK),
        in_specs=[
            pl.BlockSpec((1, BLK, D), lambda g, j: (g, j, 0)),
            pl.BlockSpec((1, BLK, 1), lambda g, j: (g, j, 0)),
            pl.BlockSpec((D, D), lambda g, j: (0, 0)),
            pl.BlockSpec((D, D // 2), lambda g, j: (0, 0)),
            pl.BlockSpec((D, D // 2), lambda g, j: (0, 0)),
        ],
        out_specs=[
            pl.BlockSpec((1, BLK, D), lambda g, j: (g, j, 0)),
            pl.BlockSpec((1, BLK, D // 2), lambda g, j: (g, j, 0)),
        ],
        out_shape=[
            jax.ShapeDtypeStruct((NC, NPAD, D), jnp.float32),
            jax.ShapeDtypeStruct((NC, NPAD, D // 2), jnp.int32),
        ],
    )(xs, dinv_col, W, WA, WB)


def _fin_body(a_ref, g_ref, d_ref, b_ref, o_ref):
    o_ref[0] = jax.nn.relu((a_ref[0] + g_ref[0]) * d_ref[0] + b_ref[...])


def _finalize(acc, g, dinv_col, b2d):
    return pl.pallas_call(
        _fin_body,
        grid=(NC, NPAD // BLK),
        in_specs=[
            pl.BlockSpec((1, BLK, D), lambda g, j: (g, j, 0)),
            pl.BlockSpec((1, BLK, D), lambda g, j: (g, j, 0)),
            pl.BlockSpec((1, BLK, 1), lambda g, j: (g, j, 0)),
            pl.BlockSpec((1, D), lambda g, j: (0, 0)),
        ],
        out_specs=pl.BlockSpec((1, BLK, D), lambda g, j: (g, j, 0)),
        out_shape=jax.ShapeDtypeStruct((NC, NPAD, D), jnp.float32),
    )(acc, g, dinv_col, b2d)


def _prep_edges(ei, src_off):
    pad = jnp.full((E_PAD - E,), DUMMY, jnp.int32)
    src = jnp.concatenate([ei[0], pad]).reshape(NS, K, CHUNK) + src_off
    dst = jnp.concatenate([ei[1], pad]).reshape(NS, K, CHUNK)
    return src, dst


def kernel(x1, edge_index1, x2, edge_index2, W, b):
    s1, d1 = _prep_edges(edge_index1, 0)
    s2, d2 = _prep_edges(edge_index2, NPAD)
    src_all = jnp.stack([s1, s2])
    dst_all = jnp.stack([d1, d2])

    dinv = _deg_kernel(dst_all)
    dinv_col = dinv[:, :, None]

    xs = jnp.pad(jnp.stack([x1, x2]), ((0, 0), (0, NPAD - N), (0, 0)))
    perm_a = np.concatenate([np.arange(32 * i, 32 * i + 16) for i in range(4)])
    g, gp = _matmul(xs, dinv_col, W, W[:, perm_a], W[:, perm_a + 16])

    dinv4 = dinv.reshape(NC, NS, STRIPE // D, D)
    y = _edge_kernel(g.reshape(NC * NPAD, D), gp.reshape(NC * NPAD, D // 2),
                     src_all, dst_all, dinv4, b.reshape(1, D))
    return (y[0, :N], y[1, :N])

# --- scband reference (transcript-rebuilt; emitter-appended) ---
"""Pipeline reference for scband-spectral-gcn-7275674600509 (READ-ONLY COPY).

The authoritative reference and input builder live on the scoring server;
editing this copy changes nothing except your own understanding.
"""

import jax, jax.numpy as jnp
import numpy as np

N_NODES = 10000
N_EDGES = 320000
D = 128


def gcn_conv(x, edge_index, W, b):
    # Faithful GCNConv: h = D^{-1/2} (A + I) D^{-1/2} (x @ W) + b
    n = x.shape[0]
    loop = jnp.arange(n, dtype=edge_index.dtype)
    src = jnp.concatenate([edge_index[0], loop])
    dst = jnp.concatenate([edge_index[1], loop])
    deg = jnp.zeros((n,), dtype=x.dtype).at[dst].add(1.0)
    dinv = jnp.where(deg > 0, deg ** -0.5, 0.0)
    norm = dinv[src] * dinv[dst]
    h = x @ W
    msg = jnp.take(h, src, axis=0) * norm[:, None]
    out = jax.ops.segment_sum(msg, dst, num_segments=n)
    return out + b


def setup_inputs(seed: int = 0) -> dict:
    key = jax.random.key(seed)
    k1, k2, k3, k4, k5 = jax.random.split(key, 5)
    x1 = jax.random.normal(k1, (N_NODES, D), dtype=jnp.float32)
    x2 = jax.random.normal(k2, (N_NODES, D), dtype=jnp.float32)
    edge_index1 = jax.random.randint(k3, (2, N_EDGES), 0, N_NODES, dtype=jnp.int32)
    edge_index2 = jax.random.randint(k4, (2, N_EDGES), 0, N_NODES, dtype=jnp.int32)
    # GCNConv learned parameters (in_channels=128 -> out_channels=128), glorot-like init
    W = jax.random.normal(k5, (D, D), dtype=jnp.float32) * (1.0 / np.sqrt(D))
    b = jnp.zeros((D,), dtype=jnp.float32)
    return {"x1": x1, "edge_index1": edge_index1, "x2": x2, "edge_index2": edge_index2, "W": W, "b": b}


def reference(x1, edge_index1, x2, edge_index2, W, b):
    # SpectralGCN with num_hidden_layers=0: one shared GCNConv applied to both graphs, ReLU after each
    y1 = jax.nn.relu(gcn_conv(x1, edge_index1, W, b))
    y2 = jax.nn.relu(gcn_conv(x2, edge_index2, W, b))
    return (y1, y2)

if __name__ == "__main__":
    import jax
    _d = setup_inputs()
    print(jax.jit(kernel)(*tuple(_d.values())))

</pallas_src>

<mosaic_0001>
#map = affine_map<(d0, d1) -> (0, 0, 0, 0)>
#map1 = affine_map<(d0, d1) -> (0, 0)>
module attributes {stable_mosaic.version = 14 : i64} {
  func.func @_deg_body(%arg0: i32, %arg1: i32, %arg2: memref<2x16x320x64xi32, #tpu.memory_space<hbm>>, %arg3: memref<2x10240xf32, #tpu.memory_space<hbm>>, %arg4: memref<320x64xi32, #tpu.memory_space<vmem>>, %arg5: memref<10240xf32, #tpu.memory_space<vmem>>, %arg6: memref<16x640xf32, #tpu.memory_space<vmem>>, %arg7: memref<640xf32, #tpu.memory_space<vmem>>, %arg8: memref<16x10240xf32, #tpu.memory_space<vmem_shared>>) attributes {dimension_semantics = [#tpu.dimension_semantics<core_parallel>, #tpu.dimension_semantics<subcore_parallel>], iteration_bounds = array<i64: 2, 16>, scalar_prefetch = 0 : i64, scratch_operands = 5 : i64, tpu.core_type = #tpu.core_type<sc_vector_subcore>, window_params = [{transform_indices = #map}, {transform_indices = #map1}]} {
    "tpu.region"() ({
      %run_scoped3A = tpu.sem_alloc : memref<!tpu.dma_semaphore, #tpu.memory_space<semaphore_mem>>
      %dma_start3A = arith.constant 0 : i32
      %dma_start3A_18 = arith.constant 0 : i32
      %dma_start3A_19 = tpu.memref_slice %arg2[%arg0, %arg1, %dma_start3A, %dma_start3A_18] : memref<2x16x320x64xi32, #tpu.memory_space<hbm>> -> memref<1x1x320x64xi32, #tpu.memory_space<hbm>>
      %dma_start3A_20 = tpu.memref_squeeze %dma_start3A_19 : memref<1x1x320x64xi32, #tpu.memory_space<hbm>> -> memref<320x64xi32, #tpu.memory_space<hbm>>
      %dma_start3A_21 = arith.constant 0 : i32
      %dma_start3A_22 = arith.constant 0 : i32
      %dma_start3A_23 = tpu.memref_slice %arg2[%arg0, %arg1, %dma_start3A_21, %dma_start3A_22] : memref<2x16x320x64xi32, #tpu.memory_space<hbm>> -> memref<1x1x320x64xi32, #tpu.memory_space<hbm>>
      %dma_start3A_24 = tpu.memref_squeeze %dma_start3A_23 : memref<1x1x320x64xi32, #tpu.memory_space<hbm>> -> memref<320x64xi32, #tpu.memory_space<hbm>>
      tpu.enqueue_dma source(%dma_start3A_24 : memref<320x64xi32, #tpu.memory_space<hbm>>) target(%arg4 : memref<320x64xi32, #tpu.memory_space<vmem>>) target_semaphore(%run_scoped3A : memref<!tpu.dma_semaphore, #tpu.memory_space<semaphore_mem>>)
      %dma_wait3A = arith.constant 0 : i32
      %dma_wait3A_25 = arith.constant 0 : i32
      %dma_wait3A_26 = tpu.memref_slice %arg2[%arg0, %arg1, %dma_wait3A, %dma_wait3A_25] : memref<2x16x320x64xi32, #tpu.memory_space<hbm>> -> memref<1x1x320x64xi32, #tpu.memory_space<hbm>>
      %dma_wait3A_27 = tpu.memref_squeeze %dma_wait3A_26 : memref<1x1x320x64xi32, #tpu.memory_space<hbm>> -> memref<320x64xi32, #tpu.memory_space<hbm>>
      %dma_wait3A_28 = arith.constant 0 : i32
      %dma_wait3A_29 = arith.constant 0 : i32
      %dma_wait3A_30 = tpu.memref_slice %arg2[%arg0, %arg1, %dma_wait3A_28, %dma_wait3A_29] : memref<2x16x320x64xi32, #tpu.memory_space<hbm>> -> memref<1x1x320x64xi32, #tpu.memory_space<hbm>>
      %dma_wait3A_31 = tpu.memref_squeeze %dma_wait3A_30 : memref<1x1x320x64xi32, #tpu.memory_space<hbm>> -> memref<320x64xi32, #tpu.memory_space<hbm>>
      tpu.wait_dma2 semaphore(%run_scoped3A : memref<!tpu.dma_semaphore, #tpu.memory_space<semaphore_mem>>) src(%dma_wait3A_31 : memref<320x64xi32, #tpu.memory_space<hbm>>) dst(%arg4 : memref<320x64xi32, #tpu.memory_space<vmem>>)
      tpu.yield
    }) : () -> ()
    %broadcast_in_dim3A = arith.constant 0.000000e+00 : f32
    %broadcast_in_dim3A_0 = vector.broadcast %broadcast_in_dim3A : f32 to vector<16xf32>
    %broadcast_in_dim3A_1 = arith.constant 1.000000e+00 : f32
    %broadcast_in_dim3A_2 = vector.broadcast %broadcast_in_dim3A_1 : f32 to vector<16xf32>
    %scan3A = arith.constant 0 : i32
    %scan3A_3 = arith.constant 640 : i32
    %scan3A_4 = arith.addi %scan3A, %scan3A_3 : i32
    %scan3A_5 = arith.constant 1 : i32
    scf.for %scan3A_18 = %scan3A to %scan3A_4 step %scan3A_5  : i32 {
      %mul3A_19 = arith.constant 1 : i32
      %mul3A_20 = arith.muli %scan3A_18, %mul3A_19 : i32
      %add3A = arith.constant 0 : i32
      %add3A_21 = arith.addi %add3A, %mul3A_20 : i32
      %mul3A_22 = arith.constant 16 : i32
      %mul3A_23 = arith.muli %add3A_21, %mul3A_22 : i32
      %swap3A = arith.index_cast %mul3A_23 : i32 to index
      %swap3A_24 = tpu.vector_load %arg5[%swap3A] {strides = array<i32>} : memref<10240xf32, #tpu.memory_space<vmem>>, vector<16xf32>,
      tpu.vector_store %arg5[%swap3A], %broadcast_in_dim3A_0 {strides = array<i32>} : memref<10240xf32, #tpu.memory_space<vmem>>, vector<16xf32>,
    }
    %scan3A_6 = arith.constant 640 : i32
    %scan3A_7 = arith.constant 0 : i32
    %scan3A_8 = arith.constant 320 : i32
    %scan3A_9 = arith.addi %scan3A_7, %scan3A_8 : i32
    %scan3A_10 = arith.constant 1 : i32
    scf.for %scan3A_18 = %scan3A_7 to %scan3A_9 step %scan3A_10  : i32 {
      %mul3A_19 = arith.constant 1 : i32
      %mul3A_20 = arith.muli %scan3A_18, %mul3A_19 : i32
      %add3A = arith.constant 0 : i32
      %add3A_21 = arith.addi %add3A, %mul3A_20 : i32
      %scan3A_22 = arith.constant 0 : i32
      %scan3A_23 = arith.constant 4 : i32
      %scan3A_24 = arith.addi %scan3A_22, %scan3A_23 : i32
      %scan3A_25 = arith.constant 1 : i32
      scf.for %scan3A_27 = %scan3A_22 to %scan3A_24 step %scan3A_25  : i32 {
        %mul3A_28 = arith.constant 1 : i32
        %mul3A_29 = arith.muli %scan3A_27, %mul3A_28 : i32
        %add3A_30 = arith.constant 0 : i32
        %add3A_31 = arith.addi %add3A_30, %mul3A_29 : i32
        %mul3A_32 = arith.constant 16 : i32
        %mul3A_33 = arith.muli %add3A_31, %mul3A_32 : i32
        %get3A = arith.index_cast %add3A_21 : i32 to index
        %get3A_34 = arith.index_cast %mul3A_33 : i32 to index
        %get3A_35 = tpu.vector_load %arg4[%get3A, %get3A_34] {strides = array<i32>} : memref<320x64xi32, #tpu.memory_space<vmem>>, vector<16xi32>,
        tpu.vector_store_idx %arg5[%get3A_35], %broadcast_in_dim3A_2 {add = true} : memref<10240xf32, #tpu.memory_space<vmem>>[vector<16xi32>], vector<16xf32>,
      }
      %scan3A_26 = arith.constant 4 : i32
    }
    %scan3A_11 = arith.constant 320 : i32
    "tpu.region"() ({
      %run_scoped3A = tpu.sem_alloc : memref<!tpu.dma_semaphore, #tpu.memory_space<semaphore_mem>>
      %dma_start3A = arith.constant 0 : i32
      %dma_start3A_18 = tpu.memref_slice %arg8[%arg1, %dma_start3A] : memref<16x10240xf32, #tpu.memory_space<vmem_shared>> -> memref<1x10240xf32, #tpu.memory_space<vmem_shared>>
      %dma_start3A_19 = tpu.memref_squeeze %dma_start3A_18 : memref<1x10240xf32, #tpu.memory_space<vmem_shared>> -> memref<10240xf32, #tpu.memory_space<vmem_shared>>
      %dma_start3A_20 = arith.constant 0 : i32
      %dma_start3A_21 = tpu.memref_slice %arg8[%arg1, %dma_start3A_20] : memref<16x10240xf32, #tpu.memory_space<vmem_shared>> -> memref<1x10240xf32, #tpu.memory_space<vmem_shared>>
      %dma_start3A_22 = tpu.memref_squeeze %dma_start3A_21 : memref<1x10240xf32, #tpu.memory_space<vmem_shared>> -> memref<10240xf32, #tpu.memory_space<vmem_shared>>
      tpu.enqueue_dma source(%arg5 : memref<10240xf32, #tpu.memory_space<vmem>>) target(%dma_start3A_22 : memref<10240xf32, #tpu.memory_space<vmem_shared>>) target_semaphore(%run_scoped3A : memref<!tpu.dma_semaphore, #tpu.memory_space<semaphore_mem>>)
      %dma_wait3A = arith.constant 0 : i32
      %dma_wait3A_23 = tpu.memref_slice %arg8[%arg1, %dma_wait3A] : memref<16x10240xf32, #tpu.memory_space<vmem_shared>> -> memref<1x10240xf32, #tpu.memory_space<vmem_shared>>
      %dma_wait3A_24 = tpu.memref_squeeze %dma_wait3A_23 : memref<1x10240xf32, #tpu.memory_space<vmem_shared>> -> memref<10240xf32, #tpu.memory_space<vmem_shared>>
      %dma_wait3A_25 = arith.constant 0 : i32
      %dma_wait3A_26 = tpu.memref_slice %arg8[%arg1, %dma_wait3A_25] : memref<16x10240xf32, #tpu.memory_space<vmem_shared>> -> memref<1x10240xf32, #tpu.memory_space<vmem_shared>>
      %dma_wait3A_27 = tpu.memref_squeeze %dma_wait3A_26 : memref<1x10240xf32, #tpu.memory_space<vmem_shared>> -> memref<10240xf32, #tpu.memory_space<vmem_shared>>
      tpu.wait_dma2 semaphore(%run_scoped3A : memref<!tpu.dma_semaphore, #tpu.memory_space<semaphore_mem>>) src(%arg5 : memref<10240xf32, #tpu.memory_space<vmem>>) dst(%dma_wait3A_27 : memref<10240xf32, #tpu.memory_space<vmem_shared>>)
      tpu.yield
    }) : () -> ()
    %barrier3A = arith.constant 0 : index
    tpu.barrier barrier_id(%barrier3A)
    %mul3A = arith.constant 640 : i32
    %mul3A_12 = arith.muli %arg1, %mul3A : i32
    "tpu.region"() ({
      %run_scoped3A = tpu.sem_alloc : memref<!tpu.dma_semaphore, #tpu.memory_space<semaphore_mem>>
      %dma_start3A = arith.constant 0 : i32
      %dma_start3A_18 = tpu.memref_slice %arg8[%dma_start3A, %mul3A_12] : memref<16x10240xf32, #tpu.memory_space<vmem_shared>> -> memref<16x640xf32, #tpu.memory_space<vmem_shared>>
      %dma_start3A_19 = arith.constant 0 : i32
      %dma_start3A_20 = tpu.memref_slice %arg8[%dma_start3A_19, %mul3A_12] : memref<16x10240xf32, #tpu.memory_space<vmem_shared>> -> memref<16x640xf32, #tpu.memory_space<vmem_shared>>
      tpu.enqueue_dma source(%dma_start3A_20 : memref<16x640xf32, #tpu.memory_space<vmem_shared>>) target(%arg6 : memref<16x640xf32, #tpu.memory_space<vmem>>) target_semaphore(%run_scoped3A : memref<!tpu.dma_semaphore, #tpu.memory_space<semaphore_mem>>)
      %dma_wait3A = arith.constant 0 : i32
      %dma_wait3A_21 = tpu.memref_slice %arg8[%dma_wait3A, %mul3A_12] : memref<16x10240xf32, #tpu.memory_space<vmem_shared>> -> memref<16x640xf32, #tpu.memory_space<vmem_shared>>
      %dma_wait3A_22 = arith.constant 0 : i32
      %dma_wait3A_23 = tpu.memref_slice %arg8[%dma_wait3A_22, %mul3A_12] : memref<16x10240xf32, #tpu.memory_space<vmem_shared>> -> memref<16x640xf32, #tpu.memory_space<vmem_shared>>
      tpu.wait_dma2 semaphore(%run_scoped3A : memref<!tpu.dma_semaphore, #tpu.memory_space<semaphore_mem>>) src(%dma_wait3A_23 : memref<16x640xf32, #tpu.memory_space<vmem_shared>>) dst(%arg6 : memref<16x640xf32, #tpu.memory_space<vmem>>)
      tpu.yield
    }) : () -> ()
    %scan3A_13 = arith.constant 0 : i32
    %scan3A_14 = arith.constant 40 : i32
    %scan3A_15 = arith.addi %scan3A_13, %scan3A_14 : i32
    %scan3A_16 = arith.constant 1 : i32
    scf.for %scan3A_18 = %scan3A_13 to %scan3A_15 step %scan3A_16  : i32 {
      %mul3A_19 = arith.constant 1 : i32
      %mul3A_20 = arith.muli %scan3A_18, %mul3A_19 : i32
      %add3A = arith.constant 0 : i32
      %add3A_21 = arith.addi %add3A, %mul3A_20 : i32
      %mul3A_22 = arith.constant 16 : i32
      %mul3A_23 = arith.muli %add3A_21, %mul3A_22 : i32
      %get3A = arith.constant 0 : i32
      %get3A_24 = arith.index_cast %get3A : i32 to index
      %get3A_25 = arith.index_cast %mul3A_23 : i32 to index
      %get3A_26 = tpu.vector_load %arg6[%get3A_24, %get3A_25] {strides = array<i32>} : memref<16x640xf32, #tpu.memory_space<vmem>>, vector<16xf32>,
      %mul3A_27 = arith.constant 16 : i32
      %mul3A_28 = arith.muli %add3A_21, %mul3A_27 : i32
      %get3A_29 = arith.constant 1 : i32
      %get3A_30 = arith.index_cast %get3A_29 : i32 to index
      %get3A_31 = arith.index_cast %mul3A_28 : i32 to index
      %get3A_32 = tpu.vector_load %arg6[%get3A_30, %get3A_31] {strides = array<i32>} : memref<16x640xf32, #tpu.memory_space<vmem>>, vector<16xf32>,
      %add3A_33 = arith.addf %get3A_26, %get3A_32 : vector<16xf32>
      %mul3A_34 = arith.constant 16 : i32
      %mul3A_35 = arith.muli %add3A_21, %mul3A_34 : i32
      %get3A_36 = arith.constant 2 : i32
      %get3A_37 = arith.index_cast %get3A_36 : i32 to index
      %get3A_38 = arith.index_cast %mul3A_35 : i32 to index
      %get3A_39 = tpu.vector_load %arg6[%get3A_37, %get3A_38] {strides = array<i32>} : memref<16x640xf32, #tpu.memory_space<vmem>>, vector<16xf32>,
      %add3A_40 = arith.addf %add3A_33, %get3A_39 : vector<16xf32>
      %mul3A_41 = arith.constant 16 : i32
      %mul3A_42 = arith.muli %add3A_21, %mul3A_41 : i32
      %get3A_43 = arith.constant 3 : i32
      %get3A_44 = arith.index_cast %get3A_43 : i32 to index
      %get3A_45 = arith.index_cast %mul3A_42 : i32 to index
      %get3A_46 = tpu.vector_load %arg6[%get3A_44, %get3A_45] {strides = array<i32>} : memref<16x640xf32, #tpu.memory_space<vmem>>, vector<16xf32>,
      %add3A_47 = arith.addf %add3A_40, %get3A_46 : vector<16xf32>
      %mul3A_48 = arith.constant 16 : i32
      %mul3A_49 = arith.muli %add3A_21, %mul3A_48 : i32
      %get3A_50 = arith.constant 4 : i32
      %get3A_51 = arith.index_cast %get3A_50 : i32 to index
      %get3A_52 = arith.index_cast %mul3A_49 : i32 to index
      %get3A_53 = tpu.vector_load %arg6[%get3A_51, %get3A_52] {strides = array<i32>} : memref<16x640xf32, #tpu.memory_space<vmem>>, vector<16xf32>,
      %add3A_54 = arith.addf %add3A_47, %get3A_53 : vector<16xf32>
      %mul3A_55 = arith.constant 16 : i32
      %mul3A_56 = arith.muli %add3A_21, %mul3A_55 : i32
      %get3A_57 = arith.constant 5 : i32
      %get3A_58 = arith.index_cast %get3A_57 : i32 to index
      %get3A_59 = arith.index_cast %mul3A_56 : i32 to index
      %get3A_60 = tpu.vector_load %arg6[%get3A_58, %get3A_59] {strides = array<i32>} : memref<16x640xf32, #tpu.memory_space<vmem>>, vector<16xf32>,
      %add3A_61 = arith.addf %add3A_54, %get3A_60 : vector<16xf32>
      %mul3A_62 = arith.constant 16 : i32
      %mul3A_63 = arith.muli %add3A_21, %mul3A_62 : i32
      %get3A_64 = arith.constant 6 : i32
      %get3A_65 = arith.index_cast %get3A_64 : i32 to index
      %get3A_66 = arith.index_cast %mul3A_63 : i32 to index
      %get3A_67 = tpu.vector_load %arg6[%get3A_65, %get3A_66] {strides = array<i32>} : memref<16x640xf32, #tpu.memory_space<vmem>>, vector<16xf32>,
      %add3A_68 = arith.addf %add3A_61, %get3A_67 : vector<16xf32>
      %mul3A_69 = arith.constant 16 : i32
      %mul3A_70 = arith.muli %add3A_21, %mul3A_69 : i32
      %get3A_71 = arith.constant 7 : i32
      %get3A_72 = arith.index_cast %get3A_71 : i32 to index
      %get3A_73 = arith.index_cast %mul3A_70 : i32 to index
      %get3A_74 = tpu.vector_load %arg6[%get3A_72, %get3A_73] {strides = array<i32>} : memref<16x640xf32, #tpu.memory_space<vmem>>, vector<16xf32>,
      %add3A_75 = arith.addf %add3A_68, %get3A_74 : vector<16xf32>
      %mul3A_76 = arith.constant 16 : i32
      %mul3A_77 = arith.muli %add3A_21, %mul3A_76 : i32
      %get3A_78 = arith.constant 8 : i32
      %get3A_79 = arith.index_cast %get3A_78 : i32 to index
      %get3A_80 = arith.index_cast %mul3A_77 : i32 to index
      %get3A_81 = tpu.vector_load %arg6[%get3A_79, %get3A_80] {strides = array<i32>} : memref<16x640xf32, #tpu.memory_space<vmem>>, vector<16xf32>,
      %add3A_82 = arith.addf %add3A_75, %get3A_81 : vector<16xf32>
      %mul3A_83 = arith.constant 16 : i32
      %mul3A_84 = arith.muli %add3A_21, %mul3A_83 : i32
      %get3A_85 = arith.constant 9 : i32
      %get3A_86 = arith.index_cast %get3A_85 : i32 to index
      %get3A_87 = arith.index_cast %mul3A_84 : i32 to index
      %get3A_88 = tpu.vector_load %arg6[%get3A_86, %get3A_87] {strides = array<i32>} : memref<16x640xf32, #tpu.memory_space<vmem>>, vector<16xf32>,
      %add3A_89 = arith.addf %add3A_82, %get3A_88 : vector<16xf32>
      %mul3A_90 = arith.constant 16 : i32
      %mul3A_91 = arith.muli %add3A_21, %mul3A_90 : i32
      %get3A_92 = arith.constant 10 : i32
      %get3A_93 = arith.index_cast %get3A_92 : i32 to index
      %get3A_94 = arith.index_cast %mul3A_91 : i32 to index
      %get3A_95 = tpu.vector_load %arg6[%get3A_93, %get3A_94] {strides = array<i32>} : memref<16x640xf32, #tpu.memory_space<vmem>>, vector<16xf32>,
      %add3A_96 = arith.addf %add3A_89, %get3A_95 : vector<16xf32>
      %mul3A_97 = arith.constant 16 : i32
      %mul3A_98 = arith.muli %add3A_21, %mul3A_97 : i32
      %get3A_99 = arith.constant 11 : i32
      %get3A_100 = arith.index_cast %get3A_99 : i32 to index
      %get3A_101 = arith.index_cast %mul3A_98 : i32 to index
      %get3A_102 = tpu.vector_load %arg6[%get3A_100, %get3A_101] {strides = array<i32>} : memref<16x640xf32, #tpu.memory_space<vmem>>, vector<16xf32>,
      %add3A_103 = arith.addf %add3A_96, %get3A_102 : vector<16xf32>
      %mul3A_104 = arith.constant 16 : i32
      %mul3A_105 = arith.muli %add3A_21, %mul3A_104 : i32
      %get3A_106 = arith.constant 12 : i32
      %get3A_107 = arith.index_cast %get3A_106 : i32 to index
      %get3A_108 = arith.index_cast %mul3A_105 : i32 to index
      %get3A_109 = tpu.vector_load %arg6[%get3A_107, %get3A_108] {strides = array<i32>} : memref<16x640xf32, #tpu.memory_space<vmem>>, vector<16xf32>,
      %add3A_110 = arith.addf %add3A_103, %get3A_109 : vector<16xf32>
      %mul3A_111 = arith.constant 16 : i32
      %mul3A_112 = arith.muli %add3A_21, %mul3A_111 : i32
      %get3A_113 = arith.constant 13 : i32
      %get3A_114 = arith.index_cast %get3A_113 : i32 to index
      %get3A_115 = arith.index_cast %mul3A_112 : i32 to index
      %get3A_116 = tpu.vector_load %arg6[%get3A_114, %get3A_115] {strides = array<i32>} : memref<16x640xf32, #tpu.memory_space<vmem>>, vector<16xf32>,
      %add3A_117 = arith.addf %add3A_110, %get3A_116 : vector<16xf32>
      %mul3A_118 = arith.constant 16 : i32
      %mul3A_119 = arith.muli %add3A_21, %mul3A_118 : i32
      %get3A_120 = arith.constant 14 : i32
      %get3A_121 = arith.index_cast %get3A_120 : i32 to index
      %get3A_122 = arith.index_cast %mul3A_119 : i32 to index
      %get3A_123 = tpu.vector_load %arg6[%get3A_121, %get3A_122] {strides = array<i32>} : memref<16x640xf32, #tpu.memory_space<vmem>>, vector<16xf32>,
      %add3A_124 = arith.addf %add3A_117, %get3A_123 : vector<16xf32>
      %mul3A_125 = arith.constant 16 : i32
      %mul3A_126 = arith.muli %add3A_21, %mul3A_125 : i32
      %get3A_127 = arith.constant 15 : i32
      %get3A_128 = arith.index_cast %get3A_127 : i32 to index
      %get3A_129 = arith.index_cast %mul3A_126 : i32 to index
      %get3A_130 = tpu.vector_load %arg6[%get3A_128, %get3A_129] {strides = array<i32>} : memref<16x640xf32, #tpu.memory_space<vmem>>, vector<16xf32>,
      %add3A_131 = arith.addf %add3A_124, %get3A_130 : vector<16xf32>
      %add3A_132 = arith.constant 1.000000e+00 : f32
      %add3A_133 = vector.broadcast %add3A_132 : f32 to vector<16xf32>
      %add3A_134 = arith.addf %add3A_131, %add3A_133 : vector<16xf32>
      %bitcast3A = vector.bitcast %add3A_134 : vector<16xf32> to vector<16xi32>
      %shift_right_arithmetic3A = arith.constant 1 : i32
      %shift_right_arithmetic3A_135 = vector.broadcast %shift_right_arithmetic3A : i32 to vector<16xi32>
      %shift_right_arithmetic3A_136 = arith.shrsi %bitcast3A, %shift_right_arithmetic3A_135 : vector<16xi32>
      %sub3A = arith.constant 1597463007 : i32
      %sub3A_137 = vector.broadcast %sub3A : i32 to vector<16xi32>
      %sub3A_138 = arith.subi %sub3A_137, %shift_right_arithmetic3A_136 : vector<16xi32>
      %bitcast3A_139 = vector.bitcast %sub3A_138 : vector<16xi32> to vector<16xf32>
      %mul3A_140 = arith.constant 5.000000e-01 : f32
      %mul3A_141 = vector.broadcast %mul3A_140 : f32 to vector<16xf32>
      %mul3A_142 = arith.mulf %mul3A_141, %add3A_134 : vector<16xf32>
      %mul3A_143 = arith.mulf %mul3A_142, %bitcast3A_139 : vector<16xf32>
      %mul3A_144 = arith.mulf %mul3A_143, %bitcast3A_139 : vector<16xf32>
      %sub3A_145 = arith.constant 1.500000e+00 : f32
      %sub3A_146 = vector.broadcast %sub3A_145 : f32 to vector<16xf32>
      %sub3A_147 = arith.subf %sub3A_146, %mul3A_144 : vector<16xf32>
      %mul3A_148 = arith.mulf %bitcast3A_139, %sub3A_147 : vector<16xf32>
      %mul3A_149 = arith.constant 5.000000e-01 : f32
      %mul3A_150 = vector.broadcast %mul3A_149 : f32 to vector<16xf32>
      %mul3A_151 = arith.mulf %mul3A_150, %add3A_134 : vector<16xf32>
      %mul3A_152 = arith.mulf %mul3A_151, %mul3A_148 : vector<16xf32>
      %mul3A_153 = arith.mulf %mul3A_152, %mul3A_148 : vector<16xf32>
      %sub3A_154 = arith.constant 1.500000e+00 : f32
      %sub3A_155 = vector.broadcast %sub3A_154 : f32 to vector<16xf32>
      %sub3A_156 = arith.subf %sub3A_155, %mul3A_153 : vector<16xf32>
      %mul3A_157 = arith.mulf %mul3A_148, %sub3A_156 : vector<16xf32>
      %mul3A_158 = arith.constant 5.000000e-01 : f32
      %mul3A_159 = vector.broadcast %mul3A_158 : f32 to vector<16xf32>
      %mul3A_160 = arith.mulf %mul3A_159, %add3A_134 : vector<16xf32>
      %mul3A_161 = arith.mulf %mul3A_160, %mul3A_157 : vector<16xf32>
      %mul3A_162 = arith.mulf %mul3A_161, %mul3A_157 : vector<16xf32>
      %sub3A_163 = arith.constant 1.500000e+00 : f32
      %sub3A_164 = vector.broadcast %sub3A_163 : f32 to vector<16xf32>
      %sub3A_165 = arith.subf %sub3A_164, %mul3A_162 : vector<16xf32>
      %mul3A_166 = arith.mulf %mul3A_157, %sub3A_165 : vector<16xf32>
      %mul3A_167 = arith.constant 16 : i32
      %mul3A_168 = arith.muli %add3A_21, %mul3A_167 : i32
      %swap3A = arith.index_cast %mul3A_168 : i32 to index
      %swap3A_169 = tpu.vector_load %arg7[%swap3A] {strides = array<i32>} : memref<640xf32, #tpu.memory_space<vmem>>, vector<16xf32>,
      tpu.vector_store %arg7[%swap3A], %mul3A_166 {strides = array<i32>} : memref<640xf32, #tpu.memory_space<vmem>>, vector<16xf32>,
    }
    %scan3A_17 = arith.constant 40 : i32
    "tpu.region"() ({
      %run_scoped3A = tpu.sem_alloc : memref<!tpu.dma_semaphore, #tpu.memory_space<semaphore_mem>>
      %dma_start3A = tpu.memref_slice %arg3[%arg0, %mul3A_12] : memref<2x10240xf32, #tpu.memory_space<hbm>> -> memref<1x640xf32, #tpu.memory_space<hbm>>
      %dma_start3A_18 = tpu.memref_squeeze %dma_start3A : memref<1x640xf32, #tpu.memory_space<hbm>> -> memref<640xf32, #tpu.memory_space<hbm>>
      %dma_start3A_19 = tpu.memref_slice %arg3[%arg0, %mul3A_12] : memref<2x10240xf32, #tpu.memory_space<hbm>> -> memref<1x640xf32, #tpu.memory_space<hbm>>
      %dma_start3A_20 = tpu.memref_squeeze %dma_start3A_19 : memref<1x640xf32, #tpu.memory_space<hbm>> -> memref<640xf32, #tpu.memory_space<hbm>>
      tpu.enqueue_dma source(%arg7 : memref<640xf32, #tpu.memory_space<vmem>>) target(%dma_start3A_20 : memref<640xf32, #tpu.memory_space<hbm>>) target_semaphore(%run_scoped3A : memref<!tpu.dma_semaphore, #tpu.memory_space<semaphore_mem>>)
      %dma_wait3A = tpu.memref_slice %arg3[%arg0, %mul3A_12] : memref<2x10240xf32, #tpu.memory_space<hbm>> -> memref<1x640xf32, #tpu.memory_space<hbm>>
      %dma_wait3A_21 = tpu.memref_squeeze %dma_wait3A : memref<1x640xf32, #tpu.memory_space<hbm>> -> memref<640xf32, #tpu.memory_space<hbm>>
      %dma_wait3A_22 = tpu.memref_slice %arg3[%arg0, %mul3A_12] : memref<2x10240xf32, #tpu.memory_space<hbm>> -> memref<1x640xf32, #tpu.memory_space<hbm>>
      %dma_wait3A_23 = tpu.memref_squeeze %dma_wait3A_22 : memref<1x640xf32, #tpu.memory_space<hbm>> -> memref<640xf32, #tpu.memory_space<hbm>>
      tpu.wait_dma2 semaphore(%run_scoped3A : memref<!tpu.dma_semaphore, #tpu.memory_space<semaphore_mem>>) src(%arg7 : memref<640xf32, #tpu.memory_space<vmem>>) dst(%dma_wait3A_23 : memref<640xf32, #tpu.memory_space<hbm>>)
      tpu.yield
    }) : () -> ()
    return
  }
}

#map = affine_map<(d0, d1) -> (0, 0)>
#map1 = affine_map<(d0, d1) -> (0, 0, 0, 0)>
#map2 = affine_map<(d0, d1) -> (0, 0, 0)>
module attributes {stable_mosaic.version = 14 : i64} {
  func.func @_edge_body(%arg0: i32, %arg1: i32, %arg2: memref<20480x128xf32, #tpu.memory_space<hbm>>, %arg3: memref<20480x64xi32, #tpu.memory_space<hbm>>, %arg4: memref<2x16x320x64xi32, #tpu.memory_space<hbm>>, %arg5: memref<2x16x320x64xi32, #tpu.memory_space<hbm>>, %arg6: memref<2x16x5x128xf32, #tpu.memory_space<hbm>>, %arg7: memref<1x128xf32, #tpu.memory_space<hbm>>, %arg8: memref<2x10240x128xf32, #tpu.memory_space<hbm>>, %arg9: memref<64x64xi32, #tpu.memory_space<vmem>>, %arg10: memref<64x64xi32, #tpu.memory_space<vmem>>, %arg11: memref<64x64xi32, #tpu.memory_space<vmem>>, %arg12: memref<64x64xi32, #tpu.memory_space<vmem>>, %arg13: memref<64x64xi32, #tpu.memory_space<vmem>>, %arg14: memref<64x64xi32, #tpu.memory_space<vmem>>, %arg15: memref<64x128xf32, #tpu.memory_space<vmem>>, %arg16: memref<64x128xf32, #tpu.memory_space<vmem>>, %arg17: memref<10240x128xf32, #tpu.memory_space<vmem_shared>>, %arg18: memref<!tpu.dma_semaphore, #tpu.memory_space<semaphore_mem>>, %arg19: memref<!tpu.dma_semaphore, #tpu.memory_space<semaphore_mem>>) attributes {dimension_semantics = [#tpu.dimension_semantics<core_parallel>, #tpu.dimension_semantics<subcore_parallel>], iteration_bounds = array<i64: 2, 16>, scalar_prefetch = 0 : i64, scratch_operands = 11 : i64, tpu.core_type = #tpu.core_type<sc_vector_subcore>, window_params = [{transform_indices = #map}, {transform_indices = #map}, {transform_indices = #map1}, {transform_indices = #map1}, {transform_indices = #map1}, {transform_indices = #map}, {transform_indices = #map2}]} {
    %mul3A = arith.constant 10240 : i32
    %mul3A_0 = arith.muli %arg0, %mul3A : i32
    %mul3A_1 = arith.constant 640 : i32
    %mul3A_2 = arith.muli %arg1, %mul3A_1 : i32
    %add3A = arith.addi %mul3A_0, %mul3A_2 : i32
    %mul3A_3 = arith.constant 640 : i32
    %mul3A_4 = arith.muli %arg1, %mul3A_3 : i32
    "tpu.region"() ({
      %run_scoped3A = tpu.sem_alloc : memref<!tpu.dma_semaphore, #tpu.memory_space<semaphore_mem>>
      %dma_start3A = arith.constant 0 : i32
      %dma_start3A_59 = tpu.memref_slice %arg17[%mul3A_4, %dma_start3A] : memref<10240x128xf32, #tpu.memory_space<vmem_shared>> -> memref<640x128xf32, #tpu.memory_space<vmem_shared>>
      %dma_start3A_60 = arith.constant 0 : i32
      %dma_start3A_61 = tpu.memref_slice %arg2[%add3A, %dma_start3A_60] : memref<20480x128xf32, #tpu.memory_space<hbm>> -> memref<640x128xf32, #tpu.memory_space<hbm>>
      tpu.enqueue_dma source(%dma_start3A_61 : memref<640x128xf32, #tpu.memory_space<hbm>>) target(%dma_start3A_59 : memref<640x128xf32, #tpu.memory_space<vmem_shared>>) target_semaphore(%run_scoped3A : memref<!tpu.dma_semaphore, #tpu.memory_space<semaphore_mem>>)
      %dma_wait3A_62 = arith.constant 0 : i32
      %dma_wait3A_63 = tpu.memref_slice %arg17[%mul3A_4, %dma_wait3A_62] : memref<10240x128xf32, #tpu.memory_space<vmem_shared>> -> memref<640x128xf32, #tpu.memory_space<vmem_shared>>
      %dma_wait3A_64 = arith.constant 0 : i32
      %dma_wait3A_65 = tpu.memref_slice %arg2[%add3A, %dma_wait3A_64] : memref<20480x128xf32, #tpu.memory_space<hbm>> -> memref<640x128xf32, #tpu.memory_space<hbm>>
      tpu.wait_dma2 semaphore(%run_scoped3A : memref<!tpu.dma_semaphore, #tpu.memory_space<semaphore_mem>>) src(%dma_wait3A_65 : memref<640x128xf32, #tpu.memory_space<hbm>>) dst(%dma_wait3A_63 : memref<640x128xf32, #tpu.memory_space<vmem_shared>>)
      tpu.yield
    }) : () -> ()
    %barrier3A = arith.constant 0 : index
    tpu.barrier barrier_id(%barrier3A)
    %scan3A = arith.constant 0 : i32
    %scan3A_5 = arith.constant 5 : i32
    %scan3A_6 = arith.addi %scan3A, %scan3A_5 : i32
    %scan3A_7 = arith.constant 1 : i32
    scf.for %scan3A_59 = %scan3A to %scan3A_6 step %scan3A_7  : i32 {
      %mul3A_60 = arith.constant 1 : i32
      %mul3A_61 = arith.muli %scan3A_59, %mul3A_60 : i32
      %add3A_62 = arith.constant 0 : i32
      %add3A_63 = arith.addi %add3A_62, %mul3A_61 : i32
      %mul3A_64 = arith.constant 64 : i32
      %mul3A_65 = arith.muli %add3A_63, %mul3A_64 : i32
      "tpu.region"() ({
        %run_scoped3A = tpu.sem_alloc : memref<!tpu.dma_semaphore, #tpu.memory_space<semaphore_mem>>
        %dma_start3A_102 = arith.constant 0 : i32
        %dma_start3A_103 = tpu.memref_slice %arg4[%arg0, %arg1, %mul3A_65, %dma_start3A_102] : memref<2x16x320x64xi32, #tpu.memory_space<hbm>> -> memref<1x1x64x64xi32, #tpu.memory_space<hbm>>
        %dma_start3A_104 = tpu.memref_squeeze %dma_start3A_103 : memref<1x1x64x64xi32, #tpu.memory_space<hbm>> -> memref<64x64xi32, #tpu.memory_space<hbm>>
        %dma_start3A_105 = arith.constant 0 : i32
        %dma_start3A_106 = tpu.memref_slice %arg4[%arg0, %arg1, %mul3A_65, %dma_start3A_105] : memref<2x16x320x64xi32, #tpu.memory_space<hbm>> -> memref<1x1x64x64xi32, #tpu.memory_space<hbm>>
        %dma_start3A_107 = tpu.memref_squeeze %dma_start3A_106 : memref<1x1x64x64xi32, #tpu.memory_space<hbm>> -> memref<64x64xi32, #tpu.memory_space<hbm>>
        tpu.enqueue_dma source(%dma_start3A_107 : memref<64x64xi32, #tpu.memory_space<hbm>>) target(%arg9 : memref<64x64xi32, #tpu.memory_space<vmem>>) target_semaphore(%run_scoped3A : memref<!tpu.dma_semaphore, #tpu.memory_space<semaphore_mem>>)
        %dma_wait3A_108 = arith.constant 0 : i32
        %dma_wait3A_109 = tpu.memref_slice %arg4[%arg0, %arg1, %mul3A_65, %dma_wait3A_108] : memref<2x16x320x64xi32, #tpu.memory_space<hbm>> -> memref<1x1x64x64xi32, #tpu.memory_space<hbm>>
        %dma_wait3A_110 = tpu.memref_squeeze %dma_wait3A_109 : memref<1x1x64x64xi32, #tpu.memory_space<hbm>> -> memref<64x64xi32, #tpu.memory_space<hbm>>
        %dma_wait3A_111 = arith.constant 0 : i32
        %dma_wait3A_112 = tpu.memref_slice %arg4[%arg0, %arg1, %mul3A_65, %dma_wait3A_111] : memref<2x16x320x64xi32, #tpu.memory_space<hbm>> -> memref<1x1x64x64xi32, #tpu.memory_space<hbm>>
        %dma_wait3A_113 = tpu.memref_squeeze %dma_wait3A_112 : memref<1x1x64x64xi32, #tpu.memory_space<hbm>> -> memref<64x64xi32, #tpu.memory_space<hbm>>
        tpu.wait_dma2 semaphore(%run_scoped3A : memref<!tpu.dma_semaphore, #tpu.memory_space<semaphore_mem>>) src(%dma_wait3A_113 : memref<64x64xi32, #tpu.memory_space<hbm>>) dst(%arg9 : memref<64x64xi32, #tpu.memory_space<vmem>>)
        tpu.yield
      }) : () -> ()
      %mul3A_66 = arith.constant 64 : i32
      %mul3A_67 = arith.muli %add3A_63, %mul3A_66 : i32
      "tpu.region"() ({
        %run_scoped3A = tpu.sem_alloc : memref<!tpu.dma_semaphore, #tpu.memory_space<semaphore_mem>>
        %dma_start3A_102 = arith.constant 0 : i32
        %dma_start3A_103 = tpu.memref_slice %arg5[%arg0, %arg1, %mul3A_67, %dma_start3A_102] : memref<2x16x320x64xi32, #tpu.memory_space<hbm>> -> memref<1x1x64x64xi32, #tpu.memory_space<hbm>>
        %dma_start3A_104 = tpu.memref_squeeze %dma_start3A_103 : memref<1x1x64x64xi32, #tpu.memory_space<hbm>> -> memref<64x64xi32, #tpu.memory_space<hbm>>
        %dma_start3A_105 = arith.constant 0 : i32
        %dma_start3A_106 = tpu.memref_slice %arg5[%arg0, %arg1, %mul3A_67, %dma_start3A_105] : memref<2x16x320x64xi32, #tpu.memory_space<hbm>> -> memref<1x1x64x64xi32, #tpu.memory_space<hbm>>
        %dma_start3A_107 = tpu.memref_squeeze %dma_start3A_106 : memref<1x1x64x64xi32, #tpu.memory_space<hbm>> -> memref<64x64xi32, #tpu.memory_space<hbm>>
        tpu.enqueue_dma source(%dma_start3A_107 : memref<64x64xi32, #tpu.memory_space<hbm>>) target(%arg10 : memref<64x64xi32, #tpu.memory_space<vmem>>) target_semaphore(%run_scoped3A : memref<!tpu.dma_semaphore, #tpu.memory_space<semaphore_mem>>)
        %dma_wait3A_108 = arith.constant 0 : i32
        %dma_wait3A_109 = tpu.memref_slice %arg5[%arg0, %arg1, %mul3A_67, %dma_wait3A_108] : memref<2x16x320x64xi32, #tpu.memory_space<hbm>> -> memref<1x1x64x64xi32, #tpu.memory_space<hbm>>
        %dma_wait3A_110 = tpu.memref_squeeze %dma_wait3A_109 : memref<1x1x64x64xi32, #tpu.memory_space<hbm>> -> memref<64x64xi32, #tpu.memory_space<hbm>>
        %dma_wait3A_111 = arith.constant 0 : i32
        %dma_wait3A_112 = tpu.memref_slice %arg5[%arg0, %arg1, %mul3A_67, %dma_wait3A_111] : memref<2x16x320x64xi32, #tpu.memory_space<hbm>> -> memref<1x1x64x64xi32, #tpu.memory_space<hbm>>
        %dma_wait3A_113 = tpu.memref_squeeze %dma_wait3A_112 : memref<1x1x64x64xi32, #tpu.memory_space<hbm>> -> memref<64x64xi32, #tpu.memory_space<hbm>>
        tpu.wait_dma2 semaphore(%run_scoped3A : memref<!tpu.dma_semaphore, #tpu.memory_space<semaphore_mem>>) src(%dma_wait3A_113 : memref<64x64xi32, #tpu.memory_space<hbm>>) dst(%arg10 : memref<64x64xi32, #tpu.memory_space<vmem>>)
        tpu.yield
      }) : () -> ()
      %gt3A = arith.constant 0 : i32
      %gt3A_68 = arith.cmpi sgt, %add3A_63, %gt3A : i32
      %convert_element_type3A = arith.extui %gt3A_68 : i1 to i32
      %cond3A = arith.constant 0 : i32
      %cond3A_69 = arith.cmpi ne, %convert_element_type3A, %cond3A : i32
      scf.if %cond3A_69 {
        %dma_wait3A_102 = arith.constant 0 : i32
        %dma_wait3A_103 = arith.constant 0 : i32
        %dma_wait3A_104 = tpu.memref_slice %arg10[%dma_wait3A_102, %dma_wait3A_103] : memref<64x64xi32, #tpu.memory_space<vmem>> -> memref<1x64xi32, #tpu.memory_space<vmem>>
        %dma_wait3A_105 = tpu.memref_squeeze %dma_wait3A_104 : memref<1x64xi32, #tpu.memory_space<vmem>> -> memref<64xi32, #tpu.memory_space<vmem>>
        %dma_wait3A_106 = arith.constant 0 : i32
        %dma_wait3A_107 = arith.constant 0 : i32
        %dma_wait3A_108 = tpu.memref_slice %arg17[%dma_wait3A_106, %dma_wait3A_107] : memref<10240x128xf32, #tpu.memory_space<vmem_shared>> -> memref<10240x128xf32, #tpu.memory_space<vmem_shared>>
        tpu.wait_indirect_dma semaphore(%arg19 : memref<!tpu.dma_semaphore, #tpu.memory_space<semaphore_mem>>) src(%arg15 : memref<64x128xf32, #tpu.memory_space<vmem>>) dst(%dma_wait3A_108 : memref<10240x128xf32, #tpu.memory_space<vmem_shared>>)
        %dma_wait3A_109 = arith.constant 0 : i32
        %dma_wait3A_110 = arith.constant 0 : i32
        %dma_wait3A_111 = tpu.memref_slice %arg10[%dma_wait3A_109, %dma_wait3A_110] : memref<64x64xi32, #tpu.memory_space<vmem>> -> memref<1x64xi32, #tpu.memory_space<vmem>>
        %dma_wait3A_112 = tpu.memref_squeeze %dma_wait3A_111 : memref<1x64xi32, #tpu.memory_space<vmem>> -> memref<64xi32, #tpu.memory_space<vmem>>
        %dma_wait3A_113 = arith.constant 0 : i32
        %dma_wait3A_114 = arith.constant 0 : i32
        %dma_wait3A_115 = tpu.memref_slice %arg17[%dma_wait3A_113, %dma_wait3A_114] : memref<10240x128xf32, #tpu.memory_space<vmem_shared>> -> memref<10240x128xf32, #tpu.memory_space<vmem_shared>>
        tpu.wait_indirect_dma semaphore(%arg19 : memref<!tpu.dma_semaphore, #tpu.memory_space<semaphore_mem>>) src(%arg16 : memref<64x128xf32, #tpu.memory_space<vmem>>) dst(%dma_wait3A_115 : memref<10240x128xf32, #tpu.memory_space<vmem_shared>>)
      } else {
      }
      %dma_start3A = arith.constant 0 : i32
      %dma_start3A_70 = arith.constant 0 : i32
      %dma_start3A_71 = tpu.memref_slice %arg9[%dma_start3A, %dma_start3A_70] : memref<64x64xi32, #tpu.memory_space<vmem>> -> memref<1x64xi32, #tpu.memory_space<vmem>>
      %dma_start3A_72 = tpu.memref_squeeze %dma_start3A_71 : memref<1x64xi32, #tpu.memory_space<vmem>> -> memref<64xi32, #tpu.memory_space<vmem>>
      %dma_start3A_73 = arith.constant 0 : i32
      %dma_start3A_74 = arith.constant 0 : i32
      %dma_start3A_75 = tpu.memref_slice %arg3[%dma_start3A_73, %dma_start3A_74] : memref<20480x64xi32, #tpu.memory_space<hbm>> -> memref<20480x64xi32, #tpu.memory_space<hbm>>
      tpu.enqueue_indirect_dma source(%dma_start3A_75 : memref<20480x64xi32, #tpu.memory_space<hbm>>) target(%arg11 : memref<64x64xi32, #tpu.memory_space<vmem>>) offsets(%dma_start3A_72 : memref<64xi32, #tpu.memory_space<vmem>>) semaphore(%arg18 : memref<!tpu.dma_semaphore, #tpu.memory_space<semaphore_mem>>)
      %dma_start3A_76 = arith.constant 1 : i32
      %dma_start3A_77 = arith.constant 0 : i32
      %dma_start3A_78 = tpu.memref_slice %arg9[%dma_start3A_76, %dma_start3A_77] : memref<64x64xi32, #tpu.memory_space<vmem>> -> memref<1x64xi32, #tpu.memory_space<vmem>>
      %dma_start3A_79 = tpu.memref_squeeze %dma_start3A_78 : memref<1x64xi32, #tpu.memory_space<vmem>> -> memref<64xi32, #tpu.memory_space<vmem>>
      %dma_start3A_80 = arith.constant 0 : i32
      %dma_start3A_81 = arith.constant 0 : i32
      %dma_start3A_82 = tpu.memref_slice %arg3[%dma_start3A_80, %dma_start3A_81] : memref<20480x64xi32, #tpu.memory_space<hbm>> -> memref<20480x64xi32, #tpu.memory_space<hbm>>
      tpu.enqueue_indirect_dma source(%dma_start3A_82 : memref<20480x64xi32, #tpu.memory_space<hbm>>) target(%arg12 : memref<64x64xi32, #tpu.memory_space<vmem>>) offsets(%dma_start3A_79 : memref<64xi32, #tpu.memory_space<vmem>>) semaphore(%arg18 : memref<!tpu.dma_semaphore, #tpu.memory_space<semaphore_mem>>)
      %dma_start3A_83 = arith.constant 2 : i32
      %dma_start3A_84 = arith.constant 0 : i32
      %dma_start3A_85 = tpu.memref_slice %arg9[%dma_start3A_83, %dma_start3A_84] : memref<64x64xi32, #tpu.memory_space<vmem>> -> memref<1x64xi32, #tpu.memory_space<vmem>>
      %dma_start3A_86 = tpu.memref_squeeze %dma_start3A_85 : memref<1x64xi32, #tpu.memory_space<vmem>> -> memref<64xi32, #tpu.memory_space<vmem>>
      %dma_start3A_87 = arith.constant 0 : i32
      %dma_start3A_88 = arith.constant 0 : i32
      %dma_start3A_89 = tpu.memref_slice %arg3[%dma_start3A_87, %dma_start3A_88] : memref<20480x64xi32, #tpu.memory_space<hbm>> -> memref<20480x64xi32, #tpu.memory_space<hbm>>
      tpu.enqueue_indirect_dma source(%dma_start3A_89 : memref<20480x64xi32, #tpu.memory_space<hbm>>) target(%arg13 : memref<64x64xi32, #tpu.memory_space<vmem>>) offsets(%dma_start3A_86 : memref<64xi32, #tpu.memory_space<vmem>>) semaphore(%arg18 : memref<!tpu.dma_semaphore, #tpu.memory_space<semaphore_mem>>)
      %dma_start3A_90 = arith.constant 3 : i32
      %dma_start3A_91 = arith.constant 0 : i32
      %dma_start3A_92 = tpu.memref_slice %arg9[%dma_start3A_90, %dma_start3A_91] : memref<64x64xi32, #tpu.memory_space<vmem>> -> memref<1x64xi32, #tpu.memory_space<vmem>>
      %dma_start3A_93 = tpu.memref_squeeze %dma_start3A_92 : memref<1x64xi32, #tpu.memory_space<vmem>> -> memref<64xi32, #tpu.memory_space<vmem>>
      %dma_start3A_94 = arith.constant 0 : i32
      %dma_start3A_95 = arith.constant 0 : i32
      %dma_start3A_96 = tpu.memref_slice %arg3[%dma_start3A_94, %dma_start3A_95] : memref<20480x64xi32, #tpu.memory_space<hbm>> -> memref<20480x64xi32, #tpu.memory_space<hbm>>
      tpu.enqueue_indirect_dma source(%dma_start3A_96 : memref<20480x64xi32, #tpu.memory_space<hbm>>) target(%arg14 : memref<64x64xi32, #tpu.memory_space<vmem>>) offsets(%dma_start3A_93 : memref<64xi32, #tpu.memory_space<vmem>>) semaphore(%arg18 : memref<!tpu.dma_semaphore, #tpu.memory_space<semaphore_mem>>)
      %scan3A_97 = arith.constant 0 : i32
      %scan3A_98 = arith.constant 16 : i32
      %scan3A_99 = arith.addi %scan3A_97, %scan3A_98 : i32
      %scan3A_100 = arith.constant 1 : i32
      scf.for %scan3A_102 = %scan3A_97 to %scan3A_99 step %scan3A_100  : i32 {
        %mul3A_103 = arith.constant 4 : i32
        %mul3A_104 = arith.muli %scan3A_102, %mul3A_103 : i32
        %add3A_105 = arith.constant 0 : i32
        %add3A_106 = arith.addi %add3A_105, %mul3A_104 : i32
        %dma_wait3A_107 = arith.constant 0 : i32
        %dma_wait3A_108 = arith.constant 0 : i32
        %dma_wait3A_109 = tpu.memref_slice %arg9[%dma_wait3A_107, %dma_wait3A_108] : memref<64x64xi32, #tpu.memory_space<vmem>> -> memref<1x64xi32, #tpu.memory_space<vmem>>
        %dma_wait3A_110 = tpu.memref_squeeze %dma_wait3A_109 : memref<1x64xi32, #tpu.memory_space<vmem>> -> memref<64xi32, #tpu.memory_space<vmem>>
        %dma_wait3A_111 = arith.constant 0 : i32
        %dma_wait3A_112 = arith.constant 0 : i32
        %dma_wait3A_113 = tpu.memref_slice %arg3[%dma_wait3A_111, %dma_wait3A_112] : memref<20480x64xi32, #tpu.memory_space<hbm>> -> memref<20480x64xi32, #tpu.memory_space<hbm>>
        tpu.wait_indirect_dma semaphore(%arg18 : memref<!tpu.dma_semaphore, #tpu.memory_space<semaphore_mem>>) src(%dma_wait3A_113 : memref<20480x64xi32, #tpu.memory_space<hbm>>) dst(%arg11 : memref<64x64xi32, #tpu.memory_space<vmem>>)
        %add3A_114 = arith.constant 0 : i32
        %add3A_115 = arith.addi %add3A_106, %add3A_114 : i32
        %ge3A = arith.constant 2 : i32
        %ge3A_116 = arith.cmpi sge, %add3A_115, %ge3A : i32
        %convert_element_type3A_117 = arith.extui %ge3A_116 : i1 to i32
        %cond3A_118 = arith.constant 0 : i32
        %cond3A_119 = arith.cmpi ne, %convert_element_type3A_117, %cond3A_118 : i32
        scf.if %cond3A_119 {
          %dma_wait3A_249 = arith.constant 0 : i32
          %dma_wait3A_250 = arith.constant 0 : i32
          %dma_wait3A_251 = tpu.memref_slice %arg10[%dma_wait3A_249, %dma_wait3A_250] : memref<64x64xi32, #tpu.memory_space<vmem>> -> memref<1x64xi32, #tpu.memory_space<vmem>>
          %dma_wait3A_252 = tpu.memref_squeeze %dma_wait3A_251 : memref<1x64xi32, #tpu.memory_space<vmem>> -> memref<64xi32, #tpu.memory_space<vmem>>
          %dma_wait3A_253 = arith.constant 0 : i32
          %dma_wait3A_254 = arith.constant 0 : i32
          %dma_wait3A_255 = tpu.memref_slice %arg17[%dma_wait3A_253, %dma_wait3A_254] : memref<10240x128xf32, #tpu.memory_space<vmem_shared>> -> memref<10240x128xf32, #tpu.memory_space<vmem_shared>>
          tpu.wait_indirect_dma semaphore(%arg19 : memref<!tpu.dma_semaphore, #tpu.memory_space<semaphore_mem>>) src(%arg15 : memref<64x128xf32, #tpu.memory_space<vmem>>) dst(%dma_wait3A_255 : memref<10240x128xf32, #tpu.memory_space<vmem_shared>>)
        } else {
        }
        %scan3A_120 = arith.constant 0 : i32
        %scan3A_121 = arith.constant 64 : i32
        %scan3A_122 = arith.addi %scan3A_120, %scan3A_121 : i32
        %scan3A_123 = arith.constant 1 : i32
        scf.for %scan3A_249 = %scan3A_120 to %scan3A_122 step %scan3A_123  : i32 {
          %mul3A_250 = arith.constant 1 : i32
          %mul3A_251 = arith.muli %scan3A_249, %mul3A_250 : i32
          %add3A_252 = arith.constant 0 : i32
          %add3A_253 = arith.addi %add3A_252, %mul3A_251 : i32
          %get3A_254 = arith.index_cast %add3A_253 : i32 to index
          %get3A_255 = arith.constant 0 : index
          %get3A_256 = tpu.vector_load %arg11[%get3A_254, %get3A_255] {strides = array<i32>} : memref<64x64xi32, #tpu.memory_space<vmem>>, vector<16xi32>,
          %bitcast3A = vector.bitcast %get3A_256 : vector<16xi32> to vector<32xbf16>
          %unpack3A = tpu.unpack_subelements %bitcast3A, 0 {pack_format = #tpu.pack_format<interleaved>} : vector<32xbf16> -> vector<16xf32>
          %unpack3A_257 = tpu.unpack_subelements %bitcast3A, 1 {pack_format = #tpu.pack_format<interleaved>} : vector<32xbf16> -> vector<16xf32>
          %swap3A = arith.index_cast %add3A_253 : i32 to index
          %swap3A_258 = arith.constant 0 : index
          %swap3A_259 = tpu.vector_load %arg15[%swap3A, %swap3A_258] {strides = array<i32>} : memref<64x128xf32, #tpu.memory_space<vmem>>, vector<16xf32>,
          tpu.vector_store %arg15[%swap3A, %swap3A_258], %unpack3A {strides = array<i32>} : memref<64x128xf32, #tpu.memory_space<vmem>>, vector<16xf32>,
          %swap3A_260 = arith.index_cast %add3A_253 : i32 to index
          %swap3A_261 = arith.constant 16 : index
          %swap3A_262 = tpu.vector_load %arg15[%swap3A_260, %swap3A_261] {strides = array<i32>} : memref<64x128xf32, #tpu.memory_space<vmem>>, vector<16xf32>,
          tpu.vector_store %arg15[%swap3A_260, %swap3A_261], %unpack3A_257 {strides = array<i32>} : memref<64x128xf32, #tpu.memory_space<vmem>>, vector<16xf32>,
          %get3A_263 = arith.index_cast %add3A_253 : i32 to index
          %get3A_264 = arith.constant 16 : index
          %get3A_265 = tpu.vector_load %arg11[%get3A_263, %get3A_264] {strides = array<i32>} : memref<64x64xi32, #tpu.memory_space<vmem>>, vector<16xi32>,
          %bitcast3A_266 = vector.bitcast %get3A_265 : vector<16xi32> to vector<32xbf16>
          %unpack3A_267 = tpu.unpack_subelements %bitcast3A_266, 0 {pack_format = #tpu.pack_format<interleaved>} : vector<32xbf16> -> vector<16xf32>
          %unpack3A_268 = tpu.unpack_subelements %bitcast3A_266, 1 {pack_format = #tpu.pack_format<interleaved>} : vector<32xbf16> -> vector<16xf32>
          %swap3A_269 = arith.index_cast %add3A_253 : i32 to index
          %swap3A_270 = arith.constant 32 : index
          %swap3A_271 = tpu.vector_load %arg15[%swap3A_269, %swap3A_270] {strides = array<i32>} : memref<64x128xf32, #tpu.memory_space<vmem>>, vector<16xf32>,
          tpu.vector_store %arg15[%swap3A_269, %swap3A_270], %unpack3A_267 {strides = array<i32>} : memref<64x128xf32, #tpu.memory_space<vmem>>, vector<16xf32>,
          %swap3A_272 = arith.index_cast %add3A_253 : i32 to index
          %swap3A_273 = arith.constant 48 : index
          %swap3A_274 = tpu.vector_load %arg15[%swap3A_272, %swap3A_273] {strides = array<i32>} : memref<64x128xf32, #tpu.memory_space<vmem>>, vector<16xf32>,
          tpu.vector_store %arg15[%swap3A_272, %swap3A_273], %unpack3A_268 {strides = array<i32>} : memref<64x128xf32, #tpu.memory_space<vmem>>, vector<16xf32>,
          %get3A_275 = arith.index_cast %add3A_253 : i32 to index
          %get3A_276 = arith.constant 32 : index
          %get3A_277 = tpu.vector_load %arg11[%get3A_275, %get3A_276] {strides = array<i32>} : memref<64x64xi32, #tpu.memory_space<vmem>>, vector<16xi32>,
          %bitcast3A_278 = vector.bitcast %get3A_277 : vector<16xi32> to vector<32xbf16>
          %unpack3A_279 = tpu.unpack_subelements %bitcast3A_278, 0 {pack_format = #tpu.pack_format<interleaved>} : vector<32xbf16> -> vector<16xf32>
          %unpack3A_280 = tpu.unpack_subelements %bitcast3A_278, 1 {pack_format = #tpu.pack_format<interleaved>} : vector<32xbf16> -> vector<16xf32>
          %swap3A_281 = arith.index_cast %add3A_253 : i32 to index
          %swap3A_282 = arith.constant 64 : index
          %swap3A_283 = tpu.vector_load %arg15[%swap3A_281, %swap3A_282] {strides = array<i32>} : memref<64x128xf32, #tpu.memory_space<vmem>>, vector<16xf32>,
          tpu.vector_store %arg15[%swap3A_281, %swap3A_282], %unpack3A_279 {strides = array<i32>} : memref<64x128xf32, #tpu.memory_space<vmem>>, vector<16xf32>,
          %swap3A_284 = arith.index_cast %add3A_253 : i32 to index
          %swap3A_285 = arith.constant 80 : index
          %swap3A_286 = tpu.vector_load %arg15[%swap3A_284, %swap3A_285] {strides = array<i32>} : memref<64x128xf32, #tpu.memory_space<vmem>>, vector<16xf32>,
          tpu.vector_store %arg15[%swap3A_284, %swap3A_285], %unpack3A_280 {strides = array<i32>} : memref<64x128xf32, #tpu.memory_space<vmem>>, vector<16xf32>,
          %get3A_287 = arith.index_cast %add3A_253 : i32 to index
          %get3A_288 = arith.constant 48 : index
          %get3A_289 = tpu.vector_load %arg11[%get3A_287, %get3A_288] {strides = array<i32>} : memref<64x64xi32, #tpu.memory_space<vmem>>, vector<16xi32>,
          %bitcast3A_290 = vector.bitcast %get3A_289 : vector<16xi32> to vector<32xbf16>
          %unpack3A_291 = tpu.unpack_subelements %bitcast3A_290, 0 {pack_format = #tpu.pack_format<interleaved>} : vector<32xbf16> -> vector<16xf32>
          %unpack3A_292 = tpu.unpack_subelements %bitcast3A_290, 1 {pack_format = #tpu.pack_format<interleaved>} : vector<32xbf16> -> vector<16xf32>
          %swap3A_293 = arith.index_cast %add3A_253 : i32 to index
          %swap3A_294 = arith.constant 96 : index
          %swap3A_295 = tpu.vector_load %arg15[%swap3A_293, %swap3A_294] {strides = array<i32>} : memref<64x128xf32, #tpu.memory_space<vmem>>, vector<16xf32>,
          tpu.vector_store %arg15[%swap3A_293, %swap3A_294], %unpack3A_291 {strides = array<i32>} : memref<64x128xf32, #tpu.memory_space<vmem>>, vector<16xf32>,
          %swap3A_296 = arith.index_cast %add3A_253 : i32 to index
          %swap3A_297 = arith.constant 112 : index
          %swap3A_298 = tpu.vector_load %arg15[%swap3A_296, %swap3A_297] {strides = array<i32>} : memref<64x128xf32, #tpu.memory_space<vmem>>, vector<16xf32>,
          tpu.vector_store %arg15[%swap3A_296, %swap3A_297], %unpack3A_292 {strides = array<i32>} : memref<64x128xf32, #tpu.memory_space<vmem>>, vector<16xf32>,
        }
        %scan3A_124 = arith.constant 64 : i32
        %add3A_125 = arith.constant 0 : i32
        %add3A_126 = arith.addi %add3A_106, %add3A_125 : i32
        %dma_start3A_127 = arith.constant 0 : i32
        %dma_start3A_128 = tpu.memref_slice %arg10[%add3A_126, %dma_start3A_127] : memref<64x64xi32, #tpu.memory_space<vmem>> -> memref<1x64xi32, #tpu.memory_space<vmem>>
        %dma_start3A_129 = tpu.memref_squeeze %dma_start3A_128 : memref<1x64xi32, #tpu.memory_space<vmem>> -> memref<64xi32, #tpu.memory_space<vmem>>
        %dma_start3A_130 = arith.constant 0 : i32
        %dma_start3A_131 = arith.constant 0 : i32
        %dma_start3A_132 = tpu.memref_slice %arg17[%dma_start3A_130, %dma_start3A_131] : memref<10240x128xf32, #tpu.memory_space<vmem_shared>> -> memref<10240x128xf32, #tpu.memory_space<vmem_shared>>
        tpu.enqueue_indirect_dma source(%arg15 : memref<64x128xf32, #tpu.memory_space<vmem>>) target(%dma_start3A_132 : memref<10240x128xf32, #tpu.memory_space<vmem_shared>>) offsets(%dma_start3A_129 : memref<64xi32, #tpu.memory_space<vmem>>) semaphore(%arg19 : memref<!tpu.dma_semaphore, #tpu.memory_space<semaphore_mem>>) {add = true}
        %add3A_133 = arith.constant 0 : i32
        %add3A_134 = arith.addi %add3A_106, %add3A_133 : i32
        %add3A_135 = arith.constant 4 : i32
        %add3A_136 = arith.addi %add3A_134, %add3A_135 : i32
        %lt3A = arith.constant 64 : i32
        %lt3A_137 = arith.cmpi slt, %add3A_136, %lt3A : i32
        %convert_element_type3A_138 = arith.extui %lt3A_137 : i1 to i32
        %cond3A_139 = arith.constant 0 : i32
        %cond3A_140 = arith.cmpi ne, %convert_element_type3A_138, %cond3A_139 : i32
        scf.if %cond3A_140 {
          %add3A_249 = arith.constant 0 : i32
          %add3A_250 = arith.addi %add3A_106, %add3A_249 : i32
          %add3A_251 = arith.constant 4 : i32
          %add3A_252 = arith.addi %add3A_250, %add3A_251 : i32
          %dma_start3A_253 = arith.constant 0 : i32
          %dma_start3A_254 = tpu.memref_slice %arg9[%add3A_252, %dma_start3A_253] : memref<64x64xi32, #tpu.memory_space<vmem>> -> memref<1x64xi32, #tpu.memory_space<vmem>>
          %dma_start3A_255 = tpu.memref_squeeze %dma_start3A_254 : memref<1x64xi32, #tpu.memory_space<vmem>> -> memref<64xi32, #tpu.memory_space<vmem>>
          %dma_start3A_256 = arith.constant 0 : i32
          %dma_start3A_257 = arith.constant 0 : i32
          %dma_start3A_258 = tpu.memref_slice %arg3[%dma_start3A_256, %dma_start3A_257] : memref<20480x64xi32, #tpu.memory_space<hbm>> -> memref<20480x64xi32, #tpu.memory_space<hbm>>
          tpu.enqueue_indirect_dma source(%dma_start3A_258 : memref<20480x64xi32, #tpu.memory_space<hbm>>) target(%arg11 : memref<64x64xi32, #tpu.memory_space<vmem>>) offsets(%dma_start3A_255 : memref<64xi32, #tpu.memory_space<vmem>>) semaphore(%arg18 : memref<!tpu.dma_semaphore, #tpu.memory_space<semaphore_mem>>)
        } else {
        }
        %dma_wait3A_141 = arith.constant 0 : i32
        %dma_wait3A_142 = arith.constant 0 : i32
        %dma_wait3A_143 = tpu.memref_slice %arg9[%dma_wait3A_141, %dma_wait3A_142] : memref<64x64xi32, #tpu.memory_space<vmem>> -> memref<1x64xi32, #tpu.memory_space<vmem>>
        %dma_wait3A_144 = tpu.memref_squeeze %dma_wait3A_143 : memref<1x64xi32, #tpu.memory_space<vmem>> -> memref<64xi32, #tpu.memory_space<vmem>>
        %dma_wait3A_145 = arith.constant 0 : i32
        %dma_wait3A_146 = arith.constant 0 : i32
        %dma_wait3A_147 = tpu.memref_slice %arg3[%dma_wait3A_145, %dma_wait3A_146] : memref<20480x64xi32, #tpu.memory_space<hbm>> -> memref<20480x64xi32, #tpu.memory_space<hbm>>
        tpu.wait_indirect_dma semaphore(%arg18 : memref<!tpu.dma_semaphore, #tpu.memory_space<semaphore_mem>>) src(%dma_wait3A_147 : memref<20480x64xi32, #tpu.memory_space<hbm>>) dst(%arg12 : memref<64x64xi32, #tpu.memory_space<vmem>>)
        %add3A_148 = arith.constant 1 : i32
        %add3A_149 = arith.addi %add3A_106, %add3A_148 : i32
        %ge3A_150 = arith.constant 2 : i32
        %ge3A_151 = arith.cmpi sge, %add3A_149, %ge3A_150 : i32
        %convert_element_type3A_152 = arith.extui %ge3A_151 : i1 to i32
        %cond3A_153 = arith.constant 0 : i32
        %cond3A_154 = arith.cmpi ne, %convert_element_type3A_152, %cond3A_153 : i32
        scf.if %cond3A_154 {
          %dma_wait3A_249 = arith.constant 0 : i32
          %dma_wait3A_250 = arith.constant 0 : i32
          %dma_wait3A_251 = tpu.memref_slice %arg10[%dma_wait3A_249, %dma_wait3A_250] : memref<64x64xi32, #tpu.memory_space<vmem>> -> memref<1x64xi32, #tpu.memory_space<vmem>>
          %dma_wait3A_252 = tpu.memref_squeeze %dma_wait3A_251 : memref<1x64xi32, #tpu.memory_space<vmem>> -> memref<64xi32, #tpu.memory_space<vmem>>
          %dma_wait3A_253 = arith.constant 0 : i32
          %dma_wait3A_254 = arith.constant 0 : i32
          %dma_wait3A_255 = tpu.memref_slice %arg17[%dma_wait3A_253, %dma_wait3A_254] : memref<10240x128xf32, #tpu.memory_space<vmem_shared>> -> memref<10240x128xf32, #tpu.memory_space<vmem_shared>>
          tpu.wait_indirect_dma semaphore(%arg19 : memref<!tpu.dma_semaphore, #tpu.memory_space<semaphore_mem>>) src(%arg16 : memref<64x128xf32, #tpu.memory_space<vmem>>) dst(%dma_wait3A_255 : memref<10240x128xf32, #tpu.memory_space<vmem_shared>>)
        } else {
        }
        %scan3A_155 = arith.constant 0 : i32
        %scan3A_156 = arith.constant 64 : i32
        %scan3A_157 = arith.addi %scan3A_155, %scan3A_156 : i32
        %scan3A_158 = arith.constant 1 : i32
        scf.for %scan3A_249 = %scan3A_155 to %scan3A_157 step %scan3A_158  : i32 {
          %mul3A_250 = arith.constant 1 : i32
          %mul3A_251 = arith.muli %scan3A_249, %mul3A_250 : i32
          %add3A_252 = arith.constant 0 : i32
          %add3A_253 = arith.addi %add3A_252, %mul3A_251 : i32
          %get3A_254 = arith.index_cast %add3A_253 : i32 to index
          %get3A_255 = arith.constant 0 : index
          %get3A_256 = tpu.vector_load %arg12[%get3A_254, %get3A_255] {strides = array<i32>} : memref<64x64xi32, #tpu.memory_space<vmem>>, vector<16xi32>,
          %bitcast3A = vector.bitcast %get3A_256 : vector<16xi32> to vector<32xbf16>
          %unpack3A = tpu.unpack_subelements %bitcast3A, 0 {pack_format = #tpu.pack_format<interleaved>} : vector<32xbf16> -> vector<16xf32>
          %unpack3A_257 = tpu.unpack_subelements %bitcast3A, 1 {pack_format = #tpu.pack_format<interleaved>} : vector<32xbf16> -> vector<16xf32>
          %swap3A = arith.index_cast %add3A_253 : i32 to index
          %swap3A_258 = arith.constant 0 : index
          %swap3A_259 = tpu.vector_load %arg16[%swap3A, %swap3A_258] {strides = array<i32>} : memref<64x128xf32, #tpu.memory_space<vmem>>, vector<16xf32>,
          tpu.vector_store %arg16[%swap3A, %swap3A_258], %unpack3A {strides = array<i32>} : memref<64x128xf32, #tpu.memory_space<vmem>>, vector<16xf32>,
          %swap3A_260 = arith.index_cast %add3A_253 : i32 to index
          %swap3A_261 = arith.constant 16 : index
          %swap3A_262 = tpu.vector_load %arg16[%swap3A_260, %swap3A_261] {strides = array<i32>} : memref<64x128xf32, #tpu.memory_space<vmem>>, vector<16xf32>,
          tpu.vector_store %arg16[%swap3A_260, %swap3A_261], %unpack3A_257 {strides = array<i32>} : memref<64x128xf32, #tpu.memory_space<vmem>>, vector<16xf32>,
          %get3A_263 = arith.index_cast %add3A_253 : i32 to index
          %get3A_264 = arith.constant 16 : index
          %get3A_265 = tpu.vector_load %arg12[%get3A_263, %get3A_264] {strides = array<i32>} : memref<64x64xi32, #tpu.memory_space<vmem>>, vector<16xi32>,
          %bitcast3A_266 = vector.bitcast %get3A_265 : vector<16xi32> to vector<32xbf16>
          %unpack3A_267 = tpu.unpack_subelements %bitcast3A_266, 0 {pack_format = #tpu.pack_format<interleaved>} : vector<32xbf16> -> vector<16xf32>
          %unpack3A_268 = tpu.unpack_subelements %bitcast3A_266, 1 {pack_format = #tpu.pack_format<interleaved>} : vector<32xbf16> -> vector<16xf32>
          %swap3A_269 = arith.index_cast %add3A_253 : i32 to index
          %swap3A_270 = arith.constant 32 : index
          %swap3A_271 = tpu.vector_load %arg16[%swap3A_269, %swap3A_270] {strides = array<i32>} : memref<64x128xf32, #tpu.memory_space<vmem>>, vector<16xf32>,
          tpu.vector_store %arg16[%swap3A_269, %swap3A_270], %unpack3A_267 {strides = array<i32>} : memref<64x128xf32, #tpu.memory_space<vmem>>, vector<16xf32>,
          %swap3A_272 = arith.index_cast %add3A_253 : i32 to index
          %swap3A_273 = arith.constant 48 : index
          %swap3A_274 = tpu.vector_load %arg16[%swap3A_272, %swap3A_273] {strides = array<i32>} : memref<64x128xf32, #tpu.memory_space<vmem>>, vector<16xf32>,
          tpu.vector_store %arg16[%swap3A_272, %swap3A_273], %unpack3A_268 {strides = array<i32>} : memref<64x128xf32, #tpu.memory_space<vmem>>, vector<16xf32>,
          %get3A_275 = arith.index_cast %add3A_253 : i32 to index
          %get3A_276 = arith.constant 32 : index
          %get3A_277 = tpu.vector_load %arg12[%get3A_275, %get3A_276] {strides = array<i32>} : memref<64x64xi32, #tpu.memory_space<vmem>>, vector<16xi32>,
          %bitcast3A_278 = vector.bitcast %get3A_277 : vector<16xi32> to vector<32xbf16>
          %unpack3A_279 = tpu.unpack_subelements %bitcast3A_278, 0 {pack_format = #tpu.pack_format<interleaved>} : vector<32xbf16> -> vector<16xf32>
          %unpack3A_280 = tpu.unpack_subelements %bitcast3A_278, 1 {pack_format = #tpu.pack_format<interleaved>} : vector<32xbf16> -> vector<16xf32>
          %swap3A_281 = arith.index_cast %add3A_253 : i32 to index
          %swap3A_282 = arith.constant 64 : index
          %swap3A_283 = tpu.vector_load %arg16[%swap3A_281, %swap3A_282] {strides = array<i32>} : memref<64x128xf32, #tpu.memory_space<vmem>>, vector<16xf32>,
          tpu.vector_store %arg16[%swap3A_281, %swap3A_282], %unpack3A_279 {strides = array<i32>} : memref<64x128xf32, #tpu.memory_space<vmem>>, vector<16xf32>,
          %swap3A_284 = arith.index_cast %add3A_253 : i32 to index
          %swap3A_285 = arith.constant 80 : index
          %swap3A_286 = tpu.vector_load %arg16[%swap3A_284, %swap3A_285] {strides = array<i32>} : memref<64x128xf32, #tpu.memory_space<vmem>>, vector<16xf32>,
          tpu.vector_store %arg16[%swap3A_284, %swap3A_285], %unpack3A_280 {strides = array<i32>} : memref<64x128xf32, #tpu.memory_space<vmem>>, vector<16xf32>,
          %get3A_287 = arith.index_cast %add3A_253 : i32 to index
          %get3A_288 = arith.constant 48 : index
          %get3A_289 = tpu.vector_load %arg12[%get3A_287, %get3A_288] {strides = array<i32>} : memref<64x64xi32, #tpu.memory_space<vmem>>, vector<16xi32>,
          %bitcast3A_290 = vector.bitcast %get3A_289 : vector<16xi32> to vector<32xbf16>
          %unpack3A_291 = tpu.unpack_subelements %bitcast3A_290, 0 {pack_format = #tpu.pack_format<interleaved>} : vector<32xbf16> -> vector<16xf32>
          %unpack3A_292 = tpu.unpack_subelements %bitcast3A_290, 1 {pack_format = #tpu.pack_format<interleaved>} : vector<32xbf16> -> vector<16xf32>
          %swap3A_293 = arith.index_cast %add3A_253 : i32 to index
          %swap3A_294 = arith.constant 96 : index
          %swap3A_295 = tpu.vector_load %arg16[%swap3A_293, %swap3A_294] {strides = array<i32>} : memref<64x128xf32, #tpu.memory_space<vmem>>, vector<16xf32>,
          tpu.vector_store %arg16[%swap3A_293, %swap3A_294], %unpack3A_291 {strides = array<i32>} : memref<64x128xf32, #tpu.memory_space<vmem>>, vector<16xf32>,
          %swap3A_296 = arith.index_cast %add3A_253 : i32 to index
          %swap3A_297 = arith.constant 112 : index
          %swap3A_298 = tpu.vector_load %arg16[%swap3A_296, %swap3A_297] {strides = array<i32>} : memref<64x128xf32, #tpu.memory_space<vmem>>, vector<16xf32>,
          tpu.vector_store %arg16[%swap3A_296, %swap3A_297], %unpack3A_292 {strides = array<i32>} : memref<64x128xf32, #tpu.memory_space<vmem>>, vector<16xf32>,
        }
        %scan3A_159 = arith.constant 64 : i32
        %add3A_160 = arith.constant 1 : i32
        %add3A_161 = arith.addi %add3A_106, %add3A_160 : i32
        %dma_start3A_162 = arith.constant 0 : i32
        %dma_start3A_163 = tpu.memref_slice %arg10[%add3A_161, %dma_start3A_162] : memref<64x64xi32, #tpu.memory_space<vmem>> -> memref<1x64xi32, #tpu.memory_space<vmem>>
        %dma_start3A_164 = tpu.memref_squeeze %dma_start3A_163 : memref<1x64xi32, #tpu.memory_space<vmem>> -> memref<64xi32, #tpu.memory_space<vmem>>
        %dma_start3A_165 = arith.constant 0 : i32
        %dma_start3A_166 = arith.constant 0 : i32
        %dma_start3A_167 = tpu.memref_slice %arg17[%dma_start3A_165, %dma_start3A_166] : memref<10240x128xf32, #tpu.memory_space<vmem_shared>> -> memref<10240x128xf32, #tpu.memory_space<vmem_shared>>
        tpu.enqueue_indirect_dma source(%arg16 : memref<64x128xf32, #tpu.memory_space<vmem>>) target(%dma_start3A_167 : memref<10240x128xf32, #tpu.memory_space<vmem_shared>>) offsets(%dma_start3A_164 : memref<64xi32, #tpu.memory_space<vmem>>) semaphore(%arg19 : memref<!tpu.dma_semaphore, #tpu.memory_space<semaphore_mem>>) {add = true}
        %add3A_168 = arith.constant 1 : i32
        %add3A_169 = arith.addi %add3A_106, %add3A_168 : i32
        %add3A_170 = arith.constant 4 : i32
        %add3A_171 = arith.addi %add3A_169, %add3A_170 : i32
        %lt3A_172 = arith.constant 64 : i32
        %lt3A_173 = arith.cmpi slt, %add3A_171, %lt3A_172 : i32
        %convert_element_type3A_174 = arith.extui %lt3A_173 : i1 to i32
        %cond3A_175 = arith.constant 0 : i32
        %cond3A_176 = arith.cmpi ne, %convert_element_type3A_174, %cond3A_175 : i32
        scf.if %cond3A_176 {
          %add3A_249 = arith.constant 1 : i32
          %add3A_250 = arith.addi %add3A_106, %add3A_249 : i32
          %add3A_251 = arith.constant 4 : i32
          %add3A_252 = arith.addi %add3A_250, %add3A_251 : i32
          %dma_start3A_253 = arith.constant 0 : i32
          %dma_start3A_254 = tpu.memref_slice %arg9[%add3A_252, %dma_start3A_253] : memref<64x64xi32, #tpu.memory_space<vmem>> -> memref<1x64xi32, #tpu.memory_space<vmem>>
          %dma_start3A_255 = tpu.memref_squeeze %dma_start3A_254 : memref<1x64xi32, #tpu.memory_space<vmem>> -> memref<64xi32, #tpu.memory_space<vmem>>
          %dma_start3A_256 = arith.constant 0 : i32
          %dma_start3A_257 = arith.constant 0 : i32
          %dma_start3A_258 = tpu.memref_slice %arg3[%dma_start3A_256, %dma_start3A_257] : memref<20480x64xi32, #tpu.memory_space<hbm>> -> memref<20480x64xi32, #tpu.memory_space<hbm>>
          tpu.enqueue_indirect_dma source(%dma_start3A_258 : memref<20480x64xi32, #tpu.memory_space<hbm>>) target(%arg12 : memref<64x64xi32, #tpu.memory_space<vmem>>) offsets(%dma_start3A_255 : memref<64xi32, #tpu.memory_space<vmem>>) semaphore(%arg18 : memref<!tpu.dma_semaphore, #tpu.memory_space<semaphore_mem>>)
        } else {
        }
        %dma_wait3A_177 = arith.constant 0 : i32
        %dma_wait3A_178 = arith.constant 0 : i32
        %dma_wait3A_179 = tpu.memref_slice %arg9[%dma_wait3A_177, %dma_wait3A_178] : memref<64x64xi32, #tpu.memory_space<vmem>> -> memref<1x64xi32, #tpu.memory_space<vmem>>
        %dma_wait3A_180 = tpu.memref_squeeze %dma_wait3A_179 : memref<1x64xi32, #tpu.memory_space<vmem>> -> memref<64xi32, #tpu.memory_space<vmem>>
        %dma_wait3A_181 = arith.constant 0 : i32
        %dma_wait3A_182 = arith.constant 0 : i32
        %dma_wait3A_183 = tpu.memref_slice %arg3[%dma_wait3A_181, %dma_wait3A_182] : memref<20480x64xi32, #tpu.memory_space<hbm>> -> memref<20480x64xi32, #tpu.memory_space<hbm>>
        tpu.wait_indirect_dma semaphore(%arg18 : memref<!tpu.dma_semaphore, #tpu.memory_space<semaphore_mem>>) src(%dma_wait3A_183 : memref<20480x64xi32, #tpu.memory_space<hbm>>) dst(%arg13 : memref<64x64xi32, #tpu.memory_space<vmem>>)
        %add3A_184 = arith.constant 2 : i32
        %add3A_185 = arith.addi %add3A_106, %add3A_184 : i32
        %ge3A_186 = arith.constant 2 : i32
        %ge3A_187 = arith.cmpi sge, %add3A_185, %ge3A_186 : i32
        %convert_element_type3A_188 = arith.extui %ge3A_187 : i1 to i32
        %cond3A_189 = arith.constant 0 : i32
        %cond3A_190 = arith.cmpi ne, %convert_element_type3A_188, %cond3A_189 : i32
        scf.if %cond3A_190 {
          %dma_wait3A_249 = arith.constant 0 : i32
          %dma_wait3A_250 = arith.constant 0 : i32
          %dma_wait3A_251 = tpu.memref_slice %arg10[%dma_wait3A_249, %dma_wait3A_250] : memref<64x64xi32, #tpu.memory_space<vmem>> -> memref<1x64xi32, #tpu.memory_space<vmem>>
          %dma_wait3A_252 = tpu.memref_squeeze %dma_wait3A_251 : memref<1x64xi32, #tpu.memory_space<vmem>> -> memref<64xi32, #tpu.memory_space<vmem>>
          %dma_wait3A_253 = arith.constant 0 : i32
          %dma_wait3A_254 = arith.constant 0 : i32
          %dma_wait3A_255 = tpu.memref_slice %arg17[%dma_wait3A_253, %dma_wait3A_254] : memref<10240x128xf32, #tpu.memory_space<vmem_shared>> -> memref<10240x128xf32, #tpu.memory_space<vmem_shared>>
          tpu.wait_indirect_dma semaphore(%arg19 : memref<!tpu.dma_semaphore, #tpu.memory_space<semaphore_mem>>) src(%arg15 : memref<64x128xf32, #tpu.memory_space<vmem>>) dst(%dma_wait3A_255 : memref<10240x128xf32, #tpu.memory_space<vmem_shared>>)
        } else {
        }
        %scan3A_191 = arith.constant 0 : i32
        %scan3A_192 = arith.constant 64 : i32
        %scan3A_193 = arith.addi %scan3A_191, %scan3A_192 : i32
        %scan3A_194 = arith.constant 1 : i32
        scf.for %scan3A_249 = %scan3A_191 to %scan3A_193 step %scan3A_194  : i32 {
          %mul3A_250 = arith.constant 1 : i32
          %mul3A_251 = arith.muli %scan3A_249, %mul3A_250 : i32
          %add3A_252 = arith.constant 0 : i32
          %add3A_253 = arith.addi %add3A_252, %mul3A_251 : i32
          %get3A_254 = arith.index_cast %add3A_253 : i32 to index
          %get3A_255 = arith.constant 0 : index
          %get3A_256 = tpu.vector_load %arg13[%get3A_254, %get3A_255] {strides = array<i32>} : memref<64x64xi32, #tpu.memory_space<vmem>>, vector<16xi32>,
          %bitcast3A = vector.bitcast %get3A_256 : vector<16xi32> to vector<32xbf16>
          %unpack3A = tpu.unpack_subelements %bitcast3A, 0 {pack_format = #tpu.pack_format<interleaved>} : vector<32xbf16> -> vector<16xf32>
          %unpack3A_257 = tpu.unpack_subelements %bitcast3A, 1 {pack_format = #tpu.pack_format<interleaved>} : vector<32xbf16> -> vector<16xf32>
          %swap3A = arith.index_cast %add3A_253 : i32 to index
          %swap3A_258 = arith.constant 0 : index
          %swap3A_259 = tpu.vector_load %arg15[%swap3A, %swap3A_258] {strides = array<i32>} : memref<64x128xf32, #tpu.memory_space<vmem>>, vector<16xf32>,
          tpu.vector_store %arg15[%swap3A, %swap3A_258], %unpack3A {strides = array<i32>} : memref<64x128xf32, #tpu.memory_space<vmem>>, vector<16xf32>,
          %swap3A_260 = arith.index_cast %add3A_253 : i32 to index
          %swap3A_261 = arith.constant 16 : index
          %swap3A_262 = tpu.vector_load %arg15[%swap3A_260, %swap3A_261] {strides = array<i32>} : memref<64x128xf32, #tpu.memory_space<vmem>>, vector<16xf32>,
          tpu.vector_store %arg15[%swap3A_260, %swap3A_261], %unpack3A_257 {strides = array<i32>} : memref<64x128xf32, #tpu.memory_space<vmem>>, vector<16xf32>,
          %get3A_263 = arith.index_cast %add3A_253 : i32 to index
          %get3A_264 = arith.constant 16 : index
          %get3A_265 = tpu.vector_load %arg13[%get3A_263, %get3A_264] {strides = array<i32>} : memref<64x64xi32, #tpu.memory_space<vmem>>, vector<16xi32>,
          %bitcast3A_266 = vector.bitcast %get3A_265 : vector<16xi32> to vector<32xbf16>
          %unpack3A_267 = tpu.unpack_subelements %bitcast3A_266, 0 {pack_format = #tpu.pack_format<interleaved>} : vector<32xbf16> -> vector<16xf32>
          %unpack3A_268 = tpu.unpack_subelements %bitcast3A_266, 1 {pack_format = #tpu.pack_format<interleaved>} : vector<32xbf16> -> vector<16xf32>
          %swap3A_269 = arith.index_cast %add3A_253 : i32 to index
          %swap3A_270 = arith.constant 32 : index
          %swap3A_271 = tpu.vector_load %arg15[%swap3A_269, %swap3A_270] {strides = array<i32>} : memref<64x128xf32, #tpu.memory_space<vmem>>, vector<16xf32>,
          tpu.vector_store %arg15[%swap3A_269, %swap3A_270], %unpack3A_267 {strides = array<i32>} : memref<64x128xf32, #tpu.memory_space<vmem>>, vector<16xf32>,
          %swap3A_272 = arith.index_cast %add3A_253 : i32 to index
          %swap3A_273 = arith.constant 48 : index
          %swap3A_274 = tpu.vector_load %arg15[%swap3A_272, %swap3A_273] {strides = array<i32>} : memref<64x128xf32, #tpu.memory_space<vmem>>, vector<16xf32>,
          tpu.vector_store %arg15[%swap3A_272, %swap3A_273], %unpack3A_268 {strides = array<i32>} : memref<64x128xf32, #tpu.memory_space<vmem>>, vector<16xf32>,
          %get3A_275 = arith.index_cast %add3A_253 : i32 to index
          %get3A_276 = arith.constant 32 : index
          %get3A_277 = tpu.vector_load %arg13[%get3A_275, %get3A_276] {strides = array<i32>} : memref<64x64xi32, #tpu.memory_space<vmem>>, vector<16xi32>,
          %bitcast3A_278 = vector.bitcast %get3A_277 : vector<16xi32> to vector<32xbf16>
          %unpack3A_279 = tpu.unpack_subelements %bitcast3A_278, 0 {pack_format = #tpu.pack_format<interleaved>} : vector<32xbf16> -> vector<16xf32>
          %unpack3A_280 = tpu.unpack_subelements %bitcast3A_278, 1 {pack_format = #tpu.pack_format<interleaved>} : vector<32xbf16> -> vector<16xf32>
          %swap3A_281 = arith.index_cast %add3A_253 : i32 to index
          %swap3A_282 = arith.constant 64 : index
          %swap3A_283 = tpu.vector_load %arg15[%swap3A_281, %swap3A_282] {strides = array<i32>} : memref<64x128xf32, #tpu.memory_space<vmem>>, vector<16xf32>,
          tpu.vector_store %arg15[%swap3A_281, %swap3A_282], %unpack3A_279 {strides = array<i32>} : memref<64x128xf32, #tpu.memory_space<vmem>>, vector<16xf32>,
          %swap3A_284 = arith.index_cast %add3A_253 : i32 to index
          %swap3A_285 = arith.constant 80 : index
          %swap3A_286 = tpu.vector_load %arg15[%swap3A_284, %swap3A_285] {strides = array<i32>} : memref<64x128xf32, #tpu.memory_space<vmem>>, vector<16xf32>,
          tpu.vector_store %arg15[%swap3A_284, %swap3A_285], %unpack3A_280 {strides = array<i32>} : memref<64x128xf32, #tpu.memory_space<vmem>>, vector<16xf32>,
          %get3A_287 = arith.index_cast %add3A_253 : i32 to index
          %get3A_288 = arith.constant 48 : index
          %get3A_289 = tpu.vector_load %arg13[%get3A_287, %get3A_288] {strides = array<i32>} : memref<64x64xi32, #tpu.memory_space<vmem>>, vector<16xi32>,
          %bitcast3A_290 = vector.bitcast %get3A_289 : vector<16xi32> to vector<32xbf16>
          %unpack3A_291 = tpu.unpack_subelements %bitcast3A_290, 0 {pack_format = #tpu.pack_format<interleaved>} : vector<32xbf16> -> vector<16xf32>
          %unpack3A_292 = tpu.unpack_subelements %bitcast3A_290, 1 {pack_format = #tpu.pack_format<interleaved>} : vector<32xbf16> -> vector<16xf32>
          %swap3A_293 = arith.index_cast %add3A_253 : i32 to index
          %swap3A_294 = arith.constant 96 : index
          %swap3A_295 = tpu.vector_load %arg15[%swap3A_293, %swap3A_294] {strides = array<i32>} : memref<64x128xf32, #tpu.memory_space<vmem>>, vector<16xf32>,
          tpu.vector_store %arg15[%swap3A_293, %swap3A_294], %unpack3A_291 {strides = array<i32>} : memref<64x128xf32, #tpu.memory_space<vmem>>, vector<16xf32>,
          %swap3A_296 = arith.index_cast %add3A_253 : i32 to index
          %swap3A_297 = arith.constant 112 : index
          %swap3A_298 = tpu.vector_load %arg15[%swap3A_296, %swap3A_297] {strides = array<i32>} : memref<64x128xf32, #tpu.memory_space<vmem>>, vector<16xf32>,
          tpu.vector_store %arg15[%swap3A_296, %swap3A_297], %unpack3A_292 {strides = array<i32>} : memref<64x128xf32, #tpu.memory_space<vmem>>, vector<16xf32>,
        }
        %scan3A_195 = arith.constant 64 : i32
        %add3A_196 = arith.constant 2 : i32
        %add3A_197 = arith.addi %add3A_106, %add3A_196 : i32
        %dma_start3A_198 = arith.constant 0 : i32
        %dma_start3A_199 = tpu.memref_slice %arg10[%add3A_197, %dma_start3A_198] : memref<64x64xi32, #tpu.memory_space<vmem>> -> memref<1x64xi32, #tpu.memory_space<vmem>>
        %dma_start3A_200 = tpu.memref_squeeze %dma_start3A_199 : memref<1x64xi32, #tpu.memory_space<vmem>> -> memref<64xi32, #tpu.memory_space<vmem>>
        %dma_start3A_201 = arith.constant 0 : i32
        %dma_start3A_202 = arith.constant 0 : i32
        %dma_start3A_203 = tpu.memref_slice %arg17[%dma_start3A_201, %dma_start3A_202] : memref<10240x128xf32, #tpu.memory_space<vmem_shared>> -> memref<10240x128xf32, #tpu.memory_space<vmem_shared>>
        tpu.enqueue_indirect_dma source(%arg15 : memref<64x128xf32, #tpu.memory_space<vmem>>) target(%dma_start3A_203 : memref<10240x128xf32, #tpu.memory_space<vmem_shared>>) offsets(%dma_start3A_200 : memref<64xi32, #tpu.memory_space<vmem>>) semaphore(%arg19 : memref<!tpu.dma_semaphore, #tpu.memory_space<semaphore_mem>>) {add = true}
        %add3A_204 = arith.constant 2 : i32
        %add3A_205 = arith.addi %add3A_106, %add3A_204 : i32
        %add3A_206 = arith.constant 4 : i32
        %add3A_207 = arith.addi %add3A_205, %add3A_206 : i32
        %lt3A_208 = arith.constant 64 : i32
        %lt3A_209 = arith.cmpi slt, %add3A_207, %lt3A_208 : i32
        %convert_element_type3A_210 = arith.extui %lt3A_209 : i1 to i32
        %cond3A_211 = arith.constant 0 : i32
        %cond3A_212 = arith.cmpi ne, %convert_element_type3A_210, %cond3A_211 : i32
        scf.if %cond3A_212 {
          %add3A_249 = arith.constant 2 : i32
          %add3A_250 = arith.addi %add3A_106, %add3A_249 : i32
          %add3A_251 = arith.constant 4 : i32
          %add3A_252 = arith.addi %add3A_250, %add3A_251 : i32
          %dma_start3A_253 = arith.constant 0 : i32
          %dma_start3A_254 = tpu.memref_slice %arg9[%add3A_252, %dma_start3A_253] : memref<64x64xi32, #tpu.memory_space<vmem>> -> memref<1x64xi32, #tpu.memory_space<vmem>>
          %dma_start3A_255 = tpu.memref_squeeze %dma_start3A_254 : memref<1x64xi32, #tpu.memory_space<vmem>> -> memref<64xi32, #tpu.memory_space<vmem>>
          %dma_start3A_256 = arith.constant 0 : i32
          %dma_start3A_257 = arith.constant 0 : i32
          %dma_start3A_258 = tpu.memref_slice %arg3[%dma_start3A_256, %dma_start3A_257] : memref<20480x64xi32, #tpu.memory_space<hbm>> -> memref<20480x64xi32, #tpu.memory_space<hbm>>
          tpu.enqueue_indirect_dma source(%dma_start3A_258 : memref<20480x64xi32, #tpu.memory_space<hbm>>) target(%arg13 : memref<64x64xi32, #tpu.memory_space<vmem>>) offsets(%dma_start3A_255 : memref<64xi32, #tpu.memory_space<vmem>>) semaphore(%arg18 : memref<!tpu.dma_semaphore, #tpu.memory_space<semaphore_mem>>)
        } else {
        }
        %dma_wait3A_213 = arith.constant 0 : i32
        %dma_wait3A_214 = arith.constant 0 : i32
        %dma_wait3A_215 = tpu.memref_slice %arg9[%dma_wait3A_213, %dma_wait3A_214] : memref<64x64xi32, #tpu.memory_space<vmem>> -> memref<1x64xi32, #tpu.memory_space<vmem>>
        %dma_wait3A_216 = tpu.memref_squeeze %dma_wait3A_215 : memref<1x64xi32, #tpu.memory_space<vmem>> -> memref<64xi32, #tpu.memory_space<vmem>>
        %dma_wait3A_217 = arith.constant 0 : i32
        %dma_wait3A_218 = arith.constant 0 : i32
        %dma_wait3A_219 = tpu.memref_slice %arg3[%dma_wait3A_217, %dma_wait3A_218] : memref<20480x64xi32, #tpu.memory_space<hbm>> -> memref<20480x64xi32, #tpu.memory_space<hbm>>
        tpu.wait_indirect_dma semaphore(%arg18 : memref<!tpu.dma_semaphore, #tpu.memory_space<semaphore_mem>>) src(%dma_wait3A_219 : memref<20480x64xi32, #tpu.memory_space<hbm>>) dst(%arg14 : memref<64x64xi32, #tpu.memory_space<vmem>>)
        %add3A_220 = arith.constant 3 : i32
        %add3A_221 = arith.addi %add3A_106, %add3A_220 : i32
        %ge3A_222 = arith.constant 2 : i32
        %ge3A_223 = arith.cmpi sge, %add3A_221, %ge3A_222 : i32
        %convert_element_type3A_224 = arith.extui %ge3A_223 : i1 to i32
        %cond3A_225 = arith.constant 0 : i32
        %cond3A_226 = arith.cmpi ne, %convert_element_type3A_224, %cond3A_225 : i32
        scf.if %cond3A_226 {
          %dma_wait3A_249 = arith.constant 0 : i32
          %dma_wait3A_250 = arith.constant 0 : i32
          %dma_wait3A_251 = tpu.memref_slice %arg10[%dma_wait3A_249, %dma_wait3A_250] : memref<64x64xi32, #tpu.memory_space<vmem>> -> memref<1x64xi32, #tpu.memory_space<vmem>>
          %dma_wait3A_252 = tpu.memref_squeeze %dma_wait3A_251 : memref<1x64xi32, #tpu.memory_space<vmem>> -> memref<64xi32, #tpu.memory_space<vmem>>
          %dma_wait3A_253 = arith.constant 0 : i32
          %dma_wait3A_254 = arith.constant 0 : i32
          %dma_wait3A_255 = tpu.memref_slice %arg17[%dma_wait3A_253, %dma_wait3A_254] : memref<10240x128xf32, #tpu.memory_space<vmem_shared>> -> memref<10240x128xf32, #tpu.memory_space<vmem_shared>>
          tpu.wait_indirect_dma semaphore(%arg19 : memref<!tpu.dma_semaphore, #tpu.memory_space<semaphore_mem>>) src(%arg16 : memref<64x128xf32, #tpu.memory_space<vmem>>) dst(%dma_wait3A_255 : memref<10240x128xf32, #tpu.memory_space<vmem_shared>>)
        } else {
        }
        %scan3A_227 = arith.constant 0 : i32
        %scan3A_228 = arith.constant 64 : i32
        %scan3A_229 = arith.addi %scan3A_227, %scan3A_228 : i32
        %scan3A_230 = arith.constant 1 : i32
        scf.for %scan3A_249 = %scan3A_227 to %scan3A_229 step %scan3A_230  : i32 {
          %mul3A_250 = arith.constant 1 : i32
          %mul3A_251 = arith.muli %scan3A_249, %mul3A_250 : i32
          %add3A_252 = arith.constant 0 : i32
          %add3A_253 = arith.addi %add3A_252, %mul3A_251 : i32
          %get3A_254 = arith.index_cast %add3A_253 : i32 to index
          %get3A_255 = arith.constant 0 : index
          %get3A_256 = tpu.vector_load %arg14[%get3A_254, %get3A_255] {strides = array<i32>} : memref<64x64xi32, #tpu.memory_space<vmem>>, vector<16xi32>,
          %bitcast3A = vector.bitcast %get3A_256 : vector<16xi32> to vector<32xbf16>
          %unpack3A = tpu.unpack_subelements %bitcast3A, 0 {pack_format = #tpu.pack_format<interleaved>} : vector<32xbf16> -> vector<16xf32>
          %unpack3A_257 = tpu.unpack_subelements %bitcast3A, 1 {pack_format = #tpu.pack_format<interleaved>} : vector<32xbf16> -> vector<16xf32>
          %swap3A = arith.index_cast %add3A_253 : i32 to index
          %swap3A_258 = arith.constant 0 : index
          %swap3A_259 = tpu.vector_load %arg16[%swap3A, %swap3A_258] {strides = array<i32>} : memref<64x128xf32, #tpu.memory_space<vmem>>, vector<16xf32>,
          tpu.vector_store %arg16[%swap3A, %swap3A_258], %unpack3A {strides = array<i32>} : memref<64x128xf32, #tpu.memory_space<vmem>>, vector<16xf32>,
          %swap3A_260 = arith.index_cast %add3A_253 : i32 to index
          %swap3A_261 = arith.constant 16 : index
          %swap3A_262 = tpu.vector_load %arg16[%swap3A_260, %swap3A_261] {strides = array<i32>} : memref<64x128xf32, #tpu.memory_space<vmem>>, vector<16xf32>,
          tpu.vector_store %arg16[%swap3A_260, %swap3A_261], %unpack3A_257 {strides = array<i32>} : memref<64x128xf32, #tpu.memory_space<vmem>>, vector<16xf32>,
          %get3A_263 = arith.index_cast %add3A_253 : i32 to index
          %get3A_264 = arith.constant 16 : index
          %get3A_265 = tpu.vector_load %arg14[%get3A_263, %get3A_264] {strides = array<i32>} : memref<64x64xi32, #tpu.memory_space<vmem>>, vector<16xi32>,
          %bitcast3A_266 = vector.bitcast %get3A_265 : vector<16xi32> to vector<32xbf16>
          %unpack3A_267 = tpu.unpack_subelements %bitcast3A_266, 0 {pack_format = #tpu.pack_format<interleaved>} : vector<32xbf16> -> vector<16xf32>
          %unpack3A_268 = tpu.unpack_subelements %bitcast3A_266, 1 {pack_format = #tpu.pack_format<interleaved>} : vector<32xbf16> -> vector<16xf32>
          %swap3A_269 = arith.index_cast %add3A_253 : i32 to index
          %swap3A_270 = arith.constant 32 : index
          %swap3A_271 = tpu.vector_load %arg16[%swap3A_269, %swap3A_270] {strides = array<i32>} : memref<64x128xf32, #tpu.memory_space<vmem>>, vector<16xf32>,
          tpu.vector_store %arg16[%swap3A_269, %swap3A_270], %unpack3A_267 {strides = array<i32>} : memref<64x128xf32, #tpu.memory_space<vmem>>, vector<16xf32>,
          %swap3A_272 = arith.index_cast %add3A_253 : i32 to index
          %swap3A_273 = arith.constant 48 : index
          %swap3A_274 = tpu.vector_load %arg16[%swap3A_272, %swap3A_273] {strides = array<i32>} : memref<64x128xf32, #tpu.memory_space<vmem>>, vector<16xf32>,
          tpu.vector_store %arg16[%swap3A_272, %swap3A_273], %unpack3A_268 {strides = array<i32>} : memref<64x128xf32, #tpu.memory_space<vmem>>, vector<16xf32>,
          %get3A_275 = arith.index_cast %add3A_253 : i32 to index
          %get3A_276 = arith.constant 32 : index
          %get3A_277 = tpu.vector_load %arg14[%get3A_275, %get3A_276] {strides = array<i32>} : memref<64x64xi32, #tpu.memory_space<vmem>>, vector<16xi32>,
          %bitcast3A_278 = vector.bitcast %get3A_277 : vector<16xi32> to vector<32xbf16>
          %unpack3A_279 = tpu.unpack_subelements %bitcast3A_278, 0 {pack_format = #tpu.pack_format<interleaved>} : vector<32xbf16> -> vector<16xf32>
          %unpack3A_280 = tpu.unpack_subelements %bitcast3A_278, 1 {pack_format = #tpu.pack_format<interleaved>} : vector<32xbf16> -> vector<16xf32>
          %swap3A_281 = arith.index_cast %add3A_253 : i32 to index
          %swap3A_282 = arith.constant 64 : index
          %swap3A_283 = tpu.vector_load %arg16[%swap3A_281, %swap3A_282] {strides = array<i32>} : memref<64x128xf32, #tpu.memory_space<vmem>>, vector<16xf32>,
          tpu.vector_store %arg16[%swap3A_281, %swap3A_282], %unpack3A_279 {strides = array<i32>} : memref<64x128xf32, #tpu.memory_space<vmem>>, vector<16xf32>,
          %swap3A_284 = arith.index_cast %add3A_253 : i32 to index
          %swap3A_285 = arith.constant 80 : index
          %swap3A_286 = tpu.vector_load %arg16[%swap3A_284, %swap3A_285] {strides = array<i32>} : memref<64x128xf32, #tpu.memory_space<vmem>>, vector<16xf32>,
          tpu.vector_store %arg16[%swap3A_284, %swap3A_285], %unpack3A_280 {strides = array<i32>} : memref<64x128xf32, #tpu.memory_space<vmem>>, vector<16xf32>,
          %get3A_287 = arith.index_cast %add3A_253 : i32 to index
          %get3A_288 = arith.constant 48 : index
          %get3A_289 = tpu.vector_load %arg14[%get3A_287, %get3A_288] {strides = array<i32>} : memref<64x64xi32, #tpu.memory_space<vmem>>, vector<16xi32>,
          %bitcast3A_290 = vector.bitcast %get3A_289 : vector<16xi32> to vector<32xbf16>
          %unpack3A_291 = tpu.unpack_subelements %bitcast3A_290, 0 {pack_format = #tpu.pack_format<interleaved>} : vector<32xbf16> -> vector<16xf32>
          %unpack3A_292 = tpu.unpack_subelements %bitcast3A_290, 1 {pack_format = #tpu.pack_format<interleaved>} : vector<32xbf16> -> vector<16xf32>
          %swap3A_293 = arith.index_cast %add3A_253 : i32 to index
          %swap3A_294 = arith.constant 96 : index
          %swap3A_295 = tpu.vector_load %arg16[%swap3A_293, %swap3A_294] {strides = array<i32>} : memref<64x128xf32, #tpu.memory_space<vmem>>, vector<16xf32>,
          tpu.vector_store %arg16[%swap3A_293, %swap3A_294], %unpack3A_291 {strides = array<i32>} : memref<64x128xf32, #tpu.memory_space<vmem>>, vector<16xf32>,
          %swap3A_296 = arith.index_cast %add3A_253 : i32 to index
          %swap3A_297 = arith.constant 112 : index
          %swap3A_298 = tpu.vector_load %arg16[%swap3A_296, %swap3A_297] {strides = array<i32>} : memref<64x128xf32, #tpu.memory_space<vmem>>, vector<16xf32>,
          tpu.vector_store %arg16[%swap3A_296, %swap3A_297], %unpack3A_292 {strides = array<i32>} : memref<64x128xf32, #tpu.memory_space<vmem>>, vector<16xf32>,
        }
        %scan3A_231 = arith.constant 64 : i32
        %add3A_232 = arith.constant 3 : i32
        %add3A_233 = arith.addi %add3A_106, %add3A_232 : i32
        %dma_start3A_234 = arith.constant 0 : i32
        %dma_start3A_235 = tpu.memref_slice %arg10[%add3A_233, %dma_start3A_234] : memref<64x64xi32, #tpu.memory_space<vmem>> -> memref<1x64xi32, #tpu.memory_space<vmem>>
        %dma_start3A_236 = tpu.memref_squeeze %dma_start3A_235 : memref<1x64xi32, #tpu.memory_space<vmem>> -> memref<64xi32, #tpu.memory_space<vmem>>
        %dma_start3A_237 = arith.constant 0 : i32
        %dma_start3A_238 = arith.constant 0 : i32
        %dma_start3A_239 = tpu.memref_slice %arg17[%dma_start3A_237, %dma_start3A_238] : memref<10240x128xf32, #tpu.memory_space<vmem_shared>> -> memref<10240x128xf32, #tpu.memory_space<vmem_shared>>
        tpu.enqueue_indirect_dma source(%arg16 : memref<64x128xf32, #tpu.memory_space<vmem>>) target(%dma_start3A_239 : memref<10240x128xf32, #tpu.memory_space<vmem_shared>>) offsets(%dma_start3A_236 : memref<64xi32, #tpu.memory_space<vmem>>) semaphore(%arg19 : memref<!tpu.dma_semaphore, #tpu.memory_space<semaphore_mem>>) {add = true}
        %add3A_240 = arith.constant 3 : i32
        %add3A_241 = arith.addi %add3A_106, %add3A_240 : i32
        %add3A_242 = arith.constant 4 : i32
        %add3A_243 = arith.addi %add3A_241, %add3A_242 : i32
        %lt3A_244 = arith.constant 64 : i32
        %lt3A_245 = arith.cmpi slt, %add3A_243, %lt3A_244 : i32
        %convert_element_type3A_246 = arith.extui %lt3A_245 : i1 to i32
        %cond3A_247 = arith.constant 0 : i32
        %cond3A_248 = arith.cmpi ne, %convert_element_type3A_246, %cond3A_247 : i32
        scf.if %cond3A_248 {
          %add3A_249 = arith.constant 3 : i32
          %add3A_250 = arith.addi %add3A_106, %add3A_249 : i32
          %add3A_251 = arith.constant 4 : i32
          %add3A_252 = arith.addi %add3A_250, %add3A_251 : i32
          %dma_start3A_253 = arith.constant 0 : i32
          %dma_start3A_254 = tpu.memref_slice %arg9[%add3A_252, %dma_start3A_253] : memref<64x64xi32, #tpu.memory_space<vmem>> -> memref<1x64xi32, #tpu.memory_space<vmem>>
          %dma_start3A_255 = tpu.memref_squeeze %dma_start3A_254 : memref<1x64xi32, #tpu.memory_space<vmem>> -> memref<64xi32, #tpu.memory_space<vmem>>
          %dma_start3A_256 = arith.constant 0 : i32
          %dma_start3A_257 = arith.constant 0 : i32
          %dma_start3A_258 = tpu.memref_slice %arg3[%dma_start3A_256, %dma_start3A_257] : memref<20480x64xi32, #tpu.memory_space<hbm>> -> memref<20480x64xi32, #tpu.memory_space<hbm>>
          tpu.enqueue_indirect_dma source(%dma_start3A_258 : memref<20480x64xi32, #tpu.memory_space<hbm>>) target(%arg14 : memref<64x64xi32, #tpu.memory_space<vmem>>) offsets(%dma_start3A_255 : memref<64xi32, #tpu.memory_space<vmem>>) semaphore(%arg18 : memref<!tpu.dma_semaphore, #tpu.memory_space<semaphore_mem>>)
        } else {
        }
      }
      %scan3A_101 = arith.constant 16 : i32
    }
    %scan3A_8 = arith.constant 5 : i32
    %dma_wait3A = arith.constant 0 : i32
    %dma_wait3A_9 = arith.constant 0 : i32
    %dma_wait3A_10 = tpu.memref_slice %arg10[%dma_wait3A, %dma_wait3A_9] : memref<64x64xi32, #tpu.memory_space<vmem>> -> memref<1x64xi32, #tpu.memory_space<vmem>>
    %dma_wait3A_11 = tpu.memref_squeeze %dma_wait3A_10 : memref<1x64xi32, #tpu.memory_space<vmem>> -> memref<64xi32, #tpu.memory_space<vmem>>
    %dma_wait3A_12 = arith.constant 0 : i32
    %dma_wait3A_13 = arith.constant 0 : i32
    %dma_wait3A_14 = tpu.memref_slice %arg17[%dma_wait3A_12, %dma_wait3A_13] : memref<10240x128xf32, #tpu.memory_space<vmem_shared>> -> memref<10240x128xf32, #tpu.memory_space<vmem_shared>>
    tpu.wait_indirect_dma semaphore(%arg19 : memref<!tpu.dma_semaphore, #tpu.memory_space<semaphore_mem>>) src(%arg15 : memref<64x128xf32, #tpu.memory_space<vmem>>) dst(%dma_wait3A_14 : memref<10240x128xf32, #tpu.memory_space<vmem_shared>>)
    %dma_wait3A_15 = arith.constant 0 : i32
    %dma_wait3A_16 = arith.constant 0 : i32
    %dma_wait3A_17 = tpu.memref_slice %arg10[%dma_wait3A_15, %dma_wait3A_16] : memref<64x64xi32, #tpu.memory_space<vmem>> -> memref<1x64xi32, #tpu.memory_space<vmem>>
    %dma_wait3A_18 = tpu.memref_squeeze %dma_wait3A_17 : memref<1x64xi32, #tpu.memory_space<vmem>> -> memref<64xi32, #tpu.memory_space<vmem>>
    %dma_wait3A_19 = arith.constant 0 : i32
    %dma_wait3A_20 = arith.constant 0 : i32
    %dma_wait3A_21 = tpu.memref_slice %arg17[%dma_wait3A_19, %dma_wait3A_20] : memref<10240x128xf32, #tpu.memory_space<vmem_shared>> -> memref<10240x128xf32, #tpu.memory_space<vmem_shared>>
    tpu.wait_indirect_dma semaphore(%arg19 : memref<!tpu.dma_semaphore, #tpu.memory_space<semaphore_mem>>) src(%arg16 : memref<64x128xf32, #tpu.memory_space<vmem>>) dst(%dma_wait3A_21 : memref<10240x128xf32, #tpu.memory_space<vmem_shared>>)
    %barrier3A_22 = arith.constant 0 : index
    tpu.barrier barrier_id(%barrier3A_22)
    "tpu.region"() ({
      %run_scoped3A = tpu.sem_alloc : memref<!tpu.dma_semaphore, #tpu.memory_space<semaphore_mem>>
      %dma_start3A = arith.constant 0 : i32
      %dma_start3A_59 = arith.constant 0 : i32
      %dma_start3A_60 = tpu.memref_slice %arg16[%dma_start3A, %dma_start3A_59] : memref<64x128xf32, #tpu.memory_space<vmem>> -> memref<5x128xf32, #tpu.memory_space<vmem>>
      %dma_start3A_61 = arith.constant 0 : i32
      %dma_start3A_62 = arith.constant 0 : i32
      %dma_start3A_63 = tpu.memref_slice %arg6[%arg0, %arg1, %dma_start3A_61, %dma_start3A_62] : memref<2x16x5x128xf32, #tpu.memory_space<hbm>> -> memref<1x1x5x128xf32, #tpu.memory_space<hbm>>
      %dma_start3A_64 = tpu.memref_squeeze %dma_start3A_63 : memref<1x1x5x128xf32, #tpu.memory_space<hbm>> -> memref<5x128xf32, #tpu.memory_space<hbm>>
      %dma_start3A_65 = arith.constant 0 : i32
      %dma_start3A_66 = arith.constant 0 : i32
      %dma_start3A_67 = tpu.memref_slice %arg16[%dma_start3A_65, %dma_start3A_66] : memref<64x128xf32, #tpu.memory_space<vmem>> -> memref<5x128xf32, #tpu.memory_space<vmem>>
      %dma_start3A_68 = arith.constant 0 : i32
      %dma_start3A_69 = arith.constant 0 : i32
      %dma_start3A_70 = tpu.memref_slice %arg6[%arg0, %arg1, %dma_start3A_68, %dma_start3A_69] : memref<2x16x5x128xf32, #tpu.memory_space<hbm>> -> memref<1x1x5x128xf32, #tpu.memory_space<hbm>>
      %dma_start3A_71 = tpu.memref_squeeze %dma_start3A_70 : memref<1x1x5x128xf32, #tpu.memory_space<hbm>> -> memref<5x128xf32, #tpu.memory_space<hbm>>
      tpu.enqueue_dma source(%dma_start3A_71 : memref<5x128xf32, #tpu.memory_space<hbm>>) target(%dma_start3A_67 : memref<5x128xf32, #tpu.memory_space<vmem>>) target_semaphore(%run_scoped3A : memref<!tpu.dma_semaphore, #tpu.memory_space<semaphore_mem>>)
      %dma_wait3A_72 = arith.constant 0 : i32
      %dma_wait3A_73 = arith.constant 0 : i32
      %dma_wait3A_74 = tpu.memref_slice %arg16[%dma_wait3A_72, %dma_wait3A_73] : memref<64x128xf32, #tpu.memory_space<vmem>> -> memref<5x128xf32, #tpu.memory_space<vmem>>
      %dma_wait3A_75 = arith.constant 0 : i32
      %dma_wait3A_76 = arith.constant 0 : i32
      %dma_wait3A_77 = tpu.memref_slice %arg6[%arg0, %arg1, %dma_wait3A_75, %dma_wait3A_76] : memref<2x16x5x128xf32, #tpu.memory_space<hbm>> -> memref<1x1x5x128xf32, #tpu.memory_space<hbm>>
      %dma_wait3A_78 = tpu.memref_squeeze %dma_wait3A_77 : memref<1x1x5x128xf32, #tpu.memory_space<hbm>> -> memref<5x128xf32, #tpu.memory_space<hbm>>
      %dma_wait3A_79 = arith.constant 0 : i32
      %dma_wait3A_80 = arith.constant 0 : i32
      %dma_wait3A_81 = tpu.memref_slice %arg16[%dma_wait3A_79, %dma_wait3A_80] : memref<64x128xf32, #tpu.memory_space<vmem>> -> memref<5x128xf32, #tpu.memory_space<vmem>>
      %dma_wait3A_82 = arith.constant 0 : i32
      %dma_wait3A_83 = arith.constant 0 : i32
      %dma_wait3A_84 = tpu.memref_slice %arg6[%arg0, %arg1, %dma_wait3A_82, %dma_wait3A_83] : memref<2x16x5x128xf32, #tpu.memory_space<hbm>> -> memref<1x1x5x128xf32, #tpu.memory_space<hbm>>
      %dma_wait3A_85 = tpu.memref_squeeze %dma_wait3A_84 : memref<1x1x5x128xf32, #tpu.memory_space<hbm>> -> memref<5x128xf32, #tpu.memory_space<hbm>>
      tpu.wait_dma2 semaphore(%run_scoped3A : memref<!tpu.dma_semaphore, #tpu.memory_space<semaphore_mem>>) src(%dma_wait3A_85 : memref<5x128xf32, #tpu.memory_space<hbm>>) dst(%dma_wait3A_81 : memref<5x128xf32, #tpu.memory_space<vmem>>)
      tpu.yield
    }) : () -> ()
    "tpu.region"() ({
      %run_scoped3A = tpu.sem_alloc : memref<!tpu.dma_semaphore, #tpu.memory_space<semaphore_mem>>
      %dma_start3A = arith.constant 8 : i32
      %dma_start3A_59 = arith.constant 0 : i32
      %dma_start3A_60 = tpu.memref_slice %arg16[%dma_start3A, %dma_start3A_59] : memref<64x128xf32, #tpu.memory_space<vmem>> -> memref<1x128xf32, #tpu.memory_space<vmem>>
      %dma_start3A_61 = arith.constant 8 : i32
      %dma_start3A_62 = arith.constant 0 : i32
      %dma_start3A_63 = tpu.memref_slice %arg16[%dma_start3A_61, %dma_start3A_62] : memref<64x128xf32, #tpu.memory_space<vmem>> -> memref<1x128xf32, #tpu.memory_space<vmem>>
      tpu.enqueue_dma source(%arg7 : memref<1x128xf32, #tpu.memory_space<hbm>>) target(%dma_start3A_63 : memref<1x128xf32, #tpu.memory_space<vmem>>) target_semaphore(%run_scoped3A : memref<!tpu.dma_semaphore, #tpu.memory_space<semaphore_mem>>)
      %dma_wait3A_64 = arith.constant 8 : i32
      %dma_wait3A_65 = arith.constant 0 : i32
      %dma_wait3A_66 = tpu.memref_slice %arg16[%dma_wait3A_64, %dma_wait3A_65] : memref<64x128xf32, #tpu.memory_space<vmem>> -> memref<1x128xf32, #tpu.memory_space<vmem>>
      %dma_wait3A_67 = arith.constant 8 : i32
      %dma_wait3A_68 = arith.constant 0 : i32
      %dma_wait3A_69 = tpu.memref_slice %arg16[%dma_wait3A_67, %dma_wait3A_68] : memref<64x128xf32, #tpu.memory_space<vmem>> -> memref<1x128xf32, #tpu.memory_space<vmem>>
      tpu.wait_dma2 semaphore(%run_scoped3A : memref<!tpu.dma_semaphore, #tpu.memory_space<semaphore_mem>>) src(%arg7 : memref<1x128xf32, #tpu.memory_space<hbm>>) dst(%dma_wait3A_69 : memref<1x128xf32, #tpu.memory_space<vmem>>)
      tpu.yield
    }) : () -> ()
    %get3A = arith.constant 8 : i32
    %get3A_23 = arith.index_cast %get3A : i32 to index
    %get3A_24 = arith.constant 0 : index
    %get3A_25 = tpu.vector_load %arg16[%get3A_23, %get3A_24] {strides = array<i32>} : memref<64x128xf32, #tpu.memory_space<vmem>>, vector<16xf32>,
    %get3A_26 = arith.constant 8 : i32
    %get3A_27 = arith.index_cast %get3A_26 : i32 to index
    %get3A_28 = arith.constant 16 : index
    %get3A_29 = tpu.vector_load %arg16[%get3A_27, %get3A_28] {strides = array<i32>} : memref<64x128xf32, #tpu.memory_space<vmem>>, vector<16xf32>,
    %get3A_30 = arith.constant 8 : i32
    %get3A_31 = arith.index_cast %get3A_30 : i32 to index
    %get3A_32 = arith.constant 32 : index
    %get3A_33 = tpu.vector_load %arg16[%get3A_31, %get3A_32] {strides = array<i32>} : memref<64x128xf32, #tpu.memory_space<vmem>>, vector<16xf32>,
    %get3A_34 = arith.constant 8 : i32
    %get3A_35 = arith.index_cast %get3A_34 : i32 to index
    %get3A_36 = arith.constant 48 : index
    %get3A_37 = tpu.vector_load %arg16[%get3A_35, %get3A_36] {strides = array<i32>} : memref<64x128xf32, #tpu.memory_space<vmem>>, vector<16xf32>,
    %get3A_38 = arith.constant 8 : i32
    %get3A_39 = arith.index_cast %get3A_38 : i32 to index
    %get3A_40 = arith.constant 64 : index
    %get3A_41 = tpu.vector_load %arg16[%get3A_39, %get3A_40] {strides = array<i32>} : memref<64x128xf32, #tpu.memory_space<vmem>>, vector<16xf32>,
    %get3A_42 = arith.constant 8 : i32
    %get3A_43 = arith.index_cast %get3A_42 : i32 to index
    %get3A_44 = arith.constant 80 : index
    %get3A_45 = tpu.vector_load %arg16[%get3A_43, %get3A_44] {strides = array<i32>} : memref<64x128xf32, #tpu.memory_space<vmem>>, vector<16xf32>,
    %get3A_46 = arith.constant 8 : i32
    %get3A_47 = arith.index_cast %get3A_46 : i32 to index
    %get3A_48 = arith.constant 96 : index
    %get3A_49 = tpu.vector_load %arg16[%get3A_47, %get3A_48] {strides = array<i32>} : memref<64x128xf32, #tpu.memory_space<vmem>>, vector<16xf32>,
    %get3A_50 = arith.constant 8 : i32
    %get3A_51 = arith.index_cast %get3A_50 : i32 to index
    %get3A_52 = arith.constant 112 : index
    %get3A_53 = tpu.vector_load %arg16[%get3A_51, %get3A_52] {strides = array<i32>} : memref<64x128xf32, #tpu.memory_space<vmem>>, vector<16xf32>,
    %scan3A_54 = arith.constant 0 : i32
    %scan3A_55 = arith.constant 10 : i32
    %scan3A_56 = arith.addi %scan3A_54, %scan3A_55 : i32
    %scan3A_57 = arith.constant 1 : i32
    scf.for %scan3A_59 = %scan3A_54 to %scan3A_56 step %scan3A_57  : i32 {
      %mul3A_60 = arith.constant 1 : i32
      %mul3A_61 = arith.muli %scan3A_59, %mul3A_60 : i32
      %add3A_62 = arith.constant 0 : i32
      %add3A_63 = arith.addi %add3A_62, %mul3A_61 : i32
      %mul3A_64 = arith.constant 640 : i32
      %mul3A_65 = arith.muli %arg1, %mul3A_64 : i32
      %mul3A_66 = arith.constant 64 : i32
      %mul3A_67 = arith.muli %add3A_63, %mul3A_66 : i32
      %add3A_68 = arith.addi %mul3A_65, %mul3A_67 : i32
      "tpu.region"() ({
        %run_scoped3A = tpu.sem_alloc : memref<!tpu.dma_semaphore, #tpu.memory_space<semaphore_mem>>
        %dma_start3A = arith.constant 0 : i32
        %dma_start3A_74 = tpu.memref_slice %arg17[%add3A_68, %dma_start3A] : memref<10240x128xf32, #tpu.memory_space<vmem_shared>> -> memref<64x128xf32, #tpu.memory_space<vmem_shared>>
        %dma_start3A_75 = arith.constant 0 : i32
        %dma_start3A_76 = tpu.memref_slice %arg17[%add3A_68, %dma_start3A_75] : memref<10240x128xf32, #tpu.memory_space<vmem_shared>> -> memref<64x128xf32, #tpu.memory_space<vmem_shared>>
        tpu.enqueue_dma source(%dma_start3A_76 : memref<64x128xf32, #tpu.memory_space<vmem_shared>>) target(%arg15 : memref<64x128xf32, #tpu.memory_space<vmem>>) target_semaphore(%run_scoped3A : memref<!tpu.dma_semaphore, #tpu.memory_space<semaphore_mem>>)
        %dma_wait3A_77 = arith.constant 0 : i32
        %dma_wait3A_78 = tpu.memref_slice %arg17[%add3A_68, %dma_wait3A_77] : memref<10240x128xf32, #tpu.memory_space<vmem_shared>> -> memref<64x128xf32, #tpu.memory_space<vmem_shared>>
        %dma_wait3A_79 = arith.constant 0 : i32
        %dma_wait3A_80 = tpu.memref_slice %arg17[%add3A_68, %dma_wait3A_79] : memref<10240x128xf32, #tpu.memory_space<vmem_shared>> -> memref<64x128xf32, #tpu.memory_space<vmem_shared>>
        tpu.wait_dma2 semaphore(%run_scoped3A : memref<!tpu.dma_semaphore, #tpu.memory_space<semaphore_mem>>) src(%dma_wait3A_80 : memref<64x128xf32, #tpu.memory_space<vmem_shared>>) dst(%arg15 : memref<64x128xf32, #tpu.memory_space<vmem>>)
        tpu.yield
      }) : () -> ()
      %scan3A_69 = arith.constant 0 : i32
      %scan3A_70 = arith.constant 4 : i32
      %scan3A_71 = arith.addi %scan3A_69, %scan3A_70 : i32
      %scan3A_72 = arith.constant 1 : i32
      scf.for %scan3A_74 = %scan3A_69 to %scan3A_71 step %scan3A_72  : i32 {
        %mul3A_75 = arith.constant 1 : i32
        %mul3A_76 = arith.muli %scan3A_74, %mul3A_75 : i32
        %add3A_77 = arith.constant 0 : i32
        %add3A_78 = arith.addi %add3A_77, %mul3A_76 : i32
        %mul3A_79 = arith.constant 64 : i32
        %mul3A_80 = arith.muli %add3A_63, %mul3A_79 : i32
        %mul3A_81 = arith.constant 16 : i32
        %mul3A_82 = arith.muli %add3A_78, %mul3A_81 : i32
        %add3A_83 = arith.addi %mul3A_80, %mul3A_82 : i32
        %jit3A = arith.constant 128 : i32
        %div3A = arith.divsi %add3A_83, %jit3A : i32
        %sign3A = arith.constant 0 : i32
        %sign3A_84 = arith.cmpi sgt, %add3A_83, %sign3A : i32
        %sign3A_85 = arith.extui %sign3A_84 : i1 to i32
        %sign3A_86 = arith.constant 0 : i32
        %sign3A_87 = arith.cmpi slt, %add3A_83, %sign3A_86 : i32
        %sign3A_88 = arith.extui %sign3A_87 : i1 to i32
        %sign3A_89 = arith.subi %sign3A_85, %sign3A_88 : i32
        %sign3A_90 = arith.constant 0 : i32
        %sign3A_91 = arith.cmpi sgt, %jit3A, %sign3A_90 : i32
        %sign3A_92 = arith.extui %sign3A_91 : i1 to i32
        %sign3A_93 = arith.constant 0 : i32
        %sign3A_94 = arith.cmpi slt, %jit3A, %sign3A_93 : i32
        %sign3A_95 = arith.extui %sign3A_94 : i1 to i32
        %sign3A_96 = arith.subi %sign3A_92, %sign3A_95 : i32
        %ne3A = arith.cmpi ne, %sign3A_89, %sign3A_96 : i32
        %rem3A = arith.remsi %add3A_83, %jit3A : i32
        %ne3A_97 = arith.constant 0 : i32
        %ne3A_98 = arith.cmpi ne, %rem3A, %ne3A_97 : i32
        %and3A = arith.andi %ne3A, %ne3A_98 : i1
        %sub3A = arith.constant 1 : i32
        %sub3A_99 = arith.subi %div3A, %sub3A : i32
        %select_n3A = arith.select %and3A, %sub3A_99, %div3A : i32
        %jit3A_100 = arith.constant 128 : i32
        %eq3A = arith.constant 0 : i32
        %eq3A_101 = arith.cmpi eq, %jit3A_100, %eq3A : i32
        %jit3A_102 = arith.constant 1 : i32
        %select_n3A_103 = arith.select %eq3A_101, %jit3A_102, %jit3A_100 : i32
        %rem3A_104 = arith.remsi %add3A_83, %select_n3A_103 : i32
        %ne3A_105 = arith.constant 0 : i32
        %ne3A_106 = arith.cmpi ne, %rem3A_104, %ne3A_105 : i32
        %lt3A = arith.constant 0 : i32
        %lt3A_107 = arith.cmpi slt, %rem3A_104, %lt3A : i32
        %lt3A_108 = arith.constant 0 : i32
        %lt3A_109 = arith.cmpi slt, %select_n3A_103, %lt3A_108 : i32
        %ne3A_110 = arith.xori %lt3A_107, %lt3A_109 : i1
        %and3A_111 = arith.andi %ne3A_110, %ne3A_106 : i1
        %add3A_112 = arith.addi %rem3A_104, %select_n3A_103 : i32
        %select_n3A_113 = arith.select %and3A_111, %add3A_112, %rem3A_104 : i32
        %get3A_114 = arith.index_cast %select_n3A : i32 to index
        %get3A_115 = arith.index_cast %select_n3A_113 : i32 to index
        %get3A_116 = tpu.vector_load %arg16[%get3A_114, %get3A_115] {strides = array<i32>} : memref<64x128xf32, #tpu.memory_space<vmem>>, vector<16xf32>,
        %broadcast_in_dim3A = arith.constant 0 : i32
        %broadcast_in_dim3A_117 = vector.broadcast %broadcast_in_dim3A : i32 to vector<16xi32>
        %lt3A_118 = arith.constant 0 : i32
        %lt3A_119 = vector.broadcast %lt3A_118 : i32 to vector<16xi32>
        %lt3A_120 = arith.cmpi slt, %broadcast_in_dim3A_117, %lt3A_119 : vector<16xi32>
        %add3A_121 = arith.constant 16 : i32
        %add3A_122 = vector.broadcast %add3A_121 : i32 to vector<16xi32>
        %add3A_123 = arith.addi %broadcast_in_dim3A_117, %add3A_122 : vector<16xi32>
        %select_n3A_124 = arith.select %lt3A_120, %add3A_123, %broadcast_in_dim3A_117 : vector<16xi1>, vector<16xi32>
        %broadcast_in_dim3A_125 = vector.shape_cast %select_n3A_124 : vector<16xi32> to vector<16x1xi32>
        %gather3A = vector.shape_cast %broadcast_in_dim3A_125 : vector<16x1xi32> to vector<16xi32>
        %gather3A_126 = tpu.dynamic_gather %get3A_116[%gather3A] in [0] : vector<16xf32>, vector<16xi32> -> vector<16xf32>
        %mul3A_127 = arith.constant 16 : i32
        %mul3A_128 = arith.muli %add3A_78, %mul3A_127 : i32
        %add3A_129 = arith.constant 0 : i32
        %add3A_130 = arith.addi %mul3A_128, %add3A_129 : i32
        %get3A_131 = arith.index_cast %add3A_130 : i32 to index
        %get3A_132 = arith.constant 0 : index
        %get3A_133 = tpu.vector_load %arg15[%get3A_131, %get3A_132] {strides = array<i32>} : memref<64x128xf32, #tpu.memory_space<vmem>>, vector<16xf32>,
        %mul3A_134 = arith.mulf %get3A_133, %gather3A_126 : vector<16xf32>
        %add3A_135 = arith.addf %mul3A_134, %get3A_25 : vector<16xf32>
        %max3A = arith.constant 0.000000e+00 : f32
        %max3A_136 = vector.broadcast %max3A : f32 to vector<16xf32>
        %max3A_137 = arith.maximumf %add3A_135, %max3A_136 : vector<16xf32>
        %mul3A_138 = arith.constant 16 : i32
        %mul3A_139 = arith.muli %add3A_78, %mul3A_138 : i32
        %add3A_140 = arith.constant 0 : i32
        %add3A_141 = arith.addi %mul3A_139, %add3A_140 : i32
        %swap3A = arith.index_cast %add3A_141 : i32 to index
        %swap3A_142 = arith.constant 0 : index
        %swap3A_143 = tpu.vector_load %arg15[%swap3A, %swap3A_142] {strides = array<i32>} : memref<64x128xf32, #tpu.memory_space<vmem>>, vector<16xf32>,
        tpu.vector_store %arg15[%swap3A, %swap3A_142], %max3A_137 {strides = array<i32>} : memref<64x128xf32, #tpu.memory_space<vmem>>, vector<16xf32>,
        %mul3A_144 = arith.constant 16 : i32
        %mul3A_145 = arith.muli %add3A_78, %mul3A_144 : i32
        %add3A_146 = arith.constant 0 : i32
        %add3A_147 = arith.addi %mul3A_145, %add3A_146 : i32
        %get3A_148 = arith.index_cast %add3A_147 : i32 to index
        %get3A_149 = arith.constant 16 : index
        %get3A_150 = tpu.vector_load %arg15[%get3A_148, %get3A_149] {strides = array<i32>} : memref<64x128xf32, #tpu.memory_space<vmem>>, vector<16xf32>,
        %mul3A_151 = arith.mulf %get3A_150, %gather3A_126 : vector<16xf32>
        %add3A_152 = arith.addf %mul3A_151, %get3A_29 : vector<16xf32>
        %max3A_153 = arith.constant 0.000000e+00 : f32
        %max3A_154 = vector.broadcast %max3A_153 : f32 to vector<16xf32>
        %max3A_155 = arith.maximumf %add3A_152, %max3A_154 : vector<16xf32>
        %mul3A_156 = arith.constant 16 : i32
        %mul3A_157 = arith.muli %add3A_78, %mul3A_156 : i32
        %add3A_158 = arith.constant 0 : i32
        %add3A_159 = arith.addi %mul3A_157, %add3A_158 : i32
        %swap3A_160 = arith.index_cast %add3A_159 : i32 to index
        %swap3A_161 = arith.constant 16 : index
        %swap3A_162 = tpu.vector_load %arg15[%swap3A_160, %swap3A_161] {strides = array<i32>} : memref<64x128xf32, #tpu.memory_space<vmem>>, vector<16xf32>,
        tpu.vector_store %arg15[%swap3A_160, %swap3A_161], %max3A_155 {strides = array<i32>} : memref<64x128xf32, #tpu.memory_space<vmem>>, vector<16xf32>,
        %mul3A_163 = arith.constant 16 : i32
        %mul3A_164 = arith.muli %add3A_78, %mul3A_163 : i32
        %add3A_165 = arith.constant 0 : i32
        %add3A_166 = arith.addi %mul3A_164, %add3A_165 : i32
        %get3A_167 = arith.index_cast %add3A_166 : i32 to index
        %get3A_168 = arith.constant 32 : index
        %get3A_169 = tpu.vector_load %arg15[%get3A_167, %get3A_168] {strides = array<i32>} : memref<64x128xf32, #tpu.memory_space<vmem>>, vector<16xf32>,
        %mul3A_170 = arith.mulf %get3A_169, %gather3A_126 : vector<16xf32>
        %add3A_171 = arith.addf %mul3A_170, %get3A_33 : vector<16xf32>
        %max3A_172 = arith.constant 0.000000e+00 : f32
        %max3A_173 = vector.broadcast %max3A_172 : f32 to vector<16xf32>
        %max3A_174 = arith.maximumf %add3A_171, %max3A_173 : vector<16xf32>
        %mul3A_175 = arith.constant 16 : i32
        %mul3A_176 = arith.muli %add3A_78, %mul3A_175 : i32
        %add3A_177 = arith.constant 0 : i32
        %add3A_178 = arith.addi %mul3A_176, %add3A_177 : i32
        %swap3A_179 = arith.index_cast %add3A_178 : i32 to index
        %swap3A_180 = arith.constant 32 : index
        %swap3A_181 = tpu.vector_load %arg15[%swap3A_179, %swap3A_180] {strides = array<i32>} : memref<64x128xf32, #tpu.memory_space<vmem>>, vector<16xf32>,
        tpu.vector_store %arg15[%swap3A_179, %swap3A_180], %max3A_174 {strides = array<i32>} : memref<64x128xf32, #tpu.memory_space<vmem>>, vector<16xf32>,
        %mul3A_182 = arith.constant 16 : i32
        %mul3A_183 = arith.muli %add3A_78, %mul3A_182 : i32
        %add3A_184 = arith.constant 0 : i32
        %add3A_185 = arith.addi %mul3A_183, %add3A_184 : i32
        %get3A_186 = arith.index_cast %add3A_185 : i32 to index
        %get3A_187 = arith.constant 48 : index
        %get3A_188 = tpu.vector_load %arg15[%get3A_186, %get3A_187] {strides = array<i32>} : memref<64x128xf32, #tpu.memory_space<vmem>>, vector<16xf32>,
        %mul3A_189 = arith.mulf %get3A_188, %gather3A_126 : vector<16xf32>
        %add3A_190 = arith.addf %mul3A_189, %get3A_37 : vector<16xf32>
        %max3A_191 = arith.constant 0.000000e+00 : f32
        %max3A_192 = vector.broadcast %max3A_191 : f32 to vector<16xf32>
        %max3A_193 = arith.maximumf %add3A_190, %max3A_192 : vector<16xf32>
        %mul3A_194 = arith.constant 16 : i32
        %mul3A_195 = arith.muli %add3A_78, %mul3A_194 : i32
        %add3A_196 = arith.constant 0 : i32
        %add3A_197 = arith.addi %mul3A_195, %add3A_196 : i32
        %swap3A_198 = arith.index_cast %add3A_197 : i32 to index
        %swap3A_199 = arith.constant 48 : index
        %swap3A_200 = tpu.vector_load %arg15[%swap3A_198, %swap3A_199] {strides = array<i32>} : memref<64x128xf32, #tpu.memory_space<vmem>>, vector<16xf32>,
        tpu.vector_store %arg15[%swap3A_198, %swap3A_199], %max3A_193 {strides = array<i32>} : memref<64x128xf32, #tpu.memory_space<vmem>>, vector<16xf32>,
        %mul3A_201 = arith.constant 16 : i32
        %mul3A_202 = arith.muli %add3A_78, %mul3A_201 : i32
        %add3A_203 = arith.constant 0 : i32
        %add3A_204 = arith.addi %mul3A_202, %add3A_203 : i32
        %get3A_205 = arith.index_cast %add3A_204 : i32 to index
        %get3A_206 = arith.constant 64 : index
        %get3A_207 = tpu.vector_load %arg15[%get3A_205, %get3A_206] {strides = array<i32>} : memref<64x128xf32, #tpu.memory_space<vmem>>, vector<16xf32>,
        %mul3A_208 = arith.mulf %get3A_207, %gather3A_126 : vector<16xf32>
        %add3A_209 = arith.addf %mul3A_208, %get3A_41 : vector<16xf32>
        %max3A_210 = arith.constant 0.000000e+00 : f32
        %max3A_211 = vector.broadcast %max3A_210 : f32 to vector<16xf32>
        %max3A_212 = arith.maximumf %add3A_209, %max3A_211 : vector<16xf32>
        %mul3A_213 = arith.constant 16 : i32
        %mul3A_214 = arith.muli %add3A_78, %mul3A_213 : i32
        %add3A_215 = arith.constant 0 : i32
        %add3A_216 = arith.addi %mul3A_214, %add3A_215 : i32
        %swap3A_217 = arith.index_cast %add3A_216 : i32 to index
        %swap3A_218 = arith.constant 64 : index
        %swap3A_219 = tpu.vector_load %arg15[%swap3A_217, %swap3A_218] {strides = array<i32>} : memref<64x128xf32, #tpu.memory_space<vmem>>, vector<16xf32>,
        tpu.vector_store %arg15[%swap3A_217, %swap3A_218], %max3A_212 {strides = array<i32>} : memref<64x128xf32, #tpu.memory_space<vmem>>, vector<16xf32>,
        %mul3A_220 = arith.constant 16 : i32
        %mul3A_221 = arith.muli %add3A_78, %mul3A_220 : i32
        %add3A_222 = arith.constant 0 : i32
        %add3A_223 = arith.addi %mul3A_221, %add3A_222 : i32
        %get3A_224 = arith.index_cast %add3A_223 : i32 to index
        %get3A_225 = arith.constant 80 : index
        %get3A_226 = tpu.vector_load %arg15[%get3A_224, %get3A_225] {strides = array<i32>} : memref<64x128xf32, #tpu.memory_space<vmem>>, vector<16xf32>,
        %mul3A_227 = arith.mulf %get3A_226, %gather3A_126 : vector<16xf32>
        %add3A_228 = arith.addf %mul3A_227, %get3A_45 : vector<16xf32>
        %max3A_229 = arith.constant 0.000000e+00 : f32
        %max3A_230 = vector.broadcast %max3A_229 : f32 to vector<16xf32>
        %max3A_231 = arith.maximumf %add3A_228, %max3A_230 : vector<16xf32>
        %mul3A_232 = arith.constant 16 : i32
        %mul3A_233 = arith.muli %add3A_78, %mul3A_232 : i32
        %add3A_234 = arith.constant 0 : i32
        %add3A_235 = arith.addi %mul3A_233, %add3A_234 : i32
        %swap3A_236 = arith.index_cast %add3A_235 : i32 to index
        %swap3A_237 = arith.constant 80 : index
        %swap3A_238 = tpu.vector_load %arg15[%swap3A_236, %swap3A_237] {strides = array<i32>} : memref<64x128xf32, #tpu.memory_space<vmem>>, vector<16xf32>,
        tpu.vector_store %arg15[%swap3A_236, %swap3A_237], %max3A_231 {strides = array<i32>} : memref<64x128xf32, #tpu.memory_space<vmem>>, vector<16xf32>,
        %mul3A_239 = arith.constant 16 : i32
        %mul3A_240 = arith.muli %add3A_78, %mul3A_239 : i32
        %add3A_241 = arith.constant 0 : i32
        %add3A_242 = arith.addi %mul3A_240, %add3A_241 : i32
        %get3A_243 = arith.index_cast %add3A_242 : i32 to index
        %get3A_244 = arith.constant 96 : index
        %get3A_245 = tpu.vector_load %arg15[%get3A_243, %get3A_244] {strides = array<i32>} : memref<64x128xf32, #tpu.memory_space<vmem>>, vector<16xf32>,
        %mul3A_246 = arith.mulf %get3A_245, %gather3A_126 : vector<16xf32>
        %add3A_247 = arith.addf %mul3A_246, %get3A_49 : vector<16xf32>
        %max3A_248 = arith.constant 0.000000e+00 : f32
        %max3A_249 = vector.broadcast %max3A_248 : f32 to vector<16xf32>
        %max3A_250 = arith.maximumf %add3A_247, %max3A_249 : vector<16xf32>
        %mul3A_251 = arith.constant 16 : i32
        %mul3A_252 = arith.muli %add3A_78, %mul3A_251 : i32
        %add3A_253 = arith.constant 0 : i32
        %add3A_254 = arith.addi %mul3A_252, %add3A_253 : i32
        %swap3A_255 = arith.index_cast %add3A_254 : i32 to index
        %swap3A_256 = arith.constant 96 : index
        %swap3A_257 = tpu.vector_load %arg15[%swap3A_255, %swap3A_256] {strides = array<i32>} : memref<64x128xf32, #tpu.memory_space<vmem>>, vector<16xf32>,
        tpu.vector_store %arg15[%swap3A_255, %swap3A_256], %max3A_250 {strides = array<i32>} : memref<64x128xf32, #tpu.memory_space<vmem>>, vector<16xf32>,
        %mul3A_258 = arith.constant 16 : i32
        %mul3A_259 = arith.muli %add3A_78, %mul3A_258 : i32
        %add3A_260 = arith.constant 0 : i32
        %add3A_261 = arith.addi %mul3A_259, %add3A_260 : i32
        %get3A_262 = arith.index_cast %add3A_261 : i32 to index
        %get3A_263 = arith.constant 112 : index
        %get3A_264 = tpu.vector_load %arg15[%get3A_262, %get3A_263] {strides = array<i32>} : memref<64x128xf32, #tpu.memory_space<vmem>>, vector<16xf32>,
        %mul3A_265 = arith.mulf %get3A_264, %gather3A_126 : vector<16xf32>
        %add3A_266 = arith.addf %mul3A_265, %get3A_53 : vector<16xf32>
        %max3A_267 = arith.constant 0.000000e+00 : f32
        %max3A_268 = vector.broadcast %max3A_267 : f32 to vector<16xf32>
        %max3A_269 = arith.maximumf %add3A_266, %max3A_268 : vector<16xf32>
        %mul3A_270 = arith.constant 16 : i32
        %mul3A_271 = arith.muli %add3A_78, %mul3A_270 : i32
        %add3A_272 = arith.constant 0 : i32
        %add3A_273 = arith.addi %mul3A_271, %add3A_272 : i32
        %swap3A_274 = arith.index_cast %add3A_273 : i32 to index
        %swap3A_275 = arith.constant 112 : index
        %swap3A_276 = tpu.vector_load %arg15[%swap3A_274, %swap3A_275] {strides = array<i32>} : memref<64x128xf32, #tpu.memory_space<vmem>>, vector<16xf32>,
        tpu.vector_store %arg15[%swap3A_274, %swap3A_275], %max3A_269 {strides = array<i32>} : memref<64x128xf32, #tpu.memory_space<vmem>>, vector<16xf32>,
        %broadcast_in_dim3A_277 = arith.constant 1 : i32
        %broadcast_in_dim3A_278 = vector.broadcast %broadcast_in_dim3A_277 : i32 to vector<16xi32>
        %lt3A_279 = arith.constant 0 : i32
        %lt3A_280 = vector.broadcast %lt3A_279 : i32 to vector<16xi32>
        %lt3A_281 = arith.cmpi slt, %broadcast_in_dim3A_278, %lt3A_280 : vector<16xi32>
        %add3A_282 = arith.constant 16 : i32
        %add3A_283 = vector.broadcast %add3A_282 : i32 to vector<16xi32>
        %add3A_284 = arith.addi %broadcast_in_dim3A_278, %add3A_283 : vector<16xi32>
        %select_n3A_285 = arith.select %lt3A_281, %add3A_284, %broadcast_in_dim3A_278 : vector<16xi1>, vector<16xi32>
        %broadcast_in_dim3A_286 = vector.shape_cast %select_n3A_285 : vector<16xi32> to vector<16x1xi32>
        %gather3A_287 = vector.shape_cast %broadcast_in_dim3A_286 : vector<16x1xi32> to vector<16xi32>
        %gather3A_288 = tpu.dynamic_gather %get3A_116[%gather3A_287] in [0] : vector<16xf32>, vector<16xi32> -> vector<16xf32>
        %mul3A_289 = arith.constant 16 : i32
        %mul3A_290 = arith.muli %add3A_78, %mul3A_289 : i32
        %add3A_291 = arith.constant 1 : i32
        %add3A_292 = arith.addi %mul3A_290, %add3A_291 : i32
        %get3A_293 = arith.index_cast %add3A_292 : i32 to index
        %get3A_294 = arith.constant 0 : index
        %get3A_295 = tpu.vector_load %arg15[%get3A_293, %get3A_294] {strides = array<i32>} : memref<64x128xf32, #tpu.memory_space<vmem>>, vector<16xf32>,
        %mul3A_296 = arith.mulf %get3A_295, %gather3A_288 : vector<16xf32>
        %add3A_297 = arith.addf %mul3A_296, %get3A_25 : vector<16xf32>
        %max3A_298 = arith.constant 0.000000e+00 : f32
        %max3A_299 = vector.broadcast %max3A_298 : f32 to vector<16xf32>
        %max3A_300 = arith.maximumf %add3A_297, %max3A_299 : vector<16xf32>
        %mul3A_301 = arith.constant 16 : i32
        %mul3A_302 = arith.muli %add3A_78, %mul3A_301 : i32
        %add3A_303 = arith.constant 1 : i32
        %add3A_304 = arith.addi %mul3A_302, %add3A_303 : i32
        %swap3A_305 = arith.index_cast %add3A_304 : i32 to index
        %swap3A_306 = arith.constant 0 : index
        %swap3A_307 = tpu.vector_load %arg15[%swap3A_305, %swap3A_306] {strides = array<i32>} : memref<64x128xf32, #tpu.memory_space<vmem>>, vector<16xf32>,
        tpu.vector_store %arg15[%swap3A_305, %swap3A_306], %max3A_300 {strides = array<i32>} : memref<64x128xf32, #tpu.memory_space<vmem>>, vector<16xf32>,
        %mul3A_308 = arith.constant 16 : i32
        %mul3A_309 = arith.muli %add3A_78, %mul3A_308 : i32
        %add3A_310 = arith.constant 1 : i32
        %add3A_311 = arith.addi %mul3A_309, %add3A_310 : i32
        %get3A_312 = arith.index_cast %add3A_311 : i32 to index
        %get3A_313 = arith.constant 16 : index
        %get3A_314 = tpu.vector_load %arg15[%get3A_312, %get3A_313] {strides = array<i32>} : memref<64x128xf32, #tpu.memory_space<vmem>>, vector<16xf32>,
        %mul3A_315 = arith.mulf %get3A_314, %gather3A_288 : vector<16xf32>
        %add3A_316 = arith.addf %mul3A_315, %get3A_29 : vector<16xf32>
        %max3A_317 = arith.constant 0.000000e+00 : f32
        %max3A_318 = vector.broadcast %max3A_317 : f32 to vector<16xf32>
        %max3A_319 = arith.maximumf %add3A_316, %max3A_318 : vector<16xf32>
        %mul3A_320 = arith.constant 16 : i32
        %mul3A_321 = arith.muli %add3A_78, %mul3A_320 : i32
        %add3A_322 = arith.constant 1 : i32
        %add3A_323 = arith.addi %mul3A_321, %add3A_322 : i32
        %swap3A_324 = arith.index_cast %add3A_323 : i32 to index
        %swap3A_325 = arith.constant 16 : index
        %swap3A_326 = tpu.vector_load %arg15[%swap3A_324, %swap3A_325] {strides = array<i32>} : memref<64x128xf32, #tpu.memory_space<vmem>>, vector<16xf32>,
        tpu.vector_store %arg15[%swap3A_324, %swap3A_325], %max3A_319 {strides = array<i32>} : memref<64x128xf32, #tpu.memory_space<vmem>>, vector<16xf32>,
        %mul3A_327 = arith.constant 16 : i32
        %mul3A_328 = arith.muli %add3A_78, %mul3A_327 : i32
        %add3A_329 = arith.constant 1 : i32
        %add3A_330 = arith.addi %mul3A_328, %add3A_329 : i32
        %get3A_331 = arith.index_cast %add3A_330 : i32 to index
        %get3A_332 = arith.constant 32 : index
        %get3A_333 = tpu.vector_load %arg15[%get3A_331, %get3A_332] {strides = array<i32>} : memref<64x128xf32, #tpu.memory_space<vmem>>, vector<16xf32>,
        %mul3A_334 = arith.mulf %get3A_333, %gather3A_288 : vector<16xf32>
        %add3A_335 = arith.addf %mul3A_334, %get3A_33 : vector<16xf32>
        %max3A_336 = arith.constant 0.000000e+00 : f32
        %max3A_337 = vector.broadcast %max3A_336 : f32 to vector<16xf32>
        %max3A_338 = arith.maximumf %add3A_335, %max3A_337 : vector<16xf32>
        %mul3A_339 = arith.constant 16 : i32
        %mul3A_340 = arith.muli %add3A_78, %mul3A_339 : i32
        %add3A_341 = arith.constant 1 : i32
        %add3A_342 = arith.addi %mul3A_340, %add3A_341 : i32
        %swap3A_343 = arith.index_cast %add3A_342 : i32 to index
        %swap3A_344 = arith.constant 32 : index
        %swap3A_345 = tpu.vector_load %arg15[%swap3A_343, %swap3A_344] {strides = array<i32>} : memref<64x128xf32, #tpu.memory_space<vmem>>, vector<16xf32>,
        tpu.vector_store %arg15[%swap3A_343, %swap3A_344], %max3A_338 {strides = array<i32>} : memref<64x128xf32, #tpu.memory_space<vmem>>, vector<16xf32>,
        %mul3A_346 = arith.constant 16 : i32
        %mul3A_347 = arith.muli %add3A_78, %mul3A_346 : i32
        %add3A_348 = arith.constant 1 : i32
        %add3A_349 = arith.addi %mul3A_347, %add3A_348 : i32
        %get3A_350 = arith.index_cast %add3A_349 : i32 to index
        %get3A_351 = arith.constant 48 : index
        %get3A_352 = tpu.vector_load %arg15[%get3A_350, %get3A_351] {strides = array<i32>} : memref<64x128xf32, #tpu.memory_space<vmem>>, vector<16xf32>,
        %mul3A_353 = arith.mulf %get3A_352, %gather3A_288 : vector<16xf32>
        %add3A_354 = arith.addf %mul3A_353, %get3A_37 : vector<16xf32>
        %max3A_355 = arith.constant 0.000000e+00 : f32
        %max3A_356 = vector.broadcast %max3A_355 : f32 to vector<16xf32>
        %max3A_357 = arith.maximumf %add3A_354, %max3A_356 : vector<16xf32>
        %mul3A_358 = arith.constant 16 : i32
        %mul3A_359 = arith.muli %add3A_78, %mul3A_358 : i32
        %add3A_360 = arith.constant 1 : i32
        %add3A_361 = arith.addi %mul3A_359, %add3A_360 : i32
        %swap3A_362 = arith.index_cast %add3A_361 : i32 to index
        %swap3A_363 = arith.constant 48 : index
        %swap3A_364 = tpu.vector_load %arg15[%swap3A_362, %swap3A_363] {strides = array<i32>} : memref<64x128xf32, #tpu.memory_space<vmem>>, vector<16xf32>,
        tpu.vector_store %arg15[%swap3A_362, %swap3A_363], %max3A_357 {strides = array<i32>} : memref<64x128xf32, #tpu.memory_space<vmem>>, vector<16xf32>,
        %mul3A_365 = arith.constant 16 : i32
        %mul3A_366 = arith.muli %add3A_78, %mul3A_365 : i32
        %add3A_367 = arith.constant 1 : i32
        %add3A_368 = arith.addi %mul3A_366, %add3A_367 : i32
        %get3A_369 = arith.index_cast %add3A_368 : i32 to index
        %get3A_370 = arith.constant 64 : index
        %get3A_371 = tpu.vector_load %arg15[%get3A_369, %get3A_370] {strides = array<i32>} : memref<64x128xf32, #tpu.memory_space<vmem>>, vector<16xf32>,
        %mul3A_372 = arith.mulf %get3A_371, %gather3A_288 : vector<16xf32>
        %add3A_373 = arith.addf %mul3A_372, %get3A_41 : vector<16xf32>
        %max3A_374 = arith.constant 0.000000e+00 : f32
        %max3A_375 = vector.broadcast %max3A_374 : f32 to vector<16xf32>
        %max3A_376 = arith.maximumf %add3A_373, %max3A_375 : vector<16xf32>
        %mul3A_377 = arith.constant 16 : i32
        %mul3A_378 = arith.muli %add3A_78, %mul3A_377 : i32
        %add3A_379 = arith.constant 1 : i32
        %add3A_380 = arith.addi %mul3A_378, %add3A_379 : i32
        %swap3A_381 = arith.index_cast %add3A_380 : i32 to index
        %swap3A_382 = arith.constant 64 : index
        %swap3A_383 = tpu.vector_load %arg15[%swap3A_381, %swap3A_382] {strides = array<i32>} : memref<64x128xf32, #tpu.memory_space<vmem>>, vector<16xf32>,
        tpu.vector_store %arg15[%swap3A_381, %swap3A_382], %max3A_376 {strides = array<i32>} : memref<64x128xf32, #tpu.memory_space<vmem>>, vector<16xf32>,
        %mul3A_384 = arith.constant 16 : i32
        %mul3A_385 = arith.muli %add3A_78, %mul3A_384 : i32
        %add3A_386 = arith.constant 1 : i32
        %add3A_387 = arith.addi %mul3A_385, %add3A_386 : i32
        %get3A_388 = arith.index_cast %add3A_387 : i32 to index
        %get3A_389 = arith.constant 80 : index
        %get3A_390 = tpu.vector_load %arg15[%get3A_388, %get3A_389] {strides = array<i32>} : memref<64x128xf32, #tpu.memory_space<vmem>>, vector<16xf32>,
        %mul3A_391 = arith.mulf %get3A_390, %gather3A_288 : vector<16xf32>
        %add3A_392 = arith.addf %mul3A_391, %get3A_45 : vector<16xf32>
        %max3A_393 = arith.constant 0.000000e+00 : f32
        %max3A_394 = vector.broadcast %max3A_393 : f32 to vector<16xf32>
        %max3A_395 = arith.maximumf %add3A_392, %max3A_394 : vector<16xf32>
        %mul3A_396 = arith.constant 16 : i32
        %mul3A_397 = arith.muli %add3A_78, %mul3A_396 : i32
        %add3A_398 = arith.constant 1 : i32
        %add3A_399 = arith.addi %mul3A_397, %add3A_398 : i32
        %swap3A_400 = arith.index_cast %add3A_399 : i32 to index
        %swap3A_401 = arith.constant 80 : index
        %swap3A_402 = tpu.vector_load %arg15[%swap3A_400, %swap3A_401] {strides = array<i32>} : memref<64x128xf32, #tpu.memory_space<vmem>>, vector<16xf32>,
        tpu.vector_store %arg15[%swap3A_400, %swap3A_401], %max3A_395 {strides = array<i32>} : memref<64x128xf32, #tpu.memory_space<vmem>>, vector<16xf32>,
        %mul3A_403 = arith.constant 16 : i32
        %mul3A_404 = arith.muli %add3A_78, %mul3A_403 : i32
        %add3A_405 = arith.constant 1 : i32
        %add3A_406 = arith.addi %mul3A_404, %add3A_405 : i32
        %get3A_407 = arith.index_cast %add3A_406 : i32 to index
        %get3A_408 = arith.constant 96 : index
        %get3A_409 = tpu.vector_load %arg15[%get3A_407, %get3A_408] {strides = array<i32>} : memref<64x128xf32, #tpu.memory_space<vmem>>, vector<16xf32>,
        %mul3A_410 = arith.mulf %get3A_409, %gather3A_288 : vector<16xf32>
        %add3A_411 = arith.addf %mul3A_410, %get3A_49 : vector<16xf32>
        %max3A_412 = arith.constant 0.000000e+00 : f32
        %max3A_413 = vector.broadcast %max3A_412 : f32 to vector<16xf32>
        %max3A_414 = arith.maximumf %add3A_411, %max3A_413 : vector<16xf32>
        %mul3A_415 = arith.constant 16 : i32
        %mul3A_416 = arith.muli %add3A_78, %mul3A_415 : i32
        %add3A_417 = arith.constant 1 : i32
        %add3A_418 = arith.addi %mul3A_416, %add3A_417 : i32
        %swap3A_419 = arith.index_cast %add3A_418 : i32 to index
        %swap3A_420 = arith.constant 96 : index
        %swap3A_421 = tpu.vector_load %arg15[%swap3A_419, %swap3A_420] {strides = array<i32>} : memref<64x128xf32, #tpu.memory_space<vmem>>, vector<16xf32>,
        tpu.vector_store %arg15[%swap3A_419, %swap3A_420], %max3A_414 {strides = array<i32>} : memref<64x128xf32, #tpu.memory_space<vmem>>, vector<16xf32>,
        %mul3A_422 = arith.constant 16 : i32
        %mul3A_423 = arith.muli %add3A_78, %mul3A_422 : i32
        %add3A_424 = arith.constant 1 : i32
        %add3A_425 = arith.addi %mul3A_423, %add3A_424 : i32
        %get3A_426 = arith.index_cast %add3A_425 : i32 to index
        %get3A_427 = arith.constant 112 : index
        %get3A_428 = tpu.vector_load %arg15[%get3A_426, %get3A_427] {strides = array<i32>} : memref<64x128xf32, #tpu.memory_space<vmem>>, vector<16xf32>,
        %mul3A_429 = arith.mulf %get3A_428, %gather3A_288 : vector<16xf32>
        %add3A_430 = arith.addf %mul3A_429, %get3A_53 : vector<16xf32>
        %max3A_431 = arith.constant 0.000000e+00 : f32
        %max3A_432 = vector.broadcast %max3A_431 : f32 to vector<16xf32>
        %max3A_433 = arith.maximumf %add3A_430, %max3A_432 : vector<16xf32>
        %mul3A_434 = arith.constant 16 : i32
        %mul3A_435 = arith.muli %add3A_78, %mul3A_434 : i32
        %add3A_436 = arith.constant 1 : i32
        %add3A_437 = arith.addi %mul3A_435, %add3A_436 : i32
        %swap3A_438 = arith.index_cast %add3A_437 : i32 to index
        %swap3A_439 = arith.constant 112 : index
        %swap3A_440 = tpu.vector_load %arg15[%swap3A_438, %swap3A_439] {strides = array<i32>} : memref<64x128xf32, #tpu.memory_space<vmem>>, vector<16xf32>,
        tpu.vector_store %arg15[%swap3A_438, %swap3A_439], %max3A_433 {strides = array<i32>} : memref<64x128xf32, #tpu.memory_space<vmem>>, vector<16xf32>,
        %broadcast_in_dim3A_441 = arith.constant 2 : i32
        %broadcast_in_dim3A_442 = vector.broadcast %broadcast_in_dim3A_441 : i32 to vector<16xi32>
        %lt3A_443 = arith.constant 0 : i32
        %lt3A_444 = vector.broadcast %lt3A_443 : i32 to vector<16xi32>
        %lt3A_445 = arith.cmpi slt, %broadcast_in_dim3A_442, %lt3A_444 : vector<16xi32>
        %add3A_446 = arith.constant 16 : i32
        %add3A_447 = vector.broadcast %add3A_446 : i32 to vector<16xi32>
        %add3A_448 = arith.addi %broadcast_in_dim3A_442, %add3A_447 : vector<16xi32>
        %select_n3A_449 = arith.select %lt3A_445, %add3A_448, %broadcast_in_dim3A_442 : vector<16xi1>, vector<16xi32>
        %broadcast_in_dim3A_450 = vector.shape_cast %select_n3A_449 : vector<16xi32> to vector<16x1xi32>
        %gather3A_451 = vector.shape_cast %broadcast_in_dim3A_450 : vector<16x1xi32> to vector<16xi32>
        %gather3A_452 = tpu.dynamic_gather %get3A_116[%gather3A_451] in [0] : vector<16xf32>, vector<16xi32> -> vector<16xf32>
        %mul3A_453 = arith.constant 16 : i32
        %mul3A_454 = arith.muli %add3A_78, %mul3A_453 : i32
        %add3A_455 = arith.constant 2 : i32
        %add3A_456 = arith.addi %mul3A_454, %add3A_455 : i32
        %get3A_457 = arith.index_cast %add3A_456 : i32 to index
        %get3A_458 = arith.constant 0 : index
        %get3A_459 = tpu.vector_load %arg15[%get3A_457, %get3A_458] {strides = array<i32>} : memref<64x128xf32, #tpu.memory_space<vmem>>, vector<16xf32>,
        %mul3A_460 = arith.mulf %get3A_459, %gather3A_452 : vector<16xf32>
        %add3A_461 = arith.addf %mul3A_460, %get3A_25 : vector<16xf32>
        %max3A_462 = arith.constant 0.000000e+00 : f32
        %max3A_463 = vector.broadcast %max3A_462 : f32 to vector<16xf32>
        %max3A_464 = arith.maximumf %add3A_461, %max3A_463 : vector<16xf32>
        %mul3A_465 = arith.constant 16 : i32
        %mul3A_466 = arith.muli %add3A_78, %mul3A_465 : i32
        %add3A_467 = arith.constant 2 : i32
        %add3A_468 = arith.addi %mul3A_466, %add3A_467 : i32
        %swap3A_469 = arith.index_cast %add3A_468 : i32 to index
        %swap3A_470 = arith.constant 0 : index
        %swap3A_471 = tpu.vector_load %arg15[%swap3A_469, %swap3A_470] {strides = array<i32>} : memref<64x128xf32, #tpu.memory_space<vmem>>, vector<16xf32>,
        tpu.vector_store %arg15[%swap3A_469, %swap3A_470], %max3A_464 {strides = array<i32>} : memref<64x128xf32, #tpu.memory_space<vmem>>, vector<16xf32>,
        %mul3A_472 = arith.constant 16 : i32
        %mul3A_473 = arith.muli %add3A_78, %mul3A_472 : i32
        %add3A_474 = arith.constant 2 : i32
        %add3A_475 = arith.addi %mul3A_473, %add3A_474 : i32
        %get3A_476 = arith.index_cast %add3A_475 : i32 to index
        %get3A_477 = arith.constant 16 : index
        %get3A_478 = tpu.vector_load %arg15[%get3A_476, %get3A_477] {strides = array<i32>} : memref<64x128xf32, #tpu.memory_space<vmem>>, vector<16xf32>,
        %mul3A_479 = arith.mulf %get3A_478, %gather3A_452 : vector<16xf32>
        %add3A_480 = arith.addf %mul3A_479, %get3A_29 : vector<16xf32>
        %max3A_481 = arith.constant 0.000000e+00 : f32
        %max3A_482 = vector.broadcast %max3A_481 : f32 to vector<16xf32>
        %max3A_483 = arith.maximumf %add3A_480, %max3A_482 : vector<16xf32>
        %mul3A_484 = arith.constant 16 : i32
        %mul3A_485 = arith.muli %add3A_78, %mul3A_484 : i32
        %add3A_486 = arith.constant 2 : i32
        %add3A_487 = arith.addi %mul3A_485, %add3A_486 : i32
        %swap3A_488 = arith.index_cast %add3A_487 : i32 to index
        %swap3A_489 = arith.constant 16 : index
        %swap3A_490 = tpu.vector_load %arg15[%swap3A_488, %swap3A_489] {strides = array<i32>} : memref<64x128xf32, #tpu.memory_space<vmem>>, vector<16xf32>,
        tpu.vector_store %arg15[%swap3A_488, %swap3A_489], %max3A_483 {strides = array<i32>} : memref<64x128xf32, #tpu.memory_space<vmem>>, vector<16xf32>,
        %mul3A_491 = arith.constant 16 : i32
        %mul3A_492 = arith.muli %add3A_78, %mul3A_491 : i32
        %add3A_493 = arith.constant 2 : i32
        %add3A_494 = arith.addi %mul3A_492, %add3A_493 : i32
        %get3A_495 = arith.index_cast %add3A_494 : i32 to index
        %get3A_496 = arith.constant 32 : index
        %get3A_497 = tpu.vector_load %arg15[%get3A_495, %get3A_496] {strides = array<i32>} : memref<64x128xf32, #tpu.memory_space<vmem>>, vector<16xf32>,
        %mul3A_498 = arith.mulf %get3A_497, %gather3A_452 : vector<16xf32>
        %add3A_499 = arith.addf %mul3A_498, %get3A_33 : vector<16xf32>
        %max3A_500 = arith.constant 0.000000e+00 : f32
        %max3A_501 = vector.broadcast %max3A_500 : f32 to vector<16xf32>
        %max3A_502 = arith.maximumf %add3A_499, %max3A_501 : vector<16xf32>
        %mul3A_503 = arith.constant 16 : i32
        %mul3A_504 = arith.muli %add3A_78, %mul3A_503 : i32
        %add3A_505 = arith.constant 2 : i32
        %add3A_506 = arith.addi %mul3A_504, %add3A_505 : i32
        %swap3A_507 = arith.index_cast %add3A_506 : i32 to index
        %swap3A_508 = arith.constant 32 : index
        %swap3A_509 = tpu.vector_load %arg15[%swap3A_507, %swap3A_508] {strides = array<i32>} : memref<64x128xf32, #tpu.memory_space<vmem>>, vector<16xf32>,
        tpu.vector_store %arg15[%swap3A_507, %swap3A_508], %max3A_502 {strides = array<i32>} : memref<64x128xf32, #tpu.memory_space<vmem>>, vector<16xf32>,
        %mul3A_510 = arith.constant 16 : i32
        %mul3A_511 = arith.muli %add3A_78, %mul3A_510 : i32
        %add3A_512 = arith.constant 2 : i32
        %add3A_513 = arith.addi %mul3A_511, %add3A_512 : i32
        %get3A_514 = arith.index_cast %add3A_513 : i32 to index
        %get3A_515 = arith.constant 48 : index
        %get3A_516 = tpu.vector_load %arg15[%get3A_514, %get3A_515] {strides = array<i32>} : memref<64x128xf32, #tpu.memory_space<vmem>>, vector<16xf32>,
        %mul3A_517 = arith.mulf %get3A_516, %gather3A_452 : vector<16xf32>
        %add3A_518 = arith.addf %mul3A_517, %get3A_37 : vector<16xf32>
        %max3A_519 = arith.constant 0.000000e+00 : f32
        %max3A_520 = vector.broadcast %max3A_519 : f32 to vector<16xf32>
        %max3A_521 = arith.maximumf %add3A_518, %max3A_520 : vector<16xf32>
        %mul3A_522 = arith.constant 16 : i32
        %mul3A_523 = arith.muli %add3A_78, %mul3A_522 : i32
        %add3A_524 = arith.constant 2 : i32
        %add3A_525 = arith.addi %mul3A_523, %add3A_524 : i32
        %swap3A_526 = arith.index_cast %add3A_525 : i32 to index
        %swap3A_527 = arith.constant 48 : index
        %swap3A_528 = tpu.vector_load %arg15[%swap3A_526, %swap3A_527] {strides = array<i32>} : memref<64x128xf32, #tpu.memory_space<vmem>>, vector<16xf32>,
        tpu.vector_store %arg15[%swap3A_526, %swap3A_527], %max3A_521 {strides = array<i32>} : memref<64x128xf32, #tpu.memory_space<vmem>>, vector<16xf32>,
        %mul3A_529 = arith.constant 16 : i32
        %mul3A_530 = arith.muli %add3A_78, %mul3A_529 : i32
        %add3A_531 = arith.constant 2 : i32
        %add3A_532 = arith.addi %mul3A_530, %add3A_531 : i32
        %get3A_533 = arith.index_cast %add3A_532 : i32 to index
        %get3A_534 = arith.constant 64 : index
        %get3A_535 = tpu.vector_load %arg15[%get3A_533, %get3A_534] {strides = array<i32>} : memref<64x128xf32, #tpu.memory_space<vmem>>, vector<16xf32>,
        %mul3A_536 = arith.mulf %get3A_535, %gather3A_452 : vector<16xf32>
        %add3A_537 = arith.addf %mul3A_536, %get3A_41 : vector<16xf32>
        %max3A_538 = arith.constant 0.000000e+00 : f32
        %max3A_539 = vector.broadcast %max3A_538 : f32 to vector<16xf32>
        %max3A_540 = arith.maximumf %add3A_537, %max3A_539 : vector<16xf32>
        %mul3A_541 = arith.constant 16 : i32
        %mul3A_542 = arith.muli %add3A_78, %mul3A_541 : i32
        %add3A_543 = arith.constant 2 : i32
        %add3A_544 = arith.addi %mul3A_542, %add3A_543 : i32
        %swap3A_545 = arith.index_cast %add3A_544 : i32 to index
        %swap3A_546 = arith.constant 64 : index
        %swap3A_547 = tpu.vector_load %arg15[%swap3A_545, %swap3A_546] {strides = array<i32>} : memref<64x128xf32, #tpu.memory_space<vmem>>, vector<16xf32>,
        tpu.vector_store %arg15[%swap3A_545, %swap3A_546], %max3A_540 {strides = array<i32>} : memref<64x128xf32, #tpu.memory_space<vmem>>, vector<16xf32>,
        %mul3A_548 = arith.constant 16 : i32
        %mul3A_549 = arith.muli %add3A_78, %mul3A_548 : i32
        %add3A_550 = arith.constant 2 : i32
        %add3A_551 = arith.addi %mul3A_549, %add3A_550 : i32
        %get3A_552 = arith.index_cast %add3A_551 : i32 to index
        %get3A_553 = arith.constant 80 : index
        %get3A_554 = tpu.vector_load %arg15[%get3A_552, %get3A_553] {strides = array<i32>} : memref<64x128xf32, #tpu.memory_space<vmem>>, vector<16xf32>,
        %mul3A_555 = arith.mulf %get3A_554, %gather3A_452 : vector<16xf32>
        %add3A_556 = arith.addf %mul3A_555, %get3A_45 : vector<16xf32>
        %max3A_557 = arith.constant 0.000000e+00 : f32
        %max3A_558 = vector.broadcast %max3A_557 : f32 to vector<16xf32>
        %max3A_559 = arith.maximumf %add3A_556, %max3A_558 : vector<16xf32>
        %mul3A_560 = arith.constant 16 : i32
        %mul3A_561 = arith.muli %add3A_78, %mul3A_560 : i32
        %add3A_562 = arith.constant 2 : i32
        %add3A_563 = arith.addi %mul3A_561, %add3A_562 : i32
        %swap3A_564 = arith.index_cast %add3A_563 : i32 to index
        %swap3A_565 = arith.constant 80 : index
        %swap3A_566 = tpu.vector_load %arg15[%swap3A_564, %swap3A_565] {strides = array<i32>} : memref<64x128xf32, #tpu.memory_space<vmem>>, vector<16xf32>,
        tpu.vector_store %arg15[%swap3A_564, %swap3A_565], %max3A_559 {strides = array<i32>} : memref<64x128xf32, #tpu.memory_space<vmem>>, vector<16xf32>,
        %mul3A_567 = arith.constant 16 : i32
        %mul3A_568 = arith.muli %add3A_78, %mul3A_567 : i32
        %add3A_569 = arith.constant 2 : i32
        %add3A_570 = arith.addi %mul3A_568, %add3A_569 : i32
        %get3A_571 = arith.index_cast %add3A_570 : i32 to index
        %get3A_572 = arith.constant 96 : index
        %get3A_573 = tpu.vector_load %arg15[%get3A_571, %get3A_572] {strides = array<i32>} : memref<64x128xf32, #tpu.memory_space<vmem>>, vector<16xf32>,
        %mul3A_574 = arith.mulf %get3A_573, %gather3A_452 : vector<16xf32>
        %add3A_575 = arith.addf %mul3A_574, %get3A_49 : vector<16xf32>
        %max3A_576 = arith.constant 0.000000e+00 : f32
        %max3A_577 = vector.broadcast %max3A_576 : f32 to vector<16xf32>
        %max3A_578 = arith.maximumf %add3A_575, %max3A_577 : vector<16xf32>
        %mul3A_579 = arith.constant 16 : i32
        %mul3A_580 = arith.muli %add3A_78, %mul3A_579 : i32
        %add3A_581 = arith.constant 2 : i32
        %add3A_582 = arith.addi %mul3A_580, %add3A_581 : i32
        %swap3A_583 = arith.index_cast %add3A_582 : i32 to index
        %swap3A_584 = arith.constant 96 : index
        %swap3A_585 = tpu.vector_load %arg15[%swap3A_583, %swap3A_584] {strides = array<i32>} : memref<64x128xf32, #tpu.memory_space<vmem>>, vector<16xf32>,
        tpu.vector_store %arg15[%swap3A_583, %swap3A_584], %max3A_578 {strides = array<i32>} : memref<64x128xf32, #tpu.memory_space<vmem>>, vector<16xf32>,
        %mul3A_586 = arith.constant 16 : i32
        %mul3A_587 = arith.muli %add3A_78, %mul3A_586 : i32
        %add3A_588 = arith.constant 2 : i32
        %add3A_589 = arith.addi %mul3A_587, %add3A_588 : i32
        %get3A_590 = arith.index_cast %add3A_589 : i32 to index
        %get3A_591 = arith.constant 112 : index
        %get3A_592 = tpu.vector_load %arg15[%get3A_590, %get3A_591] {strides = array<i32>} : memref<64x128xf32, #tpu.memory_space<vmem>>, vector<16xf32>,
        %mul3A_593 = arith.mulf %get3A_592, %gather3A_452 : vector<16xf32>
        %add3A_594 = arith.addf %mul3A_593, %get3A_53 : vector<16xf32>
        %max3A_595 = arith.constant 0.000000e+00 : f32
        %max3A_596 = vector.broadcast %max3A_595 : f32 to vector<16xf32>
        %max3A_597 = arith.maximumf %add3A_594, %max3A_596 : vector<16xf32>
        %mul3A_598 = arith.constant 16 : i32
        %mul3A_599 = arith.muli %add3A_78, %mul3A_598 : i32
        %add3A_600 = arith.constant 2 : i32
        %add3A_601 = arith.addi %mul3A_599, %add3A_600 : i32
        %swap3A_602 = arith.index_cast %add3A_601 : i32 to index
        %swap3A_603 = arith.constant 112 : index
        %swap3A_604 = tpu.vector_load %arg15[%swap3A_602, %swap3A_603] {strides = array<i32>} : memref<64x128xf32, #tpu.memory_space<vmem>>, vector<16xf32>,
        tpu.vector_store %arg15[%swap3A_602, %swap3A_603], %max3A_597 {strides = array<i32>} : memref<64x128xf32, #tpu.memory_space<vmem>>, vector<16xf32>,
        %broadcast_in_dim3A_605 = arith.constant 3 : i32
        %broadcast_in_dim3A_606 = vector.broadcast %broadcast_in_dim3A_605 : i32 to vector<16xi32>
        %lt3A_607 = arith.constant 0 : i32
        %lt3A_608 = vector.broadcast %lt3A_607 : i32 to vector<16xi32>
        %lt3A_609 = arith.cmpi slt, %broadcast_in_dim3A_606, %lt3A_608 : vector<16xi32>
        %add3A_610 = arith.constant 16 : i32
        %add3A_611 = vector.broadcast %add3A_610 : i32 to vector<16xi32>
        %add3A_612 = arith.addi %broadcast_in_dim3A_606, %add3A_611 : vector<16xi32>
        %select_n3A_613 = arith.select %lt3A_609, %add3A_612, %broadcast_in_dim3A_606 : vector<16xi1>, vector<16xi32>
        %broadcast_in_dim3A_614 = vector.shape_cast %select_n3A_613 : vector<16xi32> to vector<16x1xi32>
        %gather3A_615 = vector.shape_cast %broadcast_in_dim3A_614 : vector<16x1xi32> to vector<16xi32>
        %gather3A_616 = tpu.dynamic_gather %get3A_116[%gather3A_615] in [0] : vector<16xf32>, vector<16xi32> -> vector<16xf32>
        %mul3A_617 = arith.constant 16 : i32
        %mul3A_618 = arith.muli %add3A_78, %mul3A_617 : i32
        %add3A_619 = arith.constant 3 : i32
        %add3A_620 = arith.addi %mul3A_618, %add3A_619 : i32
        %get3A_621 = arith.index_cast %add3A_620 : i32 to index
        %get3A_622 = arith.constant 0 : index
        %get3A_623 = tpu.vector_load %arg15[%get3A_621, %get3A_622] {strides = array<i32>} : memref<64x128xf32, #tpu.memory_space<vmem>>, vector<16xf32>,
        %mul3A_624 = arith.mulf %get3A_623, %gather3A_616 : vector<16xf32>
        %add3A_625 = arith.addf %mul3A_624, %get3A_25 : vector<16xf32>
        %max3A_626 = arith.constant 0.000000e+00 : f32
        %max3A_627 = vector.broadcast %max3A_626 : f32 to vector<16xf32>
        %max3A_628 = arith.maximumf %add3A_625, %max3A_627 : vector<16xf32>
        %mul3A_629 = arith.constant 16 : i32
        %mul3A_630 = arith.muli %add3A_78, %mul3A_629 : i32
        %add3A_631 = arith.constant 3 : i32
        %add3A_632 = arith.addi %mul3A_630, %add3A_631 : i32
        %swap3A_633 = arith.index_cast %add3A_632 : i32 to index
        %swap3A_634 = arith.constant 0 : index
        %swap3A_635 = tpu.vector_load %arg15[%swap3A_633, %swap3A_634] {strides = array<i32>} : memref<64x128xf32, #tpu.memory_space<vmem>>, vector<16xf32>,
        tpu.vector_store %arg15[%swap3A_633, %swap3A_634], %max3A_628 {strides = array<i32>} : memref<64x128xf32, #tpu.memory_space<vmem>>, vector<16xf32>,
        %mul3A_636 = arith.constant 16 : i32
        %mul3A_637 = arith.muli %add3A_78, %mul3A_636 : i32
        %add3A_638 = arith.constant 3 : i32
        %add3A_639 = arith.addi %mul3A_637, %add3A_638 : i32
        %get3A_640 = arith.index_cast %add3A_639 : i32 to index
        %get3A_641 = arith.constant 16 : index
        %get3A_642 = tpu.vector_load %arg15[%get3A_640, %get3A_641] {strides = array<i32>} : memref<64x128xf32, #tpu.memory_space<vmem>>, vector<16xf32>,
        %mul3A_643 = arith.mulf %get3A_642, %gather3A_616 : vector<16xf32>
        %add3A_644 = arith.addf %mul3A_643, %get3A_29 : vector<16xf32>
        %max3A_645 = arith.constant 0.000000e+00 : f32
        %max3A_646 = vector.broadcast %max3A_645 : f32 to vector<16xf32>
        %max3A_647 = arith.maximumf %add3A_644, %max3A_646 : vector<16xf32>
        %mul3A_648 = arith.constant 16 : i32
        %mul3A_649 = arith.muli %add3A_78, %mul3A_648 : i32
        %add3A_650 = arith.constant 3 : i32
        %add3A_651 = arith.addi %mul3A_649, %add3A_650 : i32
        %swap3A_652 = arith.index_cast %add3A_651 : i32 to index
        %swap3A_653 = arith.constant 16 : index
        %swap3A_654 = tpu.vector_load %arg15[%swap3A_652, %swap3A_653] {strides = array<i32>} : memref<64x128xf32, #tpu.memory_space<vmem>>, vector<16xf32>,
        tpu.vector_store %arg15[%swap3A_652, %swap3A_653], %max3A_647 {strides = array<i32>} : memref<64x128xf32, #tpu.memory_space<vmem>>, vector<16xf32>,
        %mul3A_655 = arith.constant 16 : i32
        %mul3A_656 = arith.muli %add3A_78, %mul3A_655 : i32
        %add3A_657 = arith.constant 3 : i32
        %add3A_658 = arith.addi %mul3A_656, %add3A_657 : i32
        %get3A_659 = arith.index_cast %add3A_658 : i32 to index
        %get3A_660 = arith.constant 32 : index
        %get3A_661 = tpu.vector_load %arg15[%get3A_659, %get3A_660] {strides = array<i32>} : memref<64x128xf32, #tpu.memory_space<vmem>>, vector<16xf32>,
        %mul3A_662 = arith.mulf %get3A_661, %gather3A_616 : vector<16xf32>
        %add3A_663 = arith.addf %mul3A_662, %get3A_33 : vector<16xf32>
        %max3A_664 = arith.constant 0.000000e+00 : f32
        %max3A_665 = vector.broadcast %max3A_664 : f32 to vector<16xf32>
        %max3A_666 = arith.maximumf %add3A_663, %max3A_665 : vector<16xf32>
        %mul3A_667 = arith.constant 16 : i32
        %mul3A_668 = arith.muli %add3A_78, %mul3A_667 : i32
        %add3A_669 = arith.constant 3 : i32
        %add3A_670 = arith.addi %mul3A_668, %add3A_669 : i32
        %swap3A_671 = arith.index_cast %add3A_670 : i32 to index
        %swap3A_672 = arith.constant 32 : index
        %swap3A_673 = tpu.vector_load %arg15[%swap3A_671, %swap3A_672] {strides = array<i32>} : memref<64x128xf32, #tpu.memory_space<vmem>>, vector<16xf32>,
        tpu.vector_store %arg15[%swap3A_671, %swap3A_672], %max3A_666 {strides = array<i32>} : memref<64x128xf32, #tpu.memory_space<vmem>>, vector<16xf32>,
        %mul3A_674 = arith.constant 16 : i32
        %mul3A_675 = arith.muli %add3A_78, %mul3A_674 : i32
        %add3A_676 = arith.constant 3 : i32
        %add3A_677 = arith.addi %mul3A_675, %add3A_676 : i32
        %get3A_678 = arith.index_cast %add3A_677 : i32 to index
        %get3A_679 = arith.constant 48 : index
        %get3A_680 = tpu.vector_load %arg15[%get3A_678, %get3A_679] {strides = array<i32>} : memref<64x128xf32, #tpu.memory_space<vmem>>, vector<16xf32>,
        %mul3A_681 = arith.mulf %get3A_680, %gather3A_616 : vector<16xf32>
        %add3A_682 = arith.addf %mul3A_681, %get3A_37 : vector<16xf32>
        %max3A_683 = arith.constant 0.000000e+00 : f32
        %max3A_684 = vector.broadcast %max3A_683 : f32 to vector<16xf32>
        %max3A_685 = arith.maximumf %add3A_682, %max3A_684 : vector<16xf32>
        %mul3A_686 = arith.constant 16 : i32
        %mul3A_687 = arith.muli %add3A_78, %mul3A_686 : i32
        %add3A_688 = arith.constant 3 : i32
        %add3A_689 = arith.addi %mul3A_687, %add3A_688 : i32
        %swap3A_690 = arith.index_cast %add3A_689 : i32 to index
        %swap3A_691 = arith.constant 48 : index
        %swap3A_692 = tpu.vector_load %arg15[%swap3A_690, %swap3A_691] {strides = array<i32>} : memref<64x128xf32, #tpu.memory_space<vmem>>, vector<16xf32>,
        tpu.vector_store %arg15[%swap3A_690, %swap3A_691], %max3A_685 {strides = array<i32>} : memref<64x128xf32, #tpu.memory_space<vmem>>, vector<16xf32>,
        %mul3A_693 = arith.constant 16 : i32
        %mul3A_694 = arith.muli %add3A_78, %mul3A_693 : i32
        %add3A_695 = arith.constant 3 : i32
        %add3A_696 = arith.addi %mul3A_694, %add3A_695 : i32
        %get3A_697 = arith.index_cast %add3A_696 : i32 to index
        %get3A_698 = arith.constant 64 : index
        %get3A_699 = tpu.vector_load %arg15[%get3A_697, %get3A_698] {strides = array<i32>} : memref<64x128xf32, #tpu.memory_space<vmem>>, vector<16xf32>,
        %mul3A_700 = arith.mulf %get3A_699, %gather3A_616 : vector<16xf32>
        %add3A_701 = arith.addf %mul3A_700, %get3A_41 : vector<16xf32>
        %max3A_702 = arith.constant 0.000000e+00 : f32
        %max3A_703 = vector.broadcast %max3A_702 : f32 to vector<16xf32>
        %max3A_704 = arith.maximumf %add3A_701, %max3A_703 : vector<16xf32>
        %mul3A_705 = arith.constant 16 : i32
        %mul3A_706 = arith.muli %add3A_78, %mul3A_705 : i32
        %add3A_707 = arith.constant 3 : i32
        %add3A_708 = arith.addi %mul3A_706, %add3A_707 : i32
        %swap3A_709 = arith.index_cast %add3A_708 : i32 to index
        %swap3A_710 = arith.constant 64 : index
        %swap3A_711 = tpu.vector_load %arg15[%swap3A_709, %swap3A_710] {strides = array<i32>} : memref<64x128xf32, #tpu.memory_space<vmem>>, vector<16xf32>,
        tpu.vector_store %arg15[%swap3A_709, %swap3A_710], %max3A_704 {strides = array<i32>} : memref<64x128xf32, #tpu.memory_space<vmem>>, vector<16xf32>,
        %mul3A_712 = arith.constant 16 : i32
        %mul3A_713 = arith.muli %add3A_78, %mul3A_712 : i32
        %add3A_714 = arith.constant 3 : i32
        %add3A_715 = arith.addi %mul3A_713, %add3A_714 : i32
        %get3A_716 = arith.index_cast %add3A_715 : i32 to index
        %get3A_717 = arith.constant 80 : index
        %get3A_718 = tpu.vector_load %arg15[%get3A_716, %get3A_717] {strides = array<i32>} : memref<64x128xf32, #tpu.memory_space<vmem>>, vector<16xf32>,
        %mul3A_719 = arith.mulf %get3A_718, %gather3A_616 : vector<16xf32>
        %add3A_720 = arith.addf %mul3A_719, %get3A_45 : vector<16xf32>
        %max3A_721 = arith.constant 0.000000e+00 : f32
        %max3A_722 = vector.broadcast %max3A_721 : f32 to vector<16xf32>
        %max3A_723 = arith.maximumf %add3A_720, %max3A_722 : vector<16xf32>
        %mul3A_724 = arith.constant 16 : i32
        %mul3A_725 = arith.muli %add3A_78, %mul3A_724 : i32
        %add3A_726 = arith.constant 3 : i32
        %add3A_727 = arith.addi %mul3A_725, %add3A_726 : i32
        %swap3A_728 = arith.index_cast %add3A_727 : i32 to index
        %swap3A_729 = arith.constant 80 : index
        %swap3A_730 = tpu.vector_load %arg15[%swap3A_728, %swap3A_729] {strides = array<i32>} : memref<64x128xf32, #tpu.memory_space<vmem>>, vector<16xf32>,
        tpu.vector_store %arg15[%swap3A_728, %swap3A_729], %max3A_723 {strides = array<i32>} : memref<64x128xf32, #tpu.memory_space<vmem>>, vector<16xf32>,
        %mul3A_731 = arith.constant 16 : i32
        %mul3A_732 = arith.muli %add3A_78, %mul3A_731 : i32
        %add3A_733 = arith.constant 3 : i32
        %add3A_734 = arith.addi %mul3A_732, %add3A_733 : i32
        %get3A_735 = arith.index_cast %add3A_734 : i32 to index
        %get3A_736 = arith.constant 96 : index
        %get3A_737 = tpu.vector_load %arg15[%get3A_735, %get3A_736] {strides = array<i32>} : memref<64x128xf32, #tpu.memory_space<vmem>>, vector<16xf32>,
        %mul3A_738 = arith.mulf %get3A_737, %gather3A_616 : vector<16xf32>
        %add3A_739 = arith.addf %mul3A_738, %get3A_49 : vector<16xf32>
        %max3A_740 = arith.constant 0.000000e+00 : f32
        %max3A_741 = vector.broadcast %max3A_740 : f32 to vector<16xf32>
        %max3A_742 = arith.maximumf %add3A_739, %max3A_741 : vector<16xf32>
        %mul3A_743 = arith.constant 16 : i32
        %mul3A_744 = arith.muli %add3A_78, %mul3A_743 : i32
        %add3A_745 = arith.constant 3 : i32
        %add3A_746 = arith.addi %mul3A_744, %add3A_745 : i32
        %swap3A_747 = arith.index_cast %add3A_746 : i32 to index
        %swap3A_748 = arith.constant 96 : index
        %swap3A_749 = tpu.vector_load %arg15[%swap3A_747, %swap3A_748] {strides = array<i32>} : memref<64x128xf32, #tpu.memory_space<vmem>>, vector<16xf32>,
        tpu.vector_store %arg15[%swap3A_747, %swap3A_748], %max3A_742 {strides = array<i32>} : memref<64x128xf32, #tpu.memory_space<vmem>>, vector<16xf32>,
        %mul3A_750 = arith.constant 16 : i32
        %mul3A_751 = arith.muli %add3A_78, %mul3A_750 : i32
        %add3A_752 = arith.constant 3 : i32
        %add3A_753 = arith.addi %mul3A_751, %add3A_752 : i32
        %get3A_754 = arith.index_cast %add3A_753 : i32 to index
        %get3A_755 = arith.constant 112 : index
        %get3A_756 = tpu.vector_load %arg15[%get3A_754, %get3A_755] {strides = array<i32>} : memref<64x128xf32, #tpu.memory_space<vmem>>, vector<16xf32>,
        %mul3A_757 = arith.mulf %get3A_756, %gather3A_616 : vector<16xf32>
        %add3A_758 = arith.addf %mul3A_757, %get3A_53 : vector<16xf32>
        %max3A_759 = arith.constant 0.000000e+00 : f32
        %max3A_760 = vector.broadcast %max3A_759 : f32 to vector<16xf32>
        %max3A_761 = arith.maximumf %add3A_758, %max3A_760 : vector<16xf32>
        %mul3A_762 = arith.constant 16 : i32
        %mul3A_763 = arith.muli %add3A_78, %mul3A_762 : i32
        %add3A_764 = arith.constant 3 : i32
        %add3A_765 = arith.addi %mul3A_763, %add3A_764 : i32
        %swap3A_766 = arith.index_cast %add3A_765 : i32 to index
        %swap3A_767 = arith.constant 112 : index
        %swap3A_768 = tpu.vector_load %arg15[%swap3A_766, %swap3A_767] {strides = array<i32>} : memref<64x128xf32, #tpu.memory_space<vmem>>, vector<16xf32>,
        tpu.vector_store %arg15[%swap3A_766, %swap3A_767], %max3A_761 {strides = array<i32>} : memref<64x128xf32, #tpu.memory_space<vmem>>, vector<16xf32>,
        %broadcast_in_dim3A_769 = arith.constant 4 : i32
        %broadcast_in_dim3A_770 = vector.broadcast %broadcast_in_dim3A_769 : i32 to vector<16xi32>
        %lt3A_771 = arith.constant 0 : i32
        %lt3A_772 = vector.broadcast %lt3A_771 : i32 to vector<16xi32>
        %lt3A_773 = arith.cmpi slt, %broadcast_in_dim3A_770, %lt3A_772 : vector<16xi32>
        %add3A_774 = arith.constant 16 : i32
        %add3A_775 = vector.broadcast %add3A_774 : i32 to vector<16xi32>
        %add3A_776 = arith.addi %broadcast_in_dim3A_770, %add3A_775 : vector<16xi32>
        %select_n3A_777 = arith.select %lt3A_773, %add3A_776, %broadcast_in_dim3A_770 : vector<16xi1>, vector<16xi32>
        %broadcast_in_dim3A_778 = vector.shape_cast %select_n3A_777 : vector<16xi32> to vector<16x1xi32>
        %gather3A_779 = vector.shape_cast %broadcast_in_dim3A_778 : vector<16x1xi32> to vector<16xi32>
        %gather3A_780 = tpu.dynamic_gather %get3A_116[%gather3A_779] in [0] : vector<16xf32>, vector<16xi32> -> vector<16xf32>
        %mul3A_781 = arith.constant 16 : i32
        %mul3A_782 = arith.muli %add3A_78, %mul3A_781 : i32
        %add3A_783 = arith.constant 4 : i32
        %add3A_784 = arith.addi %mul3A_782, %add3A_783 : i32
        %get3A_785 = arith.index_cast %add3A_784 : i32 to index
        %get3A_786 = arith.constant 0 : index
        %get3A_787 = tpu.vector_load %arg15[%get3A_785, %get3A_786] {strides = array<i32>} : memref<64x128xf32, #tpu.memory_space<vmem>>, vector<16xf32>,
        %mul3A_788 = arith.mulf %get3A_787, %gather3A_780 : vector<16xf32>
        %add3A_789 = arith.addf %mul3A_788, %get3A_25 : vector<16xf32>
        %max3A_790 = arith.constant 0.000000e+00 : f32
        %max3A_791 = vector.broadcast %max3A_790 : f32 to vector<16xf32>
        %max3A_792 = arith.maximumf %add3A_789, %max3A_791 : vector<16xf32>
        %mul3A_793 = arith.constant 16 : i32
        %mul3A_794 = arith.muli %add3A_78, %mul3A_793 : i32
        %add3A_795 = arith.constant 4 : i32
        %add3A_796 = arith.addi %mul3A_794, %add3A_795 : i32
        %swap3A_797 = arith.index_cast %add3A_796 : i32 to index
        %swap3A_798 = arith.constant 0 : index
        %swap3A_799 = tpu.vector_load %arg15[%swap3A_797, %swap3A_798] {strides = array<i32>} : memref<64x128xf32, #tpu.memory_space<vmem>>, vector<16xf32>,
        tpu.vector_store %arg15[%swap3A_797, %swap3A_798], %max3A_792 {strides = array<i32>} : memref<64x128xf32, #tpu.memory_space<vmem>>, vector<16xf32>,
        %mul3A_800 = arith.constant 16 : i32
        %mul3A_801 = arith.muli %add3A_78, %mul3A_800 : i32
        %add3A_802 = arith.constant 4 : i32
        %add3A_803 = arith.addi %mul3A_801, %add3A_802 : i32
        %get3A_804 = arith.index_cast %add3A_803 : i32 to index
        %get3A_805 = arith.constant 16 : index
        %get3A_806 = tpu.vector_load %arg15[%get3A_804, %get3A_805] {strides = array<i32>} : memref<64x128xf32, #tpu.memory_space<vmem>>, vector<16xf32>,
        %mul3A_807 = arith.mulf %get3A_806, %gather3A_780 : vector<16xf32>
        %add3A_808 = arith.addf %mul3A_807, %get3A_29 : vector<16xf32>
        %max3A_809 = arith.constant 0.000000e+00 : f32
        %max3A_810 = vector.broadcast %max3A_809 : f32 to vector<16xf32>
        %max3A_811 = arith.maximumf %add3A_808, %max3A_810 : vector<16xf32>
        %mul3A_812 = arith.constant 16 : i32
        %mul3A_813 = arith.muli %add3A_78, %mul3A_812 : i32
        %add3A_814 = arith.constant 4 : i32
        %add3A_815 = arith.addi %mul3A_813, %add3A_814 : i32
        %swap3A_816 = arith.index_cast %add3A_815 : i32 to index
        %swap3A_817 = arith.constant 16 : index
        %swap3A_818 = tpu.vector_load %arg15[%swap3A_816, %swap3A_817] {strides = array<i32>} : memref<64x128xf32, #tpu.memory_space<vmem>>, vector<16xf32>,
        tpu.vector_store %arg15[%swap3A_816, %swap3A_817], %max3A_811 {strides = array<i32>} : memref<64x128xf32, #tpu.memory_space<vmem>>, vector<16xf32>,
        %mul3A_819 = arith.constant 16 : i32
        %mul3A_820 = arith.muli %add3A_78, %mul3A_819 : i32
        %add3A_821 = arith.constant 4 : i32
        %add3A_822 = arith.addi %mul3A_820, %add3A_821 : i32
        %get3A_823 = arith.index_cast %add3A_822 : i32 to index
        %get3A_824 = arith.constant 32 : index
        %get3A_825 = tpu.vector_load %arg15[%get3A_823, %get3A_824] {strides = array<i32>} : memref<64x128xf32, #tpu.memory_space<vmem>>, vector<16xf32>,
        %mul3A_826 = arith.mulf %get3A_825, %gather3A_780 : vector<16xf32>
        %add3A_827 = arith.addf %mul3A_826, %get3A_33 : vector<16xf32>
        %max3A_828 = arith.constant 0.000000e+00 : f32
        %max3A_829 = vector.broadcast %max3A_828 : f32 to vector<16xf32>
        %max3A_830 = arith.maximumf %add3A_827, %max3A_829 : vector<16xf32>
        %mul3A_831 = arith.constant 16 : i32
        %mul3A_832 = arith.muli %add3A_78, %mul3A_831 : i32
        %add3A_833 = arith.constant 4 : i32
        %add3A_834 = arith.addi %mul3A_832, %add3A_833 : i32
        %swap3A_835 = arith.index_cast %add3A_834 : i32 to index
        %swap3A_836 = arith.constant 32 : index
        %swap3A_837 = tpu.vector_load %arg15[%swap3A_835, %swap3A_836] {strides = array<i32>} : memref<64x128xf32, #tpu.memory_space<vmem>>, vector<16xf32>,
        tpu.vector_store %arg15[%swap3A_835, %swap3A_836], %max3A_830 {strides = array<i32>} : memref<64x128xf32, #tpu.memory_space<vmem>>, vector<16xf32>,
        %mul3A_838 = arith.constant 16 : i32
        %mul3A_839 = arith.muli %add3A_78, %mul3A_838 : i32
        %add3A_840 = arith.constant 4 : i32
        %add3A_841 = arith.addi %mul3A_839, %add3A_840 : i32
        %get3A_842 = arith.index_cast %add3A_841 : i32 to index
        %get3A_843 = arith.constant 48 : index
        %get3A_844 = tpu.vector_load %arg15[%get3A_842, %get3A_843] {strides = array<i32>} : memref<64x128xf32, #tpu.memory_space<vmem>>, vector<16xf32>,
        %mul3A_845 = arith.mulf %get3A_844, %gather3A_780 : vector<16xf32>
        %add3A_846 = arith.addf %mul3A_845, %get3A_37 : vector<16xf32>
        %max3A_847 = arith.constant 0.000000e+00 : f32
        %max3A_848 = vector.broadcast %max3A_847 : f32 to vector<16xf32>
        %max3A_849 = arith.maximumf %add3A_846, %max3A_848 : vector<16xf32>
        %mul3A_850 = arith.constant 16 : i32
        %mul3A_851 = arith.muli %add3A_78, %mul3A_850 : i32
        %add3A_852 = arith.constant 4 : i32
        %add3A_853 = arith.addi %mul3A_851, %add3A_852 : i32
        %swap3A_854 = arith.index_cast %add3A_853 : i32 to index
        %swap3A_855 = arith.constant 48 : index
        %swap3A_856 = tpu.vector_load %arg15[%swap3A_854, %swap3A_855] {strides = array<i32>} : memref<64x128xf32, #tpu.memory_space<vmem>>, vector<16xf32>,
        tpu.vector_store %arg15[%swap3A_854, %swap3A_855], %max3A_849 {strides = array<i32>} : memref<64x128xf32, #tpu.memory_space<vmem>>, vector<16xf32>,
        %mul3A_857 = arith.constant 16 : i32
        %mul3A_858 = arith.muli %add3A_78, %mul3A_857 : i32
        %add3A_859 = arith.constant 4 : i32
        %add3A_860 = arith.addi %mul3A_858, %add3A_859 : i32
        %get3A_861 = arith.index_cast %add3A_860 : i32 to index
        %get3A_862 = arith.constant 64 : index
        %get3A_863 = tpu.vector_load %arg15[%get3A_861, %get3A_862] {strides = array<i32>} : memref<64x128xf32, #tpu.memory_space<vmem>>, vector<16xf32>,
        %mul3A_864 = arith.mulf %get3A_863, %gather3A_780 : vector<16xf32>
        %add3A_865 = arith.addf %mul3A_864, %get3A_41 : vector<16xf32>
        %max3A_866 = arith.constant 0.000000e+00 : f32
        %max3A_867 = vector.broadcast %max3A_866 : f32 to vector<16xf32>
        %max3A_868 = arith.maximumf %add3A_865, %max3A_867 : vector<16xf32>
        %mul3A_869 = arith.constant 16 : i32
        %mul3A_870 = arith.muli %add3A_78, %mul3A_869 : i32
        %add3A_871 = arith.constant 4 : i32
        %add3A_872 = arith.addi %mul3A_870, %add3A_871 : i32
        %swap3A_873 = arith.index_cast %add3A_872 : i32 to index
        %swap3A_874 = arith.constant 64 : index
        %swap3A_875 = tpu.vector_load %arg15[%swap3A_873, %swap3A_874] {strides = array<i32>} : memref<64x128xf32, #tpu.memory_space<vmem>>, vector<16xf32>,
        tpu.vector_store %arg15[%swap3A_873, %swap3A_874], %max3A_868 {strides = array<i32>} : memref<64x128xf32, #tpu.memory_space<vmem>>, vector<16xf32>,
        %mul3A_876 = arith.constant 16 : i32
        %mul3A_877 = arith.muli %add3A_78, %mul3A_876 : i32
        %add3A_878 = arith.constant 4 : i32
        %add3A_879 = arith.addi %mul3A_877, %add3A_878 : i32
        %get3A_880 = arith.index_cast %add3A_879 : i32 to index
        %get3A_881 = arith.constant 80 : index
        %get3A_882 = tpu.vector_load %arg15[%get3A_880, %get3A_881] {strides = array<i32>} : memref<64x128xf32, #tpu.memory_space<vmem>>, vector<16xf32>,
        %mul3A_883 = arith.mulf %get3A_882, %gather3A_780 : vector<16xf32>
        %add3A_884 = arith.addf %mul3A_883, %get3A_45 : vector<16xf32>
        %max3A_885 = arith.constant 0.000000e+00 : f32
        %max3A_886 = vector.broadcast %max3A_885 : f32 to vector<16xf32>
        %max3A_887 = arith.maximumf %add3A_884, %max3A_886 : vector<16xf32>
        %mul3A_888 = arith.constant 16 : i32
        %mul3A_889 = arith.muli %add3A_78, %mul3A_888 : i32
        %add3A_890 = arith.constant 4 : i32
        %add3A_891 = arith.addi %mul3A_889, %add3A_890 : i32
        %swap3A_892 = arith.index_cast %add3A_891 : i32 to index
        %swap3A_893 = arith.constant 80 : index
        %swap3A_894 = tpu.vector_load %arg15[%swap3A_892, %swap3A_893] {strides = array<i32>} : memref<64x128xf32, #tpu.memory_space<vmem>>, vector<16xf32>,
        tpu.vector_store %arg15[%swap3A_892, %swap3A_893], %max3A_887 {strides = array<i32>} : memref<64x128xf32, #tpu.memory_space<vmem>>, vector<16xf32>,
        %mul3A_895 = arith.constant 16 : i32
        %mul3A_896 = arith.muli %add3A_78, %mul3A_895 : i32
        %add3A_897 = arith.constant 4 : i32
        %add3A_898 = arith.addi %mul3A_896, %add3A_897 : i32
        %get3A_899 = arith.index_cast %add3A_898 : i32 to index
        %get3A_900 = arith.constant 96 : index
        %get3A_901 = tpu.vector_load %arg15[%get3A_899, %get3A_900] {strides = array<i32>} : memref<64x128xf32, #tpu.memory_space<vmem>>, vector<16xf32>,
        %mul3A_902 = arith.mulf %get3A_901, %gather3A_780 : vector<16xf32>
        %add3A_903 = arith.addf %mul3A_902, %get3A_49 : vector<16xf32>
        %max3A_904 = arith.constant 0.000000e+00 : f32
        %max3A_905 = vector.broadcast %max3A_904 : f32 to vector<16xf32>
        %max3A_906 = arith.maximumf %add3A_903, %max3A_905 : vector<16xf32>
        %mul3A_907 = arith.constant 16 : i32
        %mul3A_908 = arith.muli %add3A_78, %mul3A_907 : i32
        %add3A_909 = arith.constant 4 : i32
        %add3A_910 = arith.addi %mul3A_908, %add3A_909 : i32
        %swap3A_911 = arith.index_cast %add3A_910 : i32 to index
        %swap3A_912 = arith.constant 96 : index
        %swap3A_913 = tpu.vector_load %arg15[%swap3A_911, %swap3A_912] {strides = array<i32>} : memref<64x128xf32, #tpu.memory_space<vmem>>, vector<16xf32>,
        tpu.vector_store %arg15[%swap3A_911, %swap3A_912], %max3A_906 {strides = array<i32>} : memref<64x128xf32, #tpu.memory_space<vmem>>, vector<16xf32>,
        %mul3A_914 = arith.constant 16 : i32
        %mul3A_915 = arith.muli %add3A_78, %mul3A_914 : i32
        %add3A_916 = arith.constant 4 : i32
        %add3A_917 = arith.addi %mul3A_915, %add3A_916 : i32
        %get3A_918 = arith.index_cast %add3A_917 : i32 to index
        %get3A_919 = arith.constant 112 : index
        %get3A_920 = tpu.vector_load %arg15[%get3A_918, %get3A_919] {strides = array<i32>} : memref<64x128xf32, #tpu.memory_space<vmem>>, vector<16xf32>,
        %mul3A_921 = arith.mulf %get3A_920, %gather3A_780 : vector<16xf32>
        %add3A_922 = arith.addf %mul3A_921, %get3A_53 : vector<16xf32>
        %max3A_923 = arith.constant 0.000000e+00 : f32
        %max3A_924 = vector.broadcast %max3A_923 : f32 to vector<16xf32>
        %max3A_925 = arith.maximumf %add3A_922, %max3A_924 : vector<16xf32>
        %mul3A_926 = arith.constant 16 : i32
        %mul3A_927 = arith.muli %add3A_78, %mul3A_926 : i32
        %add3A_928 = arith.constant 4 : i32
        %add3A_929 = arith.addi %mul3A_927, %add3A_928 : i32
        %swap3A_930 = arith.index_cast %add3A_929 : i32 to index
        %swap3A_931 = arith.constant 112 : index
        %swap3A_932 = tpu.vector_load %arg15[%swap3A_930, %swap3A_931] {strides = array<i32>} : memref<64x128xf32, #tpu.memory_space<vmem>>, vector<16xf32>,
        tpu.vector_store %arg15[%swap3A_930, %swap3A_931], %max3A_925 {strides = array<i32>} : memref<64x128xf32, #tpu.memory_space<vmem>>, vector<16xf32>,
        %broadcast_in_dim3A_933 = arith.constant 5 : i32
        %broadcast_in_dim3A_934 = vector.broadcast %broadcast_in_dim3A_933 : i32 to vector<16xi32>
        %lt3A_935 = arith.constant 0 : i32
        %lt3A_936 = vector.broadcast %lt3A_935 : i32 to vector<16xi32>
        %lt3A_937 = arith.cmpi slt, %broadcast_in_dim3A_934, %lt3A_936 : vector<16xi32>
        %add3A_938 = arith.constant 16 : i32
        %add3A_939 = vector.broadcast %add3A_938 : i32 to vector<16xi32>
        %add3A_940 = arith.addi %broadcast_in_dim3A_934, %add3A_939 : vector<16xi32>
        %select_n3A_941 = arith.select %lt3A_937, %add3A_940, %broadcast_in_dim3A_934 : vector<16xi1>, vector<16xi32>
        %broadcast_in_dim3A_942 = vector.shape_cast %select_n3A_941 : vector<16xi32> to vector<16x1xi32>
        %gather3A_943 = vector.shape_cast %broadcast_in_dim3A_942 : vector<16x1xi32> to vector<16xi32>
        %gather3A_944 = tpu.dynamic_gather %get3A_116[%gather3A_943] in [0] : vector<16xf32>, vector<16xi32> -> vector<16xf32>
        %mul3A_945 = arith.constant 16 : i32
        %mul3A_946 = arith.muli %add3A_78, %mul3A_945 : i32
        %add3A_947 = arith.constant 5 : i32
        %add3A_948 = arith.addi %mul3A_946, %add3A_947 : i32
        %get3A_949 = arith.index_cast %add3A_948 : i32 to index
        %get3A_950 = arith.constant 0 : index
        %get3A_951 = tpu.vector_load %arg15[%get3A_949, %get3A_950] {strides = array<i32>} : memref<64x128xf32, #tpu.memory_space<vmem>>, vector<16xf32>,
        %mul3A_952 = arith.mulf %get3A_951, %gather3A_944 : vector<16xf32>
        %add3A_953 = arith.addf %mul3A_952, %get3A_25 : vector<16xf32>
        %max3A_954 = arith.constant 0.000000e+00 : f32
        %max3A_955 = vector.broadcast %max3A_954 : f32 to vector<16xf32>
        %max3A_956 = arith.maximumf %add3A_953, %max3A_955 : vector<16xf32>
        %mul3A_957 = arith.constant 16 : i32
        %mul3A_958 = arith.muli %add3A_78, %mul3A_957 : i32
        %add3A_959 = arith.constant 5 : i32
        %add3A_960 = arith.addi %mul3A_958, %add3A_959 : i32
        %swap3A_961 = arith.index_cast %add3A_960 : i32 to index
        %swap3A_962 = arith.constant 0 : index
        %swap3A_963 = tpu.vector_load %arg15[%swap3A_961, %swap3A_962] {strides = array<i32>} : memref<64x128xf32, #tpu.memory_space<vmem>>, vector<16xf32>,
        tpu.vector_store %arg15[%swap3A_961, %swap3A_962], %max3A_956 {strides = array<i32>} : memref<64x128xf32, #tpu.memory_space<vmem>>, vector<16xf32>,
        %mul3A_964 = arith.constant 16 : i32
        %mul3A_965 = arith.muli %add3A_78, %mul3A_964 : i32
        %add3A_966 = arith.constant 5 : i32
        %add3A_967 = arith.addi %mul3A_965, %add3A_966 : i32
        %get3A_968 = arith.index_cast %add3A_967 : i32 to index
        %get3A_969 = arith.constant 16 : index
        %get3A_970 = tpu.vector_load %arg15[%get3A_968, %get3A_969] {strides = array<i32>} : memref<64x128xf32, #tpu.memory_space<vmem>>, vector<16xf32>,
        %mul3A_971 = arith.mulf %get3A_970, %gather3A_944 : vector<16xf32>
        %add3A_972 = arith.addf %mul3A_971, %get3A_29 : vector<16xf32>
        %max3A_973 = arith.constant 0.000000e+00 : f32
        %max3A_974 = vector.broadcast %max3A_973 : f32 to vector<16xf32>
        %max3A_975 = arith.maximumf %add3A_972, %max3A_974 : vector<16xf32>
        %mul3A_976 = arith.constant 16 : i32
        %mul3A_977 = arith.muli %add3A_78, %mul3A_976 : i32
        %add3A_978 = arith.constant 5 : i32
        %add3A_979 = arith.addi %mul3A_977, %add3A_978 : i32
        %swap3A_980 = arith.index_cast %add3A_979 : i32 to index
        %swap3A_981 = arith.constant 16 : index
        %swap3A_982 = tpu.vector_load %arg15[%swap3A_980, %swap3A_981] {strides = array<i32>} : memref<64x128xf32, #tpu.memory_space<vmem>>, vector<16xf32>,
        tpu.vector_store %arg15[%swap3A_980, %swap3A_981], %max3A_975 {strides = array<i32>} : memref<64x128xf32, #tpu.memory_space<vmem>>, vector<16xf32>,
        %mul3A_983 = arith.constant 16 : i32
        %mul3A_984 = arith.muli %add3A_78, %mul3A_983 : i32
        %add3A_985 = arith.constant 5 : i32
        %add3A_986 = arith.addi %mul3A_984, %add3A_985 : i32
        %get3A_987 = arith.index_cast %add3A_986 : i32 to index
        %get3A_988 = arith.constant 32 : index
        %get3A_989 = tpu.vector_load %arg15[%get3A_987, %get3A_988] {strides = array<i32>} : memref<64x128xf32, #tpu.memory_space<vmem>>, vector<16xf32>,
        %mul3A_990 = arith.mulf %get3A_989, %gather3A_944 : vector<16xf32>
        %add3A_991 = arith.addf %mul3A_990, %get3A_33 : vector<16xf32>
        %max3A_992 = arith.constant 0.000000e+00 : f32
        %max3A_993 = vector.broadcast %max3A_992 : f32 to vector<16xf32>
        %max3A_994 = arith.maximumf %add3A_991, %max3A_993 : vector<16xf32>
        %mul3A_995 = arith.constant 16 : i32
        %mul3A_996 = arith.muli %add3A_78, %mul3A_995 : i32
        %add3A_997 = arith.constant 5 : i32
        %add3A_998 = arith.addi %mul3A_996, %add3A_997 : i32
        %swap3A_999 = arith.index_cast %add3A_998 : i32 to index
        %swap3A_1000 = arith.constant 32 : index
        %swap3A_1001 = tpu.vector_load %arg15[%swap3A_999, %swap3A_1000] {strides = array<i32>} : memref<64x128xf32, #tpu.memory_space<vmem>>, vector<16xf32>,
        tpu.vector_store %arg15[%swap3A_999, %swap3A_1000], %max3A_994 {strides = array<i32>} : memref<64x128xf32, #tpu.memory_space<vmem>>, vector<16xf32>,
        %mul3A_1002 = arith.constant 16 : i32
        %mul3A_1003 = arith.muli %add3A_78, %mul3A_1002 : i32
        %add3A_1004 = arith.constant 5 : i32
        %add3A_1005 = arith.addi %mul3A_1003, %add3A_1004 : i32
        %get3A_1006 = arith.index_cast %add3A_1005 : i32 to index
        %get3A_1007 = arith.constant 48 : index
        %get3A_1008 = tpu.vector_load %arg15[%get3A_1006, %get3A_1007] {strides = array<i32>} : memref<64x128xf32, #tpu.memory_space<vmem>>, vector<16xf32>,
        %mul3A_1009 = arith.mulf %get3A_1008, %gather3A_944 : vector<16xf32>
        %add3A_1010 = arith.addf %mul3A_1009, %get3A_37 : vector<16xf32>
        %max3A_1011 = arith.constant 0.000000e+00 : f32
        %max3A_1012 = vector.broadcast %max3A_1011 : f32 to vector<16xf32>
        %max3A_1013 = arith.maximumf %add3A_1010, %max3A_1012 : vector<16xf32>
        %mul3A_1014 = arith.constant 16 : i32
        %mul3A_1015 = arith.muli %add3A_78, %mul3A_1014 : i32
        %add3A_1016 = arith.constant 5 : i32
        %add3A_1017 = arith.addi %mul3A_1015, %add3A_1016 : i32
        %swap3A_1018 = arith.index_cast %add3A_1017 : i32 to index
        %swap3A_1019 = arith.constant 48 : index
        %swap3A_1020 = tpu.vector_load %arg15[%swap3A_1018, %swap3A_1019] {strides = array<i32>} : memref<64x128xf32, #tpu.memory_space<vmem>>, vector<16xf32>,
        tpu.vector_store %arg15[%swap3A_1018, %swap3A_1019], %max3A_1013 {strides = array<i32>} : memref<64x128xf32, #tpu.memory_space<vmem>>, vector<16xf32>,
        %mul3A_1021 = arith.constant 16 : i32
        %mul3A_1022 = arith.muli %add3A_78, %mul3A_1021 : i32
        %add3A_1023 = arith.constant 5 : i32
        %add3A_1024 = arith.addi %mul3A_1022, %add3A_1023 : i32
        %get3A_1025 = arith.index_cast %add3A_1024 : i32 to index
        %get3A_1026 = arith.constant 64 : index
        %get3A_1027 = tpu.vector_load %arg15[%get3A_1025, %get3A_1026] {strides = array<i32>} : memref<64x128xf32, #tpu.memory_space<vmem>>, vector<16xf32>,
        %mul3A_1028 = arith.mulf %get3A_1027, %gather3A_944 : vector<16xf32>
        %add3A_1029 = arith.addf %mul3A_1028, %get3A_41 : vector<16xf32>
        %max3A_1030 = arith.constant 0.000000e+00 : f32
        %max3A_1031 = vector.broadcast %max3A_1030 : f32 to vector<16xf32>
        %max3A_1032 = arith.maximumf %add3A_1029, %max3A_1031 : vector<16xf32>
        %mul3A_1033 = arith.constant 16 : i32
        %mul3A_1034 = arith.muli %add3A_78, %mul3A_1033 : i32
        %add3A_1035 = arith.constant 5 : i32
        %add3A_1036 = arith.addi %mul3A_1034, %add3A_1035 : i32
        %swap3A_1037 = arith.index_cast %add3A_1036 : i32 to index
        %swap3A_1038 = arith.constant 64 : index
        %swap3A_1039 = tpu.vector_load %arg15[%swap3A_1037, %swap3A_1038] {strides = array<i32>} : memref<64x128xf32, #tpu.memory_space<vmem>>, vector<16xf32>,
        tpu.vector_store %arg15[%swap3A_1037, %swap3A_1038], %max3A_1032 {strides = array<i32>} : memref<64x128xf32, #tpu.memory_space<vmem>>, vector<16xf32>,
        %mul3A_1040 = arith.constant 16 : i32
        %mul3A_1041 = arith.muli %add3A_78, %mul3A_1040 : i32
        %add3A_1042 = arith.constant 5 : i32
        %add3A_1043 = arith.addi %mul3A_1041, %add3A_1042 : i32
        %get3A_1044 = arith.index_cast %add3A_1043 : i32 to index
        %get3A_1045 = arith.constant 80 : index
        %get3A_1046 = tpu.vector_load %arg15[%get3A_1044, %get3A_1045] {strides = array<i32>} : memref<64x128xf32, #tpu.memory_space<vmem>>, vector<16xf32>,
        %mul3A_1047 = arith.mulf %get3A_1046, %gather3A_944 : vector<16xf32>
        %add3A_1048 = arith.addf %mul3A_1047, %get3A_45 : vector<16xf32>
        %max3A_1049 = arith.constant 0.000000e+00 : f32
        %max3A_1050 = vector.broadcast %max3A_1049 : f32 to vector<16xf32>
        %max3A_1051 = arith.maximumf %add3A_1048, %max3A_1050 : vector<16xf32>
        %mul3A_1052 = arith.constant 16 : i32
        %mul3A_1053 = arith.muli %add3A_78, %mul3A_1052 : i32
        %add3A_1054 = arith.constant 5 : i32
        %add3A_1055 = arith.addi %mul3A_1053, %add3A_1054 : i32
        %swap3A_1056 = arith.index_cast %add3A_1055 : i32 to index
        %swap3A_1057 = arith.constant 80 : index
        %swap3A_1058 = tpu.vector_load %arg15[%swap3A_1056, %swap3A_1057] {strides = array<i32>} : memref<64x128xf32, #tpu.memory_space<vmem>>, vector<16xf32>,
        tpu.vector_store %arg15[%swap3A_1056, %swap3A_1057], %max3A_1051 {strides = array<i32>} : memref<64x128xf32, #tpu.memory_space<vmem>>, vector<16xf32>,
        %mul3A_1059 = arith.constant 16 : i32
        %mul3A_1060 = arith.muli %add3A_78, %mul3A_1059 : i32
        %add3A_1061 = arith.constant 5 : i32
        %add3A_1062 = arith.addi %mul3A_1060, %add3A_1061 : i32
        %get3A_1063 = arith.index_cast %add3A_1062 : i32 to index
        %get3A_1064 = arith.constant 96 : index
        %get3A_1065 = tpu.vector_load %arg15[%get3A_1063, %get3A_1064] {strides = array<i32>} : memref<64x128xf32, #tpu.memory_space<vmem>>, vector<16xf32>,
        %mul3A_1066 = arith.mulf %get3A_1065, %gather3A_944 : vector<16xf32>
        %add3A_1067 = arith.addf %mul3A_1066, %get3A_49 : vector<16xf32>
        %max3A_1068 = arith.constant 0.000000e+00 : f32
        %max3A_1069 = vector.broadcast %max3A_1068 : f32 to vector<16xf32>
        %max3A_1070 = arith.maximumf %add3A_1067, %max3A_1069 : vector<16xf32>
        %mul3A_1071 = arith.constant 16 : i32
        %mul3A_1072 = arith.muli %add3A_78, %mul3A_1071 : i32
        %add3A_1073 = arith.constant 5 : i32
        %add3A_1074 = arith.addi %mul3A_1072, %add3A_1073 : i32
        %swap3A_1075 = arith.index_cast %add3A_1074 : i32 to index
        %swap3A_1076 = arith.constant 96 : index
        %swap3A_1077 = tpu.vector_load %arg15[%swap3A_1075, %swap3A_1076] {strides = array<i32>} : memref<64x128xf32, #tpu.memory_space<vmem>>, vector<16xf32>,
        tpu.vector_store %arg15[%swap3A_1075, %swap3A_1076], %max3A_1070 {strides = array<i32>} : memref<64x128xf32, #tpu.memory_space<vmem>>, vector<16xf32>,
        %mul3A_1078 = arith.constant 16 : i32
        %mul3A_1079 = arith.muli %add3A_78, %mul3A_1078 : i32
        %add3A_1080 = arith.constant 5 : i32
        %add3A_1081 = arith.addi %mul3A_1079, %add3A_1080 : i32
        %get3A_1082 = arith.index_cast %add3A_1081 : i32 to index
        %get3A_1083 = arith.constant 112 : index
        %get3A_1084 = tpu.vector_load %arg15[%get3A_1082, %get3A_1083] {strides = array<i32>} : memref<64x128xf32, #tpu.memory_space<vmem>>, vector<16xf32>,
        %mul3A_1085 = arith.mulf %get3A_1084, %gather3A_944 : vector<16xf32>
        %add3A_1086 = arith.addf %mul3A_1085, %get3A_53 : vector<16xf32>
        %max3A_1087 = arith.constant 0.000000e+00 : f32
        %max3A_1088 = vector.broadcast %max3A_1087 : f32 to vector<16xf32>
        %max3A_1089 = arith.maximumf %add3A_1086, %max3A_1088 : vector<16xf32>
        %mul3A_1090 = arith.constant 16 : i32
        %mul3A_1091 = arith.muli %add3A_78, %mul3A_1090 : i32
        %add3A_1092 = arith.constant 5 : i32
        %add3A_1093 = arith.addi %mul3A_1091, %add3A_1092 : i32
        %swap3A_1094 = arith.index_cast %add3A_1093 : i32 to index
        %swap3A_1095 = arith.constant 112 : index
        %swap3A_1096 = tpu.vector_load %arg15[%swap3A_1094, %swap3A_1095] {strides = array<i32>} : memref<64x128xf32, #tpu.memory_space<vmem>>, vector<16xf32>,
        tpu.vector_store %arg15[%swap3A_1094, %swap3A_1095], %max3A_1089 {strides = array<i32>} : memref<64x128xf32, #tpu.memory_space<vmem>>, vector<16xf32>,
        %broadcast_in_dim3A_1097 = arith.constant 6 : i32
        %broadcast_in_dim3A_1098 = vector.broadcast %broadcast_in_dim3A_1097 : i32 to vector<16xi32>
        %lt3A_1099 = arith.constant 0 : i32
        %lt3A_1100 = vector.broadcast %lt3A_1099 : i32 to vector<16xi32>
        %lt3A_1101 = arith.cmpi slt, %broadcast_in_dim3A_1098, %lt3A_1100 : vector<16xi32>
        %add3A_1102 = arith.constant 16 : i32
        %add3A_1103 = vector.broadcast %add3A_1102 : i32 to vector<16xi32>
        %add3A_1104 = arith.addi %broadcast_in_dim3A_1098, %add3A_1103 : vector<16xi32>
        %select_n3A_1105 = arith.select %lt3A_1101, %add3A_1104, %broadcast_in_dim3A_1098 : vector<16xi1>, vector<16xi32>
        %broadcast_in_dim3A_1106 = vector.shape_cast %select_n3A_1105 : vector<16xi32> to vector<16x1xi32>
        %gather3A_1107 = vector.shape_cast %broadcast_in_dim3A_1106 : vector<16x1xi32> to vector<16xi32>
        %gather3A_1108 = tpu.dynamic_gather %get3A_116[%gather3A_1107] in [0] : vector<16xf32>, vector<16xi32> -> vector<16xf32>
        %mul3A_1109 = arith.constant 16 : i32
        %mul3A_1110 = arith.muli %add3A_78, %mul3A_1109 : i32
        %add3A_1111 = arith.constant 6 : i32
        %add3A_1112 = arith.addi %mul3A_1110, %add3A_1111 : i32
        %get3A_1113 = arith.index_cast %add3A_1112 : i32 to index
        %get3A_1114 = arith.constant 0 : index
        %get3A_1115 = tpu.vector_load %arg15[%get3A_1113, %get3A_1114] {strides = array<i32>} : memref<64x128xf32, #tpu.memory_space<vmem>>, vector<16xf32>,
        %mul3A_1116 = arith.mulf %get3A_1115, %gather3A_1108 : vector<16xf32>
        %add3A_1117 = arith.addf %mul3A_1116, %get3A_25 : vector<16xf32>
        %max3A_1118 = arith.constant 0.000000e+00 : f32
        %max3A_1119 = vector.broadcast %max3A_1118 : f32 to vector<16xf32>
        %max3A_1120 = arith.maximumf %add3A_1117, %max3A_1119 : vector<16xf32>
        %mul3A_1121 = arith.constant 16 : i32
        %mul3A_1122 = arith.muli %add3A_78, %mul3A_1121 : i32
        %add3A_1123 = arith.constant 6 : i32
        %add3A_1124 = arith.addi %mul3A_1122, %add3A_1123 : i32
        %swap3A_1125 = arith.index_cast %add3A_1124 : i32 to index
        %swap3A_1126 = arith.constant 0 : index
        %swap3A_1127 = tpu.vector_load %arg15[%swap3A_1125, %swap3A_1126] {strides = array<i32>} : memref<64x128xf32, #tpu.memory_space<vmem>>, vector<16xf32>,
        tpu.vector_store %arg15[%swap3A_1125, %swap3A_1126], %max3A_1120 {strides = array<i32>} : memref<64x128xf32, #tpu.memory_space<vmem>>, vector<16xf32>,
        %mul3A_1128 = arith.constant 16 : i32
        %mul3A_1129 = arith.muli %add3A_78, %mul3A_1128 : i32
        %add3A_1130 = arith.constant 6 : i32
        %add3A_1131 = arith.addi %mul3A_1129, %add3A_1130 : i32
        %get3A_1132 = arith.index_cast %add3A_1131 : i32 to index
        %get3A_1133 = arith.constant 16 : index
        %get3A_1134 = tpu.vector_load %arg15[%get3A_1132, %get3A_1133] {strides = array<i32>} : memref<64x128xf32, #tpu.memory_space<vmem>>, vector<16xf32>,
        %mul3A_1135 = arith.mulf %get3A_1134, %gather3A_1108 : vector<16xf32>
        %add3A_1136 = arith.addf %mul3A_1135, %get3A_29 : vector<16xf32>
        %max3A_1137 = arith.constant 0.000000e+00 : f32
        %max3A_1138 = vector.broadcast %max3A_1137 : f32 to vector<16xf32>
        %max3A_1139 = arith.maximumf %add3A_1136, %max3A_1138 : vector<16xf32>
        %mul3A_1140 = arith.constant 16 : i32
        %mul3A_1141 = arith.muli %add3A_78, %mul3A_1140 : i32
        %add3A_1142 = arith.constant 6 : i32
        %add3A_1143 = arith.addi %mul3A_1141, %add3A_1142 : i32
        %swap3A_1144 = arith.index_cast %add3A_1143 : i32 to index
        %swap3A_1145 = arith.constant 16 : index
        %swap3A_1146 = tpu.vector_load %arg15[%swap3A_1144, %swap3A_1145] {strides = array<i32>} : memref<64x128xf32, #tpu.memory_space<vmem>>, vector<16xf32>,
        tpu.vector_store %arg15[%swap3A_1144, %swap3A_1145], %max3A_1139 {strides = array<i32>} : memref<64x128xf32, #tpu.memory_space<vmem>>, vector<16xf32>,
        %mul3A_1147 = arith.constant 16 : i32
        %mul3A_1148 = arith.muli %add3A_78, %mul3A_1147 : i32
        %add3A_1149 = arith.constant 6 : i32
        %add3A_1150 = arith.addi %mul3A_1148, %add3A_1149 : i32
        %get3A_1151 = arith.index_cast %add3A_1150 : i32 to index
        %get3A_1152 = arith.constant 32 : index
        %get3A_1153 = tpu.vector_load %arg15[%get3A_1151, %get3A_1152] {strides = array<i32>} : memref<64x128xf32, #tpu.memory_space<vmem>>, vector<16xf32>,
        %mul3A_1154 = arith.mulf %get3A_1153, %gather3A_1108 : vector<16xf32>
        %add3A_1155 = arith.addf %mul3A_1154, %get3A_33 : vector<16xf32>
        %max3A_1156 = arith.constant 0.000000e+00 : f32
        %max3A_1157 = vector.broadcast %max3A_1156 : f32 to vector<16xf32>
        %max3A_1158 = arith.maximumf %add3A_1155, %max3A_1157 : vector<16xf32>
        %mul3A_1159 = arith.constant 16 : i32
        %mul3A_1160 = arith.muli %add3A_78, %mul3A_1159 : i32
        %add3A_1161 = arith.constant 6 : i32
        %add3A_1162 = arith.addi %mul3A_1160, %add3A_1161 : i32
        %swap3A_1163 = arith.index_cast %add3A_1162 : i32 to index
        %swap3A_1164 = arith.constant 32 : index
        %swap3A_1165 = tpu.vector_load %arg15[%swap3A_1163, %swap3A_1164] {strides = array<i32>} : memref<64x128xf32, #tpu.memory_space<vmem>>, vector<16xf32>,
        tpu.vector_store %arg15[%swap3A_1163, %swap3A_1164], %max3A_1158 {strides = array<i32>} : memref<64x128xf32, #tpu.memory_space<vmem>>, vector<16xf32>,
        %mul3A_1166 = arith.constant 16 : i32
        %mul3A_1167 = arith.muli %add3A_78, %mul3A_1166 : i32
        %add3A_1168 = arith.constant 6 : i32
        %add3A_1169 = arith.addi %mul3A_1167, %add3A_1168 : i32
        %get3A_1170 = arith.index_cast %add3A_1169 : i32 to index
        %get3A_1171 = arith.constant 48 : index
        %get3A_1172 = tpu.vector_load %arg15[%get3A_1170, %get3A_1171] {strides = array<i32>} : memref<64x128xf32, #tpu.memory_space<vmem>>, vector<16xf32>,
        %mul3A_1173 = arith.mulf %get3A_1172, %gather3A_1108 : vector<16xf32>
        %add3A_1174 = arith.addf %mul3A_1173, %get3A_37 : vector<16xf32>
        %max3A_1175 = arith.constant 0.000000e+00 : f32
        %max3A_1176 = vector.broadcast %max3A_1175 : f32 to vector<16xf32>
        %max3A_1177 = arith.maximumf %add3A_1174, %max3A_1176 : vector<16xf32>
        %mul3A_1178 = arith.constant 16 : i32
        %mul3A_1179 = arith.muli %add3A_78, %mul3A_1178 : i32
        %add3A_1180 = arith.constant 6 : i32
        %add3A_1181 = arith.addi %mul3A_1179, %add3A_1180 : i32
        %swap3A_1182 = arith.index_cast %add3A_1181 : i32 to index
        %swap3A_1183 = arith.constant 48 : index
        %swap3A_1184 = tpu.vector_load %arg15[%swap3A_1182, %swap3A_1183] {strides = array<i32>} : memref<64x128xf32, #tpu.memory_space<vmem>>, vector<16xf32>,
        tpu.vector_store %arg15[%swap3A_1182, %swap3A_1183], %max3A_1177 {strides = array<i32>} : memref<64x128xf32, #tpu.memory_space<vmem>>, vector<16xf32>,
        %mul3A_1185 = arith.constant 16 : i32
        %mul3A_1186 = arith.muli %add3A_78, %mul3A_1185 : i32
        %add3A_1187 = arith.constant 6 : i32
        %add3A_1188 = arith.addi %mul3A_1186, %add3A_1187 : i32
        %get3A_1189 = arith.index_cast %add3A_1188 : i32 to index
        %get3A_1190 = arith.constant 64 : index
        %get3A_1191 = tpu.vector_load %arg15[%get3A_1189, %get3A_1190] {strides = array<i32>} : memref<64x128xf32, #tpu.memory_space<vmem>>, vector<16xf32>,
        %mul3A_1192 = arith.mulf %get3A_1191, %gather3A_1108 : vector<16xf32>
        %add3A_1193 = arith.addf %mul3A_1192, %get3A_41 : vector<16xf32>
        %max3A_1194 = arith.constant 0.000000e+00 : f32
        %max3A_1195 = vector.broadcast %max3A_1194 : f32 to vector<16xf32>
        %max3A_1196 = arith.maximumf %add3A_1193, %max3A_1195 : vector<16xf32>
        %mul3A_1197 = arith.constant 16 : i32
        %mul3A_1198 = arith.muli %add3A_78, %mul3A_1197 : i32
        %add3A_1199 = arith.constant 6 : i32
        %add3A_1200 = arith.addi %mul3A_1198, %add3A_1199 : i32
        %swap3A_1201 = arith.index_cast %add3A_1200 : i32 to index
        %swap3A_1202 = arith.constant 64 : index
        %swap3A_1203 = tpu.vector_load %arg15[%swap3A_1201, %swap3A_1202] {strides = array<i32>} : memref<64x128xf32, #tpu.memory_space<vmem>>, vector<16xf32>,
        tpu.vector_store %arg15[%swap3A_1201, %swap3A_1202], %max3A_1196 {strides = array<i32>} : memref<64x128xf32, #tpu.memory_space<vmem>>, vector<16xf32>,
        %mul3A_1204 = arith.constant 16 : i32
        %mul3A_1205 = arith.muli %add3A_78, %mul3A_1204 : i32
        %add3A_1206 = arith.constant 6 : i32
        %add3A_1207 = arith.addi %mul3A_1205, %add3A_1206 : i32
        %get3A_1208 = arith.index_cast %add3A_1207 : i32 to index
        %get3A_1209 = arith.constant 80 : index
        %get3A_1210 = tpu.vector_load %arg15[%get3A_1208, %get3A_1209] {strides = array<i32>} : memref<64x128xf32, #tpu.memory_space<vmem>>, vector<16xf32>,
        %mul3A_1211 = arith.mulf %get3A_1210, %gather3A_1108 : vector<16xf32>
        %add3A_1212 = arith.addf %mul3A_1211, %get3A_45 : vector<16xf32>
        %max3A_1213 = arith.constant 0.000000e+00 : f32
        %max3A_1214 = vector.broadcast %max3A_1213 : f32 to vector<16xf32>
        %max3A_1215 = arith.maximumf %add3A_1212, %max3A_1214 : vector<16xf32>
        %mul3A_1216 = arith.constant 16 : i32
        %mul3A_1217 = arith.muli %add3A_78, %mul3A_1216 : i32
        %add3A_1218 = arith.constant 6 : i32
        %add3A_1219 = arith.addi %mul3A_1217, %add3A_1218 : i32
        %swap3A_1220 = arith.index_cast %add3A_1219 : i32 to index
        %swap3A_1221 = arith.constant 80 : index
        %swap3A_1222 = tpu.vector_load %arg15[%swap3A_1220, %swap3A_1221] {strides = array<i32>} : memref<64x128xf32, #tpu.memory_space<vmem>>, vector<16xf32>,
        tpu.vector_store %arg15[%swap3A_1220, %swap3A_1221], %max3A_1215 {strides = array<i32>} : memref<64x128xf32, #tpu.memory_space<vmem>>, vector<16xf32>,
        %mul3A_1223 = arith.constant 16 : i32
        %mul3A_1224 = arith.muli %add3A_78, %mul3A_1223 : i32
        %add3A_1225 = arith.constant 6 : i32
        %add3A_1226 = arith.addi %mul3A_1224, %add3A_1225 : i32
        %get3A_1227 = arith.index_cast %add3A_1226 : i32 to index
        %get3A_1228 = arith.constant 96 : index
        %get3A_1229 = tpu.vector_load %arg15[%get3A_1227, %get3A_1228] {strides = array<i32>} : memref<64x128xf32, #tpu.memory_space<vmem>>, vector<16xf32>,
        %mul3A_1230 = arith.mulf %get3A_1229, %gather3A_1108 : vector<16xf32>
        %add3A_1231 = arith.addf %mul3A_1230, %get3A_49 : vector<16xf32>
        %max3A_1232 = arith.constant 0.000000e+00 : f32
        %max3A_1233 = vector.broadcast %max3A_1232 : f32 to vector<16xf32>
        %max3A_1234 = arith.maximumf %add3A_1231, %max3A_1233 : vector<16xf32>
        %mul3A_1235 = arith.constant 16 : i32
        %mul3A_1236 = arith.muli %add3A_78, %mul3A_1235 : i32
        %add3A_1237 = arith.constant 6 : i32
        %add3A_1238 = arith.addi %mul3A_1236, %add3A_1237 : i32
        %swap3A_1239 = arith.index_cast %add3A_1238 : i32 to index
        %swap3A_1240 = arith.constant 96 : index
        %swap3A_1241 = tpu.vector_load %arg15[%swap3A_1239, %swap3A_1240] {strides = array<i32>} : memref<64x128xf32, #tpu.memory_space<vmem>>, vector<16xf32>,
        tpu.vector_store %arg15[%swap3A_1239, %swap3A_1240], %max3A_1234 {strides = array<i32>} : memref<64x128xf32, #tpu.memory_space<vmem>>, vector<16xf32>,
        %mul3A_1242 = arith.constant 16 : i32
        %mul3A_1243 = arith.muli %add3A_78, %mul3A_1242 : i32
        %add3A_1244 = arith.constant 6 : i32
        %add3A_1245 = arith.addi %mul3A_1243, %add3A_1244 : i32
        %get3A_1246 = arith.index_cast %add3A_1245 : i32 to index
        %get3A_1247 = arith.constant 112 : index
        %get3A_1248 = tpu.vector_load %arg15[%get3A_1246, %get3A_1247] {strides = array<i32>} : memref<64x128xf32, #tpu.memory_space<vmem>>, vector<16xf32>,
        %mul3A_1249 = arith.mulf %get3A_1248, %gather3A_1108 : vector<16xf32>
        %add3A_1250 = arith.addf %mul3A_1249, %get3A_53 : vector<16xf32>
        %max3A_1251 = arith.constant 0.000000e+00 : f32
        %max3A_1252 = vector.broadcast %max3A_1251 : f32 to vector<16xf32>
        %max3A_1253 = arith.maximumf %add3A_1250, %max3A_1252 : vector<16xf32>
        %mul3A_1254 = arith.constant 16 : i32
        %mul3A_1255 = arith.muli %add3A_78, %mul3A_1254 : i32
        %add3A_1256 = arith.constant 6 : i32
        %add3A_1257 = arith.addi %mul3A_1255, %add3A_1256 : i32
        %swap3A_1258 = arith.index_cast %add3A_1257 : i32 to index
        %swap3A_1259 = arith.constant 112 : index
        %swap3A_1260 = tpu.vector_load %arg15[%swap3A_1258, %swap3A_1259] {strides = array<i32>} : memref<64x128xf32, #tpu.memory_space<vmem>>, vector<16xf32>,
        tpu.vector_store %arg15[%swap3A_1258, %swap3A_1259], %max3A_1253 {strides = array<i32>} : memref<64x128xf32, #tpu.memory_space<vmem>>, vector<16xf32>,
        %broadcast_in_dim3A_1261 = arith.constant 7 : i32
        %broadcast_in_dim3A_1262 = vector.broadcast %broadcast_in_dim3A_1261 : i32 to vector<16xi32>
        %lt3A_1263 = arith.constant 0 : i32
        %lt3A_1264 = vector.broadcast %lt3A_1263 : i32 to vector<16xi32>
        %lt3A_1265 = arith.cmpi slt, %broadcast_in_dim3A_1262, %lt3A_1264 : vector<16xi32>
        %add3A_1266 = arith.constant 16 : i32
        %add3A_1267 = vector.broadcast %add3A_1266 : i32 to vector<16xi32>
        %add3A_1268 = arith.addi %broadcast_in_dim3A_1262, %add3A_1267 : vector<16xi32>
        %select_n3A_1269 = arith.select %lt3A_1265, %add3A_1268, %broadcast_in_dim3A_1262 : vector<16xi1>, vector<16xi32>
        %broadcast_in_dim3A_1270 = vector.shape_cast %select_n3A_1269 : vector<16xi32> to vector<16x1xi32>
        %gather3A_1271 = vector.shape_cast %broadcast_in_dim3A_1270 : vector<16x1xi32> to vector<16xi32>
        %gather3A_1272 = tpu.dynamic_gather %get3A_116[%gather3A_1271] in [0] : vector<16xf32>, vector<16xi32> -> vector<16xf32>
        %mul3A_1273 = arith.constant 16 : i32
        %mul3A_1274 = arith.muli %add3A_78, %mul3A_1273 : i32
        %add3A_1275 = arith.constant 7 : i32
        %add3A_1276 = arith.addi %mul3A_1274, %add3A_1275 : i32
        %get3A_1277 = arith.index_cast %add3A_1276 : i32 to index
        %get3A_1278 = arith.constant 0 : index
        %get3A_1279 = tpu.vector_load %arg15[%get3A_1277, %get3A_1278] {strides = array<i32>} : memref<64x128xf32, #tpu.memory_space<vmem>>, vector<16xf32>,
        %mul3A_1280 = arith.mulf %get3A_1279, %gather3A_1272 : vector<16xf32>
        %add3A_1281 = arith.addf %mul3A_1280, %get3A_25 : vector<16xf32>
        %max3A_1282 = arith.constant 0.000000e+00 : f32
        %max3A_1283 = vector.broadcast %max3A_1282 : f32 to vector<16xf32>
        %max3A_1284 = arith.maximumf %add3A_1281, %max3A_1283 : vector<16xf32>
        %mul3A_1285 = arith.constant 16 : i32
        %mul3A_1286 = arith.muli %add3A_78, %mul3A_1285 : i32
        %add3A_1287 = arith.constant 7 : i32
        %add3A_1288 = arith.addi %mul3A_1286, %add3A_1287 : i32
        %swap3A_1289 = arith.index_cast %add3A_1288 : i32 to index
        %swap3A_1290 = arith.constant 0 : index
        %swap3A_1291 = tpu.vector_load %arg15[%swap3A_1289, %swap3A_1290] {strides = array<i32>} : memref<64x128xf32, #tpu.memory_space<vmem>>, vector<16xf32>,
        tpu.vector_store %arg15[%swap3A_1289, %swap3A_1290], %max3A_1284 {strides = array<i32>} : memref<64x128xf32, #tpu.memory_space<vmem>>, vector<16xf32>,
        %mul3A_1292 = arith.constant 16 : i32
        %mul3A_1293 = arith.muli %add3A_78, %mul3A_1292 : i32
        %add3A_1294 = arith.constant 7 : i32
        %add3A_1295 = arith.addi %mul3A_1293, %add3A_1294 : i32
        %get3A_1296 = arith.index_cast %add3A_1295 : i32 to index
        %get3A_1297 = arith.constant 16 : index
        %get3A_1298 = tpu.vector_load %arg15[%get3A_1296, %get3A_1297] {strides = array<i32>} : memref<64x128xf32, #tpu.memory_space<vmem>>, vector<16xf32>,
        %mul3A_1299 = arith.mulf %get3A_1298, %gather3A_1272 : vector<16xf32>
        %add3A_1300 = arith.addf %mul3A_1299, %get3A_29 : vector<16xf32>
        %max3A_1301 = arith.constant 0.000000e+00 : f32
        %max3A_1302 = vector.broadcast %max3A_1301 : f32 to vector<16xf32>
        %max3A_1303 = arith.maximumf %add3A_1300, %max3A_1302 : vector<16xf32>
        %mul3A_1304 = arith.constant 16 : i32
        %mul3A_1305 = arith.muli %add3A_78, %mul3A_1304 : i32
        %add3A_1306 = arith.constant 7 : i32
        %add3A_1307 = arith.addi %mul3A_1305, %add3A_1306 : i32
        %swap3A_1308 = arith.index_cast %add3A_1307 : i32 to index
        %swap3A_1309 = arith.constant 16 : index
        %swap3A_1310 = tpu.vector_load %arg15[%swap3A_1308, %swap3A_1309] {strides = array<i32>} : memref<64x128xf32, #tpu.memory_space<vmem>>, vector<16xf32>,
        tpu.vector_store %arg15[%swap3A_1308, %swap3A_1309], %max3A_1303 {strides = array<i32>} : memref<64x128xf32, #tpu.memory_space<vmem>>, vector<16xf32>,
        %mul3A_1311 = arith.constant 16 : i32
        %mul3A_1312 = arith.muli %add3A_78, %mul3A_1311 : i32
        %add3A_1313 = arith.constant 7 : i32
        %add3A_1314 = arith.addi %mul3A_1312, %add3A_1313 : i32
        %get3A_1315 = arith.index_cast %add3A_1314 : i32 to index
        %get3A_1316 = arith.constant 32 : index
        %get3A_1317 = tpu.vector_load %arg15[%get3A_1315, %get3A_1316] {strides = array<i32>} : memref<64x128xf32, #tpu.memory_space<vmem>>, vector<16xf32>,
        %mul3A_1318 = arith.mulf %get3A_1317, %gather3A_1272 : vector<16xf32>
        %add3A_1319 = arith.addf %mul3A_1318, %get3A_33 : vector<16xf32>
        %max3A_1320 = arith.constant 0.000000e+00 : f32
        %max3A_1321 = vector.broadcast %max3A_1320 : f32 to vector<16xf32>
        %max3A_1322 = arith.maximumf %add3A_1319, %max3A_1321 : vector<16xf32>
        %mul3A_1323 = arith.constant 16 : i32
        %mul3A_1324 = arith.muli %add3A_78, %mul3A_1323 : i32
        %add3A_1325 = arith.constant 7 : i32
        %add3A_1326 = arith.addi %mul3A_1324, %add3A_1325 : i32
        %swap3A_1327 = arith.index_cast %add3A_1326 : i32 to index
        %swap3A_1328 = arith.constant 32 : index
        %swap3A_1329 = tpu.vector_load %arg15[%swap3A_1327, %swap3A_1328] {strides = array<i32>} : memref<64x128xf32, #tpu.memory_space<vmem>>, vector<16xf32>,
        tpu.vector_store %arg15[%swap3A_1327, %swap3A_1328], %max3A_1322 {strides = array<i32>} : memref<64x128xf32, #tpu.memory_space<vmem>>, vector<16xf32>,
        %mul3A_1330 = arith.constant 16 : i32
        %mul3A_1331 = arith.muli %add3A_78, %mul3A_1330 : i32
        %add3A_1332 = arith.constant 7 : i32
        %add3A_1333 = arith.addi %mul3A_1331, %add3A_1332 : i32
        %get3A_1334 = arith.index_cast %add3A_1333 : i32 to index
        %get3A_1335 = arith.constant 48 : index
        %get3A_1336 = tpu.vector_load %arg15[%get3A_1334, %get3A_1335] {strides = array<i32>} : memref<64x128xf32, #tpu.memory_space<vmem>>, vector<16xf32>,
        %mul3A_1337 = arith.mulf %get3A_1336, %gather3A_1272 : vector<16xf32>
        %add3A_1338 = arith.addf %mul3A_1337, %get3A_37 : vector<16xf32>
        %max3A_1339 = arith.constant 0.000000e+00 : f32
        %max3A_1340 = vector.broadcast %max3A_1339 : f32 to vector<16xf32>
        %max3A_1341 = arith.maximumf %add3A_1338, %max3A_1340 : vector<16xf32>
        %mul3A_1342 = arith.constant 16 : i32
        %mul3A_1343 = arith.muli %add3A_78, %mul3A_1342 : i32
        %add3A_1344 = arith.constant 7 : i32
        %add3A_1345 = arith.addi %mul3A_1343, %add3A_1344 : i32
        %swap3A_1346 = arith.index_cast %add3A_1345 : i32 to index
        %swap3A_1347 = arith.constant 48 : index
        %swap3A_1348 = tpu.vector_load %arg15[%swap3A_1346, %swap3A_1347] {strides = array<i32>} : memref<64x128xf32, #tpu.memory_space<vmem>>, vector<16xf32>,
        tpu.vector_store %arg15[%swap3A_1346, %swap3A_1347], %max3A_1341 {strides = array<i32>} : memref<64x128xf32, #tpu.memory_space<vmem>>, vector<16xf32>,
        %mul3A_1349 = arith.constant 16 : i32
        %mul3A_1350 = arith.muli %add3A_78, %mul3A_1349 : i32
        %add3A_1351 = arith.constant 7 : i32
        %add3A_1352 = arith.addi %mul3A_1350, %add3A_1351 : i32
        %get3A_1353 = arith.index_cast %add3A_1352 : i32 to index
        %get3A_1354 = arith.constant 64 : index
        %get3A_1355 = tpu.vector_load %arg15[%get3A_1353, %get3A_1354] {strides = array<i32>} : memref<64x128xf32, #tpu.memory_space<vmem>>, vector<16xf32>,
        %mul3A_1356 = arith.mulf %get3A_1355, %gather3A_1272 : vector<16xf32>
        %add3A_1357 = arith.addf %mul3A_1356, %get3A_41 : vector<16xf32>
        %max3A_1358 = arith.constant 0.000000e+00 : f32
        %max3A_1359 = vector.broadcast %max3A_1358 : f32 to vector<16xf32>
        %max3A_1360 = arith.maximumf %add3A_1357, %max3A_1359 : vector<16xf32>
        %mul3A_1361 = arith.constant 16 : i32
        %mul3A_1362 = arith.muli %add3A_78, %mul3A_1361 : i32
        %add3A_1363 = arith.constant 7 : i32
        %add3A_1364 = arith.addi %mul3A_1362, %add3A_1363 : i32
        %swap3A_1365 = arith.index_cast %add3A_1364 : i32 to index
        %swap3A_1366 = arith.constant 64 : index
        %swap3A_1367 = tpu.vector_load %arg15[%swap3A_1365, %swap3A_1366] {strides = array<i32>} : memref<64x128xf32, #tpu.memory_space<vmem>>, vector<16xf32>,
        tpu.vector_store %arg15[%swap3A_1365, %swap3A_1366], %max3A_1360 {strides = array<i32>} : memref<64x128xf32, #tpu.memory_space<vmem>>, vector<16xf32>,
        %mul3A_1368 = arith.constant 16 : i32
        %mul3A_1369 = arith.muli %add3A_78, %mul3A_1368 : i32
        %add3A_1370 = arith.constant 7 : i32
        %add3A_1371 = arith.addi %mul3A_1369, %add3A_1370 : i32
        %get3A_1372 = arith.index_cast %add3A_1371 : i32 to index
        %get3A_1373 = arith.constant 80 : index
        %get3A_1374 = tpu.vector_load %arg15[%get3A_1372, %get3A_1373] {strides = array<i32>} : memref<64x128xf32, #tpu.memory_space<vmem>>, vector<16xf32>,
        %mul3A_1375 = arith.mulf %get3A_1374, %gather3A_1272 : vector<16xf32>
        %add3A_1376 = arith.addf %mul3A_1375, %get3A_45 : vector<16xf32>
        %max3A_1377 = arith.constant 0.000000e+00 : f32
        %max3A_1378 = vector.broadcast %max3A_1377 : f32 to vector<16xf32>
        %max3A_1379 = arith.maximumf %add3A_1376, %max3A_1378 : vector<16xf32>
        %mul3A_1380 = arith.constant 16 : i32
        %mul3A_1381 = arith.muli %add3A_78, %mul3A_1380 : i32
        %add3A_1382 = arith.constant 7 : i32
        %add3A_1383 = arith.addi %mul3A_1381, %add3A_1382 : i32
        %swap3A_1384 = arith.index_cast %add3A_1383 : i32 to index
        %swap3A_1385 = arith.constant 80 : index
        %swap3A_1386 = tpu.vector_load %arg15[%swap3A_1384, %swap3A_1385] {strides = array<i32>} : memref<64x128xf32, #tpu.memory_space<vmem>>, vector<16xf32>,
        tpu.vector_store %arg15[%swap3A_1384, %swap3A_1385], %max3A_1379 {strides = array<i32>} : memref<64x128xf32, #tpu.memory_space<vmem>>, vector<16xf32>,
        %mul3A_1387 = arith.constant 16 : i32
        %mul3A_1388 = arith.muli %add3A_78, %mul3A_1387 : i32
        %add3A_1389 = arith.constant 7 : i32
        %add3A_1390 = arith.addi %mul3A_1388, %add3A_1389 : i32
        %get3A_1391 = arith.index_cast %add3A_1390 : i32 to index
        %get3A_1392 = arith.constant 96 : index
        %get3A_1393 = tpu.vector_load %arg15[%get3A_1391, %get3A_1392] {strides = array<i32>} : memref<64x128xf32, #tpu.memory_space<vmem>>, vector<16xf32>,
        %mul3A_1394 = arith.mulf %get3A_1393, %gather3A_1272 : vector<16xf32>
        %add3A_1395 = arith.addf %mul3A_1394, %get3A_49 : vector<16xf32>
        %max3A_1396 = arith.constant 0.000000e+00 : f32
        %max3A_1397 = vector.broadcast %max3A_1396 : f32 to vector<16xf32>
        %max3A_1398 = arith.maximumf %add3A_1395, %max3A_1397 : vector<16xf32>
        %mul3A_1399 = arith.constant 16 : i32
        %mul3A_1400 = arith.muli %add3A_78, %mul3A_1399 : i32
        %add3A_1401 = arith.constant 7 : i32
        %add3A_1402 = arith.addi %mul3A_1400, %add3A_1401 : i32
        %swap3A_1403 = arith.index_cast %add3A_1402 : i32 to index
        %swap3A_1404 = arith.constant 96 : index
        %swap3A_1405 = tpu.vector_load %arg15[%swap3A_1403, %swap3A_1404] {strides = array<i32>} : memref<64x128xf32, #tpu.memory_space<vmem>>, vector<16xf32>,
        tpu.vector_store %arg15[%swap3A_1403, %swap3A_1404], %max3A_1398 {strides = array<i32>} : memref<64x128xf32, #tpu.memory_space<vmem>>, vector<16xf32>,
        %mul3A_1406 = arith.constant 16 : i32
        %mul3A_1407 = arith.muli %add3A_78, %mul3A_1406 : i32
        %add3A_1408 = arith.constant 7 : i32
        %add3A_1409 = arith.addi %mul3A_1407, %add3A_1408 : i32
        %get3A_1410 = arith.index_cast %add3A_1409 : i32 to index
        %get3A_1411 = arith.constant 112 : index
        %get3A_1412 = tpu.vector_load %arg15[%get3A_1410, %get3A_1411] {strides = array<i32>} : memref<64x128xf32, #tpu.memory_space<vmem>>, vector<16xf32>,
        %mul3A_1413 = arith.mulf %get3A_1412, %gather3A_1272 : vector<16xf32>
        %add3A_1414 = arith.addf %mul3A_1413, %get3A_53 : vector<16xf32>
        %max3A_1415 = arith.constant 0.000000e+00 : f32
        %max3A_1416 = vector.broadcast %max3A_1415 : f32 to vector<16xf32>
        %max3A_1417 = arith.maximumf %add3A_1414, %max3A_1416 : vector<16xf32>
        %mul3A_1418 = arith.constant 16 : i32
        %mul3A_1419 = arith.muli %add3A_78, %mul3A_1418 : i32
        %add3A_1420 = arith.constant 7 : i32
        %add3A_1421 = arith.addi %mul3A_1419, %add3A_1420 : i32
        %swap3A_1422 = arith.index_cast %add3A_1421 : i32 to index
        %swap3A_1423 = arith.constant 112 : index
        %swap3A_1424 = tpu.vector_load %arg15[%swap3A_1422, %swap3A_1423] {strides = array<i32>} : memref<64x128xf32, #tpu.memory_space<vmem>>, vector<16xf32>,
        tpu.vector_store %arg15[%swap3A_1422, %swap3A_1423], %max3A_1417 {strides = array<i32>} : memref<64x128xf32, #tpu.memory_space<vmem>>, vector<16xf32>,
        %broadcast_in_dim3A_1425 = arith.constant 8 : i32
        %broadcast_in_dim3A_1426 = vector.broadcast %broadcast_in_dim3A_1425 : i32 to vector<16xi32>
        %lt3A_1427 = arith.constant 0 : i32
        %lt3A_1428 = vector.broadcast %lt3A_1427 : i32 to vector<16xi32>
        %lt3A_1429 = arith.cmpi slt, %broadcast_in_dim3A_1426, %lt3A_1428 : vector<16xi32>
        %add3A_1430 = arith.constant 16 : i32
        %add3A_1431 = vector.broadcast %add3A_1430 : i32 to vector<16xi32>
        %add3A_1432 = arith.addi %broadcast_in_dim3A_1426, %add3A_1431 : vector<16xi32>
        %select_n3A_1433 = arith.select %lt3A_1429, %add3A_1432, %broadcast_in_dim3A_1426 : vector<16xi1>, vector<16xi32>
        %broadcast_in_dim3A_1434 = vector.shape_cast %select_n3A_1433 : vector<16xi32> to vector<16x1xi32>
        %gather3A_1435 = vector.shape_cast %broadcast_in_dim3A_1434 : vector<16x1xi32> to vector<16xi32>
        %gather3A_1436 = tpu.dynamic_gather %get3A_116[%gather3A_1435] in [0] : vector<16xf32>, vector<16xi32> -> vector<16xf32>
        %mul3A_1437 = arith.constant 16 : i32
        %mul3A_1438 = arith.muli %add3A_78, %mul3A_1437 : i32
        %add3A_1439 = arith.constant 8 : i32
        %add3A_1440 = arith.addi %mul3A_1438, %add3A_1439 : i32
        %get3A_1441 = arith.index_cast %add3A_1440 : i32 to index
        %get3A_1442 = arith.constant 0 : index
        %get3A_1443 = tpu.vector_load %arg15[%get3A_1441, %get3A_1442] {strides = array<i32>} : memref<64x128xf32, #tpu.memory_space<vmem>>, vector<16xf32>,
        %mul3A_1444 = arith.mulf %get3A_1443, %gather3A_1436 : vector<16xf32>
        %add3A_1445 = arith.addf %mul3A_1444, %get3A_25 : vector<16xf32>
        %max3A_1446 = arith.constant 0.000000e+00 : f32
        %max3A_1447 = vector.broadcast %max3A_1446 : f32 to vector<16xf32>
        %max3A_1448 = arith.maximumf %add3A_1445, %max3A_1447 : vector<16xf32>
        %mul3A_1449 = arith.constant 16 : i32
        %mul3A_1450 = arith.muli %add3A_78, %mul3A_1449 : i32
        %add3A_1451 = arith.constant 8 : i32
        %add3A_1452 = arith.addi %mul3A_1450, %add3A_1451 : i32
        %swap3A_1453 = arith.index_cast %add3A_1452 : i32 to index
        %swap3A_1454 = arith.constant 0 : index
        %swap3A_1455 = tpu.vector_load %arg15[%swap3A_1453, %swap3A_1454] {strides = array<i32>} : memref<64x128xf32, #tpu.memory_space<vmem>>, vector<16xf32>,
        tpu.vector_store %arg15[%swap3A_1453, %swap3A_1454], %max3A_1448 {strides = array<i32>} : memref<64x128xf32, #tpu.memory_space<vmem>>, vector<16xf32>,
        %mul3A_1456 = arith.constant 16 : i32
        %mul3A_1457 = arith.muli %add3A_78, %mul3A_1456 : i32
        %add3A_1458 = arith.constant 8 : i32
        %add3A_1459 = arith.addi %mul3A_1457, %add3A_1458 : i32
        %get3A_1460 = arith.index_cast %add3A_1459 : i32 to index
        %get3A_1461 = arith.constant 16 : index
        %get3A_1462 = tpu.vector_load %arg15[%get3A_1460, %get3A_1461] {strides = array<i32>} : memref<64x128xf32, #tpu.memory_space<vmem>>, vector<16xf32>,
        %mul3A_1463 = arith.mulf %get3A_1462, %gather3A_1436 : vector<16xf32>
        %add3A_1464 = arith.addf %mul3A_1463, %get3A_29 : vector<16xf32>
        %max3A_1465 = arith.constant 0.000000e+00 : f32
        %max3A_1466 = vector.broadcast %max3A_1465 : f32 to vector<16xf32>
        %max3A_1467 = arith.maximumf %add3A_1464, %max3A_1466 : vector<16xf32>
        %mul3A_1468 = arith.constant 16 : i32
        %mul3A_1469 = arith.muli %add3A_78, %mul3A_1468 : i32
        %add3A_1470 = arith.constant 8 : i32
        %add3A_1471 = arith.addi %mul3A_1469, %add3A_1470 : i32
        %swap3A_1472 = arith.index_cast %add3A_1471 : i32 to index
        %swap3A_1473 = arith.constant 16 : index
        %swap3A_1474 = tpu.vector_load %arg15[%swap3A_1472, %swap3A_1473] {strides = array<i32>} : memref<64x128xf32, #tpu.memory_space<vmem>>, vector<16xf32>,
        tpu.vector_store %arg15[%swap3A_1472, %swap3A_1473], %max3A_1467 {strides = array<i32>} : memref<64x128xf32, #tpu.memory_space<vmem>>, vector<16xf32>,
        %mul3A_1475 = arith.constant 16 : i32
        %mul3A_1476 = arith.muli %add3A_78, %mul3A_1475 : i32
        %add3A_1477 = arith.constant 8 : i32
        %add3A_1478 = arith.addi %mul3A_1476, %add3A_1477 : i32
        %get3A_1479 = arith.index_cast %add3A_1478 : i32 to index
        %get3A_1480 = arith.constant 32 : index
        %get3A_1481 = tpu.vector_load %arg15[%get3A_1479, %get3A_1480] {strides = array<i32>} : memref<64x128xf32, #tpu.memory_space<vmem>>, vector<16xf32>,
        %mul3A_1482 = arith.mulf %get3A_1481, %gather3A_1436 : vector<16xf32>
        %add3A_1483 = arith.addf %mul3A_1482, %get3A_33 : vector<16xf32>
        %max3A_1484 = arith.constant 0.000000e+00 : f32
        %max3A_1485 = vector.broadcast %max3A_1484 : f32 to vector<16xf32>
        %max3A_1486 = arith.maximumf %add3A_1483, %max3A_1485 : vector<16xf32>
        %mul3A_1487 = arith.constant 16 : i32
        %mul3A_1488 = arith.muli %add3A_78, %mul3A_1487 : i32
        %add3A_1489 = arith.constant 8 : i32
        %add3A_1490 = arith.addi %mul3A_1488, %add3A_1489 : i32
        %swap3A_1491 = arith.index_cast %add3A_1490 : i32 to index
        %swap3A_1492 = arith.constant 32 : index
        %swap3A_1493 = tpu.vector_load %arg15[%swap3A_1491, %swap3A_1492] {strides = array<i32>} : memref<64x128xf32, #tpu.memory_space<vmem>>, vector<16xf32>,
        tpu.vector_store %arg15[%swap3A_1491, %swap3A_1492], %max3A_1486 {strides = array<i32>} : memref<64x128xf32, #tpu.memory_space<vmem>>, vector<16xf32>,
        %mul3A_1494 = arith.constant 16 : i32
        %mul3A_1495 = arith.muli %add3A_78, %mul3A_1494 : i32
        %add3A_1496 = arith.constant 8 : i32
        %add3A_1497 = arith.addi %mul3A_1495, %add3A_1496 : i32
        %get3A_1498 = arith.index_cast %add3A_1497 : i32 to index
        %get3A_1499 = arith.constant 48 : index
        %get3A_1500 = tpu.vector_load %arg15[%get3A_1498, %get3A_1499] {strides = array<i32>} : memref<64x128xf32, #tpu.memory_space<vmem>>, vector<16xf32>,
        %mul3A_1501 = arith.mulf %get3A_1500, %gather3A_1436 : vector<16xf32>
        %add3A_1502 = arith.addf %mul3A_1501, %get3A_37 : vector<16xf32>
        %max3A_1503 = arith.constant 0.000000e+00 : f32
        %max3A_1504 = vector.broadcast %max3A_1503 : f32 to vector<16xf32>
        %max3A_1505 = arith.maximumf %add3A_1502, %max3A_1504 : vector<16xf32>
        %mul3A_1506 = arith.constant 16 : i32
        %mul3A_1507 = arith.muli %add3A_78, %mul3A_1506 : i32
        %add3A_1508 = arith.constant 8 : i32
        %add3A_1509 = arith.addi %mul3A_1507, %add3A_1508 : i32
        %swap3A_1510 = arith.index_cast %add3A_1509 : i32 to index
        %swap3A_1511 = arith.constant 48 : index
        %swap3A_1512 = tpu.vector_load %arg15[%swap3A_1510, %swap3A_1511] {strides = array<i32>} : memref<64x128xf32, #tpu.memory_space<vmem>>, vector<16xf32>,
        tpu.vector_store %arg15[%swap3A_1510, %swap3A_1511], %max3A_1505 {strides = array<i32>} : memref<64x128xf32, #tpu.memory_space<vmem>>, vector<16xf32>,
        %mul3A_1513 = arith.constant 16 : i32
        %mul3A_1514 = arith.muli %add3A_78, %mul3A_1513 : i32
        %add3A_1515 = arith.constant 8 : i32
        %add3A_1516 = arith.addi %mul3A_1514, %add3A_1515 : i32
        %get3A_1517 = arith.index_cast %add3A_1516 : i32 to index
        %get3A_1518 = arith.constant 64 : index
        %get3A_1519 = tpu.vector_load %arg15[%get3A_1517, %get3A_1518] {strides = array<i32>} : memref<64x128xf32, #tpu.memory_space<vmem>>, vector<16xf32>,
        %mul3A_1520 = arith.mulf %get3A_1519, %gather3A_1436 : vector<16xf32>
        %add3A_1521 = arith.addf %mul3A_1520, %get3A_41 : vector<16xf32>
        %max3A_1522 = arith.constant 0.000000e+00 : f32
        %max3A_1523 = vector.broadcast %max3A_1522 : f32 to vector<16xf32>
        %max3A_1524 = arith.maximumf %add3A_1521, %max3A_1523 : vector<16xf32>
        %mul3A_1525 = arith.constant 16 : i32
        %mul3A_1526 = arith.muli %add3A_78, %mul3A_1525 : i32
        %add3A_1527 = arith.constant 8 : i32
        %add3A_1528 = arith.addi %mul3A_1526, %add3A_1527 : i32
        %swap3A_1529 = arith.index_cast %add3A_1528 : i32 to index
        %swap3A_1530 = arith.constant 64 : index
        %swap3A_1531 = tpu.vector_load %arg15[%swap3A_1529, %swap3A_1530] {strides = array<i32>} : memref<64x128xf32, #tpu.memory_space<vmem>>, vector<16xf32>,
        tpu.vector_store %arg15[%swap3A_1529, %swap3A_1530], %max3A_1524 {strides = array<i32>} : memref<64x128xf32, #tpu.memory_space<vmem>>, vector<16xf32>,
        %mul3A_1532 = arith.constant 16 : i32
        %mul3A_1533 = arith.muli %add3A_78, %mul3A_1532 : i32
        %add3A_1534 = arith.constant 8 : i32
        %add3A_1535 = arith.addi %mul3A_1533, %add3A_1534 : i32
        %get3A_1536 = arith.index_cast %add3A_1535 : i32 to index
        %get3A_1537 = arith.constant 80 : index
        %get3A_1538 = tpu.vector_load %arg15[%get3A_1536, %get3A_1537] {strides = array<i32>} : memref<64x128xf32, #tpu.memory_space<vmem>>, vector<16xf32>,
        %mul3A_1539 = arith.mulf %get3A_1538, %gather3A_1436 : vector<16xf32>
        %add3A_1540 = arith.addf %mul3A_1539, %get3A_45 : vector<16xf32>
        %max3A_1541 = arith.constant 0.000000e+00 : f32
        %max3A_1542 = vector.broadcast %max3A_1541 : f32 to vector<16xf32>
        %max3A_1543 = arith.maximumf %add3A_1540, %max3A_1542 : vector<16xf32>
        %mul3A_1544 = arith.constant 16 : i32
        %mul3A_1545 = arith.muli %add3A_78, %mul3A_1544 : i32
        %add3A_1546 = arith.constant 8 : i32
        %add3A_1547 = arith.addi %mul3A_1545, %add3A_1546 : i32
        %swap3A_1548 = arith.index_cast %add3A_1547 : i32 to index
        %swap3A_1549 = arith.constant 80 : index
        %swap3A_1550 = tpu.vector_load %arg15[%swap3A_1548, %swap3A_1549] {strides = array<i32>} : memref<64x128xf32, #tpu.memory_space<vmem>>, vector<16xf32>,
        tpu.vector_store %arg15[%swap3A_1548, %swap3A_1549], %max3A_1543 {strides = array<i32>} : memref<64x128xf32, #tpu.memory_space<vmem>>, vector<16xf32>,
        %mul3A_1551 = arith.constant 16 : i32
        %mul3A_1552 = arith.muli %add3A_78, %mul3A_1551 : i32
        %add3A_1553 = arith.constant 8 : i32
        %add3A_1554 = arith.addi %mul3A_1552, %add3A_1553 : i32
        %get3A_1555 = arith.index_cast %add3A_1554 : i32 to index
        %get3A_1556 = arith.constant 96 : index
        %get3A_1557 = tpu.vector_load %arg15[%get3A_1555, %get3A_1556] {strides = array<i32>} : memref<64x128xf32, #tpu.memory_space<vmem>>, vector<16xf32>,
        %mul3A_1558 = arith.mulf %get3A_1557, %gather3A_1436 : vector<16xf32>
        %add3A_1559 = arith.addf %mul3A_1558, %get3A_49 : vector<16xf32>
        %max3A_1560 = arith.constant 0.000000e+00 : f32
        %max3A_1561 = vector.broadcast %max3A_1560 : f32 to vector<16xf32>
        %max3A_1562 = arith.maximumf %add3A_1559, %max3A_1561 : vector<16xf32>
        %mul3A_1563 = arith.constant 16 : i32
        %mul3A_1564 = arith.muli %add3A_78, %mul3A_1563 : i32
        %add3A_1565 = arith.constant 8 : i32
        %add3A_1566 = arith.addi %mul3A_1564, %add3A_1565 : i32
        %swap3A_1567 = arith.index_cast %add3A_1566 : i32 to index
        %swap3A_1568 = arith.constant 96 : index
        %swap3A_1569 = tpu.vector_load %arg15[%swap3A_1567, %swap3A_1568] {strides = array<i32>} : memref<64x128xf32, #tpu.memory_space<vmem>>, vector<16xf32>,
        tpu.vector_store %arg15[%swap3A_1567, %swap3A_1568], %max3A_1562 {strides = array<i32>} : memref<64x128xf32, #tpu.memory_space<vmem>>, vector<16xf32>,
        %mul3A_1570 = arith.constant 16 : i32
        %mul3A_1571 = arith.muli %add3A_78, %mul3A_1570 : i32
        %add3A_1572 = arith.constant 8 : i32
        %add3A_1573 = arith.addi %mul3A_1571, %add3A_1572 : i32
        %get3A_1574 = arith.index_cast %add3A_1573 : i32 to index
        %get3A_1575 = arith.constant 112 : index
        %get3A_1576 = tpu.vector_load %arg15[%get3A_1574, %get3A_1575] {strides = array<i32>} : memref<64x128xf32, #tpu.memory_space<vmem>>, vector<16xf32>,
        %mul3A_1577 = arith.mulf %get3A_1576, %gather3A_1436 : vector<16xf32>
        %add3A_1578 = arith.addf %mul3A_1577, %get3A_53 : vector<16xf32>
        %max3A_1579 = arith.constant 0.000000e+00 : f32
        %max3A_1580 = vector.broadcast %max3A_1579 : f32 to vector<16xf32>
        %max3A_1581 = arith.maximumf %add3A_1578, %max3A_1580 : vector<16xf32>
        %mul3A_1582 = arith.constant 16 : i32
        %mul3A_1583 = arith.muli %add3A_78, %mul3A_1582 : i32
        %add3A_1584 = arith.constant 8 : i32
        %add3A_1585 = arith.addi %mul3A_1583, %add3A_1584 : i32
        %swap3A_1586 = arith.index_cast %add3A_1585 : i32 to index
        %swap3A_1587 = arith.constant 112 : index
        %swap3A_1588 = tpu.vector_load %arg15[%swap3A_1586, %swap3A_1587] {strides = array<i32>} : memref<64x128xf32, #tpu.memory_space<vmem>>, vector<16xf32>,
        tpu.vector_store %arg15[%swap3A_1586, %swap3A_1587], %max3A_1581 {strides = array<i32>} : memref<64x128xf32, #tpu.memory_space<vmem>>, vector<16xf32>,
        %broadcast_in_dim3A_1589 = arith.constant 9 : i32
        %broadcast_in_dim3A_1590 = vector.broadcast %broadcast_in_dim3A_1589 : i32 to vector<16xi32>
        %lt3A_1591 = arith.constant 0 : i32
        %lt3A_1592 = vector.broadcast %lt3A_1591 : i32 to vector<16xi32>
        %lt3A_1593 = arith.cmpi slt, %broadcast_in_dim3A_1590, %lt3A_1592 : vector<16xi32>
        %add3A_1594 = arith.constant 16 : i32
        %add3A_1595 = vector.broadcast %add3A_1594 : i32 to vector<16xi32>
        %add3A_1596 = arith.addi %broadcast_in_dim3A_1590, %add3A_1595 : vector<16xi32>
        %select_n3A_1597 = arith.select %lt3A_1593, %add3A_1596, %broadcast_in_dim3A_1590 : vector<16xi1>, vector<16xi32>
        %broadcast_in_dim3A_1598 = vector.shape_cast %select_n3A_1597 : vector<16xi32> to vector<16x1xi32>
        %gather3A_1599 = vector.shape_cast %broadcast_in_dim3A_1598 : vector<16x1xi32> to vector<16xi32>
        %gather3A_1600 = tpu.dynamic_gather %get3A_116[%gather3A_1599] in [0] : vector<16xf32>, vector<16xi32> -> vector<16xf32>
        %mul3A_1601 = arith.constant 16 : i32
        %mul3A_1602 = arith.muli %add3A_78, %mul3A_1601 : i32
        %add3A_1603 = arith.constant 9 : i32
        %add3A_1604 = arith.addi %mul3A_1602, %add3A_1603 : i32
        %get3A_1605 = arith.index_cast %add3A_1604 : i32 to index
        %get3A_1606 = arith.constant 0 : index
        %get3A_1607 = tpu.vector_load %arg15[%get3A_1605, %get3A_1606] {strides = array<i32>} : memref<64x128xf32, #tpu.memory_space<vmem>>, vector<16xf32>,
        %mul3A_1608 = arith.mulf %get3A_1607, %gather3A_1600 : vector<16xf32>
        %add3A_1609 = arith.addf %mul3A_1608, %get3A_25 : vector<16xf32>
        %max3A_1610 = arith.constant 0.000000e+00 : f32
        %max3A_1611 = vector.broadcast %max3A_1610 : f32 to vector<16xf32>
        %max3A_1612 = arith.maximumf %add3A_1609, %max3A_1611 : vector<16xf32>
        %mul3A_1613 = arith.constant 16 : i32
        %mul3A_1614 = arith.muli %add3A_78, %mul3A_1613 : i32
        %add3A_1615 = arith.constant 9 : i32
        %add3A_1616 = arith.addi %mul3A_1614, %add3A_1615 : i32
        %swap3A_1617 = arith.index_cast %add3A_1616 : i32 to index
        %swap3A_1618 = arith.constant 0 : index
        %swap3A_1619 = tpu.vector_load %arg15[%swap3A_1617, %swap3A_1618] {strides = array<i32>} : memref<64x128xf32, #tpu.memory_space<vmem>>, vector<16xf32>,
        tpu.vector_store %arg15[%swap3A_1617, %swap3A_1618], %max3A_1612 {strides = array<i32>} : memref<64x128xf32, #tpu.memory_space<vmem>>, vector<16xf32>,
        %mul3A_1620 = arith.constant 16 : i32
        %mul3A_1621 = arith.muli %add3A_78, %mul3A_1620 : i32
        %add3A_1622 = arith.constant 9 : i32
        %add3A_1623 = arith.addi %mul3A_1621, %add3A_1622 : i32
        %get3A_1624 = arith.index_cast %add3A_1623 : i32 to index
        %get3A_1625 = arith.constant 16 : index
        %get3A_1626 = tpu.vector_load %arg15[%get3A_1624, %get3A_1625] {strides = array<i32>} : memref<64x128xf32, #tpu.memory_space<vmem>>, vector<16xf32>,
        %mul3A_1627 = arith.mulf %get3A_1626, %gather3A_1600 : vector<16xf32>
        %add3A_1628 = arith.addf %mul3A_1627, %get3A_29 : vector<16xf32>
        %max3A_1629 = arith.constant 0.000000e+00 : f32
        %max3A_1630 = vector.broadcast %max3A_1629 : f32 to vector<16xf32>
        %max3A_1631 = arith.maximumf %add3A_1628, %max3A_1630 : vector<16xf32>
        %mul3A_1632 = arith.constant 16 : i32
        %mul3A_1633 = arith.muli %add3A_78, %mul3A_1632 : i32
        %add3A_1634 = arith.constant 9 : i32
        %add3A_1635 = arith.addi %mul3A_1633, %add3A_1634 : i32
        %swap3A_1636 = arith.index_cast %add3A_1635 : i32 to index
        %swap3A_1637 = arith.constant 16 : index
        %swap3A_1638 = tpu.vector_load %arg15[%swap3A_1636, %swap3A_1637] {strides = array<i32>} : memref<64x128xf32, #tpu.memory_space<vmem>>, vector<16xf32>,
        tpu.vector_store %arg15[%swap3A_1636, %swap3A_1637], %max3A_1631 {strides = array<i32>} : memref<64x128xf32, #tpu.memory_space<vmem>>, vector<16xf32>,
        %mul3A_1639 = arith.constant 16 : i32
        %mul3A_1640 = arith.muli %add3A_78, %mul3A_1639 : i32
        %add3A_1641 = arith.constant 9 : i32
        %add3A_1642 = arith.addi %mul3A_1640, %add3A_1641 : i32
        %get3A_1643 = arith.index_cast %add3A_1642 : i32 to index
        %get3A_1644 = arith.constant 32 : index
        %get3A_1645 = tpu.vector_load %arg15[%get3A_1643, %get3A_1644] {strides = array<i32>} : memref<64x128xf32, #tpu.memory_space<vmem>>, vector<16xf32>,
        %mul3A_1646 = arith.mulf %get3A_1645, %gather3A_1600 : vector<16xf32>
        %add3A_1647 = arith.addf %mul3A_1646, %get3A_33 : vector<16xf32>
        %max3A_1648 = arith.constant 0.000000e+00 : f32
        %max3A_1649 = vector.broadcast %max3A_1648 : f32 to vector<16xf32>
        %max3A_1650 = arith.maximumf %add3A_1647, %max3A_1649 : vector<16xf32>
        %mul3A_1651 = arith.constant 16 : i32
        %mul3A_1652 = arith.muli %add3A_78, %mul3A_1651 : i32
        %add3A_1653 = arith.constant 9 : i32
        %add3A_1654 = arith.addi %mul3A_1652, %add3A_1653 : i32
        %swap3A_1655 = arith.index_cast %add3A_1654 : i32 to index
        %swap3A_1656 = arith.constant 32 : index
        %swap3A_1657 = tpu.vector_load %arg15[%swap3A_1655, %swap3A_1656] {strides = array<i32>} : memref<64x128xf32, #tpu.memory_space<vmem>>, vector<16xf32>,
        tpu.vector_store %arg15[%swap3A_1655, %swap3A_1656], %max3A_1650 {strides = array<i32>} : memref<64x128xf32, #tpu.memory_space<vmem>>, vector<16xf32>,
        %mul3A_1658 = arith.constant 16 : i32
        %mul3A_1659 = arith.muli %add3A_78, %mul3A_1658 : i32
        %add3A_1660 = arith.constant 9 : i32
        %add3A_1661 = arith.addi %mul3A_1659, %add3A_1660 : i32
        %get3A_1662 = arith.index_cast %add3A_1661 : i32 to index
        %get3A_1663 = arith.constant 48 : index
        %get3A_1664 = tpu.vector_load %arg15[%get3A_1662, %get3A_1663] {strides = array<i32>} : memref<64x128xf32, #tpu.memory_space<vmem>>, vector<16xf32>,
        %mul3A_1665 = arith.mulf %get3A_1664, %gather3A_1600 : vector<16xf32>
        %add3A_1666 = arith.addf %mul3A_1665, %get3A_37 : vector<16xf32>
        %max3A_1667 = arith.constant 0.000000e+00 : f32
        %max3A_1668 = vector.broadcast %max3A_1667 : f32 to vector<16xf32>
        %max3A_1669 = arith.maximumf %add3A_1666, %max3A_1668 : vector<16xf32>
        %mul3A_1670 = arith.constant 16 : i32
        %mul3A_1671 = arith.muli %add3A_78, %mul3A_1670 : i32
        %add3A_1672 = arith.constant 9 : i32
        %add3A_1673 = arith.addi %mul3A_1671, %add3A_1672 : i32
        %swap3A_1674 = arith.index_cast %add3A_1673 : i32 to index
        %swap3A_1675 = arith.constant 48 : index
        %swap3A_1676 = tpu.vector_load %arg15[%swap3A_1674, %swap3A_1675] {strides = array<i32>} : memref<64x128xf32, #tpu.memory_space<vmem>>, vector<16xf32>,
        tpu.vector_store %arg15[%swap3A_1674, %swap3A_1675], %max3A_1669 {strides = array<i32>} : memref<64x128xf32, #tpu.memory_space<vmem>>, vector<16xf32>,
        %mul3A_1677 = arith.constant 16 : i32
        %mul3A_1678 = arith.muli %add3A_78, %mul3A_1677 : i32
        %add3A_1679 = arith.constant 9 : i32
        %add3A_1680 = arith.addi %mul3A_1678, %add3A_1679 : i32
        %get3A_1681 = arith.index_cast %add3A_1680 : i32 to index
        %get3A_1682 = arith.constant 64 : index
        %get3A_1683 = tpu.vector_load %arg15[%get3A_1681, %get3A_1682] {strides = array<i32>} : memref<64x128xf32, #tpu.memory_space<vmem>>, vector<16xf32>,
        %mul3A_1684 = arith.mulf %get3A_1683, %gather3A_1600 : vector<16xf32>
        %add3A_1685 = arith.addf %mul3A_1684, %get3A_41 : vector<16xf32>
        %max3A_1686 = arith.constant 0.000000e+00 : f32
        %max3A_1687 = vector.broadcast %max3A_1686 : f32 to vector<16xf32>
        %max3A_1688 = arith.maximumf %add3A_1685, %max3A_1687 : vector<16xf32>
        %mul3A_1689 = arith.constant 16 : i32
        %mul3A_1690 = arith.muli %add3A_78, %mul3A_1689 : i32
        %add3A_1691 = arith.constant 9 : i32
        %add3A_1692 = arith.addi %mul3A_1690, %add3A_1691 : i32
        %swap3A_1693 = arith.index_cast %add3A_1692 : i32 to index
        %swap3A_1694 = arith.constant 64 : index
        %swap3A_1695 = tpu.vector_load %arg15[%swap3A_1693, %swap3A_1694] {strides = array<i32>} : memref<64x128xf32, #tpu.memory_space<vmem>>, vector<16xf32>,
        tpu.vector_store %arg15[%swap3A_1693, %swap3A_1694], %max3A_1688 {strides = array<i32>} : memref<64x128xf32, #tpu.memory_space<vmem>>, vector<16xf32>,
        %mul3A_1696 = arith.constant 16 : i32
        %mul3A_1697 = arith.muli %add3A_78, %mul3A_1696 : i32
        %add3A_1698 = arith.constant 9 : i32
        %add3A_1699 = arith.addi %mul3A_1697, %add3A_1698 : i32
        %get3A_1700 = arith.index_cast %add3A_1699 : i32 to index
        %get3A_1701 = arith.constant 80 : index
        %get3A_1702 = tpu.vector_load %arg15[%get3A_1700, %get3A_1701] {strides = array<i32>} : memref<64x128xf32, #tpu.memory_space<vmem>>, vector<16xf32>,
        %mul3A_1703 = arith.mulf %get3A_1702, %gather3A_1600 : vector<16xf32>
        %add3A_1704 = arith.addf %mul3A_1703, %get3A_45 : vector<16xf32>
        %max3A_1705 = arith.constant 0.000000e+00 : f32
        %max3A_1706 = vector.broadcast %max3A_1705 : f32 to vector<16xf32>
        %max3A_1707 = arith.maximumf %add3A_1704, %max3A_1706 : vector<16xf32>
        %mul3A_1708 = arith.constant 16 : i32
        %mul3A_1709 = arith.muli %add3A_78, %mul3A_1708 : i32
        %add3A_1710 = arith.constant 9 : i32
        %add3A_1711 = arith.addi %mul3A_1709, %add3A_1710 : i32
        %swap3A_1712 = arith.index_cast %add3A_1711 : i32 to index
        %swap3A_1713 = arith.constant 80 : index
        %swap3A_1714 = tpu.vector_load %arg15[%swap3A_1712, %swap3A_1713] {strides = array<i32>} : memref<64x128xf32, #tpu.memory_space<vmem>>, vector<16xf32>,
        tpu.vector_store %arg15[%swap3A_1712, %swap3A_1713], %max3A_1707 {strides = array<i32>} : memref<64x128xf32, #tpu.memory_space<vmem>>, vector<16xf32>,
        %mul3A_1715 = arith.constant 16 : i32
        %mul3A_1716 = arith.muli %add3A_78, %mul3A_1715 : i32
        %add3A_1717 = arith.constant 9 : i32
        %add3A_1718 = arith.addi %mul3A_1716, %add3A_1717 : i32
        %get3A_1719 = arith.index_cast %add3A_1718 : i32 to index
        %get3A_1720 = arith.constant 96 : index
        %get3A_1721 = tpu.vector_load %arg15[%get3A_1719, %get3A_1720] {strides = array<i32>} : memref<64x128xf32, #tpu.memory_space<vmem>>, vector<16xf32>,
        %mul3A_1722 = arith.mulf %get3A_1721, %gather3A_1600 : vector<16xf32>
        %add3A_1723 = arith.addf %mul3A_1722, %get3A_49 : vector<16xf32>
        %max3A_1724 = arith.constant 0.000000e+00 : f32
        %max3A_1725 = vector.broadcast %max3A_1724 : f32 to vector<16xf32>
        %max3A_1726 = arith.maximumf %add3A_1723, %max3A_1725 : vector<16xf32>
        %mul3A_1727 = arith.constant 16 : i32
        %mul3A_1728 = arith.muli %add3A_78, %mul3A_1727 : i32
        %add3A_1729 = arith.constant 9 : i32
        %add3A_1730 = arith.addi %mul3A_1728, %add3A_1729 : i32
        %swap3A_1731 = arith.index_cast %add3A_1730 : i32 to index
        %swap3A_1732 = arith.constant 96 : index
        %swap3A_1733 = tpu.vector_load %arg15[%swap3A_1731, %swap3A_1732] {strides = array<i32>} : memref<64x128xf32, #tpu.memory_space<vmem>>, vector<16xf32>,
        tpu.vector_store %arg15[%swap3A_1731, %swap3A_1732], %max3A_1726 {strides = array<i32>} : memref<64x128xf32, #tpu.memory_space<vmem>>, vector<16xf32>,
        %mul3A_1734 = arith.constant 16 : i32
        %mul3A_1735 = arith.muli %add3A_78, %mul3A_1734 : i32
        %add3A_1736 = arith.constant 9 : i32
        %add3A_1737 = arith.addi %mul3A_1735, %add3A_1736 : i32
        %get3A_1738 = arith.index_cast %add3A_1737 : i32 to index
        %get3A_1739 = arith.constant 112 : index
        %get3A_1740 = tpu.vector_load %arg15[%get3A_1738, %get3A_1739] {strides = array<i32>} : memref<64x128xf32, #tpu.memory_space<vmem>>, vector<16xf32>,
        %mul3A_1741 = arith.mulf %get3A_1740, %gather3A_1600 : vector<16xf32>
        %add3A_1742 = arith.addf %mul3A_1741, %get3A_53 : vector<16xf32>
        %max3A_1743 = arith.constant 0.000000e+00 : f32
        %max3A_1744 = vector.broadcast %max3A_1743 : f32 to vector<16xf32>
        %max3A_1745 = arith.maximumf %add3A_1742, %max3A_1744 : vector<16xf32>
        %mul3A_1746 = arith.constant 16 : i32
        %mul3A_1747 = arith.muli %add3A_78, %mul3A_1746 : i32
        %add3A_1748 = arith.constant 9 : i32
        %add3A_1749 = arith.addi %mul3A_1747, %add3A_1748 : i32
        %swap3A_1750 = arith.index_cast %add3A_1749 : i32 to index
        %swap3A_1751 = arith.constant 112 : index
        %swap3A_1752 = tpu.vector_load %arg15[%swap3A_1750, %swap3A_1751] {strides = array<i32>} : memref<64x128xf32, #tpu.memory_space<vmem>>, vector<16xf32>,
        tpu.vector_store %arg15[%swap3A_1750, %swap3A_1751], %max3A_1745 {strides = array<i32>} : memref<64x128xf32, #tpu.memory_space<vmem>>, vector<16xf32>,
        %broadcast_in_dim3A_1753 = arith.constant 10 : i32
        %broadcast_in_dim3A_1754 = vector.broadcast %broadcast_in_dim3A_1753 : i32 to vector<16xi32>
        %lt3A_1755 = arith.constant 0 : i32
        %lt3A_1756 = vector.broadcast %lt3A_1755 : i32 to vector<16xi32>
        %lt3A_1757 = arith.cmpi slt, %broadcast_in_dim3A_1754, %lt3A_1756 : vector<16xi32>
        %add3A_1758 = arith.constant 16 : i32
        %add3A_1759 = vector.broadcast %add3A_1758 : i32 to vector<16xi32>
        %add3A_1760 = arith.addi %broadcast_in_dim3A_1754, %add3A_1759 : vector<16xi32>
        %select_n3A_1761 = arith.select %lt3A_1757, %add3A_1760, %broadcast_in_dim3A_1754 : vector<16xi1>, vector<16xi32>
        %broadcast_in_dim3A_1762 = vector.shape_cast %select_n3A_1761 : vector<16xi32> to vector<16x1xi32>
        %gather3A_1763 = vector.shape_cast %broadcast_in_dim3A_1762 : vector<16x1xi32> to vector<16xi32>
        %gather3A_1764 = tpu.dynamic_gather %get3A_116[%gather3A_1763] in [0] : vector<16xf32>, vector<16xi32> -> vector<16xf32>
        %mul3A_1765 = arith.constant 16 : i32
        %mul3A_1766 = arith.muli %add3A_78, %mul3A_1765 : i32
        %add3A_1767 = arith.constant 10 : i32
        %add3A_1768 = arith.addi %mul3A_1766, %add3A_1767 : i32
        %get3A_1769 = arith.index_cast %add3A_1768 : i32 to index
        %get3A_1770 = arith.constant 0 : index
        %get3A_1771 = tpu.vector_load %arg15[%get3A_1769, %get3A_1770] {strides = array<i32>} : memref<64x128xf32, #tpu.memory_space<vmem>>, vector<16xf32>,
        %mul3A_1772 = arith.mulf %get3A_1771, %gather3A_1764 : vector<16xf32>
        %add3A_1773 = arith.addf %mul3A_1772, %get3A_25 : vector<16xf32>
        %max3A_1774 = arith.constant 0.000000e+00 : f32
        %max3A_1775 = vector.broadcast %max3A_1774 : f32 to vector<16xf32>
        %max3A_1776 = arith.maximumf %add3A_1773, %max3A_1775 : vector<16xf32>
        %mul3A_1777 = arith.constant 16 : i32
        %mul3A_1778 = arith.muli %add3A_78, %mul3A_1777 : i32
        %add3A_1779 = arith.constant 10 : i32
        %add3A_1780 = arith.addi %mul3A_1778, %add3A_1779 : i32
        %swap3A_1781 = arith.index_cast %add3A_1780 : i32 to index
        %swap3A_1782 = arith.constant 0 : index
        %swap3A_1783 = tpu.vector_load %arg15[%swap3A_1781, %swap3A_1782] {strides = array<i32>} : memref<64x128xf32, #tpu.memory_space<vmem>>, vector<16xf32>,
        tpu.vector_store %arg15[%swap3A_1781, %swap3A_1782], %max3A_1776 {strides = array<i32>} : memref<64x128xf32, #tpu.memory_space<vmem>>, vector<16xf32>,
        %mul3A_1784 = arith.constant 16 : i32
        %mul3A_1785 = arith.muli %add3A_78, %mul3A_1784 : i32
        %add3A_1786 = arith.constant 10 : i32
        %add3A_1787 = arith.addi %mul3A_1785, %add3A_1786 : i32
        %get3A_1788 = arith.index_cast %add3A_1787 : i32 to index
        %get3A_1789 = arith.constant 16 : index
        %get3A_1790 = tpu.vector_load %arg15[%get3A_1788, %get3A_1789] {strides = array<i32>} : memref<64x128xf32, #tpu.memory_space<vmem>>, vector<16xf32>,
        %mul3A_1791 = arith.mulf %get3A_1790, %gather3A_1764 : vector<16xf32>
        %add3A_1792 = arith.addf %mul3A_1791, %get3A_29 : vector<16xf32>
        %max3A_1793 = arith.constant 0.000000e+00 : f32
        %max3A_1794 = vector.broadcast %max3A_1793 : f32 to vector<16xf32>
        %max3A_1795 = arith.maximumf %add3A_1792, %max3A_1794 : vector<16xf32>
        %mul3A_1796 = arith.constant 16 : i32
        %mul3A_1797 = arith.muli %add3A_78, %mul3A_1796 : i32
        %add3A_1798 = arith.constant 10 : i32
        %add3A_1799 = arith.addi %mul3A_1797, %add3A_1798 : i32
        %swap3A_1800 = arith.index_cast %add3A_1799 : i32 to index
        %swap3A_1801 = arith.constant 16 : index
        %swap3A_1802 = tpu.vector_load %arg15[%swap3A_1800, %swap3A_1801] {strides = array<i32>} : memref<64x128xf32, #tpu.memory_space<vmem>>, vector<16xf32>,
        tpu.vector_store %arg15[%swap3A_1800, %swap3A_1801], %max3A_1795 {strides = array<i32>} : memref<64x128xf32, #tpu.memory_space<vmem>>, vector<16xf32>,
        %mul3A_1803 = arith.constant 16 : i32
        %mul3A_1804 = arith.muli %add3A_78, %mul3A_1803 : i32
        %add3A_1805 = arith.constant 10 : i32
        %add3A_1806 = arith.addi %mul3A_1804, %add3A_1805 : i32
        %get3A_1807 = arith.index_cast %add3A_1806 : i32 to index
        %get3A_1808 = arith.constant 32 : index
        %get3A_1809 = tpu.vector_load %arg15[%get3A_1807, %get3A_1808] {strides = array<i32>} : memref<64x128xf32, #tpu.memory_space<vmem>>, vector<16xf32>,
        %mul3A_1810 = arith.mulf %get3A_1809, %gather3A_1764 : vector<16xf32>
        %add3A_1811 = arith.addf %mul3A_1810, %get3A_33 : vector<16xf32>
        %max3A_1812 = arith.constant 0.000000e+00 : f32
        %max3A_1813 = vector.broadcast %max3A_1812 : f32 to vector<16xf32>
        %max3A_1814 = arith.maximumf %add3A_1811, %max3A_1813 : vector<16xf32>
        %mul3A_1815 = arith.constant 16 : i32
        %mul3A_1816 = arith.muli %add3A_78, %mul3A_1815 : i32
        %add3A_1817 = arith.constant 10 : i32
        %add3A_1818 = arith.addi %mul3A_1816, %add3A_1817 : i32
        %swap3A_1819 = arith.index_cast %add3A_1818 : i32 to index
        %swap3A_1820 = arith.constant 32 : index
        %swap3A_1821 = tpu.vector_load %arg15[%swap3A_1819, %swap3A_1820] {strides = array<i32>} : memref<64x128xf32, #tpu.memory_space<vmem>>, vector<16xf32>,
        tpu.vector_store %arg15[%swap3A_1819, %swap3A_1820], %max3A_1814 {strides = array<i32>} : memref<64x128xf32, #tpu.memory_space<vmem>>, vector<16xf32>,
        %mul3A_1822 = arith.constant 16 : i32
        %mul3A_1823 = arith.muli %add3A_78, %mul3A_1822 : i32
        %add3A_1824 = arith.constant 10 : i32
        %add3A_1825 = arith.addi %mul3A_1823, %add3A_1824 : i32
        %get3A_1826 = arith.index_cast %add3A_1825 : i32 to index
        %get3A_1827 = arith.constant 48 : index
        %get3A_1828 = tpu.vector_load %arg15[%get3A_1826, %get3A_1827] {strides = array<i32>} : memref<64x128xf32, #tpu.memory_space<vmem>>, vector<16xf32>,
        %mul3A_1829 = arith.mulf %get3A_1828, %gather3A_1764 : vector<16xf32>
        %add3A_1830 = arith.addf %mul3A_1829, %get3A_37 : vector<16xf32>
        %max3A_1831 = arith.constant 0.000000e+00 : f32
        %max3A_1832 = vector.broadcast %max3A_1831 : f32 to vector<16xf32>
        %max3A_1833 = arith.maximumf %add3A_1830, %max3A_1832 : vector<16xf32>
        %mul3A_1834 = arith.constant 16 : i32
        %mul3A_1835 = arith.muli %add3A_78, %mul3A_1834 : i32
        %add3A_1836 = arith.constant 10 : i32
        %add3A_1837 = arith.addi %mul3A_1835, %add3A_1836 : i32
        %swap3A_1838 = arith.index_cast %add3A_1837 : i32 to index
        %swap3A_1839 = arith.constant 48 : index
        %swap3A_1840 = tpu.vector_load %arg15[%swap3A_1838, %swap3A_1839] {strides = array<i32>} : memref<64x128xf32, #tpu.memory_space<vmem>>, vector<16xf32>,
        tpu.vector_store %arg15[%swap3A_1838, %swap3A_1839], %max3A_1833 {strides = array<i32>} : memref<64x128xf32, #tpu.memory_space<vmem>>, vector<16xf32>,
        %mul3A_1841 = arith.constant 16 : i32
        %mul3A_1842 = arith.muli %add3A_78, %mul3A_1841 : i32
        %add3A_1843 = arith.constant 10 : i32
        %add3A_1844 = arith.addi %mul3A_1842, %add3A_1843 : i32
        %get3A_1845 = arith.index_cast %add3A_1844 : i32 to index
        %get3A_1846 = arith.constant 64 : index
        %get3A_1847 = tpu.vector_load %arg15[%get3A_1845, %get3A_1846] {strides = array<i32>} : memref<64x128xf32, #tpu.memory_space<vmem>>, vector<16xf32>,
        %mul3A_1848 = arith.mulf %get3A_1847, %gather3A_1764 : vector<16xf32>
        %add3A_1849 = arith.addf %mul3A_1848, %get3A_41 : vector<16xf32>
        %max3A_1850 = arith.constant 0.000000e+00 : f32
        %max3A_1851 = vector.broadcast %max3A_1850 : f32 to vector<16xf32>
        %max3A_1852 = arith.maximumf %add3A_1849, %max3A_1851 : vector<16xf32>
        %mul3A_1853 = arith.constant 16 : i32
        %mul3A_1854 = arith.muli %add3A_78, %mul3A_1853 : i32
        %add3A_1855 = arith.constant 10 : i32
        %add3A_1856 = arith.addi %mul3A_1854, %add3A_1855 : i32
        %swap3A_1857 = arith.index_cast %add3A_1856 : i32 to index
        %swap3A_1858 = arith.constant 64 : index
        %swap3A_1859 = tpu.vector_load %arg15[%swap3A_1857, %swap3A_1858] {strides = array<i32>} : memref<64x128xf32, #tpu.memory_space<vmem>>, vector<16xf32>,
        tpu.vector_store %arg15[%swap3A_1857, %swap3A_1858], %max3A_1852 {strides = array<i32>} : memref<64x128xf32, #tpu.memory_space<vmem>>, vector<16xf32>,
        %mul3A_1860 = arith.constant 16 : i32
        %mul3A_1861 = arith.muli %add3A_78, %mul3A_1860 : i32
        %add3A_1862 = arith.constant 10 : i32
        %add3A_1863 = arith.addi %mul3A_1861, %add3A_1862 : i32
        %get3A_1864 = arith.index_cast %add3A_1863 : i32 to index
        %get3A_1865 = arith.constant 80 : index
        %get3A_1866 = tpu.vector_load %arg15[%get3A_1864, %get3A_1865] {strides = array<i32>} : memref<64x128xf32, #tpu.memory_space<vmem>>, vector<16xf32>,
        %mul3A_1867 = arith.mulf %get3A_1866, %gather3A_1764 : vector<16xf32>
        %add3A_1868 = arith.addf %mul3A_1867, %get3A_45 : vector<16xf32>
        %max3A_1869 = arith.constant 0.000000e+00 : f32
        %max3A_1870 = vector.broadcast %max3A_1869 : f32 to vector<16xf32>
        %max3A_1871 = arith.maximumf %add3A_1868, %max3A_1870 : vector<16xf32>
        %mul3A_1872 = arith.constant 16 : i32
        %mul3A_1873 = arith.muli %add3A_78, %mul3A_1872 : i32
        %add3A_1874 = arith.constant 10 : i32
        %add3A_1875 = arith.addi %mul3A_1873, %add3A_1874 : i32
        %swap3A_1876 = arith.index_cast %add3A_1875 : i32 to index
        %swap3A_1877 = arith.constant 80 : index
        %swap3A_1878 = tpu.vector_load %arg15[%swap3A_1876, %swap3A_1877] {strides = array<i32>} : memref<64x128xf32, #tpu.memory_space<vmem>>, vector<16xf32>,
        tpu.vector_store %arg15[%swap3A_1876, %swap3A_1877], %max3A_1871 {strides = array<i32>} : memref<64x128xf32, #tpu.memory_space<vmem>>, vector<16xf32>,
        %mul3A_1879 = arith.constant 16 : i32
        %mul3A_1880 = arith.muli %add3A_78, %mul3A_1879 : i32
        %add3A_1881 = arith.constant 10 : i32
        %add3A_1882 = arith.addi %mul3A_1880, %add3A_1881 : i32
        %get3A_1883 = arith.index_cast %add3A_1882 : i32 to index
        %get3A_1884 = arith.constant 96 : index
        %get3A_1885 = tpu.vector_load %arg15[%get3A_1883, %get3A_1884] {strides = array<i32>} : memref<64x128xf32, #tpu.memory_space<vmem>>, vector<16xf32>,
        %mul3A_1886 = arith.mulf %get3A_1885, %gather3A_1764 : vector<16xf32>
        %add3A_1887 = arith.addf %mul3A_1886, %get3A_49 : vector<16xf32>
        %max3A_1888 = arith.constant 0.000000e+00 : f32
        %max3A_1889 = vector.broadcast %max3A_1888 : f32 to vector<16xf32>
        %max3A_1890 = arith.maximumf %add3A_1887, %max3A_1889 : vector<16xf32>
        %mul3A_1891 = arith.constant 16 : i32
        %mul3A_1892 = arith.muli %add3A_78, %mul3A_1891 : i32
        %add3A_1893 = arith.constant 10 : i32
        %add3A_1894 = arith.addi %mul3A_1892, %add3A_1893 : i32
        %swap3A_1895 = arith.index_cast %add3A_1894 : i32 to index
        %swap3A_1896 = arith.constant 96 : index
        %swap3A_1897 = tpu.vector_load %arg15[%swap3A_1895, %swap3A_1896] {strides = array<i32>} : memref<64x128xf32, #tpu.memory_space<vmem>>, vector<16xf32>,
        tpu.vector_store %arg15[%swap3A_1895, %swap3A_1896], %max3A_1890 {strides = array<i32>} : memref<64x128xf32, #tpu.memory_space<vmem>>, vector<16xf32>,
        %mul3A_1898 = arith.constant 16 : i32
        %mul3A_1899 = arith.muli %add3A_78, %mul3A_1898 : i32
        %add3A_1900 = arith.constant 10 : i32
        %add3A_1901 = arith.addi %mul3A_1899, %add3A_1900 : i32
        %get3A_1902 = arith.index_cast %add3A_1901 : i32 to index
        %get3A_1903 = arith.constant 112 : index
        %get3A_1904 = tpu.vector_load %arg15[%get3A_1902, %get3A_1903] {strides = array<i32>} : memref<64x128xf32, #tpu.memory_space<vmem>>, vector<16xf32>,
        %mul3A_1905 = arith.mulf %get3A_1904, %gather3A_1764 : vector<16xf32>
        %add3A_1906 = arith.addf %mul3A_1905, %get3A_53 : vector<16xf32>
        %max3A_1907 = arith.constant 0.000000e+00 : f32
        %max3A_1908 = vector.broadcast %max3A_1907 : f32 to vector<16xf32>
        %max3A_1909 = arith.maximumf %add3A_1906, %max3A_1908 : vector<16xf32>
        %mul3A_1910 = arith.constant 16 : i32
        %mul3A_1911 = arith.muli %add3A_78, %mul3A_1910 : i32
        %add3A_1912 = arith.constant 10 : i32
        %add3A_1913 = arith.addi %mul3A_1911, %add3A_1912 : i32
        %swap3A_1914 = arith.index_cast %add3A_1913 : i32 to index
        %swap3A_1915 = arith.constant 112 : index
        %swap3A_1916 = tpu.vector_load %arg15[%swap3A_1914, %swap3A_1915] {strides = array<i32>} : memref<64x128xf32, #tpu.memory_space<vmem>>, vector<16xf32>,
        tpu.vector_store %arg15[%swap3A_1914, %swap3A_1915], %max3A_1909 {strides = array<i32>} : memref<64x128xf32, #tpu.memory_space<vmem>>, vector<16xf32>,
        %broadcast_in_dim3A_1917 = arith.constant 11 : i32
        %broadcast_in_dim3A_1918 = vector.broadcast %broadcast_in_dim3A_1917 : i32 to vector<16xi32>
        %lt3A_1919 = arith.constant 0 : i32
        %lt3A_1920 = vector.broadcast %lt3A_1919 : i32 to vector<16xi32>
        %lt3A_1921 = arith.cmpi slt, %broadcast_in_dim3A_1918, %lt3A_1920 : vector<16xi32>
        %add3A_1922 = arith.constant 16 : i32
        %add3A_1923 = vector.broadcast %add3A_1922 : i32 to vector<16xi32>
        %add3A_1924 = arith.addi %broadcast_in_dim3A_1918, %add3A_1923 : vector<16xi32>
        %select_n3A_1925 = arith.select %lt3A_1921, %add3A_1924, %broadcast_in_dim3A_1918 : vector<16xi1>, vector<16xi32>
        %broadcast_in_dim3A_1926 = vector.shape_cast %select_n3A_1925 : vector<16xi32> to vector<16x1xi32>
        %gather3A_1927 = vector.shape_cast %broadcast_in_dim3A_1926 : vector<16x1xi32> to vector<16xi32>
        %gather3A_1928 = tpu.dynamic_gather %get3A_116[%gather3A_1927] in [0] : vector<16xf32>, vector<16xi32> -> vector<16xf32>
        %mul3A_1929 = arith.constant 16 : i32
        %mul3A_1930 = arith.muli %add3A_78, %mul3A_1929 : i32
        %add3A_1931 = arith.constant 11 : i32
        %add3A_1932 = arith.addi %mul3A_1930, %add3A_1931 : i32
        %get3A_1933 = arith.index_cast %add3A_1932 : i32 to index
        %get3A_1934 = arith.constant 0 : index
        %get3A_1935 = tpu.vector_load %arg15[%get3A_1933, %get3A_1934] {strides = array<i32>} : memref<64x128xf32, #tpu.memory_space<vmem>>, vector<16xf32>,
        %mul3A_1936 = arith.mulf %get3A_1935, %gather3A_1928 : vector<16xf32>
        %add3A_1937 = arith.addf %mul3A_1936, %get3A_25 : vector<16xf32>
        %max3A_1938 = arith.constant 0.000000e+00 : f32
        %max3A_1939 = vector.broadcast %max3A_1938 : f32 to vector<16xf32>
        %max3A_1940 = arith.maximumf %add3A_1937, %max3A_1939 : vector<16xf32>
        %mul3A_1941 = arith.constant 16 : i32
        %mul3A_1942 = arith.muli %add3A_78, %mul3A_1941 : i32
        %add3A_1943 = arith.constant 11 : i32
        %add3A_1944 = arith.addi %mul3A_1942, %add3A_1943 : i32
        %swap3A_1945 = arith.index_cast %add3A_1944 : i32 to index
        %swap3A_1946 = arith.constant 0 : index
        %swap3A_1947 = tpu.vector_load %arg15[%swap3A_1945, %swap3A_1946] {strides = array<i32>} : memref<64x128xf32, #tpu.memory_space<vmem>>, vector<16xf32>,
        tpu.vector_store %arg15[%swap3A_1945, %swap3A_1946], %max3A_1940 {strides = array<i32>} : memref<64x128xf32, #tpu.memory_space<vmem>>, vector<16xf32>,
        %mul3A_1948 = arith.constant 16 : i32
        %mul3A_1949 = arith.muli %add3A_78, %mul3A_1948 : i32
        %add3A_1950 = arith.constant 11 : i32
        %add3A_1951 = arith.addi %mul3A_1949, %add3A_1950 : i32
        %get3A_1952 = arith.index_cast %add3A_1951 : i32 to index
        %get3A_1953 = arith.constant 16 : index
        %get3A_1954 = tpu.vector_load %arg15[%get3A_1952, %get3A_1953] {strides = array<i32>} : memref<64x128xf32, #tpu.memory_space<vmem>>, vector<16xf32>,
        %mul3A_1955 = arith.mulf %get3A_1954, %gather3A_1928 : vector<16xf32>
        %add3A_1956 = arith.addf %mul3A_1955, %get3A_29 : vector<16xf32>
        %max3A_1957 = arith.constant 0.000000e+00 : f32
        %max3A_1958 = vector.broadcast %max3A_1957 : f32 to vector<16xf32>
        %max3A_1959 = arith.maximumf %add3A_1956, %max3A_1958 : vector<16xf32>
        %mul3A_1960 = arith.constant 16 : i32
        %mul3A_1961 = arith.muli %add3A_78, %mul3A_1960 : i32
        %add3A_1962 = arith.constant 11 : i32
        %add3A_1963 = arith.addi %mul3A_1961, %add3A_1962 : i32
        %swap3A_1964 = arith.index_cast %add3A_1963 : i32 to index
        %swap3A_1965 = arith.constant 16 : index
        %swap3A_1966 = tpu.vector_load %arg15[%swap3A_1964, %swap3A_1965] {strides = array<i32>} : memref<64x128xf32, #tpu.memory_space<vmem>>, vector<16xf32>,
        tpu.vector_store %arg15[%swap3A_1964, %swap3A_1965], %max3A_1959 {strides = array<i32>} : memref<64x128xf32, #tpu.memory_space<vmem>>, vector<16xf32>,
        %mul3A_1967 = arith.constant 16 : i32
        %mul3A_1968 = arith.muli %add3A_78, %mul3A_1967 : i32
        %add3A_1969 = arith.constant 11 : i32
        %add3A_1970 = arith.addi %mul3A_1968, %add3A_1969 : i32
        %get3A_1971 = arith.index_cast %add3A_1970 : i32 to index
        %get3A_1972 = arith.constant 32 : index
        %get3A_1973 = tpu.vector_load %arg15[%get3A_1971, %get3A_1972] {strides = array<i32>} : memref<64x128xf32, #tpu.memory_space<vmem>>, vector<16xf32>,
        %mul3A_1974 = arith.mulf %get3A_1973, %gather3A_1928 : vector<16xf32>
        %add3A_1975 = arith.addf %mul3A_1974, %get3A_33 : vector<16xf32>
        %max3A_1976 = arith.constant 0.000000e+00 : f32
        %max3A_1977 = vector.broadcast %max3A_1976 : f32 to vector<16xf32>
        %max3A_1978 = arith.maximumf %add3A_1975, %max3A_1977 : vector<16xf32>
        %mul3A_1979 = arith.constant 16 : i32
        %mul3A_1980 = arith.muli %add3A_78, %mul3A_1979 : i32
        %add3A_1981 = arith.constant 11 : i32
        %add3A_1982 = arith.addi %mul3A_1980, %add3A_1981 : i32
        %swap3A_1983 = arith.index_cast %add3A_1982 : i32 to index
        %swap3A_1984 = arith.constant 32 : index
        %swap3A_1985 = tpu.vector_load %arg15[%swap3A_1983, %swap3A_1984] {strides = array<i32>} : memref<64x128xf32, #tpu.memory_space<vmem>>, vector<16xf32>,
        tpu.vector_store %arg15[%swap3A_1983, %swap3A_1984], %max3A_1978 {strides = array<i32>} : memref<64x128xf32, #tpu.memory_space<vmem>>, vector<16xf32>,
        %mul3A_1986 = arith.constant 16 : i32
        %mul3A_1987 = arith.muli %add3A_78, %mul3A_1986 : i32
        %add3A_1988 = arith.constant 11 : i32
        %add3A_1989 = arith.addi %mul3A_1987, %add3A_1988 : i32
        %get3A_1990 = arith.index_cast %add3A_1989 : i32 to index
        %get3A_1991 = arith.constant 48 : index
        %get3A_1992 = tpu.vector_load %arg15[%get3A_1990, %get3A_1991] {strides = array<i32>} : memref<64x128xf32, #tpu.memory_space<vmem>>, vector<16xf32>,
        %mul3A_1993 = arith.mulf %get3A_1992, %gather3A_1928 : vector<16xf32>
        %add3A_1994 = arith.addf %mul3A_1993, %get3A_37 : vector<16xf32>
        %max3A_1995 = arith.constant 0.000000e+00 : f32
        %max3A_1996 = vector.broadcast %max3A_1995 : f32 to vector<16xf32>
        %max3A_1997 = arith.maximumf %add3A_1994, %max3A_1996 : vector<16xf32>
        %mul3A_1998 = arith.constant 16 : i32
        %mul3A_1999 = arith.muli %add3A_78, %mul3A_1998 : i32
        %add3A_2000 = arith.constant 11 : i32
        %add3A_2001 = arith.addi %mul3A_1999, %add3A_2000 : i32
        %swap3A_2002 = arith.index_cast %add3A_2001 : i32 to index
        %swap3A_2003 = arith.constant 48 : index
        %swap3A_2004 = tpu.vector_load %arg15[%swap3A_2002, %swap3A_2003] {strides = array<i32>} : memref<64x128xf32, #tpu.memory_space<vmem>>, vector<16xf32>,
        tpu.vector_store %arg15[%swap3A_2002, %swap3A_2003], %max3A_1997 {strides = array<i32>} : memref<64x128xf32, #tpu.memory_space<vmem>>, vector<16xf32>,
        %mul3A_2005 = arith.constant 16 : i32
        %mul3A_2006 = arith.muli %add3A_78, %mul3A_2005 : i32
        %add3A_2007 = arith.constant 11 : i32
        %add3A_2008 = arith.addi %mul3A_2006, %add3A_2007 : i32
        %get3A_2009 = arith.index_cast %add3A_2008 : i32 to index
        %get3A_2010 = arith.constant 64 : index
        %get3A_2011 = tpu.vector_load %arg15[%get3A_2009, %get3A_2010] {strides = array<i32>} : memref<64x128xf32, #tpu.memory_space<vmem>>, vector<16xf32>,
        %mul3A_2012 = arith.mulf %get3A_2011, %gather3A_1928 : vector<16xf32>
        %add3A_2013 = arith.addf %mul3A_2012, %get3A_41 : vector<16xf32>
        %max3A_2014 = arith.constant 0.000000e+00 : f32
        %max3A_2015 = vector.broadcast %max3A_2014 : f32 to vector<16xf32>
        %max3A_2016 = arith.maximumf %add3A_2013, %max3A_2015 : vector<16xf32>
        %mul3A_2017 = arith.constant 16 : i32
        %mul3A_2018 = arith.muli %add3A_78, %mul3A_2017 : i32
        %add3A_2019 = arith.constant 11 : i32
        %add3A_2020 = arith.addi %mul3A_2018, %add3A_2019 : i32
        %swap3A_2021 = arith.index_cast %add3A_2020 : i32 to index
        %swap3A_2022 = arith.constant 64 : index
        %swap3A_2023 = tpu.vector_load %arg15[%swap3A_2021, %swap3A_2022] {strides = array<i32>} : memref<64x128xf32, #tpu.memory_space<vmem>>, vector<16xf32>,
        tpu.vector_store %arg15[%swap3A_2021, %swap3A_2022], %max3A_2016 {strides = array<i32>} : memref<64x128xf32, #tpu.memory_space<vmem>>, vector<16xf32>,
        %mul3A_2024 = arith.constant 16 : i32
        %mul3A_2025 = arith.muli %add3A_78, %mul3A_2024 : i32
        %add3A_2026 = arith.constant 11 : i32
        %add3A_2027 = arith.addi %mul3A_2025, %add3A_2026 : i32
        %get3A_2028 = arith.index_cast %add3A_2027 : i32 to index
        %get3A_2029 = arith.constant 80 : index
        %get3A_2030 = tpu.vector_load %arg15[%get3A_2028, %get3A_2029] {strides = array<i32>} : memref<64x128xf32, #tpu.memory_space<vmem>>, vector<16xf32>,
        %mul3A_2031 = arith.mulf %get3A_2030, %gather3A_1928 : vector<16xf32>
        %add3A_2032 = arith.addf %mul3A_2031, %get3A_45 : vector<16xf32>
        %max3A_2033 = arith.constant 0.000000e+00 : f32
        %max3A_2034 = vector.broadcast %max3A_2033 : f32 to vector<16xf32>
        %max3A_2035 = arith.maximumf %add3A_2032, %max3A_2034 : vector<16xf32>
        %mul3A_2036 = arith.constant 16 : i32
        %mul3A_2037 = arith.muli %add3A_78, %mul3A_2036 : i32
        %add3A_2038 = arith.constant 11 : i32
        %add3A_2039 = arith.addi %mul3A_2037, %add3A_2038 : i32
        %swap3A_2040 = arith.index_cast %add3A_2039 : i32 to index
        %swap3A_2041 = arith.constant 80 : index
        %swap3A_2042 = tpu.vector_load %arg15[%swap3A_2040, %swap3A_2041] {strides = array<i32>} : memref<64x128xf32, #tpu.memory_space<vmem>>, vector<16xf32>,
        tpu.vector_store %arg15[%swap3A_2040, %swap3A_2041], %max3A_2035 {strides = array<i32>} : memref<64x128xf32, #tpu.memory_space<vmem>>, vector<16xf32>,
        %mul3A_2043 = arith.constant 16 : i32
        %mul3A_2044 = arith.muli %add3A_78, %mul3A_2043 : i32
        %add3A_2045 = arith.constant 11 : i32
        %add3A_2046 = arith.addi %mul3A_2044, %add3A_2045 : i32
        %get3A_2047 = arith.index_cast %add3A_2046 : i32 to index
        %get3A_2048 = arith.constant 96 : index
        %get3A_2049 = tpu.vector_load %arg15[%get3A_2047, %get3A_2048] {strides = array<i32>} : memref<64x128xf32, #tpu.memory_space<vmem>>, vector<16xf32>,
        %mul3A_2050 = arith.mulf %get3A_2049, %gather3A_1928 : vector<16xf32>
        %add3A_2051 = arith.addf %mul3A_2050, %get3A_49 : vector<16xf32>
        %max3A_2052 = arith.constant 0.000000e+00 : f32
        %max3A_2053 = vector.broadcast %max3A_2052 : f32 to vector<16xf32>
        %max3A_2054 = arith.maximumf %add3A_2051, %max3A_2053 : vector<16xf32>
        %mul3A_2055 = arith.constant 16 : i32
        %mul3A_2056 = arith.muli %add3A_78, %mul3A_2055 : i32
        %add3A_2057 = arith.constant 11 : i32
        %add3A_2058 = arith.addi %mul3A_2056, %add3A_2057 : i32
        %swap3A_2059 = arith.index_cast %add3A_2058 : i32 to index
        %swap3A_2060 = arith.constant 96 : index
        %swap3A_2061 = tpu.vector_load %arg15[%swap3A_2059, %swap3A_2060] {strides = array<i32>} : memref<64x128xf32, #tpu.memory_space<vmem>>, vector<16xf32>,
        tpu.vector_store %arg15[%swap3A_2059, %swap3A_2060], %max3A_2054 {strides = array<i32>} : memref<64x128xf32, #tpu.memory_space<vmem>>, vector<16xf32>,
        %mul3A_2062 = arith.constant 16 : i32
        %mul3A_2063 = arith.muli %add3A_78, %mul3A_2062 : i32
        %add3A_2064 = arith.constant 11 : i32
        %add3A_2065 = arith.addi %mul3A_2063, %add3A_2064 : i32
        %get3A_2066 = arith.index_cast %add3A_2065 : i32 to index
        %get3A_2067 = arith.constant 112 : index
        %get3A_2068 = tpu.vector_load %arg15[%get3A_2066, %get3A_2067] {strides = array<i32>} : memref<64x128xf32, #tpu.memory_space<vmem>>, vector<16xf32>,
        %mul3A_2069 = arith.mulf %get3A_2068, %gather3A_1928 : vector<16xf32>
        %add3A_2070 = arith.addf %mul3A_2069, %get3A_53 : vector<16xf32>
        %max3A_2071 = arith.constant 0.000000e+00 : f32
        %max3A_2072 = vector.broadcast %max3A_2071 : f32 to vector<16xf32>
        %max3A_2073 = arith.maximumf %add3A_2070, %max3A_2072 : vector<16xf32>
        %mul3A_2074 = arith.constant 16 : i32
        %mul3A_2075 = arith.muli %add3A_78, %mul3A_2074 : i32
        %add3A_2076 = arith.constant 11 : i32
        %add3A_2077 = arith.addi %mul3A_2075, %add3A_2076 : i32
        %swap3A_2078 = arith.index_cast %add3A_2077 : i32 to index
        %swap3A_2079 = arith.constant 112 : index
        %swap3A_2080 = tpu.vector_load %arg15[%swap3A_2078, %swap3A_2079] {strides = array<i32>} : memref<64x128xf32, #tpu.memory_space<vmem>>, vector<16xf32>,
        tpu.vector_store %arg15[%swap3A_2078, %swap3A_2079], %max3A_2073 {strides = array<i32>} : memref<64x128xf32, #tpu.memory_space<vmem>>, vector<16xf32>,
        %broadcast_in_dim3A_2081 = arith.constant 12 : i32
        %broadcast_in_dim3A_2082 = vector.broadcast %broadcast_in_dim3A_2081 : i32 to vector<16xi32>
        %lt3A_2083 = arith.constant 0 : i32
        %lt3A_2084 = vector.broadcast %lt3A_2083 : i32 to vector<16xi32>
        %lt3A_2085 = arith.cmpi slt, %broadcast_in_dim3A_2082, %lt3A_2084 : vector<16xi32>
        %add3A_2086 = arith.constant 16 : i32
        %add3A_2087 = vector.broadcast %add3A_2086 : i32 to vector<16xi32>
        %add3A_2088 = arith.addi %broadcast_in_dim3A_2082, %add3A_2087 : vector<16xi32>
        %select_n3A_2089 = arith.select %lt3A_2085, %add3A_2088, %broadcast_in_dim3A_2082 : vector<16xi1>, vector<16xi32>
        %broadcast_in_dim3A_2090 = vector.shape_cast %select_n3A_2089 : vector<16xi32> to vector<16x1xi32>
        %gather3A_2091 = vector.shape_cast %broadcast_in_dim3A_2090 : vector<16x1xi32> to vector<16xi32>
        %gather3A_2092 = tpu.dynamic_gather %get3A_116[%gather3A_2091] in [0] : vector<16xf32>, vector<16xi32> -> vector<16xf32>
        %mul3A_2093 = arith.constant 16 : i32
        %mul3A_2094 = arith.muli %add3A_78, %mul3A_2093 : i32
        %add3A_2095 = arith.constant 12 : i32
        %add3A_2096 = arith.addi %mul3A_2094, %add3A_2095 : i32
        %get3A_2097 = arith.index_cast %add3A_2096 : i32 to index
        %get3A_2098 = arith.constant 0 : index
        %get3A_2099 = tpu.vector_load %arg15[%get3A_2097, %get3A_2098] {strides = array<i32>} : memref<64x128xf32, #tpu.memory_space<vmem>>, vector<16xf32>,
        %mul3A_2100 = arith.mulf %get3A_2099, %gather3A_2092 : vector<16xf32>
        %add3A_2101 = arith.addf %mul3A_2100, %get3A_25 : vector<16xf32>
        %max3A_2102 = arith.constant 0.000000e+00 : f32
        %max3A_2103 = vector.broadcast %max3A_2102 : f32 to vector<16xf32>
        %max3A_2104 = arith.maximumf %add3A_2101, %max3A_2103 : vector<16xf32>
        %mul3A_2105 = arith.constant 16 : i32
        %mul3A_2106 = arith.muli %add3A_78, %mul3A_2105 : i32
        %add3A_2107 = arith.constant 12 : i32
        %add3A_2108 = arith.addi %mul3A_2106, %add3A_2107 : i32
        %swap3A_2109 = arith.index_cast %add3A_2108 : i32 to index
        %swap3A_2110 = arith.constant 0 : index
        %swap3A_2111 = tpu.vector_load %arg15[%swap3A_2109, %swap3A_2110] {strides = array<i32>} : memref<64x128xf32, #tpu.memory_space<vmem>>, vector<16xf32>,
        tpu.vector_store %arg15[%swap3A_2109, %swap3A_2110], %max3A_2104 {strides = array<i32>} : memref<64x128xf32, #tpu.memory_space<vmem>>, vector<16xf32>,
        %mul3A_2112 = arith.constant 16 : i32
        %mul3A_2113 = arith.muli %add3A_78, %mul3A_2112 : i32
        %add3A_2114 = arith.constant 12 : i32
        %add3A_2115 = arith.addi %mul3A_2113, %add3A_2114 : i32
        %get3A_2116 = arith.index_cast %add3A_2115 : i32 to index
        %get3A_2117 = arith.constant 16 : index
        %get3A_2118 = tpu.vector_load %arg15[%get3A_2116, %get3A_2117] {strides = array<i32>} : memref<64x128xf32, #tpu.memory_space<vmem>>, vector<16xf32>,
        %mul3A_2119 = arith.mulf %get3A_2118, %gather3A_2092 : vector<16xf32>
        %add3A_2120 = arith.addf %mul3A_2119, %get3A_29 : vector<16xf32>
        %max3A_2121 = arith.constant 0.000000e+00 : f32
        %max3A_2122 = vector.broadcast %max3A_2121 : f32 to vector<16xf32>
        %max3A_2123 = arith.maximumf %add3A_2120, %max3A_2122 : vector<16xf32>
        %mul3A_2124 = arith.constant 16 : i32
        %mul3A_2125 = arith.muli %add3A_78, %mul3A_2124 : i32
        %add3A_2126 = arith.constant 12 : i32
        %add3A_2127 = arith.addi %mul3A_2125, %add3A_2126 : i32
        %swap3A_2128 = arith.index_cast %add3A_2127 : i32 to index
        %swap3A_2129 = arith.constant 16 : index
        %swap3A_2130 = tpu.vector_load %arg15[%swap3A_2128, %swap3A_2129] {strides = array<i32>} : memref<64x128xf32, #tpu.memory_space<vmem>>, vector<16xf32>,
        tpu.vector_store %arg15[%swap3A_2128, %swap3A_2129], %max3A_2123 {strides = array<i32>} : memref<64x128xf32, #tpu.memory_space<vmem>>, vector<16xf32>,
        %mul3A_2131 = arith.constant 16 : i32
        %mul3A_2132 = arith.muli %add3A_78, %mul3A_2131 : i32
        %add3A_2133 = arith.constant 12 : i32
        %add3A_2134 = arith.addi %mul3A_2132, %add3A_2133 : i32
        %get3A_2135 = arith.index_cast %add3A_2134 : i32 to index
        %get3A_2136 = arith.constant 32 : index
        %get3A_2137 = tpu.vector_load %arg15[%get3A_2135, %get3A_2136] {strides = array<i32>} : memref<64x128xf32, #tpu.memory_space<vmem>>, vector<16xf32>,
        %mul3A_2138 = arith.mulf %get3A_2137, %gather3A_2092 : vector<16xf32>
        %add3A_2139 = arith.addf %mul3A_2138, %get3A_33 : vector<16xf32>
        %max3A_2140 = arith.constant 0.000000e+00 : f32
        %max3A_2141 = vector.broadcast %max3A_2140 : f32 to vector<16xf32>
        %max3A_2142 = arith.maximumf %add3A_2139, %max3A_2141 : vector<16xf32>
        %mul3A_2143 = arith.constant 16 : i32
        %mul3A_2144 = arith.muli %add3A_78, %mul3A_2143 : i32
        %add3A_2145 = arith.constant 12 : i32
        %add3A_2146 = arith.addi %mul3A_2144, %add3A_2145 : i32
        %swap3A_2147 = arith.index_cast %add3A_2146 : i32 to index
        %swap3A_2148 = arith.constant 32 : index
        %swap3A_2149 = tpu.vector_load %arg15[%swap3A_2147, %swap3A_2148] {strides = array<i32>} : memref<64x128xf32, #tpu.memory_space<vmem>>, vector<16xf32>,
        tpu.vector_store %arg15[%swap3A_2147, %swap3A_2148], %max3A_2142 {strides = array<i32>} : memref<64x128xf32, #tpu.memory_space<vmem>>, vector<16xf32>,
        %mul3A_2150 = arith.constant 16 : i32
        %mul3A_2151 = arith.muli %add3A_78, %mul3A_2150 : i32
        %add3A_2152 = arith.constant 12 : i32
        %add3A_2153 = arith.addi %mul3A_2151, %add3A_2152 : i32
        %get3A_2154 = arith.index_cast %add3A_2153 : i32 to index
        %get3A_2155 = arith.constant 48 : index
        %get3A_2156 = tpu.vector_load %arg15[%get3A_2154, %get3A_2155] {strides = array<i32>} : memref<64x128xf32, #tpu.memory_space<vmem>>, vector<16xf32>,
        %mul3A_2157 = arith.mulf %get3A_2156, %gather3A_2092 : vector<16xf32>
        %add3A_2158 = arith.addf %mul3A_2157, %get3A_37 : vector<16xf32>
        %max3A_2159 = arith.constant 0.000000e+00 : f32
        %max3A_2160 = vector.broadcast %max3A_2159 : f32 to vector<16xf32>
        %max3A_2161 = arith.maximumf %add3A_2158, %max3A_2160 : vector<16xf32>
        %mul3A_2162 = arith.constant 16 : i32
        %mul3A_2163 = arith.muli %add3A_78, %mul3A_2162 : i32
        %add3A_2164 = arith.constant 12 : i32
        %add3A_2165 = arith.addi %mul3A_2163, %add3A_2164 : i32
        %swap3A_2166 = arith.index_cast %add3A_2165 : i32 to index
        %swap3A_2167 = arith.constant 48 : index
        %swap3A_2168 = tpu.vector_load %arg15[%swap3A_2166, %swap3A_2167] {strides = array<i32>} : memref<64x128xf32, #tpu.memory_space<vmem>>, vector<16xf32>,
        tpu.vector_store %arg15[%swap3A_2166, %swap3A_2167], %max3A_2161 {strides = array<i32>} : memref<64x128xf32, #tpu.memory_space<vmem>>, vector<16xf32>,
        %mul3A_2169 = arith.constant 16 : i32
        %mul3A_2170 = arith.muli %add3A_78, %mul3A_2169 : i32
        %add3A_2171 = arith.constant 12 : i32
        %add3A_2172 = arith.addi %mul3A_2170, %add3A_2171 : i32
        %get3A_2173 = arith.index_cast %add3A_2172 : i32 to index
        %get3A_2174 = arith.constant 64 : index
        %get3A_2175 = tpu.vector_load %arg15[%get3A_2173, %get3A_2174] {strides = array<i32>} : memref<64x128xf32, #tpu.memory_space<vmem>>, vector<16xf32>,
        %mul3A_2176 = arith.mulf %get3A_2175, %gather3A_2092 : vector<16xf32>
        %add3A_2177 = arith.addf %mul3A_2176, %get3A_41 : vector<16xf32>
        %max3A_2178 = arith.constant 0.000000e+00 : f32
        %max3A_2179 = vector.broadcast %max3A_2178 : f32 to vector<16xf32>
        %max3A_2180 = arith.maximumf %add3A_2177, %max3A_2179 : vector<16xf32>
        %mul3A_2181 = arith.constant 16 : i32
        %mul3A_2182 = arith.muli %add3A_78, %mul3A_2181 : i32
        %add3A_2183 = arith.constant 12 : i32
        %add3A_2184 = arith.addi %mul3A_2182, %add3A_2183 : i32
        %swap3A_2185 = arith.index_cast %add3A_2184 : i32 to index
        %swap3A_2186 = arith.constant 64 : index
        %swap3A_2187 = tpu.vector_load %arg15[%swap3A_2185, %swap3A_2186] {strides = array<i32>} : memref<64x128xf32, #tpu.memory_space<vmem>>, vector<16xf32>,
        tpu.vector_store %arg15[%swap3A_2185, %swap3A_2186], %max3A_2180 {strides = array<i32>} : memref<64x128xf32, #tpu.memory_space<vmem>>, vector<16xf32>,
        %mul3A_2188 = arith.constant 16 : i32
        %mul3A_2189 = arith.muli %add3A_78, %mul3A_2188 : i32
        %add3A_2190 = arith.constant 12 : i32
        %add3A_2191 = arith.addi %mul3A_2189, %add3A_2190 : i32
        %get3A_2192 = arith.index_cast %add3A_2191 : i32 to index
        %get3A_2193 = arith.constant 80 : index
        %get3A_2194 = tpu.vector_load %arg15[%get3A_2192, %get3A_2193] {strides = array<i32>} : memref<64x128xf32, #tpu.memory_space<vmem>>, vector<16xf32>,
        %mul3A_2195 = arith.mulf %get3A_2194, %gather3A_2092 : vector<16xf32>
        %add3A_2196 = arith.addf %mul3A_2195, %get3A_45 : vector<16xf32>
        %max3A_2197 = arith.constant 0.000000e+00 : f32
        %max3A_2198 = vector.broadcast %max3A_2197 : f32 to vector<16xf32>
        %max3A_2199 = arith.maximumf %add3A_2196, %max3A_2198 : vector<16xf32>
        %mul3A_2200 = arith.constant 16 : i32
        %mul3A_2201 = arith.muli %add3A_78, %mul3A_2200 : i32
        %add3A_2202 = arith.constant 12 : i32
        %add3A_2203 = arith.addi %mul3A_2201, %add3A_2202 : i32
        %swap3A_2204 = arith.index_cast %add3A_2203 : i32 to index
        %swap3A_2205 = arith.constant 80 : index
        %swap3A_2206 = tpu.vector_load %arg15[%swap3A_2204, %swap3A_2205] {strides = array<i32>} : memref<64x128xf32, #tpu.memory_space<vmem>>, vector<16xf32>,
        tpu.vector_store %arg15[%swap3A_2204, %swap3A_2205], %max3A_2199 {strides = array<i32>} : memref<64x128xf32, #tpu.memory_space<vmem>>, vector<16xf32>,
        %mul3A_2207 = arith.constant 16 : i32
        %mul3A_2208 = arith.muli %add3A_78, %mul3A_2207 : i32
        %add3A_2209 = arith.constant 12 : i32
        %add3A_2210 = arith.addi %mul3A_2208, %add3A_2209 : i32
        %get3A_2211 = arith.index_cast %add3A_2210 : i32 to index
        %get3A_2212 = arith.constant 96 : index
        %get3A_2213 = tpu.vector_load %arg15[%get3A_2211, %get3A_2212] {strides = array<i32>} : memref<64x128xf32, #tpu.memory_space<vmem>>, vector<16xf32>,
        %mul3A_2214 = arith.mulf %get3A_2213, %gather3A_2092 : vector<16xf32>
        %add3A_2215 = arith.addf %mul3A_2214, %get3A_49 : vector<16xf32>
        %max3A_2216 = arith.constant 0.000000e+00 : f32
        %max3A_2217 = vector.broadcast %max3A_2216 : f32 to vector<16xf32>
        %max3A_2218 = arith.maximumf %add3A_2215, %max3A_2217 : vector<16xf32>
        %mul3A_2219 = arith.constant 16 : i32
        %mul3A_2220 = arith.muli %add3A_78, %mul3A_2219 : i32
        %add3A_2221 = arith.constant 12 : i32
        %add3A_2222 = arith.addi %mul3A_2220, %add3A_2221 : i32
        %swap3A_2223 = arith.index_cast %add3A_2222 : i32 to index
        %swap3A_2224 = arith.constant 96 : index
        %swap3A_2225 = tpu.vector_load %arg15[%swap3A_2223, %swap3A_2224] {strides = array<i32>} : memref<64x128xf32, #tpu.memory_space<vmem>>, vector<16xf32>,
        tpu.vector_store %arg15[%swap3A_2223, %swap3A_2224], %max3A_2218 {strides = array<i32>} : memref<64x128xf32, #tpu.memory_space<vmem>>, vector<16xf32>,
        %mul3A_2226 = arith.constant 16 : i32
        %mul3A_2227 = arith.muli %add3A_78, %mul3A_2226 : i32
        %add3A_2228 = arith.constant 12 : i32
        %add3A_2229 = arith.addi %mul3A_2227, %add3A_2228 : i32
        %get3A_2230 = arith.index_cast %add3A_2229 : i32 to index
        %get3A_2231 = arith.constant 112 : index
        %get3A_2232 = tpu.vector_load %arg15[%get3A_2230, %get3A_2231] {strides = array<i32>} : memref<64x128xf32, #tpu.memory_space<vmem>>, vector<16xf32>,
        %mul3A_2233 = arith.mulf %get3A_2232, %gather3A_2092 : vector<16xf32>
        %add3A_2234 = arith.addf %mul3A_2233, %get3A_53 : vector<16xf32>
        %max3A_2235 = arith.constant 0.000000e+00 : f32
        %max3A_2236 = vector.broadcast %max3A_2235 : f32 to vector<16xf32>
        %max3A_2237 = arith.maximumf %add3A_2234, %max3A_2236 : vector<16xf32>
        %mul3A_2238 = arith.constant 16 : i32
        %mul3A_2239 = arith.muli %add3A_78, %mul3A_2238 : i32
        %add3A_2240 = arith.constant 12 : i32
        %add3A_2241 = arith.addi %mul3A_2239, %add3A_2240 : i32
        %swap3A_2242 = arith.index_cast %add3A_2241 : i32 to index
        %swap3A_2243 = arith.constant 112 : index
        %swap3A_2244 = tpu.vector_load %arg15[%swap3A_2242, %swap3A_2243] {strides = array<i32>} : memref<64x128xf32, #tpu.memory_space<vmem>>, vector<16xf32>,
        tpu.vector_store %arg15[%swap3A_2242, %swap3A_2243], %max3A_2237 {strides = array<i32>} : memref<64x128xf32, #tpu.memory_space<vmem>>, vector<16xf32>,
        %broadcast_in_dim3A_2245 = arith.constant 13 : i32
        %broadcast_in_dim3A_2246 = vector.broadcast %broadcast_in_dim3A_2245 : i32 to vector<16xi32>
        %lt3A_2247 = arith.constant 0 : i32
        %lt3A_2248 = vector.broadcast %lt3A_2247 : i32 to vector<16xi32>
        %lt3A_2249 = arith.cmpi slt, %broadcast_in_dim3A_2246, %lt3A_2248 : vector<16xi32>
        %add3A_2250 = arith.constant 16 : i32
        %add3A_2251 = vector.broadcast %add3A_2250 : i32 to vector<16xi32>
        %add3A_2252 = arith.addi %broadcast_in_dim3A_2246, %add3A_2251 : vector<16xi32>
        %select_n3A_2253 = arith.select %lt3A_2249, %add3A_2252, %broadcast_in_dim3A_2246 : vector<16xi1>, vector<16xi32>
        %broadcast_in_dim3A_2254 = vector.shape_cast %select_n3A_2253 : vector<16xi32> to vector<16x1xi32>
        %gather3A_2255 = vector.shape_cast %broadcast_in_dim3A_2254 : vector<16x1xi32> to vector<16xi32>
        %gather3A_2256 = tpu.dynamic_gather %get3A_116[%gather3A_2255] in [0] : vector<16xf32>, vector<16xi32> -> vector<16xf32>
        %mul3A_2257 = arith.constant 16 : i32
        %mul3A_2258 = arith.muli %add3A_78, %mul3A_2257 : i32
        %add3A_2259 = arith.constant 13 : i32
        %add3A_2260 = arith.addi %mul3A_2258, %add3A_2259 : i32
        %get3A_2261 = arith.index_cast %add3A_2260 : i32 to index
        %get3A_2262 = arith.constant 0 : index
        %get3A_2263 = tpu.vector_load %arg15[%get3A_2261, %get3A_2262] {strides = array<i32>} : memref<64x128xf32, #tpu.memory_space<vmem>>, vector<16xf32>,
        %mul3A_2264 = arith.mulf %get3A_2263, %gather3A_2256 : vector<16xf32>
        %add3A_2265 = arith.addf %mul3A_2264, %get3A_25 : vector<16xf32>
        %max3A_2266 = arith.constant 0.000000e+00 : f32
        %max3A_2267 = vector.broadcast %max3A_2266 : f32 to vector<16xf32>
        %max3A_2268 = arith.maximumf %add3A_2265, %max3A_2267 : vector<16xf32>
        %mul3A_2269 = arith.constant 16 : i32
        %mul3A_2270 = arith.muli %add3A_78, %mul3A_2269 : i32
        %add3A_2271 = arith.constant 13 : i32
        %add3A_2272 = arith.addi %mul3A_2270, %add3A_2271 : i32
        %swap3A_2273 = arith.index_cast %add3A_2272 : i32 to index
        %swap3A_2274 = arith.constant 0 : index
        %swap3A_2275 = tpu.vector_load %arg15[%swap3A_2273, %swap3A_2274] {strides = array<i32>} : memref<64x128xf32, #tpu.memory_space<vmem>>, vector<16xf32>,
        tpu.vector_store %arg15[%swap3A_2273, %swap3A_2274], %max3A_2268 {strides = array<i32>} : memref<64x128xf32, #tpu.memory_space<vmem>>, vector<16xf32>,
        %mul3A_2276 = arith.constant 16 : i32
        %mul3A_2277 = arith.muli %add3A_78, %mul3A_2276 : i32
        %add3A_2278 = arith.constant 13 : i32
        %add3A_2279 = arith.addi %mul3A_2277, %add3A_2278 : i32
        %get3A_2280 = arith.index_cast %add3A_2279 : i32 to index
        %get3A_2281 = arith.constant 16 : index
        %get3A_2282 = tpu.vector_load %arg15[%get3A_2280, %get3A_2281] {strides = array<i32>} : memref<64x128xf32, #tpu.memory_space<vmem>>, vector<16xf32>,
        %mul3A_2283 = arith.mulf %get3A_2282, %gather3A_2256 : vector<16xf32>
        %add3A_2284 = arith.addf %mul3A_2283, %get3A_29 : vector<16xf32>
        %max3A_2285 = arith.constant 0.000000e+00 : f32
        %max3A_2286 = vector.broadcast %max3A_2285 : f32 to vector<16xf32>
        %max3A_2287 = arith.maximumf %add3A_2284, %max3A_2286 : vector<16xf32>
        %mul3A_2288 = arith.constant 16 : i32
        %mul3A_2289 = arith.muli %add3A_78, %mul3A_2288 : i32
        %add3A_2290 = arith.constant 13 : i32
        %add3A_2291 = arith.addi %mul3A_2289, %add3A_2290 : i32
        %swap3A_2292 = arith.index_cast %add3A_2291 : i32 to index
        %swap3A_2293 = arith.constant 16 : index
        %swap3A_2294 = tpu.vector_load %arg15[%swap3A_2292, %swap3A_2293] {strides = array<i32>} : memref<64x128xf32, #tpu.memory_space<vmem>>, vector<16xf32>,
        tpu.vector_store %arg15[%swap3A_2292, %swap3A_2293], %max3A_2287 {strides = array<i32>} : memref<64x128xf32, #tpu.memory_space<vmem>>, vector<16xf32>,
        %mul3A_2295 = arith.constant 16 : i32
        %mul3A_2296 = arith.muli %add3A_78, %mul3A_2295 : i32
        %add3A_2297 = arith.constant 13 : i32
        %add3A_2298 = arith.addi %mul3A_2296, %add3A_2297 : i32
        %get3A_2299 = arith.index_cast %add3A_2298 : i32 to index
        %get3A_2300 = arith.constant 32 : index
        %get3A_2301 = tpu.vector_load %arg15[%get3A_2299, %get3A_2300] {strides = array<i32>} : memref<64x128xf32, #tpu.memory_space<vmem>>, vector<16xf32>,
        %mul3A_2302 = arith.mulf %get3A_2301, %gather3A_2256 : vector<16xf32>
        %add3A_2303 = arith.addf %mul3A_2302, %get3A_33 : vector<16xf32>
        %max3A_2304 = arith.constant 0.000000e+00 : f32
        %max3A_2305 = vector.broadcast %max3A_2304 : f32 to vector<16xf32>
        %max3A_2306 = arith.maximumf %add3A_2303, %max3A_2305 : vector<16xf32>
        %mul3A_2307 = arith.constant 16 : i32
        %mul3A_2308 = arith.muli %add3A_78, %mul3A_2307 : i32
        %add3A_2309 = arith.constant 13 : i32
        %add3A_2310 = arith.addi %mul3A_2308, %add3A_2309 : i32
        %swap3A_2311 = arith.index_cast %add3A_2310 : i32 to index
        %swap3A_2312 = arith.constant 32 : index
        %swap3A_2313 = tpu.vector_load %arg15[%swap3A_2311, %swap3A_2312] {strides = array<i32>} : memref<64x128xf32, #tpu.memory_space<vmem>>, vector<16xf32>,
        tpu.vector_store %arg15[%swap3A_2311, %swap3A_2312], %max3A_2306 {strides = array<i32>} : memref<64x128xf32, #tpu.memory_space<vmem>>, vector<16xf32>,
        %mul3A_2314 = arith.constant 16 : i32
        %mul3A_2315 = arith.muli %add3A_78, %mul3A_2314 : i32
        %add3A_2316 = arith.constant 13 : i32
        %add3A_2317 = arith.addi %mul3A_2315, %add3A_2316 : i32
        %get3A_2318 = arith.index_cast %add3A_2317 : i32 to index
        %get3A_2319 = arith.constant 48 : index
        %get3A_2320 = tpu.vector_load %arg15[%get3A_2318, %get3A_2319] {strides = array<i32>} : memref<64x128xf32, #tpu.memory_space<vmem>>, vector<16xf32>,
        %mul3A_2321 = arith.mulf %get3A_2320, %gather3A_2256 : vector<16xf32>
        %add3A_2322 = arith.addf %mul3A_2321, %get3A_37 : vector<16xf32>
        %max3A_2323 = arith.constant 0.000000e+00 : f32
        %max3A_2324 = vector.broadcast %max3A_2323 : f32 to vector<16xf32>
        %max3A_2325 = arith.maximumf %add3A_2322, %max3A_2324 : vector<16xf32>
        %mul3A_2326 = arith.constant 16 : i32
        %mul3A_2327 = arith.muli %add3A_78, %mul3A_2326 : i32
        %add3A_2328 = arith.constant 13 : i32
        %add3A_2329 = arith.addi %mul3A_2327, %add3A_2328 : i32
        %swap3A_2330 = arith.index_cast %add3A_2329 : i32 to index
        %swap3A_2331 = arith.constant 48 : index
        %swap3A_2332 = tpu.vector_load %arg15[%swap3A_2330, %swap3A_2331] {strides = array<i32>} : memref<64x128xf32, #tpu.memory_space<vmem>>, vector<16xf32>,
        tpu.vector_store %arg15[%swap3A_2330, %swap3A_2331], %max3A_2325 {strides = array<i32>} : memref<64x128xf32, #tpu.memory_space<vmem>>, vector<16xf32>,
        %mul3A_2333 = arith.constant 16 : i32
        %mul3A_2334 = arith.muli %add3A_78, %mul3A_2333 : i32
        %add3A_2335 = arith.constant 13 : i32
        %add3A_2336 = arith.addi %mul3A_2334, %add3A_2335 : i32
        %get3A_2337 = arith.index_cast %add3A_2336 : i32 to index
        %get3A_2338 = arith.constant 64 : index
        %get3A_2339 = tpu.vector_load %arg15[%get3A_2337, %get3A_2338] {strides = array<i32>} : memref<64x128xf32, #tpu.memory_space<vmem>>, vector<16xf32>,
        %mul3A_2340 = arith.mulf %get3A_2339, %gather3A_2256 : vector<16xf32>
        %add3A_2341 = arith.addf %mul3A_2340, %get3A_41 : vector<16xf32>
        %max3A_2342 = arith.constant 0.000000e+00 : f32
        %max3A_2343 = vector.broadcast %max3A_2342 : f32 to vector<16xf32>
        %max3A_2344 = arith.maximumf %add3A_2341, %max3A_2343 : vector<16xf32>
        %mul3A_2345 = arith.constant 16 : i32
        %mul3A_2346 = arith.muli %add3A_78, %mul3A_2345 : i32
        %add3A_2347 = arith.constant 13 : i32
        %add3A_2348 = arith.addi %mul3A_2346, %add3A_2347 : i32
        %swap3A_2349 = arith.index_cast %add3A_2348 : i32 to index
        %swap3A_2350 = arith.constant 64 : index
        %swap3A_2351 = tpu.vector_load %arg15[%swap3A_2349, %swap3A_2350] {strides = array<i32>} : memref<64x128xf32, #tpu.memory_space<vmem>>, vector<16xf32>,
        tpu.vector_store %arg15[%swap3A_2349, %swap3A_2350], %max3A_2344 {strides = array<i32>} : memref<64x128xf32, #tpu.memory_space<vmem>>, vector<16xf32>,
        %mul3A_2352 = arith.constant 16 : i32
        %mul3A_2353 = arith.muli %add3A_78, %mul3A_2352 : i32
        %add3A_2354 = arith.constant 13 : i32
        %add3A_2355 = arith.addi %mul3A_2353, %add3A_2354 : i32
        %get3A_2356 = arith.index_cast %add3A_2355 : i32 to index
        %get3A_2357 = arith.constant 80 : index
        %get3A_2358 = tpu.vector_load %arg15[%get3A_2356, %get3A_2357] {strides = array<i32>} : memref<64x128xf32, #tpu.memory_space<vmem>>, vector<16xf32>,
        %mul3A_2359 = arith.mulf %get3A_2358, %gather3A_2256 : vector<16xf32>
        %add3A_2360 = arith.addf %mul3A_2359, %get3A_45 : vector<16xf32>
        %max3A_2361 = arith.constant 0.000000e+00 : f32
        %max3A_2362 = vector.broadcast %max3A_2361 : f32 to vector<16xf32>
        %max3A_2363 = arith.maximumf %add3A_2360, %max3A_2362 : vector<16xf32>
        %mul3A_2364 = arith.constant 16 : i32
        %mul3A_2365 = arith.muli %add3A_78, %mul3A_2364 : i32
        %add3A_2366 = arith.constant 13 : i32
        %add3A_2367 = arith.addi %mul3A_2365, %add3A_2366 : i32
        %swap3A_2368 = arith.index_cast %add3A_2367 : i32 to index
        %swap3A_2369 = arith.constant 80 : index
        %swap3A_2370 = tpu.vector_load %arg15[%swap3A_2368, %swap3A_2369] {strides = array<i32>} : memref<64x128xf32, #tpu.memory_space<vmem>>, vector<16xf32>,
        tpu.vector_store %arg15[%swap3A_2368, %swap3A_2369], %max3A_2363 {strides = array<i32>} : memref<64x128xf32, #tpu.memory_space<vmem>>, vector<16xf32>,
        %mul3A_2371 = arith.constant 16 : i32
        %mul3A_2372 = arith.muli %add3A_78, %mul3A_2371 : i32
        %add3A_2373 = arith.constant 13 : i32
        %add3A_2374 = arith.addi %mul3A_2372, %add3A_2373 : i32
        %get3A_2375 = arith.index_cast %add3A_2374 : i32 to index
        %get3A_2376 = arith.constant 96 : index
        %get3A_2377 = tpu.vector_load %arg15[%get3A_2375, %get3A_2376] {strides = array<i32>} : memref<64x128xf32, #tpu.memory_space<vmem>>, vector<16xf32>,
        %mul3A_2378 = arith.mulf %get3A_2377, %gather3A_2256 : vector<16xf32>
        %add3A_2379 = arith.addf %mul3A_2378, %get3A_49 : vector<16xf32>
        %max3A_2380 = arith.constant 0.000000e+00 : f32
        %max3A_2381 = vector.broadcast %max3A_2380 : f32 to vector<16xf32>
        %max3A_2382 = arith.maximumf %add3A_2379, %max3A_2381 : vector<16xf32>
        %mul3A_2383 = arith.constant 16 : i32
        %mul3A_2384 = arith.muli %add3A_78, %mul3A_2383 : i32
        %add3A_2385 = arith.constant 13 : i32
        %add3A_2386 = arith.addi %mul3A_2384, %add3A_2385 : i32
        %swap3A_2387 = arith.index_cast %add3A_2386 : i32 to index
        %swap3A_2388 = arith.constant 96 : index
        %swap3A_2389 = tpu.vector_load %arg15[%swap3A_2387, %swap3A_2388] {strides = array<i32>} : memref<64x128xf32, #tpu.memory_space<vmem>>, vector<16xf32>,
        tpu.vector_store %arg15[%swap3A_2387, %swap3A_2388], %max3A_2382 {strides = array<i32>} : memref<64x128xf32, #tpu.memory_space<vmem>>, vector<16xf32>,
        %mul3A_2390 = arith.constant 16 : i32
        %mul3A_2391 = arith.muli %add3A_78, %mul3A_2390 : i32
        %add3A_2392 = arith.constant 13 : i32
        %add3A_2393 = arith.addi %mul3A_2391, %add3A_2392 : i32
        %get3A_2394 = arith.index_cast %add3A_2393 : i32 to index
        %get3A_2395 = arith.constant 112 : index
        %get3A_2396 = tpu.vector_load %arg15[%get3A_2394, %get3A_2395] {strides = array<i32>} : memref<64x128xf32, #tpu.memory_space<vmem>>, vector<16xf32>,
        %mul3A_2397 = arith.mulf %get3A_2396, %gather3A_2256 : vector<16xf32>
        %add3A_2398 = arith.addf %mul3A_2397, %get3A_53 : vector<16xf32>
        %max3A_2399 = arith.constant 0.000000e+00 : f32
        %max3A_2400 = vector.broadcast %max3A_2399 : f32 to vector<16xf32>
        %max3A_2401 = arith.maximumf %add3A_2398, %max3A_2400 : vector<16xf32>
        %mul3A_2402 = arith.constant 16 : i32
        %mul3A_2403 = arith.muli %add3A_78, %mul3A_2402 : i32
        %add3A_2404 = arith.constant 13 : i32
        %add3A_2405 = arith.addi %mul3A_2403, %add3A_2404 : i32
        %swap3A_2406 = arith.index_cast %add3A_2405 : i32 to index
        %swap3A_2407 = arith.constant 112 : index
        %swap3A_2408 = tpu.vector_load %arg15[%swap3A_2406, %swap3A_2407] {strides = array<i32>} : memref<64x128xf32, #tpu.memory_space<vmem>>, vector<16xf32>,
        tpu.vector_store %arg15[%swap3A_2406, %swap3A_2407], %max3A_2401 {strides = array<i32>} : memref<64x128xf32, #tpu.memory_space<vmem>>, vector<16xf32>,
        %broadcast_in_dim3A_2409 = arith.constant 14 : i32
        %broadcast_in_dim3A_2410 = vector.broadcast %broadcast_in_dim3A_2409 : i32 to vector<16xi32>
        %lt3A_2411 = arith.constant 0 : i32
        %lt3A_2412 = vector.broadcast %lt3A_2411 : i32 to vector<16xi32>
        %lt3A_2413 = arith.cmpi slt, %broadcast_in_dim3A_2410, %lt3A_2412 : vector<16xi32>
        %add3A_2414 = arith.constant 16 : i32
        %add3A_2415 = vector.broadcast %add3A_2414 : i32 to vector<16xi32>
        %add3A_2416 = arith.addi %broadcast_in_dim3A_2410, %add3A_2415 : vector<16xi32>
        %select_n3A_2417 = arith.select %lt3A_2413, %add3A_2416, %broadcast_in_dim3A_2410 : vector<16xi1>, vector<16xi32>
        %broadcast_in_dim3A_2418 = vector.shape_cast %select_n3A_2417 : vector<16xi32> to vector<16x1xi32>
        %gather3A_2419 = vector.shape_cast %broadcast_in_dim3A_2418 : vector<16x1xi32> to vector<16xi32>
        %gather3A_2420 = tpu.dynamic_gather %get3A_116[%gather3A_2419] in [0] : vector<16xf32>, vector<16xi32> -> vector<16xf32>
        %mul3A_2421 = arith.constant 16 : i32
        %mul3A_2422 = arith.muli %add3A_78, %mul3A_2421 : i32
        %add3A_2423 = arith.constant 14 : i32
        %add3A_2424 = arith.addi %mul3A_2422, %add3A_2423 : i32
        %get3A_2425 = arith.index_cast %add3A_2424 : i32 to index
        %get3A_2426 = arith.constant 0 : index
        %get3A_2427 = tpu.vector_load %arg15[%get3A_2425, %get3A_2426] {strides = array<i32>} : memref<64x128xf32, #tpu.memory_space<vmem>>, vector<16xf32>,
        %mul3A_2428 = arith.mulf %get3A_2427, %gather3A_2420 : vector<16xf32>
        %add3A_2429 = arith.addf %mul3A_2428, %get3A_25 : vector<16xf32>
        %max3A_2430 = arith.constant 0.000000e+00 : f32
        %max3A_2431 = vector.broadcast %max3A_2430 : f32 to vector<16xf32>
        %max3A_2432 = arith.maximumf %add3A_2429, %max3A_2431 : vector<16xf32>
        %mul3A_2433 = arith.constant 16 : i32
        %mul3A_2434 = arith.muli %add3A_78, %mul3A_2433 : i32
        %add3A_2435 = arith.constant 14 : i32
        %add3A_2436 = arith.addi %mul3A_2434, %add3A_2435 : i32
        %swap3A_2437 = arith.index_cast %add3A_2436 : i32 to index
        %swap3A_2438 = arith.constant 0 : index
        %swap3A_2439 = tpu.vector_load %arg15[%swap3A_2437, %swap3A_2438] {strides = array<i32>} : memref<64x128xf32, #tpu.memory_space<vmem>>, vector<16xf32>,
        tpu.vector_store %arg15[%swap3A_2437, %swap3A_2438], %max3A_2432 {strides = array<i32>} : memref<64x128xf32, #tpu.memory_space<vmem>>, vector<16xf32>,
        %mul3A_2440 = arith.constant 16 : i32
        %mul3A_2441 = arith.muli %add3A_78, %mul3A_2440 : i32
        %add3A_2442 = arith.constant 14 : i32
        %add3A_2443 = arith.addi %mul3A_2441, %add3A_2442 : i32
        %get3A_2444 = arith.index_cast %add3A_2443 : i32 to index
        %get3A_2445 = arith.constant 16 : index
        %get3A_2446 = tpu.vector_load %arg15[%get3A_2444, %get3A_2445] {strides = array<i32>} : memref<64x128xf32, #tpu.memory_space<vmem>>, vector<16xf32>,
        %mul3A_2447 = arith.mulf %get3A_2446, %gather3A_2420 : vector<16xf32>
        %add3A_2448 = arith.addf %mul3A_2447, %get3A_29 : vector<16xf32>
        %max3A_2449 = arith.constant 0.000000e+00 : f32
        %max3A_2450 = vector.broadcast %max3A_2449 : f32 to vector<16xf32>
        %max3A_2451 = arith.maximumf %add3A_2448, %max3A_2450 : vector<16xf32>
        %mul3A_2452 = arith.constant 16 : i32
        %mul3A_2453 = arith.muli %add3A_78, %mul3A_2452 : i32
        %add3A_2454 = arith.constant 14 : i32
        %add3A_2455 = arith.addi %mul3A_2453, %add3A_2454 : i32
        %swap3A_2456 = arith.index_cast %add3A_2455 : i32 to index
        %swap3A_2457 = arith.constant 16 : index
        %swap3A_2458 = tpu.vector_load %arg15[%swap3A_2456, %swap3A_2457] {strides = array<i32>} : memref<64x128xf32, #tpu.memory_space<vmem>>, vector<16xf32>,
        tpu.vector_store %arg15[%swap3A_2456, %swap3A_2457], %max3A_2451 {strides = array<i32>} : memref<64x128xf32, #tpu.memory_space<vmem>>, vector<16xf32>,
        %mul3A_2459 = arith.constant 16 : i32
        %mul3A_2460 = arith.muli %add3A_78, %mul3A_2459 : i32
        %add3A_2461 = arith.constant 14 : i32
        %add3A_2462 = arith.addi %mul3A_2460, %add3A_2461 : i32
        %get3A_2463 = arith.index_cast %add3A_2462 : i32 to index
        %get3A_2464 = arith.constant 32 : index
        %get3A_2465 = tpu.vector_load %arg15[%get3A_2463, %get3A_2464] {strides = array<i32>} : memref<64x128xf32, #tpu.memory_space<vmem>>, vector<16xf32>,
        %mul3A_2466 = arith.mulf %get3A_2465, %gather3A_2420 : vector<16xf32>
        %add3A_2467 = arith.addf %mul3A_2466, %get3A_33 : vector<16xf32>
        %max3A_2468 = arith.constant 0.000000e+00 : f32
        %max3A_2469 = vector.broadcast %max3A_2468 : f32 to vector<16xf32>
        %max3A_2470 = arith.maximumf %add3A_2467, %max3A_2469 : vector<16xf32>
        %mul3A_2471 = arith.constant 16 : i32
        %mul3A_2472 = arith.muli %add3A_78, %mul3A_2471 : i32
        %add3A_2473 = arith.constant 14 : i32
        %add3A_2474 = arith.addi %mul3A_2472, %add3A_2473 : i32
        %swap3A_2475 = arith.index_cast %add3A_2474 : i32 to index
        %swap3A_2476 = arith.constant 32 : index
        %swap3A_2477 = tpu.vector_load %arg15[%swap3A_2475, %swap3A_2476] {strides = array<i32>} : memref<64x128xf32, #tpu.memory_space<vmem>>, vector<16xf32>,
        tpu.vector_store %arg15[%swap3A_2475, %swap3A_2476], %max3A_2470 {strides = array<i32>} : memref<64x128xf32, #tpu.memory_space<vmem>>, vector<16xf32>,
        %mul3A_2478 = arith.constant 16 : i32
        %mul3A_2479 = arith.muli %add3A_78, %mul3A_2478 : i32
        %add3A_2480 = arith.constant 14 : i32
        %add3A_2481 = arith.addi %mul3A_2479, %add3A_2480 : i32
        %get3A_2482 = arith.index_cast %add3A_2481 : i32 to index
        %get3A_2483 = arith.constant 48 : index
        %get3A_2484 = tpu.vector_load %arg15[%get3A_2482, %get3A_2483] {strides = array<i32>} : memref<64x128xf32, #tpu.memory_space<vmem>>, vector<16xf32>,
        %mul3A_2485 = arith.mulf %get3A_2484, %gather3A_2420 : vector<16xf32>
        %add3A_2486 = arith.addf %mul3A_2485, %get3A_37 : vector<16xf32>
        %max3A_2487 = arith.constant 0.000000e+00 : f32
        %max3A_2488 = vector.broadcast %max3A_2487 : f32 to vector<16xf32>
        %max3A_2489 = arith.maximumf %add3A_2486, %max3A_2488 : vector<16xf32>
        %mul3A_2490 = arith.constant 16 : i32
        %mul3A_2491 = arith.muli %add3A_78, %mul3A_2490 : i32
        %add3A_2492 = arith.constant 14 : i32
        %add3A_2493 = arith.addi %mul3A_2491, %add3A_2492 : i32
        %swap3A_2494 = arith.index_cast %add3A_2493 : i32 to index
        %swap3A_2495 = arith.constant 48 : index
        %swap3A_2496 = tpu.vector_load %arg15[%swap3A_2494, %swap3A_2495] {strides = array<i32>} : memref<64x128xf32, #tpu.memory_space<vmem>>, vector<16xf32>,
        tpu.vector_store %arg15[%swap3A_2494, %swap3A_2495], %max3A_2489 {strides = array<i32>} : memref<64x128xf32, #tpu.memory_space<vmem>>, vector<16xf32>,
        %mul3A_2497 = arith.constant 16 : i32
        %mul3A_2498 = arith.muli %add3A_78, %mul3A_2497 : i32
        %add3A_2499 = arith.constant 14 : i32
        %add3A_2500 = arith.addi %mul3A_2498, %add3A_2499 : i32
        %get3A_2501 = arith.index_cast %add3A_2500 : i32 to index
        %get3A_2502 = arith.constant 64 : index
        %get3A_2503 = tpu.vector_load %arg15[%get3A_2501, %get3A_2502] {strides = array<i32>} : memref<64x128xf32, #tpu.memory_space<vmem>>, vector<16xf32>,
        %mul3A_2504 = arith.mulf %get3A_2503, %gather3A_2420 : vector<16xf32>
        %add3A_2505 = arith.addf %mul3A_2504, %get3A_41 : vector<16xf32>
        %max3A_2506 = arith.constant 0.000000e+00 : f32
        %max3A_2507 = vector.broadcast %max3A_2506 : f32 to vector<16xf32>
        %max3A_2508 = arith.maximumf %add3A_2505, %max3A_2507 : vector<16xf32>
        %mul3A_2509 = arith.constant 16 : i32
        %mul3A_2510 = arith.muli %add3A_78, %mul3A_2509 : i32
        %add3A_2511 = arith.constant 14 : i32
        %add3A_2512 = arith.addi %mul3A_2510, %add3A_2511 : i32
        %swap3A_2513 = arith.index_cast %add3A_2512 : i32 to index
        %swap3A_2514 = arith.constant 64 : index
        %swap3A_2515 = tpu.vector_load %arg15[%swap3A_2513, %swap3A_2514] {strides = array<i32>} : memref<64x128xf32, #tpu.memory_space<vmem>>, vector<16xf32>,
        tpu.vector_store %arg15[%swap3A_2513, %swap3A_2514], %max3A_2508 {strides = array<i32>} : memref<64x128xf32, #tpu.memory_space<vmem>>, vector<16xf32>,
        %mul3A_2516 = arith.constant 16 : i32
        %mul3A_2517 = arith.muli %add3A_78, %mul3A_2516 : i32
        %add3A_2518 = arith.constant 14 : i32
        %add3A_2519 = arith.addi %mul3A_2517, %add3A_2518 : i32
        %get3A_2520 = arith.index_cast %add3A_2519 : i32 to index
        %get3A_2521 = arith.constant 80 : index
        %get3A_2522 = tpu.vector_load %arg15[%get3A_2520, %get3A_2521] {strides = array<i32>} : memref<64x128xf32, #tpu.memory_space<vmem>>, vector<16xf32>,
        %mul3A_2523 = arith.mulf %get3A_2522, %gather3A_2420 : vector<16xf32>
        %add3A_2524 = arith.addf %mul3A_2523, %get3A_45 : vector<16xf32>
        %max3A_2525 = arith.constant 0.000000e+00 : f32
        %max3A_2526 = vector.broadcast %max3A_2525 : f32 to vector<16xf32>
        %max3A_2527 = arith.maximumf %add3A_2524, %max3A_2526 : vector<16xf32>
        %mul3A_2528 = arith.constant 16 : i32
        %mul3A_2529 = arith.muli %add3A_78, %mul3A_2528 : i32
        %add3A_2530 = arith.constant 14 : i32
        %add3A_2531 = arith.addi %mul3A_2529, %add3A_2530 : i32
        %swap3A_2532 = arith.index_cast %add3A_2531 : i32 to index
        %swap3A_2533 = arith.constant 80 : index
        %swap3A_2534 = tpu.vector_load %arg15[%swap3A_2532, %swap3A_2533] {strides = array<i32>} : memref<64x128xf32, #tpu.memory_space<vmem>>, vector<16xf32>,
        tpu.vector_store %arg15[%swap3A_2532, %swap3A_2533], %max3A_2527 {strides = array<i32>} : memref<64x128xf32, #tpu.memory_space<vmem>>, vector<16xf32>,
        %mul3A_2535 = arith.constant 16 : i32
        %mul3A_2536 = arith.muli %add3A_78, %mul3A_2535 : i32
        %add3A_2537 = arith.constant 14 : i32
        %add3A_2538 = arith.addi %mul3A_2536, %add3A_2537 : i32
        %get3A_2539 = arith.index_cast %add3A_2538 : i32 to index
        %get3A_2540 = arith.constant 96 : index
        %get3A_2541 = tpu.vector_load %arg15[%get3A_2539, %get3A_2540] {strides = array<i32>} : memref<64x128xf32, #tpu.memory_space<vmem>>, vector<16xf32>,
        %mul3A_2542 = arith.mulf %get3A_2541, %gather3A_2420 : vector<16xf32>
        %add3A_2543 = arith.addf %mul3A_2542, %get3A_49 : vector<16xf32>
        %max3A_2544 = arith.constant 0.000000e+00 : f32
        %max3A_2545 = vector.broadcast %max3A_2544 : f32 to vector<16xf32>
        %max3A_2546 = arith.maximumf %add3A_2543, %max3A_2545 : vector<16xf32>
        %mul3A_2547 = arith.constant 16 : i32
        %mul3A_2548 = arith.muli %add3A_78, %mul3A_2547 : i32
        %add3A_2549 = arith.constant 14 : i32
        %add3A_2550 = arith.addi %mul3A_2548, %add3A_2549 : i32
        %swap3A_2551 = arith.index_cast %add3A_2550 : i32 to index
        %swap3A_2552 = arith.constant 96 : index
        %swap3A_2553 = tpu.vector_load %arg15[%swap3A_2551, %swap3A_2552] {strides = array<i32>} : memref<64x128xf32, #tpu.memory_space<vmem>>, vector<16xf32>,
        tpu.vector_store %arg15[%swap3A_2551, %swap3A_2552], %max3A_2546 {strides = array<i32>} : memref<64x128xf32, #tpu.memory_space<vmem>>, vector<16xf32>,
        %mul3A_2554 = arith.constant 16 : i32
        %mul3A_2555 = arith.muli %add3A_78, %mul3A_2554 : i32
        %add3A_2556 = arith.constant 14 : i32
        %add3A_2557 = arith.addi %mul3A_2555, %add3A_2556 : i32
        %get3A_2558 = arith.index_cast %add3A_2557 : i32 to index
        %get3A_2559 = arith.constant 112 : index
        %get3A_2560 = tpu.vector_load %arg15[%get3A_2558, %get3A_2559] {strides = array<i32>} : memref<64x128xf32, #tpu.memory_space<vmem>>, vector<16xf32>,
        %mul3A_2561 = arith.mulf %get3A_2560, %gather3A_2420 : vector<16xf32>
        %add3A_2562 = arith.addf %mul3A_2561, %get3A_53 : vector<16xf32>
        %max3A_2563 = arith.constant 0.000000e+00 : f32
        %max3A_2564 = vector.broadcast %max3A_2563 : f32 to vector<16xf32>
        %max3A_2565 = arith.maximumf %add3A_2562, %max3A_2564 : vector<16xf32>
        %mul3A_2566 = arith.constant 16 : i32
        %mul3A_2567 = arith.muli %add3A_78, %mul3A_2566 : i32
        %add3A_2568 = arith.constant 14 : i32
        %add3A_2569 = arith.addi %mul3A_2567, %add3A_2568 : i32
        %swap3A_2570 = arith.index_cast %add3A_2569 : i32 to index
        %swap3A_2571 = arith.constant 112 : index
        %swap3A_2572 = tpu.vector_load %arg15[%swap3A_2570, %swap3A_2571] {strides = array<i32>} : memref<64x128xf32, #tpu.memory_space<vmem>>, vector<16xf32>,
        tpu.vector_store %arg15[%swap3A_2570, %swap3A_2571], %max3A_2565 {strides = array<i32>} : memref<64x128xf32, #tpu.memory_space<vmem>>, vector<16xf32>,
        %broadcast_in_dim3A_2573 = arith.constant 15 : i32
        %broadcast_in_dim3A_2574 = vector.broadcast %broadcast_in_dim3A_2573 : i32 to vector<16xi32>
        %lt3A_2575 = arith.constant 0 : i32
        %lt3A_2576 = vector.broadcast %lt3A_2575 : i32 to vector<16xi32>
        %lt3A_2577 = arith.cmpi slt, %broadcast_in_dim3A_2574, %lt3A_2576 : vector<16xi32>
        %add3A_2578 = arith.constant 16 : i32
        %add3A_2579 = vector.broadcast %add3A_2578 : i32 to vector<16xi32>
        %add3A_2580 = arith.addi %broadcast_in_dim3A_2574, %add3A_2579 : vector<16xi32>
        %select_n3A_2581 = arith.select %lt3A_2577, %add3A_2580, %broadcast_in_dim3A_2574 : vector<16xi1>, vector<16xi32>
        %broadcast_in_dim3A_2582 = vector.shape_cast %select_n3A_2581 : vector<16xi32> to vector<16x1xi32>
        %gather3A_2583 = vector.shape_cast %broadcast_in_dim3A_2582 : vector<16x1xi32> to vector<16xi32>
        %gather3A_2584 = tpu.dynamic_gather %get3A_116[%gather3A_2583] in [0] : vector<16xf32>, vector<16xi32> -> vector<16xf32>
        %mul3A_2585 = arith.constant 16 : i32
        %mul3A_2586 = arith.muli %add3A_78, %mul3A_2585 : i32
        %add3A_2587 = arith.constant 15 : i32
        %add3A_2588 = arith.addi %mul3A_2586, %add3A_2587 : i32
        %get3A_2589 = arith.index_cast %add3A_2588 : i32 to index
        %get3A_2590 = arith.constant 0 : index
        %get3A_2591 = tpu.vector_load %arg15[%get3A_2589, %get3A_2590] {strides = array<i32>} : memref<64x128xf32, #tpu.memory_space<vmem>>, vector<16xf32>,
        %mul3A_2592 = arith.mulf %get3A_2591, %gather3A_2584 : vector<16xf32>
        %add3A_2593 = arith.addf %mul3A_2592, %get3A_25 : vector<16xf32>
        %max3A_2594 = arith.constant 0.000000e+00 : f32
        %max3A_2595 = vector.broadcast %max3A_2594 : f32 to vector<16xf32>
        %max3A_2596 = arith.maximumf %add3A_2593, %max3A_2595 : vector<16xf32>
        %mul3A_2597 = arith.constant 16 : i32
        %mul3A_2598 = arith.muli %add3A_78, %mul3A_2597 : i32
        %add3A_2599 = arith.constant 15 : i32
        %add3A_2600 = arith.addi %mul3A_2598, %add3A_2599 : i32
        %swap3A_2601 = arith.index_cast %add3A_2600 : i32 to index
        %swap3A_2602 = arith.constant 0 : index
        %swap3A_2603 = tpu.vector_load %arg15[%swap3A_2601, %swap3A_2602] {strides = array<i32>} : memref<64x128xf32, #tpu.memory_space<vmem>>, vector<16xf32>,
        tpu.vector_store %arg15[%swap3A_2601, %swap3A_2602], %max3A_2596 {strides = array<i32>} : memref<64x128xf32, #tpu.memory_space<vmem>>, vector<16xf32>,
        %mul3A_2604 = arith.constant 16 : i32
        %mul3A_2605 = arith.muli %add3A_78, %mul3A_2604 : i32
        %add3A_2606 = arith.constant 15 : i32
        %add3A_2607 = arith.addi %mul3A_2605, %add3A_2606 : i32
        %get3A_2608 = arith.index_cast %add3A_2607 : i32 to index
        %get3A_2609 = arith.constant 16 : index
        %get3A_2610 = tpu.vector_load %arg15[%get3A_2608, %get3A_2609] {strides = array<i32>} : memref<64x128xf32, #tpu.memory_space<vmem>>, vector<16xf32>,
        %mul3A_2611 = arith.mulf %get3A_2610, %gather3A_2584 : vector<16xf32>
        %add3A_2612 = arith.addf %mul3A_2611, %get3A_29 : vector<16xf32>
        %max3A_2613 = arith.constant 0.000000e+00 : f32
        %max3A_2614 = vector.broadcast %max3A_2613 : f32 to vector<16xf32>
        %max3A_2615 = arith.maximumf %add3A_2612, %max3A_2614 : vector<16xf32>
        %mul3A_2616 = arith.constant 16 : i32
        %mul3A_2617 = arith.muli %add3A_78, %mul3A_2616 : i32
        %add3A_2618 = arith.constant 15 : i32
        %add3A_2619 = arith.addi %mul3A_2617, %add3A_2618 : i32
        %swap3A_2620 = arith.index_cast %add3A_2619 : i32 to index
        %swap3A_2621 = arith.constant 16 : index
        %swap3A_2622 = tpu.vector_load %arg15[%swap3A_2620, %swap3A_2621] {strides = array<i32>} : memref<64x128xf32, #tpu.memory_space<vmem>>, vector<16xf32>,
        tpu.vector_store %arg15[%swap3A_2620, %swap3A_2621], %max3A_2615 {strides = array<i32>} : memref<64x128xf32, #tpu.memory_space<vmem>>, vector<16xf32>,
        %mul3A_2623 = arith.constant 16 : i32
        %mul3A_2624 = arith.muli %add3A_78, %mul3A_2623 : i32
        %add3A_2625 = arith.constant 15 : i32
        %add3A_2626 = arith.addi %mul3A_2624, %add3A_2625 : i32
        %get3A_2627 = arith.index_cast %add3A_2626 : i32 to index
        %get3A_2628 = arith.constant 32 : index
        %get3A_2629 = tpu.vector_load %arg15[%get3A_2627, %get3A_2628] {strides = array<i32>} : memref<64x128xf32, #tpu.memory_space<vmem>>, vector<16xf32>,
        %mul3A_2630 = arith.mulf %get3A_2629, %gather3A_2584 : vector<16xf32>
        %add3A_2631 = arith.addf %mul3A_2630, %get3A_33 : vector<16xf32>
        %max3A_2632 = arith.constant 0.000000e+00 : f32
        %max3A_2633 = vector.broadcast %max3A_2632 : f32 to vector<16xf32>
        %max3A_2634 = arith.maximumf %add3A_2631, %max3A_2633 : vector<16xf32>
        %mul3A_2635 = arith.constant 16 : i32
        %mul3A_2636 = arith.muli %add3A_78, %mul3A_2635 : i32
        %add3A_2637 = arith.constant 15 : i32
        %add3A_2638 = arith.addi %mul3A_2636, %add3A_2637 : i32
        %swap3A_2639 = arith.index_cast %add3A_2638 : i32 to index
        %swap3A_2640 = arith.constant 32 : index
        %swap3A_2641 = tpu.vector_load %arg15[%swap3A_2639, %swap3A_2640] {strides = array<i32>} : memref<64x128xf32, #tpu.memory_space<vmem>>, vector<16xf32>,
        tpu.vector_store %arg15[%swap3A_2639, %swap3A_2640], %max3A_2634 {strides = array<i32>} : memref<64x128xf32, #tpu.memory_space<vmem>>, vector<16xf32>,
        %mul3A_2642 = arith.constant 16 : i32
        %mul3A_2643 = arith.muli %add3A_78, %mul3A_2642 : i32
        %add3A_2644 = arith.constant 15 : i32
        %add3A_2645 = arith.addi %mul3A_2643, %add3A_2644 : i32
        %get3A_2646 = arith.index_cast %add3A_2645 : i32 to index
        %get3A_2647 = arith.constant 48 : index
        %get3A_2648 = tpu.vector_load %arg15[%get3A_2646, %get3A_2647] {strides = array<i32>} : memref<64x128xf32, #tpu.memory_space<vmem>>, vector<16xf32>,
        %mul3A_2649 = arith.mulf %get3A_2648, %gather3A_2584 : vector<16xf32>
        %add3A_2650 = arith.addf %mul3A_2649, %get3A_37 : vector<16xf32>
        %max3A_2651 = arith.constant 0.000000e+00 : f32
        %max3A_2652 = vector.broadcast %max3A_2651 : f32 to vector<16xf32>
        %max3A_2653 = arith.maximumf %add3A_2650, %max3A_2652 : vector<16xf32>
        %mul3A_2654 = arith.constant 16 : i32
        %mul3A_2655 = arith.muli %add3A_78, %mul3A_2654 : i32
        %add3A_2656 = arith.constant 15 : i32
        %add3A_2657 = arith.addi %mul3A_2655, %add3A_2656 : i32
        %swap3A_2658 = arith.index_cast %add3A_2657 : i32 to index
        %swap3A_2659 = arith.constant 48 : index
        %swap3A_2660 = tpu.vector_load %arg15[%swap3A_2658, %swap3A_2659] {strides = array<i32>} : memref<64x128xf32, #tpu.memory_space<vmem>>, vector<16xf32>,
        tpu.vector_store %arg15[%swap3A_2658, %swap3A_2659], %max3A_2653 {strides = array<i32>} : memref<64x128xf32, #tpu.memory_space<vmem>>, vector<16xf32>,
        %mul3A_2661 = arith.constant 16 : i32
        %mul3A_2662 = arith.muli %add3A_78, %mul3A_2661 : i32
        %add3A_2663 = arith.constant 15 : i32
        %add3A_2664 = arith.addi %mul3A_2662, %add3A_2663 : i32
        %get3A_2665 = arith.index_cast %add3A_2664 : i32 to index
        %get3A_2666 = arith.constant 64 : index
        %get3A_2667 = tpu.vector_load %arg15[%get3A_2665, %get3A_2666] {strides = array<i32>} : memref<64x128xf32, #tpu.memory_space<vmem>>, vector<16xf32>,
        %mul3A_2668 = arith.mulf %get3A_2667, %gather3A_2584 : vector<16xf32>
        %add3A_2669 = arith.addf %mul3A_2668, %get3A_41 : vector<16xf32>
        %max3A_2670 = arith.constant 0.000000e+00 : f32
        %max3A_2671 = vector.broadcast %max3A_2670 : f32 to vector<16xf32>
        %max3A_2672 = arith.maximumf %add3A_2669, %max3A_2671 : vector<16xf32>
        %mul3A_2673 = arith.constant 16 : i32
        %mul3A_2674 = arith.muli %add3A_78, %mul3A_2673 : i32
        %add3A_2675 = arith.constant 15 : i32
        %add3A_2676 = arith.addi %mul3A_2674, %add3A_2675 : i32
        %swap3A_2677 = arith.index_cast %add3A_2676 : i32 to index
        %swap3A_2678 = arith.constant 64 : index
        %swap3A_2679 = tpu.vector_load %arg15[%swap3A_2677, %swap3A_2678] {strides = array<i32>} : memref<64x128xf32, #tpu.memory_space<vmem>>, vector<16xf32>,
        tpu.vector_store %arg15[%swap3A_2677, %swap3A_2678], %max3A_2672 {strides = array<i32>} : memref<64x128xf32, #tpu.memory_space<vmem>>, vector<16xf32>,
        %mul3A_2680 = arith.constant 16 : i32
        %mul3A_2681 = arith.muli %add3A_78, %mul3A_2680 : i32
        %add3A_2682 = arith.constant 15 : i32
        %add3A_2683 = arith.addi %mul3A_2681, %add3A_2682 : i32
        %get3A_2684 = arith.index_cast %add3A_2683 : i32 to index
        %get3A_2685 = arith.constant 80 : index
        %get3A_2686 = tpu.vector_load %arg15[%get3A_2684, %get3A_2685] {strides = array<i32>} : memref<64x128xf32, #tpu.memory_space<vmem>>, vector<16xf32>,
        %mul3A_2687 = arith.mulf %get3A_2686, %gather3A_2584 : vector<16xf32>
        %add3A_2688 = arith.addf %mul3A_2687, %get3A_45 : vector<16xf32>
        %max3A_2689 = arith.constant 0.000000e+00 : f32
        %max3A_2690 = vector.broadcast %max3A_2689 : f32 to vector<16xf32>
        %max3A_2691 = arith.maximumf %add3A_2688, %max3A_2690 : vector<16xf32>
        %mul3A_2692 = arith.constant 16 : i32
        %mul3A_2693 = arith.muli %add3A_78, %mul3A_2692 : i32
        %add3A_2694 = arith.constant 15 : i32
        %add3A_2695 = arith.addi %mul3A_2693, %add3A_2694 : i32
        %swap3A_2696 = arith.index_cast %add3A_2695 : i32 to index
        %swap3A_2697 = arith.constant 80 : index
        %swap3A_2698 = tpu.vector_load %arg15[%swap3A_2696, %swap3A_2697] {strides = array<i32>} : memref<64x128xf32, #tpu.memory_space<vmem>>, vector<16xf32>,
        tpu.vector_store %arg15[%swap3A_2696, %swap3A_2697], %max3A_2691 {strides = array<i32>} : memref<64x128xf32, #tpu.memory_space<vmem>>, vector<16xf32>,
        %mul3A_2699 = arith.constant 16 : i32
        %mul3A_2700 = arith.muli %add3A_78, %mul3A_2699 : i32
        %add3A_2701 = arith.constant 15 : i32
        %add3A_2702 = arith.addi %mul3A_2700, %add3A_2701 : i32
        %get3A_2703 = arith.index_cast %add3A_2702 : i32 to index
        %get3A_2704 = arith.constant 96 : index
        %get3A_2705 = tpu.vector_load %arg15[%get3A_2703, %get3A_2704] {strides = array<i32>} : memref<64x128xf32, #tpu.memory_space<vmem>>, vector<16xf32>,
        %mul3A_2706 = arith.mulf %get3A_2705, %gather3A_2584 : vector<16xf32>
        %add3A_2707 = arith.addf %mul3A_2706, %get3A_49 : vector<16xf32>
        %max3A_2708 = arith.constant 0.000000e+00 : f32
        %max3A_2709 = vector.broadcast %max3A_2708 : f32 to vector<16xf32>
        %max3A_2710 = arith.maximumf %add3A_2707, %max3A_2709 : vector<16xf32>
        %mul3A_2711 = arith.constant 16 : i32
        %mul3A_2712 = arith.muli %add3A_78, %mul3A_2711 : i32
        %add3A_2713 = arith.constant 15 : i32
        %add3A_2714 = arith.addi %mul3A_2712, %add3A_2713 : i32
        %swap3A_2715 = arith.index_cast %add3A_2714 : i32 to index
        %swap3A_2716 = arith.constant 96 : index
        %swap3A_2717 = tpu.vector_load %arg15[%swap3A_2715, %swap3A_2716] {strides = array<i32>} : memref<64x128xf32, #tpu.memory_space<vmem>>, vector<16xf32>,
        tpu.vector_store %arg15[%swap3A_2715, %swap3A_2716], %max3A_2710 {strides = array<i32>} : memref<64x128xf32, #tpu.memory_space<vmem>>, vector<16xf32>,
        %mul3A_2718 = arith.constant 16 : i32
        %mul3A_2719 = arith.muli %add3A_78, %mul3A_2718 : i32
        %add3A_2720 = arith.constant 15 : i32
        %add3A_2721 = arith.addi %mul3A_2719, %add3A_2720 : i32
        %get3A_2722 = arith.index_cast %add3A_2721 : i32 to index
        %get3A_2723 = arith.constant 112 : index
        %get3A_2724 = tpu.vector_load %arg15[%get3A_2722, %get3A_2723] {strides = array<i32>} : memref<64x128xf32, #tpu.memory_space<vmem>>, vector<16xf32>,
        %mul3A_2725 = arith.mulf %get3A_2724, %gather3A_2584 : vector<16xf32>
        %add3A_2726 = arith.addf %mul3A_2725, %get3A_53 : vector<16xf32>
        %max3A_2727 = arith.constant 0.000000e+00 : f32
        %max3A_2728 = vector.broadcast %max3A_2727 : f32 to vector<16xf32>
        %max3A_2729 = arith.maximumf %add3A_2726, %max3A_2728 : vector<16xf32>
        %mul3A_2730 = arith.constant 16 : i32
        %mul3A_2731 = arith.muli %add3A_78, %mul3A_2730 : i32
        %add3A_2732 = arith.constant 15 : i32
        %add3A_2733 = arith.addi %mul3A_2731, %add3A_2732 : i32
        %swap3A_2734 = arith.index_cast %add3A_2733 : i32 to index
        %swap3A_2735 = arith.constant 112 : index
        %swap3A_2736 = tpu.vector_load %arg15[%swap3A_2734, %swap3A_2735] {strides = array<i32>} : memref<64x128xf32, #tpu.memory_space<vmem>>, vector<16xf32>,
        tpu.vector_store %arg15[%swap3A_2734, %swap3A_2735], %max3A_2729 {strides = array<i32>} : memref<64x128xf32, #tpu.memory_space<vmem>>, vector<16xf32>,
      }
      %scan3A_73 = arith.constant 4 : i32
      "tpu.region"() ({
        %run_scoped3A = tpu.sem_alloc : memref<!tpu.dma_semaphore, #tpu.memory_space<semaphore_mem>>
        %dma_start3A = arith.constant 0 : i32
        %dma_start3A_74 = tpu.memref_slice %arg8[%arg0, %add3A_68, %dma_start3A] : memref<2x10240x128xf32, #tpu.memory_space<hbm>> -> memref<1x64x128xf32, #tpu.memory_space<hbm>>
        %dma_start3A_75 = tpu.memref_squeeze %dma_start3A_74 : memref<1x64x128xf32, #tpu.memory_space<hbm>> -> memref<64x128xf32, #tpu.memory_space<hbm>>
        %dma_start3A_76 = arith.constant 0 : i32
        %dma_start3A_77 = tpu.memref_slice %arg8[%arg0, %add3A_68, %dma_start3A_76] : memref<2x10240x128xf32, #tpu.memory_space<hbm>> -> memref<1x64x128xf32, #tpu.memory_space<hbm>>
        %dma_start3A_78 = tpu.memref_squeeze %dma_start3A_77 : memref<1x64x128xf32, #tpu.memory_space<hbm>> -> memref<64x128xf32, #tpu.memory_space<hbm>>
        tpu.enqueue_dma source(%arg15 : memref<64x128xf32, #tpu.memory_space<vmem>>) target(%dma_start3A_78 : memref<64x128xf32, #tpu.memory_space<hbm>>) target_semaphore(%run_scoped3A : memref<!tpu.dma_semaphore, #tpu.memory_space<semaphore_mem>>)
        %dma_wait3A_79 = arith.constant 0 : i32
        %dma_wait3A_80 = tpu.memref_slice %arg8[%arg0, %add3A_68, %dma_wait3A_79] : memref<2x10240x128xf32, #tpu.memory_space<hbm>> -> memref<1x64x128xf32, #tpu.memory_space<hbm>>
        %dma_wait3A_81 = tpu.memref_squeeze %dma_wait3A_80 : memref<1x64x128xf32, #tpu.memory_space<hbm>> -> memref<64x128xf32, #tpu.memory_space<hbm>>
        %dma_wait3A_82 = arith.constant 0 : i32
        %dma_wait3A_83 = tpu.memref_slice %arg8[%arg0, %add3A_68, %dma_wait3A_82] : memref<2x10240x128xf32, #tpu.memory_space<hbm>> -> memref<1x64x128xf32, #tpu.memory_space<hbm>>
        %dma_wait3A_84 = tpu.memref_squeeze %dma_wait3A_83 : memref<1x64x128xf32, #tpu.memory_space<hbm>> -> memref<64x128xf32, #tpu.memory_space<hbm>>
        tpu.wait_dma2 semaphore(%run_scoped3A : memref<!tpu.dma_semaphore, #tpu.memory_space<semaphore_mem>>) src(%arg15 : memref<64x128xf32, #tpu.memory_space<vmem>>) dst(%dma_wait3A_84 : memref<64x128xf32, #tpu.memory_space<hbm>>)
        tpu.yield
      }) : () -> ()
    }
    %scan3A_58 = arith.constant 10 : i32
    return
  }
}

module attributes {stable_mosaic.version = 14 : i64} {
  func.func @_mm_body(%arg0: i32, %arg1: i32, %arg2: memref<1x1280x128xf32, #tpu.memory_space<vmem>>, %arg3: memref<1x1280x1xf32, #tpu.memory_space<vmem>>, %arg4: memref<128x128xf32, #tpu.memory_space<vmem>>, %arg5: memref<128x64xf32, #tpu.memory_space<vmem>>, %arg6: memref<128x64xf32, #tpu.memory_space<vmem>>, %arg7: memref<1x1280x128xf32, #tpu.memory_space<vmem>>, %arg8: memref<1x1280x64xi32, #tpu.memory_space<vmem>>) attributes {dimension_semantics = [#tpu.dimension_semantics<arbitrary>, #tpu.dimension_semantics<arbitrary>], iteration_bounds = array<i64: 2, 8>, scalar_prefetch = 0 : i64, scratch_operands = 0 : i64, tpu.core_type = #tpu.core_type<tc>, window_params = [{transform_indices = @transform_0, window_bounds = array<i64: 1, 1280, 128>}, {transform_indices = @transform_1, window_bounds = array<i64: 1, 1280, 1>}, {pipeline_mode = #tpu.pipeline_mode<synchronous>, transform_indices = @transform_2, window_bounds = array<i64: 128, 128>}, {pipeline_mode = #tpu.pipeline_mode<synchronous>, transform_indices = @transform_3, window_bounds = array<i64: 128, 64>}, {pipeline_mode = #tpu.pipeline_mode<synchronous>, transform_indices = @transform_4, window_bounds = array<i64: 128, 64>}, {transform_indices = @transform_5, window_bounds = array<i64: 1, 1280, 128>}, {transform_indices = @transform_6, window_bounds = array<i64: 1, 1280, 64>}]} {
    %get3A = arith.constant 0 : index
    %get3A_0 = arith.constant 0 : index
    %get3A_1 = arith.constant 0 : index
    %get3A_2 = vector.load %arg2[%get3A, %get3A_0, %get3A_1] : memref<1x1280x128xf32, #tpu.memory_space<vmem>>, vector<1x1280x128xf32>
    %get3A_3 = vector.shape_cast %get3A_2 : vector<1x1280x128xf32> to vector<1280x128xf32>
    %get3A_4 = arith.constant 0 : index
    %get3A_5 = arith.constant 0 : index
    %get3A_6 = arith.constant 0 : index
    %get3A_7 = vector.load %arg3[%get3A_4, %get3A_5, %get3A_6] : memref<1x1280x1xf32, #tpu.memory_space<vmem>>, vector<1x1280x1xf32>
    %get3A_8 = vector.shape_cast %get3A_7 : vector<1x1280x1xf32> to vector<1280x1xf32>
    %mul3A = vector.broadcast %get3A_8 : vector<1280x1xf32> to vector<1280x128xf32>
    %mul3A_9 = arith.mulf %get3A_3, %mul3A : vector<1280x128xf32>
    %get3A_10 = arith.constant 0 : index
    %get3A_11 = arith.constant 0 : index
    %get3A_12 = vector.load %arg4[%get3A_10, %get3A_11] : memref<128x128xf32, #tpu.memory_space<vmem>>, vector<128x128xf32>
    %dot_general3A = arith.constant dense<0.000000e+00> : vector<1280x128xf32>
    %dot_general3A_13 = tpu.matmul %mul3A_9, %get3A_12, %dot_general3A {dimension_numbers = #tpu.dot_dimension_numbers<[1], [0], [0], [1], [0, 0, 1, 1], [], []>, transpose_lhs_hint = false} : vector<1280x128xf32>, vector<128x128xf32>, vector<1280x128xf32> -> vector<1280x128xf32>
    %swap3A = arith.constant 0 : index
    %swap3A_14 = arith.constant 0 : index
    %swap3A_15 = arith.constant 0 : index
    %swap3A_16 = vector.load %arg7[%swap3A, %swap3A_14, %swap3A_15] : memref<1x1280x128xf32, #tpu.memory_space<vmem>>, vector<1x1280x128xf32>
    %swap3A_17 = vector.shape_cast %swap3A_16 : vector<1x1280x128xf32> to vector<1280x128xf32>
    %swap3A_18 = vector.shape_cast %dot_general3A_13 : vector<1280x128xf32> to vector<1x1280x128xf32>
    tpu.vector_store %arg7[%swap3A, %swap3A_14, %swap3A_15], %swap3A_18 {strides = array<i32>} : memref<1x1280x128xf32, #tpu.memory_space<vmem>>, vector<1x1280x128xf32>,
    %get3A_19 = arith.constant 0 : index
    %get3A_20 = arith.constant 0 : index
    %get3A_21 = vector.load %arg5[%get3A_19, %get3A_20] : memref<128x64xf32, #tpu.memory_space<vmem>>, vector<128x64xf32>
    %dot_general3A_22 = arith.constant dense<0.000000e+00> : vector<1280x64xf32>
    %dot_general3A_23 = tpu.matmul %mul3A_9, %get3A_21, %dot_general3A_22 {dimension_numbers = #tpu.dot_dimension_numbers<[1], [0], [0], [1], [0, 0, 1, 1], [], []>, transpose_lhs_hint = false} : vector<1280x128xf32>, vector<128x64xf32>, vector<1280x64xf32> -> vector<1280x64xf32>
    %get3A_24 = arith.constant 0 : index
    %get3A_25 = arith.constant 0 : index
    %get3A_26 = vector.load %arg6[%get3A_24, %get3A_25] : memref<128x64xf32, #tpu.memory_space<vmem>>, vector<128x64xf32>
    %dot_general3A_27 = arith.constant dense<0.000000e+00> : vector<1280x64xf32>
    %dot_general3A_28 = tpu.matmul %mul3A_9, %get3A_26, %dot_general3A_27 {dimension_numbers = #tpu.dot_dimension_numbers<[1], [0], [0], [1], [0, 0, 1, 1], [], []>, transpose_lhs_hint = false} : vector<1280x128xf32>, vector<128x64xf32>, vector<1280x64xf32> -> vector<1280x64xf32>
    %convert_element_type3A = arith.truncf %dot_general3A_23 : vector<1280x64xf32> to vector<1280x64xbf16>
    %bitcast_convert_type3A = tpu.bitcast %convert_element_type3A : vector<1280x64xbf16> -> vector<1280x64xi16>
    %convert_element_type3A_29 = arith.extui %bitcast_convert_type3A : vector<1280x64xi16> to vector<1280x64xi32>
    %convert_element_type3A_30 = arith.truncf %dot_general3A_28 : vector<1280x64xf32> to vector<1280x64xbf16>
    %bitcast_convert_type3A_31 = tpu.bitcast %convert_element_type3A_30 : vector<1280x64xbf16> -> vector<1280x64xi16>
    %convert_element_type3A_32 = arith.extui %bitcast_convert_type3A_31 : vector<1280x64xi16> to vector<1280x64xi32>
    %shift_left3A = arith.constant 16 : i32
    %shift_left3A_33 = vector.broadcast %shift_left3A : i32 to vector<1280x64xi32>
    %shift_left3A_34 = arith.shli %convert_element_type3A_32, %shift_left3A_33 : vector<1280x64xi32>
    %or3A = arith.ori %convert_element_type3A_29, %shift_left3A_34 : vector<1280x64xi32>
    %swap3A_35 = arith.constant 0 : index
    %swap3A_36 = arith.constant 0 : index
    %swap3A_37 = arith.constant 0 : index
    %swap3A_38 = vector.load %arg8[%swap3A_35, %swap3A_36, %swap3A_37] : memref<1x1280x64xi32, #tpu.memory_space<vmem>>, vector<1x1280x64xi32>
    %swap3A_39 = vector.shape_cast %swap3A_38 : vector<1x1280x64xi32> to vector<1280x64xi32>
    %swap3A_40 = vector.shape_cast %or3A : vector<1280x64xi32> to vector<1x1280x64xi32>
    tpu.vector_store %arg8[%swap3A_35, %swap3A_36, %swap3A_37], %swap3A_40 {strides = array<i32>} : memref<1x1280x64xi32, #tpu.memory_space<vmem>>, vector<1x1280x64xi32>,
    return
  }
  func.func @transform_0(%arg0: i32, %arg1: i32) -> (i32, i32, i32) {
    %c0_i32 = arith.constant 0 : i32
    %c0_i32_0 = arith.constant 0 : i32
    return %arg0, %arg1, %c0_i32 : i32, i32, i32
  }
  func.func @transform_1(%arg0: i32, %arg1: i32) -> (i32, i32, i32) {
    %c0_i32 = arith.constant 0 : i32
    %c0_i32_0 = arith.constant 0 : i32
    return %arg0, %arg1, %c0_i32 : i32, i32, i32
  }
  func.func @transform_2(%arg0: i32, %arg1: i32) -> (i32, i32) {
    %c0_i32 = arith.constant 0 : i32
    %c0_i32_0 = arith.constant 0 : i32
    %c0_i32_1 = arith.constant 0 : i32
    return %c0_i32, %c0_i32_0 : i32, i32
  }
  func.func @transform_3(%arg0: i32, %arg1: i32) -> (i32, i32) {
    %c0_i32 = arith.constant 0 : i32
    %c0_i32_0 = arith.constant 0 : i32
    %c0_i32_1 = arith.constant 0 : i32
    return %c0_i32, %c0_i32_0 : i32, i32
  }
  func.func @transform_4(%arg0: i32, %arg1: i32) -> (i32, i32) {
    %c0_i32 = arith.constant 0 : i32
    %c0_i32_0 = arith.constant 0 : i32
    %c0_i32_1 = arith.constant 0 : i32
    return %c0_i32, %c0_i32_0 : i32, i32
  }
  func.func @transform_5(%arg0: i32, %arg1: i32) -> (i32, i32, i32) {
    %c0_i32 = arith.constant 0 : i32
    %c0_i32_0 = arith.constant 0 : i32
    return %arg0, %arg1, %c0_i32 : i32, i32, i32
  }
  func.func @transform_6(%arg0: i32, %arg1: i32) -> (i32, i32, i32) {
    %c0_i32 = arith.constant 0 : i32
    %c0_i32_0 = arith.constant 0 : i32
    return %arg0, %arg1, %c0_i32 : i32, i32, i32
  }
}

</mosaic_0001>

<sc_bundles>
// kernel: kernel.5.cloned.1.call-start
scs
__scs_entry_jumppad:
0x0: {  	(pc) =	sbr.rel $0x88, $3  }
0x1: {  	(tag) =	ssettag $0x0;
	lr =	simm.s32 $0x1  }
0x2: {  	[smem:$0x3F9B] =	sst lr;
	_ =	strace $0xD0000000  }
0x3: {  	_ = 	snop  }
0x4: {  	_ = 	snop  }
0x5: {  	_ = 	snop  }
0x6: {  	_ = 	snop  }
0x7: {  	_ = 	snop  }
__scs_overlays_trampoline_lowered:
0x8: {  	[smem:$0x3FAA] =	sst s0  }
0x9: {  	[smem:$0x3FAB] =	sst s1  }
0xa: {  	[smem:$0x3FAC] =	sst s2  }
0xb: {  	[smem:$0x3FAD] =	sst s3  }
0xc: {  	[smem:$0x3FAE] =	sst s4  }
0xd: {  	[smem:$0x3FAF] =	sst s5  }
0xe: {  	[smem:$0x3FB0] =	sst s6  }
0xf: {  	[smem:$0x3FB1] =	sst s7  }
0x10: {  	[smem:$0x3FB2] =	sst s8  }
0x11: {  	[smem:$0x3FB3] =	sst s9;
	s0 =	simm.s32 @!p0 $0x0  }
0x12: {  	s1 =	sld [smem:$0x3F99];
	s0 =	simm.s32 @p0 $0x1  }
0x13: {  	[smem:$0x3FB4] =	sst s0;
	s0 =	simm.s32 @!p1 $0x0  }
0x14: {  	s2 =	sld [smem:$0x3F98];
	s0 =	simm.s32 @p1 $0x1  }
0x15: {  	[smem:$0x3FB5] =	sst s0;
	s0 =	simm.s32 @!p2 $0x0  }
0x16: {  	s3 =	sld [smem:$0x3FDB];
	s0 =	simm.s32 @p2 $0x1  }
0x17: {  	s4 =	simm.s32 $0x1BF5;
	[smem:$0x3FB7] =	sst s0  }
0x18: {  	s0 =	sld [smem:$0x3F9A];
	_ =	swait.ge [sflag:s4], $0x0  }
0x19: {  	s7 =	sld [smem:$0x3F9B]  }
0x1a: {  	s8 =	sadd.s32 $0xFFFFE003, lr  }
0x1b: {  	s9 =	sadd.s32 $0xFFFFFEF7, lr;
	s5 =	simm.s32 $0xFFFFFFFF;
	p2 =	slt.u32 s8, $0xFFFFF086  }
0x1c: {  	p1 =	slt.u32 s9, $0xF7A;
	s5 =	simm.s32 @!p2 $0x0  }
0x1d: {  	s5 =	simm.s32 @p1 $0x1;
	p0 =	seq.s32 s7, s2  }
0x1e: {  	s7 =	smul.u32 @!p0 $0xF7A, s2;
	p2 =	seq.s32 @!p0 s5, $0x0  }
0x1f: {  	s9 =	smul.u32 $0xF7A, s1;
	s8 =	simm.s32 @!p0 $0x1BF5;
	p2 =	por !p2, p0  }
0x20: {  	[sflag:s8] =	ssyncset.s32 @!p0 $0xFFFFF086;
	s6 =	sadd.s32 @!p0 s3, s7;
	s7 =	simm.s32 @!p0 $0x108  }
0x21: {  	s3 =	sadd.s32 s3, s9;
	s6 =	sadd.s32 @!p0 $0x88, s6;
	s7 =	simm.s32 @p2 $0x1082  }
0x22: {  	[simem:s7], [sflag:s8] =	dma.local @!p0 [hbm:s6], $0xF7A  }
0x23: {  	s9 =	sor.u32 $0xD0000000, s2;
	s6 =	simm.s32 $0x108;
	_ =	swait.ge @!p0 [sflag:s8], $0x0  }
0x24: {  	s3 =	sadd.s32 $0x88, s3;
	s6 =	simm.s32 @!p1 $0x1082;
	[sflag:s4] =	ssyncset.s32 $0xFFFFF086  }
0x25: {  	[simem:s6], [sflag:s4] =	dma.local [hbm:s3], $0xF7A  }
0x26: {  	[smem:$0x3F9B] =	sst s1;
	(tag) =	ssettag s2;
	_ =	strace s9  }
0x27: {  	s1 =	sld [smem:$0x3FAB]  }
0x28: {  	s2 =	sld [smem:$0x3FAC]  }
0x29: {  	s4 =	sld [smem:$0x3FAE]  }
0x2a: {  	p0 =	seq.s32 s5, $0x0;
	s5 =	sld [smem:$0x3FAF]  }
0x2b: {  	s6 =	sld [smem:$0x3FB0]  }
0x2c: {  	s7 =	sld [smem:$0x3FB1]  }
0x2d: {  	s3 =	simm.s32 $0x108;
	s8 =	sld [smem:$0x3FB2]  }
0x2e: {  	s3 =	simm.s32 @!p0 $0x1082;
	s9 =	sld [smem:$0x3FB3]  }
0x2f: {  	lr =	sadd.s32 s0, s3;
	s0 =	sld [smem:$0x3FAA]  }
0x30: {  	s3 =	sld [smem:$0x3FAD]  }
0x31: {  	[smem:$0x3FB6] =	sst s10  }
0x32: {  	s10 =	sld [smem:$0x3FB4];
	_ =	sdelay $0x3  }
0x33: {  	p0 =	seq.s32 s10, $0x1;
	s10 =	sld [smem:$0x3FB6];
	_ =	sdelay $0x3  }
0x34: {  	[smem:$0x3FB6] =	sst s10  }
0x35: {  	s10 =	sld [smem:$0x3FB5];
	_ =	sdelay $0x3  }
0x36: {  	p1 =	seq.s32 s10, $0x1;
	s10 =	sld [smem:$0x3FB6];
	_ =	sdelay $0x3  }
0x37: {  	[smem:$0x3FB6] =	sst s10  }
0x38: {  	s10 =	sld [smem:$0x3FB7]  }
0x39: {  	_ = 	snop;
	(pc) =	sbr.ind lr, $3  }
0x3a: {  	_ = 	snop  }
0x3b: {  	_ = 	snop  }
0x3c: {  	p2 =	seq.s32 s10, $0x1;
	s10 =	sld [smem:$0x3FB6]  }
0x3d: {  	_ =	shalt  }
0x3e: {  	_ =	shalt  }
0x3f: {  	_ =	shalt  }
0x40: {  	_ =	shalt  }
0x41: {  	_ =	shalt  }
0x42: {  	_ =	shalt  }
0x43: {  	_ =	shalt  }
0x44: {  	_ =	shalt  }
0x45: {  	_ =	shalt  }
0x46: {  	_ =	shalt  }
0x47: {  	_ =	shalt  }
0x48: {  	_ =	shalt  }
0x49: {  	_ =	shalt  }
0x4a: {  	_ =	shalt  }
0x4b: {  	_ =	shalt  }
0x4c: {  	_ =	shalt  }
0x4d: {  	_ =	shalt  }
0x4e: {  	_ =	shalt  }
0x4f: {  	_ =	shalt  }
0x50: {  	_ =	shalt  }
0x51: {  	_ =	shalt  }
0x52: {  	_ =	shalt  }
0x53: {  	_ =	shalt  }
0x54: {  	_ =	shalt  }
0x55: {  	_ =	shalt  }
0x56: {  	_ =	shalt  }
0x57: {  	_ =	shalt  }
0x58: {  	_ =	shalt  }
0x59: {  	_ =	shalt  }
0x5a: {  	_ =	shalt  }
0x5b: {  	_ =	shalt  }
0x5c: {  	_ =	shalt  }
0x5d: {  	_ =	shalt  }
0x5e: {  	_ =	shalt  }
0x5f: {  	_ =	shalt  }
0x60: {  	_ =	shalt  }
0x61: {  	_ =	shalt  }
0x62: {  	_ =	shalt  }
0x63: {  	_ =	shalt  }
0x64: {  	_ =	shalt  }
0x65: {  	_ =	shalt  }
0x66: {  	_ =	shalt  }
0x67: {  	_ =	shalt  }
0x68: {  	_ =	shalt  }
0x69: {  	_ =	shalt  }
0x6a: {  	_ =	shalt  }
0x6b: {  	_ =	shalt  }
0x6c: {  	_ =	shalt  }
0x6d: {  	_ =	shalt  }
0x6e: {  	_ =	shalt  }
0x6f: {  	_ =	shalt  }
0x70: {  	_ =	shalt  }
0x71: {  	_ =	shalt  }
0x72: {  	_ =	shalt  }
0x73: {  	_ =	shalt  }
0x74: {  	_ =	shalt  }
0x75: {  	_ =	shalt  }
0x76: {  	_ =	shalt  }
0x77: {  	_ =	shalt  }
0x78: {  	_ =	shalt  }
0x79: {  	_ =	shalt  }
0x7a: {  	_ =	shalt  }
0x7b: {  	_ =	shalt  }
0x7c: {  	_ =	shalt  }
0x7d: {  	_ =	shalt  }
0x7e: {  	_ =	shalt  }
0x7f: {  	_ =	shalt  }
0x80: {  	_ =	shalt  }
0x81: {  	_ =	shalt  }
0x82: {  	_ =	shalt  }
0x83: {  	_ =	shalt  }
0x84: {  	_ =	shalt  }
0x85: {  	_ =	shalt  }
0x86: {  	_ =	shalt  }
0x87: {  	_ =	shalt  }
.Lfunc_end0:
.L_simem_size_0:
called_computation_lowered:
.L_overlay_start_0:
0x88: {  	s2 =	sld [smem:$0x3FD9]  }
0x89: {  	s3 =	sld [smem:$0x3FFE];
	_ =	sdelay $0x1  }
0x8a: {  	s1 =	srdreg.scid  }
0x8b: {  	s0 =	sand.u32 $0x1, s1  }
0x8c: {  	s16 =	sshll.u32 s0, $0xA;
	s2 =	sadd.s32 s3, s2  }
0x8d: {  	s2 =	sadd.s32 s2, s16  }
0x8e: {  	[smem:$0x3FC2] =	sst s2  }
0x8f: {  	_ = 	snop  }
0x90: {  	(tm) =	ssettm $0x1  }
0x91: {  	s17 =	sld [smem:$0x3FFB];
	_ =	sdelay $0x3  }
0x92: {  	_ =	strace s17  }
0x93: {  	s2 =	sld [smem:$0x3FFC];
	_ =	sdelay $0x3  }
0x94: {  	_ =	strace s2  }
0x95: {  	s2 =	sld [smem:$0x3FFD];
	_ =	sdelay $0x3  }
0x96: {  	_ =	strace s2  }
0x97: {  	_ =	strace $0x8FFFFFFF  }
0x98: {  	s18 =	sld [smem:$0x3FDB];
	_ =	sdelay $0x1  }
0x99: {  	s19 =	simm.s32 $_scs_section_size  }
0x9a: {  	s4 =	simm.s32 $_size__tile_overlayer_lowered;
	s5 =	simm.s32 $_tile_overlayer_lowered  }
0x9b: {  	s22 =	simm.s32 $0x1BFF;
	s21 =	sshll.u32 s5, $0x1;
	s2 =	sadd.s32 s19, s18  }
0x9c: {  	s6 =	simm.s32 $0x0;
	s20 =	sshll.u32 s4, $0x1;
	s4 =	sadd.s32 s21, s2  }
0x9d: {  	[timem:s6], [sflag:s22] =	dma.local [hbm:s4], s20  }
0x9e: {  	_ =	swait.ge [sflag:s22], s20  }
0x9f: {  	s3 =	ssub.s32 $0x0, s20;
	[sflag:s22] =	ssyncset.done $0x0  }
0xa0: {  	[sflag:s22] =	ssyncadd.s32 s3;
	_ =	sdelay $0x1  }
0xa1: {  	s23 =	simm.s32 $0x1B8B  }
0xa2: {  	_ =	swait.ge [sflag:s23], $0x1  }
0xa3: {  	[sflag:s23] =	ssyncset.done $0x0  }
0xa4: {  	s25 =	simm.s32 $0x1B8E;
	s24 =	sld [smem:$0x3FFE];
	[sflag:s23] =	ssyncadd.s32 $0xFFFFFFFF  }
0xa5: {  	s26 =	simm.s32 $execute0_lowered;
	[smem:$0x3FD2] =	sst s25  }
0xa6: {  	s4 =	sshll.u32 s26, $0x1;
	_ =	strace $0x80000046;
	[dreg:$0x1] =	wrdreg $0xFFFFFFFF  }
0xa7: {  	s28 =	simm.s32 $_size_execute0_lowered;
	s2 =	sadd.s32 s2, s4;
	[dreg:$0x0] =	wrdreg $0x0  }
0xa8: {  	s4 =	sshll.u32 s28, $0x1;
	[dreg:$0x2] =	wrdreg s2  }
0xa9: {  	[dreg:$0x3] =	wrdreg s4  }
0xaa: {  	[dreg:$0x4] =	wrdreg $0xC0  }
0xab: {  	_ =	task [dreg:s6], $0x5FFFF  }
0xac: {  	[dreg:$0x1] =	wrdreg $0xFFFFFFFF  }
0xad: {  	[dreg:$0x0] =	wrdreg $0x60  }
0xae: {  	[dreg:$0x2] =	wrdreg s24  }
0xaf: {  	[dreg:$0x3] =	wrdreg $0xF2800  }
0xb0: {  	[dreg:$0x4] =	wrdreg $0x9  }
0xb1: {  	_ =	task.clear_ibuf [dreg:s6], $0x5FFFF;
	_ =	strace $0x90000046  }
0xb2: {  	s29 =	simm.s32 $0x9;
	_ =	strace $0x80000048  }
0xb3: {  	_ =	swait.ge [sflag:s29], $0x1  }
0xb4: {  	[sflag:s29] =	ssyncadd.s32 $0xFFFFFFFF  }
0xb5: {  	_ =	strace $0x90000048  }
0xb6: {  	_ =	sfence  }
0xb7: {  	s30 =	sld [smem:$0x0];
	_ =	sdelay $0x2  }
0xb8: {  	s31 =	sshll.u32 s1, $0xD;
	s1 =	sshrl.u32 s1, $0x2  }
0xb9: {  	s3 =	sand.u32 $0x4000, s31;
	s1 =	sadd.s32 s1, s30  }
0xba: {  	s0 =	sor.u32 s3, s0;
	s1 =	sshll.u32 s1, $0x11  }
0xbb: {  	s0 =	sor.u32 s1, s0  }
0xbc: {  	s0 =	sadd.s32 $0x8F2B, s0  }
0xbd: {  	[sflag:s0] =	ssyncadd.remote.s32 $0x1  }
0xbe: {  	_ =	sfence.sel $0xFFFF  }
0xbf: {  	[dreg:$0x0] =	wrdreg $0xFFFFFFFF;
	(pc) =	sbr.abs _section_cstart, $3  }
0xc0: {  	[dreg:$0x1] =	wrdreg $0xFFFFFFFF  }
0xc1: {  	_ =	task.clear_ibuf [dreg:s6], $0x2FFFF;
	_ =	strace $0x9FFFFFFF  }
0xc2: {  	(tm) =	ssettm $0x7FFFFFFF  }
0xc3: {  	_ =	shalt  }
tec
execute0_lowered:
.L_overlay_start_1:
0x0: {  	(tag) =	ssettag $0x1  }
0x1: {  	s3 =	rddreg [dreg:$0x0]  }
0x2: {  	s0 =	srdreg.scid;
	s6 =	rddreg [dreg:$0x1]  }
0x3: {  	s1 =	rddreg [dreg:$0x2];
	s2 =	simm.s32 $0x0;
	s11 =	simm.s32 $0x400  }
0x4: {  	s12 =	simm.s32 $0x1400;
	s13 =	simm.s32 $0x14000;
	s4 =	sand.u32 $0x1, s0  }
0x5: {  	s14 =	simm.s32 $0xC800;
	s0 =	stileid.u32;
	s5 =	smul.u32 $0xA0000, s4  }
0x6: {  	s15 =	simm.s32 $0x100;
	s16 =	simm.s32 $0xF000;
	s7 =	smul.u32 $0xA000, s0  }
0x7: {  	s17 =	simm.s32 $0x0;
	[smem:$0x7FF] =	sst s2;
	s25 =	smul.u32 $0x500, s0  }
0x8: {  	_ =	strace $0x80000047;
	s8 =	sshll.u32 s4, $0x7;
	s26 =	sshrl.u32 s0, $0x3  }
0x9: {  	s4 =	ssub.s32 $0x2, s4;
	s9 =	smul.u32 $0x5000, s0;
	s29 =	sshll.u32 s0, $0x7  }
0xa: {  	s28 =	sshrl.u32 s4, $0x1;
	s31 =	sand.u32 $0x380, s29;
	s5 =	sadd.s32 s7, s5  }
0xb: {  	s7 =	sor.u32 s8, s25;
	s8 =	smul.u32 $0x50000, s26;
	s10 =	ssub.s32 s4, s28  }
0xc: {  	s9 =	sshrl.u32 s9, $0x2;
	s5 =	sshrl.u32 s5, $0x3;
	s7 =	sshrl.u32 s7, $0x3  }
0xd: {  	s5 =	sadd.s32 s5, s3;
	s7 =	sadd.s32 s7, s3;
	s30 =	sshrl.u32 s8, $0x2  }
0xe: {  	s8 =	simm.s32 $0x1;
	s4 =	sadd.s32 s30, s6;
	s3 =	sadd.s32 $0x1A00, s5  }
0xf: {  	s5 =	sadd.s32 s9, s6;
	s6 =	sadd.s32 $0x29A00, s7;
	s7 =	smax.u32 s10, $0x1  }
0x10: {  	v0 =	vimm.f32 $0.0e+00;
	v1 =	vimm.f32 $1.000000000e+00;
	s9 =	simm.s32 $0xA000;
	s10 =	simm.s32 $0x80;
	s4 =	sadd.s32 s31, s4  }
.LBB2_1:
0x11: {  	[tilespmem:s2], [sflag:$0x1] =	stream.linear.gather [hbm4b:s3+s2], $0xA000, $0x38;
	[tilespmem:$0x11A80] =	vst v63  }
0x12: {  	_ =	swait.ge [sflag:s8], $0xA000  }
0x13: {  	[sflag:s8] =	ssyncset.done $0x0  }
0x14: {  	s18 =	simm.s32 $0x0;
	[sflag:s8] =	ssyncadd.s32 $0xFFFF6000  }
.LBB2_2:
0x15: {  	p0 =	sne.s32 s18, $0x9FC0  }
.Ltmp0:
0x16: {  	_ = 	snop;
	(pc) =	sbr.rel @p0 .LBB2_2-.Ltmp0, $3  }
0x17: {  	_ =	sdelay $0x1  }
0x18: {  	s19 =	sshra.s32 s18, $0x2  }
0x19: {  	s18 =	sadd.s32 $0x40, s18;
	[tilespmem:s19+$0xA000] =	vst v0  }
0x1a: {  	s18 =	simm.s32 $0x0  }
.LBB2_4:
0x1b: {  	s19 =	sshra.s32 s18, $0x2  }
0x1c: {  	v2 =	vld [tilespmem:s19+$0x0];
	_ =	sdelay $0x7  }
0x1d: {  	[tilespmem:v2+s9+$0x0] =	vst.idx.add.f32.msk $0xffff, v1  }
0x1e: {  	v2 =	vld [tilespmem:s19+$0x10];
	_ =	sdelay $0x7  }
0x1f: {  	[tilespmem:v2+s9+$0x0] =	vst.idx.add.f32.msk $0xffff, v1  }
0x20: {  	v2 =	vld [tilespmem:s19+$0x20];
	_ =	sdelay $0x7  }
0x21: {  	[tilespmem:v2+s9+$0x0] =	vst.idx.add.f32.msk $0xffff, v1  }
0x22: {  	v2 =	vld [tilespmem:s19+$0x30];
	_ =	sdelay $0x2  }
0x23: {  	p0 =	sne.s32 s18, $0x27E00  }
.Ltmp1:
0x24: {  	_ = 	snop;
	(pc) =	sbr.rel @p0 .LBB2_4-.Ltmp1, $2  }
0x25: {  	_ =	sdelay $0x2  }
0x26: {  	s18 =	sadd.s32 $0x200, s18;
	[tilespmem:v2+s9+$0x0] =	vst.idx.add.f32.msk $0xffff, v1  }
0x27: {  	[spmem:s4] =	stream.strided.scatter [tilespmem:s9], [sflag:$0x1], $0x2800, s11, s10, $0x38;
	[tilespmem:$0x11A80] =	vst v63  }
0x28: {  	_ =	swait.ge [sflag:s8], $0x2800  }
0x29: {  	[sflag:s8] =	ssyncset.done $0x0  }
0x2a: {  	[sflag:s8] =	ssyncadd.s32 $0xFFFFD800  }
0x2b: {  	[bflag:$0x0] =	sbarrier.arrive $0xFFFF  }
0x2c: {  	[tilespmem:s14], [sflag:$0x1] =	stream.strided.gather [spmem:s5], $0x2800, s13, s12, $0x38;
	[tilespmem:$0x11A80] =	vst v63  }
0x2d: {  	s18 =	simm.s32 $0x0;
	_ =	swait.ge [sflag:s8], $0x2800  }
0x2e: {  	s19 =	sand.u32 $0x70, s18;
	s18 =	sand.u32 $0x1C00, s18;
	[sflag:s8] =	ssyncset.done $0x0  }
0x2f: {  	s18 =	sor.u32 s19, s18;
	[sflag:s8] =	ssyncadd.s32 $0xFFFFD800  }
0x30: {  	v2 =	vld [tilespmem:s18+$0xC880]  }
0x31: {  	v3 =	vld [tilespmem:s18+$0xC800];
	_ =	sdelay $0x1  }
0x32: {  	v4 =	vld [tilespmem:s18+$0xC900];
	_ =	sdelay $0x1  }
0x33: {  	v5 =	vld [tilespmem:s18+$0xC980]  }
0x34: {  	v2 =	vadd.f32 v2, v3  }
0x35: {  	v3 =	vld [tilespmem:s18+$0xCA00]  }
0x36: {  	v2 =	vadd.f32 v4, v2  }
0x37: {  	v55 =	vld [tilespmem:s18+$0xCA80]  }
0x38: {  	v2 =	vadd.f32 v5, v2  }
0x39: {  	v56 =	vld [tilespmem:s18+$0xCB00]  }
0x3a: {  	v2 =	vadd.f32 v3, v2  }
0x3b: {  	v3 =	vld [tilespmem:s18+$0xCB80]  }
0x3c: {  	v2 =	vadd.f32 v55, v2  }
0x3d: {  	v57 =	vld [tilespmem:s18+$0xDC00]  }
0x3e: {  	v2 =	vadd.f32 v56, v2  }
0x3f: {  	v58 =	vld [tilespmem:s18+$0xDC80]  }
0x40: {  	v2 =	vadd.f32 v3, v2  }
0x41: {  	v3 =	vld [tilespmem:s18+$0xDD00]  }
0x42: {  	v2 =	vadd.f32 v57, v2  }
0x43: {  	v59 =	vld [tilespmem:s18+$0xDD80]  }
0x44: {  	v2 =	vadd.f32 v58, v2  }
0x45: {  	v60 =	vld [tilespmem:s18+$0xDE00]  }
0x46: {  	v2 =	vadd.f32 v3, v2  }
0x47: {  	v3 =	vld [tilespmem:s18+$0xDE80]  }
0x48: {  	v2 =	vadd.f32 v59, v2  }
0x49: {  	v61 =	vld [tilespmem:s18+$0xDF00]  }
0x4a: {  	v2 =	vadd.f32 v60, v2  }
0x4b: {  	v62 =	vld [tilespmem:s18+$0xDF80]  }
0x4c: {  	v2 =	vadd.f32 v3, v2;
	_ =	sdelay $0x1  }
0x4d: {  	v2 =	vadd.f32 v61, v2;
	_ =	sdelay $0x1  }
0x4e: {  	v2 =	vadd.f32 v62, v2;
	_ =	sdelay $0x1  }
0x4f: {  	v2 =	vadd.f32 $1.000000000e+00, v2;
	_ =	sdelay $0x1  }
0x50: {  	v3 =	vshra.s32 v2, $0x1;
	v2 =	vmul.f32 $5.000000000e-01, v2  }
0x51: {  	v3 =	vsub.s32 $0x5F3759DF, v3  }
0x52: {  	v63 =	vmul.f32 v3, v2;
	_ =	sdelay $0x1  }
0x53: {  	v4 =	vmul.f32 v3, v63;
	_ =	sdelay $0x1  }
0x54: {  	v4 =	vsub.f32 $1.500000000e+00, v4;
	_ =	sdelay $0x1  }
0x55: {  	v3 =	vmul.f32 v3, v4;
	_ =	sdelay $0x1  }
0x56: {  	v4 =	vmul.f32 v3, v2;
	_ =	sdelay $0x1  }
0x57: {  	v4 =	vmul.f32 v4, v3;
	_ =	sdelay $0x1  }
0x58: {  	v4 =	vsub.f32 $1.500000000e+00, v4;
	_ =	sdelay $0x1  }
0x59: {  	v3 =	vmul.f32 v4, v3;
	_ =	sdelay $0x1  }
0x5a: {  	v2 =	vmul.f32 v3, v2;
	_ =	sdelay $0x1  }
0x5b: {  	v2 =	vmul.f32 v2, v3;
	_ =	sdelay $0x1  }
0x5c: {  	v2 =	vsub.f32 $1.500000000e+00, v2;
	_ =	sdelay $0x1  }
0x5d: {  	s20 =	simm.s32 $0x10;
	s19 =	simm.s32 $0x80;
	v2 =	vmul.f32 v2, v3  }
0x5e: {  	s20 =	sand.u32 $0x70, s20;
	s21 =	sand.u32 $0x1C00, s19;
	s18 =	simm.s32 $0xF000  }
0x5f: {  	s21 =	sor.u32 s20, s21;
	s20 =	simm.s32 $0x20;
	[tilespmem:s18+$0x0] =	vst v2  }
.LBB2_6:
0x60: {  	p0 =	sne.s32 s20, $0x270;
	v2 =	vld [tilespmem:s21+$0xC880]  }
0x61: {  	v3 =	vld [tilespmem:s21+$0xC800];
	_ =	sdelay $0x1  }
0x62: {  	v4 =	vld [tilespmem:s21+$0xC900];
	_ =	sdelay $0x1  }
0x63: {  	v5 =	vld [tilespmem:s21+$0xC980]  }
0x64: {  	v2 =	vadd.f32 v2, v3  }
0x65: {  	v3 =	vld [tilespmem:s21+$0xCA00]  }
0x66: {  	v2 =	vadd.f32 v4, v2  }
0x67: {  	v4 =	vld [tilespmem:s21+$0xCA80]  }
0x68: {  	v2 =	vadd.f32 v5, v2  }
0x69: {  	v5 =	vld [tilespmem:s21+$0xCB00]  }
0x6a: {  	v2 =	vadd.f32 v3, v2  }
0x6b: {  	v3 =	vld [tilespmem:s21+$0xCB80]  }
0x6c: {  	v2 =	vadd.f32 v4, v2  }
0x6d: {  	v4 =	vld [tilespmem:s21+$0xDC00]  }
0x6e: {  	v2 =	vadd.f32 v5, v2  }
0x6f: {  	v5 =	vld [tilespmem:s21+$0xDC80]  }
0x70: {  	v2 =	vadd.f32 v3, v2  }
0x71: {  	v3 =	vld [tilespmem:s21+$0xDD00]  }
0x72: {  	v2 =	vadd.f32 v4, v2  }
0x73: {  	v4 =	vld [tilespmem:s21+$0xDD80]  }
0x74: {  	v2 =	vadd.f32 v5, v2  }
0x75: {  	v5 =	vld [tilespmem:s21+$0xDE00]  }
0x76: {  	v2 =	vadd.f32 v3, v2  }
0x77: {  	v3 =	vld [tilespmem:s21+$0xDE80]  }
0x78: {  	v2 =	vadd.f32 v4, v2  }
0x79: {  	v4 =	vld [tilespmem:s21+$0xDF00]  }
0x7a: {  	v2 =	vadd.f32 v5, v2  }
0x7b: {  	v5 =	vld [tilespmem:s21+$0xDF80]  }
0x7c: {  	v2 =	vadd.f32 v3, v2;
	_ =	sdelay $0x1  }
0x7d: {  	v2 =	vadd.f32 v4, v2;
	_ =	sdelay $0x1  }
0x7e: {  	v2 =	vadd.f32 v5, v2;
	_ =	sdelay $0x1  }
0x7f: {  	v2 =	vadd.f32 $1.000000000e+00, v2;
	_ =	sdelay $0x1  }
0x80: {  	v3 =	vshra.s32 v2, $0x1;
	v2 =	vmul.f32 $5.000000000e-01, v2  }
0x81: {  	v3 =	vsub.s32 $0x5F3759DF, v3  }
0x82: {  	v4 =	vmul.f32 v3, v2;
	_ =	sdelay $0x1  }
0x83: {  	v4 =	vmul.f32 v3, v4;
	_ =	sdelay $0x1  }
0x84: {  	v4 =	vsub.f32 $1.500000000e+00, v4;
	_ =	sdelay $0x1  }
0x85: {  	v3 =	vmul.f32 v3, v4;
	_ =	sdelay $0x1  }
0x86: {  	v4 =	vmul.f32 v3, v2;
	_ =	sdelay $0x1  }
0x87: {  	v4 =	vmul.f32 v4, v3;
	_ =	sdelay $0x1  }
0x88: {  	v4 =	vsub.f32 $1.500000000e+00, v4;
	_ =	sdelay $0x1  }
0x89: {  	v3 =	vmul.f32 v4, v3;
	_ =	sdelay $0x1  }
0x8a: {  	v2 =	vmul.f32 v3, v2;
	_ =	sdelay $0x1  }
0x8b: {  	v2 =	vmul.f32 v2, v3;
	_ =	sdelay $0x1  }
.Ltmp2:
0x8c: {  	v2 =	vsub.f32 $1.500000000e+00, v2;
	(pc) =	sbr.rel @p0 .LBB2_6-.Ltmp2, $4  }
0x8d: {  	_ = 	snop  }
0x8e: {  	s19 =	sadd.s32 $0x80, s19;
	v2 =	vmul.f32 v2, v3  }
0x8f: {  	s18 =	sadd.s32 $0x10, s18;
	s22 =	sand.u32 $0x1C00, s19;
	s21 =	sand.u32 $0x70, s20  }
0x90: {  	s20 =	sadd.s32 $0x10, s20;
	s21 =	sor.u32 s21, s22;
	[tilespmem:s18+$0x0] =	vst v2  }
0x91: {  	v2 =	vld [tilespmem:s21+$0xC880]  }
0x92: {  	v3 =	vld [tilespmem:s21+$0xC800];
	_ =	sdelay $0x1  }
0x93: {  	v4 =	vld [tilespmem:s21+$0xC900];
	_ =	sdelay $0x1  }
0x94: {  	v5 =	vld [tilespmem:s21+$0xC980]  }
0x95: {  	v2 =	vadd.f32 v2, v3  }
0x96: {  	v3 =	vld [tilespmem:s21+$0xCA00]  }
0x97: {  	v2 =	vadd.f32 v4, v2  }
0x98: {  	v55 =	vld [tilespmem:s21+$0xCA80]  }
0x99: {  	v2 =	vadd.f32 v5, v2  }
0x9a: {  	v56 =	vld [tilespmem:s21+$0xCB00]  }
0x9b: {  	v2 =	vadd.f32 v3, v2  }
0x9c: {  	v3 =	vld [tilespmem:s21+$0xCB80]  }
0x9d: {  	v2 =	vadd.f32 v55, v2  }
0x9e: {  	v57 =	vld [tilespmem:s21+$0xDC00]  }
0x9f: {  	v2 =	vadd.f32 v56, v2  }
0xa0: {  	v58 =	vld [tilespmem:s21+$0xDC80]  }
0xa1: {  	v2 =	vadd.f32 v3, v2  }
0xa2: {  	v3 =	vld [tilespmem:s21+$0xDD00]  }
0xa3: {  	v2 =	vadd.f32 v57, v2  }
0xa4: {  	v59 =	vld [tilespmem:s21+$0xDD80]  }
0xa5: {  	v2 =	vadd.f32 v58, v2  }
0xa6: {  	v60 =	vld [tilespmem:s21+$0xDE00]  }
0xa7: {  	v2 =	vadd.f32 v3, v2  }
0xa8: {  	v3 =	vld [tilespmem:s21+$0xDE80]  }
0xa9: {  	v2 =	vadd.f32 v59, v2  }
0xaa: {  	v61 =	vld [tilespmem:s21+$0xDF00]  }
0xab: {  	v2 =	vadd.f32 v60, v2  }
0xac: {  	v62 =	vld [tilespmem:s21+$0xDF80]  }
0xad: {  	v2 =	vadd.f32 v3, v2;
	_ =	sdelay $0x1  }
0xae: {  	v2 =	vadd.f32 v61, v2;
	_ =	sdelay $0x1  }
0xaf: {  	v2 =	vadd.f32 v62, v2;
	_ =	sdelay $0x1  }
0xb0: {  	v2 =	vadd.f32 $1.000000000e+00, v2;
	_ =	sdelay $0x1  }
0xb1: {  	v3 =	vshra.s32 v2, $0x1;
	v2 =	vmul.f32 $5.000000000e-01, v2  }
0xb2: {  	v3 =	vsub.s32 $0x5F3759DF, v3  }
0xb3: {  	v63 =	vmul.f32 v3, v2;
	_ =	sdelay $0x1  }
0xb4: {  	v4 =	vmul.f32 v3, v63;
	_ =	sdelay $0x1  }
0xb5: {  	v4 =	vsub.f32 $1.500000000e+00, v4;
	_ =	sdelay $0x1  }
0xb6: {  	v3 =	vmul.f32 v3, v4;
	_ =	sdelay $0x1  }
0xb7: {  	v4 =	vmul.f32 v3, v2;
	_ =	sdelay $0x1  }
0xb8: {  	v4 =	vmul.f32 v4, v3;
	_ =	sdelay $0x1  }
0xb9: {  	v4 =	vsub.f32 $1.500000000e+00, v4;
	_ =	sdelay $0x1  }
0xba: {  	v3 =	vmul.f32 v4, v3;
	_ =	sdelay $0x1  }
0xbb: {  	v2 =	vmul.f32 v3, v2;
	_ =	sdelay $0x1  }
0xbc: {  	v2 =	vmul.f32 v2, v3;
	_ =	sdelay $0x1  }
0xbd: {  	v2 =	vsub.f32 $1.500000000e+00, v2;
	_ =	sdelay $0x1  }
0xbe: {  	s17 =	sadd.s32 $0x1, s17;
	v2 =	vmul.f32 v2, v3  }
0xbf: {  	s18 =	sadd.s32 $0x10, s18;
	p0 =	sne.s32 s17, s7  }
.Ltmp3:
0xc0: {  	[tilespmem:s18+$0x0] =	vst v2;
	(pc) =	sbr.rel @p0 .LBB2_1-.Ltmp3, $4  }
0xc1: {  	[hbm4b:s6+s10] =	stream.strided.scatter [tilespmem:s16], [sflag:$0x1], $0x280, s15, s10, $0x38;
	[tilespmem:$0x11A80] =	vst v63  }
0xc2: {  	_ =	swait.ge [sflag:s8], $0x280  }
0xc3: {  	[sflag:s8] =	ssyncset.done $0x0  }
0xc4: {  	[sflag:s8] =	ssyncadd.s32 $0xFFFFFD80  }
0xc5: {  	_ =	sfence.sel $0x180000  }
0xc6: {  	[bflag:$0x0] =	sbarrier.arrive $0xFFFF  }
0xc7: {  	p0 =	sne.s32 s0, $0x0;
	_ =	strace $0x90000047  }
0xc8: {  	s0 =	sadd.s32 @!p0 $0x100000, s1;
	[bflag:$0x2] =	sbarrier.arrive $0xFFFF  }
0xc9: {  	[sflag:s0] =	ssyncadd.tile.s32 @!p0 $0x1;
	_ =	shalt  }
.Lfunc_end2:
_tile_overlayer_lowered:
.L_overlay_start_2:
0xca: {  	(tag) =	ssettag $0x2  }
0xcb: {  	s0 =	rddreg [dreg:$0x0];
	s2 =	stileid.u32  }
0xcc: {  	s1 =	rddreg [dreg:$0x1];
	p0 =	sne.s32 s2, $0x0  }
0xcd: {  	s3 =	rddreg [dreg:$0x2];
	[bflag:$0x3] =	sbarrier.arrive $0xFFFF;
	s2 =	simm.s32 @!p0 $0x1C01  }
0xce: {  	[timem:s3], [sflag:s2] =	dma.local @!p0 [hbm:s0], s1  }
0xcf: {  	s0 =	simm.s32 @!p0 $0x1  }
0xd0: {  	_ =	swait.ge @!p0 [sflag:s0], s1  }
0xd1: {  	s1 =	ssub.s32 @!p0 $0x0, s1;
	[sflag:s0] =	ssyncset.done @!p0 $0x0  }
0xd2: {  	[sflag:s0] =	ssyncadd.s32 @!p0 s1  }
0xd3: {  	[bflag:$0x3] =	sbarrier.arrive $0xFFFF  }
0xd4: {  	_ =	shalt  }

// kernel: kernel.8.cloned.1.call-start
scs
__scs_entry_jumppad:
0x0: {  	(pc) =	sbr.rel $0x88, $3  }
0x1: {  	(tag) =	ssettag $0x0;
	lr =	simm.s32 $0x1  }
0x2: {  	[smem:$0x3F9B] =	sst lr;
	_ =	strace $0xD0000000  }
0x3: {  	_ = 	snop  }
0x4: {  	_ = 	snop  }
0x5: {  	_ = 	snop  }
0x6: {  	_ = 	snop  }
0x7: {  	_ = 	snop  }
__scs_overlays_trampoline_lowered:
0x8: {  	[smem:$0x3FAA] =	sst s0  }
0x9: {  	[smem:$0x3FAB] =	sst s1  }
0xa: {  	[smem:$0x3FAC] =	sst s2  }
0xb: {  	[smem:$0x3FAD] =	sst s3  }
0xc: {  	[smem:$0x3FAE] =	sst s4  }
0xd: {  	[smem:$0x3FAF] =	sst s5  }
0xe: {  	[smem:$0x3FB0] =	sst s6  }
0xf: {  	[smem:$0x3FB1] =	sst s7  }
0x10: {  	[smem:$0x3FB2] =	sst s8  }
0x11: {  	[smem:$0x3FB3] =	sst s9;
	s0 =	simm.s32 @!p0 $0x0  }
0x12: {  	s1 =	sld [smem:$0x3F99];
	s0 =	simm.s32 @p0 $0x1  }
0x13: {  	[smem:$0x3FB4] =	sst s0;
	s0 =	simm.s32 @!p1 $0x0  }
0x14: {  	s2 =	sld [smem:$0x3F98];
	s0 =	simm.s32 @p1 $0x1  }
0x15: {  	[smem:$0x3FB5] =	sst s0;
	s0 =	simm.s32 @!p2 $0x0  }
0x16: {  	s3 =	sld [smem:$0x3FDB];
	s0 =	simm.s32 @p2 $0x1  }
0x17: {  	s4 =	simm.s32 $0x1BF5;
	[smem:$0x3FB7] =	sst s0  }
0x18: {  	s0 =	sld [smem:$0x3F9A];
	_ =	swait.ge [sflag:s4], $0x0  }
0x19: {  	s7 =	sld [smem:$0x3F9B]  }
0x1a: {  	s8 =	sadd.s32 $0xFFFFE003, lr  }
0x1b: {  	s9 =	sadd.s32 $0xFFFFFEF7, lr;
	s5 =	simm.s32 $0xFFFFFFFF;
	p2 =	slt.u32 s8, $0xFFFFF086  }
0x1c: {  	p1 =	slt.u32 s9, $0xF7A;
	s5 =	simm.s32 @!p2 $0x0  }
0x1d: {  	s5 =	simm.s32 @p1 $0x1;
	p0 =	seq.s32 s7, s2  }
0x1e: {  	s7 =	smul.u32 @!p0 $0xF7A, s2;
	p2 =	seq.s32 @!p0 s5, $0x0  }
0x1f: {  	s9 =	smul.u32 $0xF7A, s1;
	s8 =	simm.s32 @!p0 $0x1BF5;
	p2 =	por !p2, p0  }
0x20: {  	[sflag:s8] =	ssyncset.s32 @!p0 $0xFFFFF086;
	s6 =	sadd.s32 @!p0 s3, s7;
	s7 =	simm.s32 @!p0 $0x108  }
0x21: {  	s3 =	sadd.s32 s3, s9;
	s6 =	sadd.s32 @!p0 $0x88, s6;
	s7 =	simm.s32 @p2 $0x1082  }
0x22: {  	[simem:s7], [sflag:s8] =	dma.local @!p0 [hbm:s6], $0xF7A  }
0x23: {  	s9 =	sor.u32 $0xD0000000, s2;
	s6 =	simm.s32 $0x108;
	_ =	swait.ge @!p0 [sflag:s8], $0x0  }
0x24: {  	s3 =	sadd.s32 $0x88, s3;
	s6 =	simm.s32 @!p1 $0x1082;
	[sflag:s4] =	ssyncset.s32 $0xFFFFF086  }
0x25: {  	[simem:s6], [sflag:s4] =	dma.local [hbm:s3], $0xF7A  }
0x26: {  	[smem:$0x3F9B] =	sst s1;
	(tag) =	ssettag s2;
	_ =	strace s9  }
0x27: {  	s1 =	sld [smem:$0x3FAB]  }
0x28: {  	s2 =	sld [smem:$0x3FAC]  }
0x29: {  	s4 =	sld [smem:$0x3FAE]  }
0x2a: {  	p0 =	seq.s32 s5, $0x0;
	s5 =	sld [smem:$0x3FAF]  }
0x2b: {  	s6 =	sld [smem:$0x3FB0]  }
0x2c: {  	s7 =	sld [smem:$0x3FB1]  }
0x2d: {  	s3 =	simm.s32 $0x108;
	s8 =	sld [smem:$0x3FB2]  }
0x2e: {  	s3 =	simm.s32 @!p0 $0x1082;
	s9 =	sld [smem:$0x3FB3]  }
0x2f: {  	lr =	sadd.s32 s0, s3;
	s0 =	sld [smem:$0x3FAA]  }
0x30: {  	s3 =	sld [smem:$0x3FAD]  }
0x31: {  	[smem:$0x3FB6] =	sst s10  }
0x32: {  	s10 =	sld [smem:$0x3FB4];
	_ =	sdelay $0x3  }
0x33: {  	p0 =	seq.s32 s10, $0x1;
	s10 =	sld [smem:$0x3FB6];
	_ =	sdelay $0x3  }
0x34: {  	[smem:$0x3FB6] =	sst s10  }
0x35: {  	s10 =	sld [smem:$0x3FB5];
	_ =	sdelay $0x3  }
0x36: {  	p1 =	seq.s32 s10, $0x1;
	s10 =	sld [smem:$0x3FB6];
	_ =	sdelay $0x3  }
0x37: {  	[smem:$0x3FB6] =	sst s10  }
0x38: {  	s10 =	sld [smem:$0x3FB7]  }
0x39: {  	_ = 	snop;
	(pc) =	sbr.ind lr, $3  }
0x3a: {  	_ = 	snop  }
0x3b: {  	_ = 	snop  }
0x3c: {  	p2 =	seq.s32 s10, $0x1;
	s10 =	sld [smem:$0x3FB6]  }
0x3d: {  	_ =	shalt  }
0x3e: {  	_ =	shalt  }
0x3f: {  	_ =	shalt  }
0x40: {  	_ =	shalt  }
0x41: {  	_ =	shalt  }
0x42: {  	_ =	shalt  }
0x43: {  	_ =	shalt  }
0x44: {  	_ =	shalt  }
0x45: {  	_ =	shalt  }
0x46: {  	_ =	shalt  }
0x47: {  	_ =	shalt  }
0x48: {  	_ =	shalt  }
0x49: {  	_ =	shalt  }
0x4a: {  	_ =	shalt  }
0x4b: {  	_ =	shalt  }
0x4c: {  	_ =	shalt  }
0x4d: {  	_ =	shalt  }
0x4e: {  	_ =	shalt  }
0x4f: {  	_ =	shalt  }
0x50: {  	_ =	shalt  }
0x51: {  	_ =	shalt  }
0x52: {  	_ =	shalt  }
0x53: {  	_ =	shalt  }
0x54: {  	_ =	shalt  }
0x55: {  	_ =	shalt  }
0x56: {  	_ =	shalt  }
0x57: {  	_ =	shalt  }
0x58: {  	_ =	shalt  }
0x59: {  	_ =	shalt  }
0x5a: {  	_ =	shalt  }
0x5b: {  	_ =	shalt  }
0x5c: {  	_ =	shalt  }
0x5d: {  	_ =	shalt  }
0x5e: {  	_ =	shalt  }
0x5f: {  	_ =	shalt  }
0x60: {  	_ =	shalt  }
0x61: {  	_ =	shalt  }
0x62: {  	_ =	shalt  }
0x63: {  	_ =	shalt  }
0x64: {  	_ =	shalt  }
0x65: {  	_ =	shalt  }
0x66: {  	_ =	shalt  }
0x67: {  	_ =	shalt  }
0x68: {  	_ =	shalt  }
0x69: {  	_ =	shalt  }
0x6a: {  	_ =	shalt  }
0x6b: {  	_ =	shalt  }
0x6c: {  	_ =	shalt  }
0x6d: {  	_ =	shalt  }
0x6e: {  	_ =	shalt  }
0x6f: {  	_ =	shalt  }
0x70: {  	_ =	shalt  }
0x71: {  	_ =	shalt  }
0x72: {  	_ =	shalt  }
0x73: {  	_ =	shalt  }
0x74: {  	_ =	shalt  }
0x75: {  	_ =	shalt  }
0x76: {  	_ =	shalt  }
0x77: {  	_ =	shalt  }
0x78: {  	_ =	shalt  }
0x79: {  	_ =	shalt  }
0x7a: {  	_ =	shalt  }
0x7b: {  	_ =	shalt  }
0x7c: {  	_ =	shalt  }
0x7d: {  	_ =	shalt  }
0x7e: {  	_ =	shalt  }
0x7f: {  	_ =	shalt  }
0x80: {  	_ =	shalt  }
0x81: {  	_ =	shalt  }
0x82: {  	_ =	shalt  }
0x83: {  	_ =	shalt  }
0x84: {  	_ =	shalt  }
0x85: {  	_ =	shalt  }
0x86: {  	_ =	shalt  }
0x87: {  	_ =	shalt  }
.Lfunc_end0:
.L_simem_size_0:
called_computation.1_lowered:
.L_overlay_start_0:
0x88: {  	s2 =	sld [smem:$0x3FD9]  }
0x89: {  	s3 =	sld [smem:$0x3FFE];
	_ =	sdelay $0x1  }
0x8a: {  	s1 =	srdreg.scid  }
0x8b: {  	s0 =	sand.u32 $0x1, s1  }
0x8c: {  	s14 =	sshll.u32 s0, $0xA;
	s2 =	sadd.s32 s3, s2  }
0x8d: {  	s2 =	sadd.s32 s2, s14  }
0x8e: {  	[smem:$0x3FC2] =	sst s2  }
0x8f: {  	_ = 	snop  }
0x90: {  	s2 =	sld [smem:$0x3FD0];
	_ =	sdelay $0x2  }
0x91: {  	s4 =	simm.s32 $0xA;
	s5 =	simm.s32 $0x10;
	s15 =	sld [smem:$0x3FC4]  }
0x92: {  	[smem:s5], [sflag:s4] =	dma.local [hbm:s2], $0x1  }
0x93: {  	_ =	swait.eq [sflag:s4], $0x1  }
0x94: {  	[sflag:s4] =	ssyncset.done $0x0  }
0x95: {  	s16 =	sld [smem:$0x10];
	[sflag:s4] =	ssyncadd.s32 $0xFFFFFFFF  }
0x96: {  	s17 =	sld [smem:$0x11];
	(tm) =	ssettm $0x1  }
0x97: {  	s18 =	sld [smem:$0x3FFB];
	_ =	sdelay $0x3  }
0x98: {  	_ =	strace s18  }
0x99: {  	s5 =	sld [smem:$0x3FFC];
	_ =	sdelay $0x3  }
0x9a: {  	_ =	strace s5  }
0x9b: {  	s5 =	sld [smem:$0x3FFD];
	_ =	sdelay $0x3  }
0x9c: {  	_ =	strace s5  }
0x9d: {  	_ =	strace $0x8FFFFFFF  }
0x9e: {  	s19 =	sld [smem:$0x3FDB];
	_ =	sdelay $0x1  }
0x9f: {  	s6 =	simm.s32 $_scs_section_size  }
0xa0: {  	s7 =	simm.s32 $_size__tile_overlayer_lowered;
	s8 =	simm.s32 $_tile_overlayer_lowered  }
0xa1: {  	s22 =	simm.s32 $0x1BFF;
	s21 =	sshll.u32 s8, $0x1;
	s5 =	sadd.s32 s6, s19  }
0xa2: {  	s9 =	simm.s32 $0x0;
	s20 =	sshll.u32 s7, $0x1;
	s7 =	sadd.s32 s21, s5  }
0xa3: {  	[timem:s9], [sflag:s22] =	dma.local [hbm:s7], s20  }
0xa4: {  	_ =	swait.ge [sflag:s22], s20  }
0xa5: {  	s6 =	ssub.s32 $0x0, s20;
	[sflag:s22] =	ssyncset.done $0x0  }
0xa6: {  	[sflag:s22] =	ssyncadd.s32 s6;
	_ =	sdelay $0x1  }
0xa7: {  	s23 =	simm.s32 $0x1B8B  }
0xa8: {  	_ =	swait.ge [sflag:s23], $0x1  }
0xa9: {  	[sflag:s23] =	ssyncset.done $0x0  }
0xaa: {  	s25 =	simm.s32 $0x1B8E;
	s24 =	sld [smem:$0x3FFE];
	[sflag:s23] =	ssyncadd.s32 $0xFFFFFFFF  }
0xab: {  	s26 =	simm.s32 $execute0_lowered;
	[smem:$0x3FD2] =	sst s25  }
0xac: {  	s7 =	sshll.u32 s26, $0x1;
	_ =	strace $0x80000049;
	[dreg:$0x1] =	wrdreg $0xFFFFFFFF  }
0xad: {  	s28 =	simm.s32 $_size_execute0_lowered;
	s5 =	sadd.s32 s5, s7;
	[dreg:$0x0] =	wrdreg $0x0  }
0xae: {  	s7 =	sshll.u32 s28, $0x1;
	[dreg:$0x2] =	wrdreg s5  }
0xaf: {  	[dreg:$0x3] =	wrdreg s7  }
0xb0: {  	[dreg:$0x4] =	wrdreg $0xC0  }
0xb1: {  	_ =	task [dreg:s9], $0x5FFFF  }
0xb2: {  	[dreg:$0x1] =	wrdreg $0xFFFFFFFF  }
0xb3: {  	[dreg:$0x0] =	wrdreg $0x60  }
0xb4: {  	[dreg:$0x2] =	wrdreg s24  }
0xb5: {  	[dreg:$0x3] =	wrdreg s16  }
0xb6: {  	[dreg:$0x4] =	wrdreg s17  }
0xb7: {  	[dreg:$0x5] =	wrdreg s15  }
0xb8: {  	[dreg:$0x6] =	wrdreg $0xA0000  }
0xb9: {  	[dreg:$0x7] =	wrdreg $0x9  }
0xba: {  	_ =	task.clear_ibuf [dreg:s9], $0x8FFFF;
	_ =	strace $0x90000049  }
0xbb: {  	s29 =	simm.s32 $0x9;
	_ =	strace $0x8000004B  }
0xbc: {  	_ =	swait.ge [sflag:s29], $0x1  }
0xbd: {  	[sflag:s29] =	ssyncadd.s32 $0xFFFFFFFF  }
0xbe: {  	_ =	strace $0x9000004B  }
0xbf: {  	_ =	sfence  }
0xc0: {  	s30 =	sld [smem:$0x0];
	_ =	sdelay $0x2  }
0xc1: {  	s31 =	sshll.u32 s1, $0xD;
	s1 =	sshrl.u32 s1, $0x2  }
0xc2: {  	s3 =	sand.u32 $0x4000, s31;
	s1 =	sadd.s32 s1, s30  }
0xc3: {  	s0 =	sor.u32 s3, s0;
	s1 =	sshll.u32 s1, $0x11  }
0xc4: {  	s0 =	sor.u32 s1, s0  }
0xc5: {  	s0 =	sadd.s32 $0x8F2B, s0  }
0xc6: {  	[sflag:s0] =	ssyncadd.remote.s32 $0x1  }
0xc7: {  	_ =	sfence.sel $0xFFFF  }
0xc8: {  	[dreg:$0x0] =	wrdreg $0xFFFFFFFF;
	(pc) =	sbr.abs _section_cstart, $3  }
0xc9: {  	[dreg:$0x1] =	wrdreg $0xFFFFFFFF  }
0xca: {  	_ =	task.clear_ibuf [dreg:s9], $0x2FFFF;
	_ =	strace $0x9FFFFFFF  }
0xcb: {  	(tm) =	ssettm $0x7FFFFFFF  }
tec
execute0_lowered:
.L_overlay_start_1:
0x0: {  	(tag) =	ssettag $0x1  }
0x1: {  	s1 =	rddreg [dreg:$0x0]  }
0x2: {  	s0 =	rddreg [dreg:$0x1]  }
0x3: {  	s2 =	rddreg [dreg:$0x2]  }
0x4: {  	s3 =	srdreg.scid;
	s14 =	stileid.u32  }
0x5: {  	s5 =	rddreg [dreg:$0x4];
	s7 =	simm.s32 $0x0;
	s17 =	simm.s32 $0x3  }
0x6: {  	s18 =	simm.s32 $0x1000;
	s19 =	simm.s32 $0x40;
	s20 =	simm.s32 $0x2000  }
0x7: {  	s21 =	simm.s32 $0x3000;
	s22 =	simm.s32 $0x80;
	s6 =	smul.u32 $0x280, s14  }
0x8: {  	s23 =	simm.s32 $0x4000;
	s28 =	simm.s32 $0x6000;
	s12 =	smul.u32 $0x50000, s14  }
0x9: {  	s29 =	simm.s32 $0x2;
	s3 =	sand.u32 $0x1, s3;
	s26 =	smul.u32 $0x5000, s14  }
0xa: {  	s30 =	simm.s32 $0x8000;
	[smem:$0x7FF] =	sst s7;
	s4 =	smul.u32 $0x2800, s3  }
0xb: {  	s9 =	sadd.s32 $0x7A400, s1;
	s31 =	sshll.u32 s14, $0x6;
	s13 =	smul.u32 $0x50000, s3  }
0xc: {  	_ =	strace $0x8000004A;
	s11 =	ssub.s32 $0x2, s3;
	s14 =	smul.u32 $0x140000, s3  }
0xd: {  	s3 =	simm.s32 $0x0;
	s24 =	sshrl.u32 s11, $0x1;
	s4 =	sadd.s32 s6, s4  }
0xe: {  	s25 =	sshrl.u32 s12, $0x2;
	s12 =	sadd.s32 s26, s13;
	s8 =	sshll.u32 s4, $0x4  }
0xf: {  	v0 =	vimm.s32 $0x0;
	s26 =	simm.s32 $0x1;
	s4 =	sshrl.u32 s4, $0x3;
	s10 =	sadd.s32 s8, s1  }
0x10: {  	v1 =	vimm.s32 $0x1;
	v2 =	vimm.s32 $0x2;
	v3 =	vimm.s32 $0x3;
	s8 =	sadd.s32 $0x52400, s1;
	s4 =	sadd.s32 s4, s1;
	s10 =	sadd.s32 $0x2400, s10  }
0x11: {  	v4 =	vimm.s32 $0x4;
	v5 =	vimm.s32 $0x5;
	v6 =	vimm.s32 $0x6;
	s1 =	ssub.s32 s11, s24;
	s4 =	sadd.s32 $0x1A00, s4;
	[dreg:$0x6] =	wrdreg s10  }
0x12: {  	v7 =	vimm.s32 $0x7;
	v8 =	vimm.s32 $0x8;
	v9 =	vimm.s32 $0x9;
	s11 =	sadd.s32 s25, s5;
	s1 =	smax.u32 s1, $0x1;
	[dreg:$0x8] =	wrdreg s4  }
0x13: {  	v10 =	vimm.s32 $0xA;
	v11 =	vimm.s32 $0xB;
	v12 =	vimm.s32 $0xC;
	s24 =	simm.s32 $0xC0;
	s10 =	sor.u32 $0x1C03, s31;
	[dreg:$0x9] =	wrdreg s1  }
0x14: {  	v13 =	vimm.s32 $0xD;
	v14 =	vimm.s32 $0xE;
	v15 =	vimm.s32 $0xF;
	s25 =	simm.s32 $0x5000;
	s16 =	sshrl.u32 s11, $0x3;
	[dreg:$0x7] =	wrdreg s10  }
.LBB2_1:
0x15: {  	s1 =	rddreg [dreg:$0x6]  }
0x16: {  	s4 =	rddreg [dreg:$0x7]  }
0x17: {  	[spmem:s16], [sflag:s4] =	dma.local [hbm:s1], $0x2800  }
.Ltmp0:
0x18: {  	_ =	swait.ge [sflag:s17], $0x2800;
	(pc) =	sbr.rel .LBB2_2-.Ltmp0, $4  }
0x19: {  	[sflag:s17] =	ssyncset.done $0x0  }
0x1a: {  	[sflag:s17] =	ssyncadd.s32 $0xFFFFD800  }
0x1b: {  	[bflag:$0x0] =	sbarrier.arrive $0xFFFF  }
0x1c: {  	s1 =	simm.s32 $0x0  }
.LBB2_17:
0x1d: {  	s1 =	sadd.s32 $0x1, s1  }
0x1e: {  	p0 =	sne.s32 s1, $0x5  }
.Ltmp1:
0x1f: {  	_ = 	snop;
	(pc) =	sbr.rel @!p0 .LBB2_18-.Ltmp1, $1  }
0x20: {  	_ =	sdelay $0x3  }
.LBB2_2:
0x21: {  	s4 =	sshll.u32 s1, $0xC  }
0x22: {  	s4 =	sadd.s32 s4, s12  }
0x23: {  	s4 =	sshrl.u32 s4, $0x3  }
0x24: {  	s10 =	sadd.s32 s0, s4  }
0x25: {  	[tilespmem:s7], [sflag:$0x3] =	stream.linear.gather [hbm4b:s10+s7], $0x1000, $0x38;
	[tilespmem:$0x1E000] =	vst v63  }
0x26: {  	_ =	swait.ge [sflag:s17], $0x1000  }
0x27: {  	[sflag:s17] =	ssyncset.done $0x0  }
0x28: {  	s4 =	sadd.s32 s2, s4;
	[sflag:s17] =	ssyncadd.s32 $0xFFFFF000  }
0x29: {  	[tilespmem:s18], [sflag:$0x3] =	stream.linear.gather [hbm4b:s4+s7], $0x1000, $0x38;
	[tilespmem:$0x1E000] =	vst v63  }
0x2a: {  	_ =	swait.ge [sflag:s17], $0x1000  }
0x2b: {  	p0 =	seq.s32 s1, $0x0;
	[sflag:s17] =	ssyncset.done $0x0  }
0x2c: {  	s4 =	simm.s32 @!p0 $0x2;
	[sflag:s17] =	ssyncadd.s32 $0xFFFFF000  }
0x2d: {  	_ =	swait.ge @!p0 [sflag:s4], $0x2000  }
0x2e: {  	[sflag:s4] =	ssyncset.done @!p0 $0x0  }
0x2f: {  	[sflag:s4] =	ssyncadd.s32 @!p0 $0xFFFFE000  }
0x30: {  	_ =	swait.ge @!p0 [sflag:s4], $0x2000  }
0x31: {  	[sflag:s4] =	ssyncset.done @!p0 $0x0  }
0x32: {  	[sflag:s4] =	ssyncadd.s32 @!p0 $0xFFFFE000;
	s4 =	simm.s32 $0x0  }
0x33: {  	[tilespmem:s20], [sflag:$0x1] =	stream.indirect.gather [hbm4b:s8+s19], $0x40, s4, s19, $0xb8;
	[tilespmem:$0x1E000] =	vst v63  }
0x34: {  	_ = 	snop  }
0x35: {  	[tilespmem:s21], [sflag:$0x1] =	stream.indirect.gather [hbm4b:s8+s19], $0x40, s19, s19, $0xb8;
	[tilespmem:$0x1E000] =	vst v63  }
0x36: {  	_ = 	snop  }
0x37: {  	[tilespmem:s23], [sflag:$0x1] =	stream.indirect.gather [hbm4b:s8+s19], $0x40, s22, s19, $0xb8;
	[tilespmem:$0x1E000] =	vst v63  }
0x38: {  	_ = 	snop  }
0x39: {  	[tilespmem:s25], [sflag:$0x1] =	stream.indirect.gather [hbm4b:s8+s19], $0x40, s24, s19, $0xb8;
	[tilespmem:$0x1E000] =	vst v63  }
.LBB2_3:
0x3a: {  	_ =	swait.ge [sflag:s26], $0x1000  }
0x3b: {  	p0 =	seq.s32 s4, $0x0;
	[sflag:s26] =	ssyncset.done $0x0  }
0x3c: {  	s10 =	simm.s32 @!p0 $0x2;
	[sflag:s26] =	ssyncadd.s32 $0xFFFFF000  }
0x3d: {  	_ =	swait.ge @!p0 [sflag:s10], $0x2000  }
0x3e: {  	[sflag:s10] =	ssyncset.done @!p0 $0x0  }
0x3f: {  	s11 =	simm.s32 $0x0;
	[sflag:s10] =	ssyncadd.s32 @!p0 $0xFFFFE000  }
0x40: {  	v16 =	vld [tilespmem:s11+$0x2000];
	_ =	sdelay $0x4  }
0x41: {  	s10 =	simm.s32 $0x6040;
	v17 =	vunpack.i.l.bf16.f32 v16  }
0x42: {  	v16 =	vunpack.i.u.bf16.f32 v16;
	[tilespmem:s10+$0xFFFFFFC0] =	vst v17  }
0x43: {  	[tilespmem:s10+$0xFFFFFFD0] =	vst v16  }
0x44: {  	v16 =	vld [tilespmem:s11+$0x2010];
	_ =	sdelay $0x4  }
0x45: {  	v17 =	vunpack.i.l.bf16.f32 v16  }
0x46: {  	v16 =	vunpack.i.u.bf16.f32 v16;
	[tilespmem:s10+$0xFFFFFFE0] =	vst v17  }
0x47: {  	[tilespmem:s10+$0xFFFFFFF0] =	vst v16  }
0x48: {  	v16 =	vld [tilespmem:s11+$0x2020];
	_ =	sdelay $0x4  }
0x49: {  	v17 =	vunpack.i.u.bf16.f32 v16  }
0x4a: {  	v16 =	vunpack.i.l.bf16.f32 v16;
	[tilespmem:s10+$0x10] =	vst v17  }
0x4b: {  	[tilespmem:s10+$0x0] =	vst v16  }
0x4c: {  	v16 =	vld [tilespmem:s11+$0x2030];
	_ =	sdelay $0x4  }
0x4d: {  	v17 =	vunpack.i.l.bf16.f32 v16  }
0x4e: {  	v16 =	vunpack.i.u.bf16.f32 v16;
	[tilespmem:s10+$0x20] =	vst v17  }
0x4f: {  	s31 =	simm.s32 $0x40;
	[tilespmem:s10+$0x30] =	vst v16  }
0x50: {  	v16 =	vld [tilespmem:s31+$0x2000]  }
0x51: {  	s13 =	simm.s32 $0x200;
	s11 =	sshll.u32 s4, $0xA  }
.LBB2_4:
0x52: {  	p1 =	sne.s32 s13, $0x3F00;
	_ =	sdelay $0x2  }
0x53: {  	s10 =	sadd.s32 $0x80, s10;
	v17 =	vunpack.i.l.bf16.f32 v16  }
0x54: {  	v16 =	vunpack.i.u.bf16.f32 v16;
	[tilespmem:s10+$0xFFFFFFC0] =	vst v17  }
0x55: {  	[tilespmem:s10+$0xFFFFFFD0] =	vst v16  }
0x56: {  	v16 =	vld [tilespmem:s31+$0x2010];
	_ =	sdelay $0x4  }
0x57: {  	v17 =	vunpack.i.l.bf16.f32 v16  }
0x58: {  	v16 =	vunpack.i.u.bf16.f32 v16;
	[tilespmem:s10+$0xFFFFFFE0] =	vst v17  }
0x59: {  	[tilespmem:s10+$0xFFFFFFF0] =	vst v16  }
0x5a: {  	v16 =	vld [tilespmem:s31+$0x2020];
	_ =	sdelay $0x4  }
0x5b: {  	v17 =	vunpack.i.u.bf16.f32 v16;
	v16 =	vunpack.i.l.bf16.f32 v16  }
0x5c: {  	[tilespmem:s10+$0x10] =	vst v17  }
0x5d: {  	[tilespmem:s10+$0x0] =	vst v16  }
0x5e: {  	v16 =	vld [tilespmem:s31+$0x2030];
	_ =	sdelay $0x4  }
.Ltmp2:
0x5f: {  	v17 =	vunpack.i.u.bf16.f32 v16;
	v16 =	vunpack.i.l.bf16.f32 v16;
	(pc) =	sbr.rel @p1 .LBB2_4-.Ltmp2, $4  }
0x60: {  	[tilespmem:s10+$0x20] =	vst v16  }
0x61: {  	s31 =	sshra.s32 s13, $0x2;
	[tilespmem:s10+$0x30] =	vst v17  }
0x62: {  	v16 =	vld [tilespmem:s31+$0x2000]  }
0x63: {  	s13 =	sadd.s32 $0x100, s13  }
0x64: {  	_ =	sdelay $0x2  }
0x65: {  	s13 =	sadd.s32 $0x80, s10;
	v17 =	vunpack.i.l.bf16.f32 v16  }
0x66: {  	v16 =	vunpack.i.u.bf16.f32 v16;
	[tilespmem:s13+$0xFFFFFFC0] =	vst v17  }
0x67: {  	[tilespmem:s13+$0xFFFFFFD0] =	vst v16  }
0x68: {  	v16 =	vld [tilespmem:s31+$0x2010];
	_ =	sdelay $0x4  }
0x69: {  	v17 =	vunpack.i.l.bf16.f32 v16  }
0x6a: {  	v16 =	vunpack.i.u.bf16.f32 v16;
	[tilespmem:s13+$0xFFFFFFE0] =	vst v17  }
0x6b: {  	[tilespmem:s13+$0xFFFFFFF0] =	vst v16  }
0x6c: {  	v16 =	vld [tilespmem:s31+$0x2020];
	_ =	sdelay $0x4  }
0x6d: {  	v17 =	vunpack.i.u.bf16.f32 v16  }
0x6e: {  	v16 =	vunpack.i.l.bf16.f32 v16;
	[tilespmem:s13+$0x10] =	vst v17  }
0x6f: {  	[tilespmem:s13+$0x0] =	vst v16  }
0x70: {  	v16 =	vld [tilespmem:s31+$0x2030];
	_ =	sdelay $0x2  }
0x71: {  	p1 =	sne.s32 s4, $0xF  }
.Ltmp3:
0x72: {  	_ = 	snop;
	(pc) =	sbr.rel @p1 .LBB2_7-.Ltmp3, $4  }
0x73: {  	v17 =	vunpack.i.l.bf16.f32 v16  }
0x74: {  	s10 =	sshrl.u32 s11, $0x2;
	v16 =	vunpack.i.u.bf16.f32 v16;
	[tilespmem:s13+$0x20] =	vst v17  }
0x75: {  	s31 =	sadd.s32 $0x1000, s10;
	[tilespmem:s13+$0x30] =	vst v16  }
0x76: {  	[spmem:s5] =	stream.indirect.scatter.add.f32 [tilespmem:s28], [sflag:$0x2], $0x80, s31, s19, $0xb8;
	[tilespmem:$0x1E000] =	vst v63  }
.Ltmp4:
0x77: {  	(pc) =	sbr.rel .LBB2_8-.Ltmp4, $4  }
0x78: {  	_ = 	snop  }
0x79: {  	_ =	swait.ge [sflag:s26], $0x1000  }
0x7a: {  	[sflag:s26] =	ssyncset.done $0x0  }
0x7b: {  	[sflag:s26] =	ssyncadd.s32 $0xFFFFF000  }
.LBB2_7:
.Ltmp5:
0x7c: {  	s13 =	sadd.s32 $0x100, s10;
	(pc) =	sbr.rel @p0 .LBB2_9-.Ltmp5, $4  }
0x7d: {  	[tilespmem:s20], [sflag:$0x1] =	stream.indirect.gather [hbm4b:s8+s19], $0x40, s13, s19, $0xb8;
	[tilespmem:$0x1E000] =	vst v63  }
0x7e: {  	_ =	swait.ge [sflag:s26], $0x1000  }
0x7f: {  	[sflag:s26] =	ssyncset.done $0x0  }
0x80: {  	[sflag:s26] =	ssyncadd.s32 $0xFFFFF000  }
.LBB2_8:
0x81: {  	_ =	swait.ge [sflag:s29], $0x2000  }
0x82: {  	[sflag:s29] =	ssyncset.done $0x0  }
0x83: {  	[sflag:s29] =	ssyncadd.s32 $0xFFFFE000  }
.LBB2_9:
0x84: {  	s13 =	simm.s32 $0x0  }
0x85: {  	v16 =	vld [tilespmem:s13+$0x3000];
	_ =	sdelay $0x4  }
0x86: {  	s31 =	simm.s32 $0x8040;
	v17 =	vunpack.i.l.bf16.f32 v16  }
0x87: {  	v16 =	vunpack.i.u.bf16.f32 v16;
	[tilespmem:s31+$0xFFFFFFC0] =	vst v17  }
0x88: {  	[tilespmem:s31+$0xFFFFFFD0] =	vst v16  }
0x89: {  	v16 =	vld [tilespmem:s13+$0x3010];
	_ =	sdelay $0x4  }
0x8a: {  	v17 =	vunpack.i.l.bf16.f32 v16  }
0x8b: {  	v16 =	vunpack.i.u.bf16.f32 v16;
	[tilespmem:s31+$0xFFFFFFE0] =	vst v17  }
0x8c: {  	[tilespmem:s31+$0xFFFFFFF0] =	vst v16  }
0x8d: {  	v16 =	vld [tilespmem:s13+$0x3020];
	_ =	sdelay $0x4  }
0x8e: {  	v17 =	vunpack.i.u.bf16.f32 v16  }
0x8f: {  	v16 =	vunpack.i.l.bf16.f32 v16;
	[tilespmem:s31+$0x10] =	vst v17  }
0x90: {  	[tilespmem:s31+$0x0] =	vst v16  }
0x91: {  	v16 =	vld [tilespmem:s13+$0x3030];
	_ =	sdelay $0x4  }
0x92: {  	v17 =	vunpack.i.l.bf16.f32 v16  }
0x93: {  	v16 =	vunpack.i.u.bf16.f32 v16;
	[tilespmem:s31+$0x20] =	vst v17  }
0x94: {  	s13 =	simm.s32 $0x40;
	[tilespmem:s31+$0x30] =	vst v16  }
0x95: {  	v16 =	vld [tilespmem:s13+$0x3000]  }
0x96: {  	s15 =	simm.s32 $0x200  }
.LBB2_10:
0x97: {  	p0 =	sne.s32 s15, $0x3F00;
	_ =	sdelay $0x2  }
0x98: {  	s31 =	sadd.s32 $0x80, s31;
	v17 =	vunpack.i.l.bf16.f32 v16  }
0x99: {  	v16 =	vunpack.i.u.bf16.f32 v16;
	[tilespmem:s31+$0xFFFFFFC0] =	vst v17  }
0x9a: {  	[tilespmem:s31+$0xFFFFFFD0] =	vst v16  }
0x9b: {  	v16 =	vld [tilespmem:s13+$0x3010];
	_ =	sdelay $0x4  }
0x9c: {  	v17 =	vunpack.i.l.bf16.f32 v16  }
0x9d: {  	v16 =	vunpack.i.u.bf16.f32 v16;
	[tilespmem:s31+$0xFFFFFFE0] =	vst v17  }
0x9e: {  	[tilespmem:s31+$0xFFFFFFF0] =	vst v16  }
0x9f: {  	v16 =	vld [tilespmem:s13+$0x3020];
	_ =	sdelay $0x4  }
0xa0: {  	v17 =	vunpack.i.u.bf16.f32 v16;
	v16 =	vunpack.i.l.bf16.f32 v16  }
0xa1: {  	[tilespmem:s31+$0x10] =	vst v17  }
0xa2: {  	[tilespmem:s31+$0x0] =	vst v16  }
0xa3: {  	v16 =	vld [tilespmem:s13+$0x3030];
	_ =	sdelay $0x4  }
.Ltmp6:
0xa4: {  	v17 =	vunpack.i.u.bf16.f32 v16;
	v16 =	vunpack.i.l.bf16.f32 v16;
	(pc) =	sbr.rel @p0 .LBB2_10-.Ltmp6, $4  }
0xa5: {  	[tilespmem:s31+$0x20] =	vst v16  }
0xa6: {  	s13 =	sshra.s32 s15, $0x2;
	[tilespmem:s31+$0x30] =	vst v17  }
0xa7: {  	v16 =	vld [tilespmem:s13+$0x3000]  }
0xa8: {  	s15 =	sadd.s32 $0x100, s15  }
0xa9: {  	_ =	sdelay $0x2  }
0xaa: {  	s15 =	sadd.s32 $0x80, s31;
	v17 =	vunpack.i.l.bf16.f32 v16  }
0xab: {  	v16 =	vunpack.i.u.bf16.f32 v16;
	[tilespmem:s15+$0xFFFFFFC0] =	vst v17  }
0xac: {  	[tilespmem:s15+$0xFFFFFFD0] =	vst v16  }
0xad: {  	v16 =	vld [tilespmem:s13+$0x3010];
	_ =	sdelay $0x4  }
0xae: {  	v17 =	vunpack.i.l.bf16.f32 v16  }
0xaf: {  	v16 =	vunpack.i.u.bf16.f32 v16;
	[tilespmem:s15+$0xFFFFFFE0] =	vst v17  }
0xb0: {  	[tilespmem:s15+$0xFFFFFFF0] =	vst v16  }
0xb1: {  	v16 =	vld [tilespmem:s13+$0x3020];
	_ =	sdelay $0x4  }
0xb2: {  	v17 =	vunpack.i.u.bf16.f32 v16  }
0xb3: {  	v16 =	vunpack.i.l.bf16.f32 v16;
	[tilespmem:s15+$0x10] =	vst v17  }
0xb4: {  	[tilespmem:s15+$0x0] =	vst v16  }
0xb5: {  	v16 =	vld [tilespmem:s13+$0x3030];
	_ =	sdelay $0x4  }
0xb6: {  	v17 =	vunpack.i.l.bf16.f32 v16  }
0xb7: {  	p0 =	seq.s32 s4, $0xF;
	v16 =	vunpack.i.u.bf16.f32 v16;
	[tilespmem:s15+$0x20] =	vst v17  }
0xb8: {  	s11 =	sshrl.u32 @!p0 s11, $0x2;
	[tilespmem:s15+$0x30] =	vst v16;
	s15 =	sadd.s32 $0x1040, s10  }
0xb9: {  	[spmem:s5] =	stream.indirect.scatter.add.f32 [tilespmem:s30], [sflag:$0x2], $0x80, s15, s19, $0xb8;
	[tilespmem:$0x1E000] =	vst v63  }
0xba: {  	s31 =	simm.s32 @!p0 $0x3000;
	s13 =	sadd.s32 @!p0 $0x140, s11;
	s15 =	simm.s32 @!p0 $0x40  }
0xbb: {  	[tilespmem:s31], [sflag:$0x1] =	stream.indirect.gather @!p0 [hbm4b:s8+s15], $0x40, s13, s15, $0xb8;
	[tilespmem:$0x1E000] =	vst v63  }
0xbc: {  	_ =	swait.ge [sflag:s26], $0x1000  }
0xbd: {  	[sflag:s26] =	ssyncset.done $0x0  }
0xbe: {  	[sflag:s26] =	ssyncadd.s32 $0xFFFFF000  }
0xbf: {  	_ =	swait.ge [sflag:s29], $0x2000  }
0xc0: {  	[sflag:s29] =	ssyncset.done $0x0  }
0xc1: {  	s15 =	simm.s32 $0x0;
	[sflag:s29] =	ssyncadd.s32 $0xFFFFE000  }
0xc2: {  	v16 =	vld [tilespmem:s15+$0x4000];
	_ =	sdelay $0x4  }
0xc3: {  	s31 =	simm.s32 $0x6040;
	v17 =	vunpack.i.l.bf16.f32 v16  }
0xc4: {  	v16 =	vunpack.i.u.bf16.f32 v16;
	[tilespmem:s31+$0xFFFFFFC0] =	vst v17  }
0xc5: {  	[tilespmem:s31+$0xFFFFFFD0] =	vst v16  }
0xc6: {  	v16 =	vld [tilespmem:s15+$0x4010];
	_ =	sdelay $0x4  }
0xc7: {  	v17 =	vunpack.i.l.bf16.f32 v16  }
0xc8: {  	v16 =	vunpack.i.u.bf16.f32 v16;
	[tilespmem:s31+$0xFFFFFFE0] =	vst v17  }
0xc9: {  	[tilespmem:s31+$0xFFFFFFF0] =	vst v16  }
0xca: {  	v16 =	vld [tilespmem:s15+$0x4020];
	_ =	sdelay $0x4  }
0xcb: {  	v17 =	vunpack.i.u.bf16.f32 v16  }
0xcc: {  	v16 =	vunpack.i.l.bf16.f32 v16;
	[tilespmem:s31+$0x10] =	vst v17  }
0xcd: {  	[tilespmem:s31+$0x0] =	vst v16  }
0xce: {  	v16 =	vld [tilespmem:s15+$0x4030];
	_ =	sdelay $0x4  }
0xcf: {  	v17 =	vunpack.i.l.bf16.f32 v16  }
0xd0: {  	v16 =	vunpack.i.u.bf16.f32 v16;
	[tilespmem:s31+$0x20] =	vst v17  }
0xd1: {  	s13 =	simm.s32 $0x40;
	[tilespmem:s31+$0x30] =	vst v16  }
0xd2: {  	v16 =	vld [tilespmem:s13+$0x4000]  }
0xd3: {  	s15 =	simm.s32 $0x200  }
.LBB2_12:
0xd4: {  	p1 =	sne.s32 s15, $0x3F00;
	_ =	sdelay $0x2  }
0xd5: {  	s31 =	sadd.s32 $0x80, s31;
	v17 =	vunpack.i.l.bf16.f32 v16  }
0xd6: {  	v16 =	vunpack.i.u.bf16.f32 v16;
	[tilespmem:s31+$0xFFFFFFC0] =	vst v17  }
0xd7: {  	[tilespmem:s31+$0xFFFFFFD0] =	vst v16  }
0xd8: {  	v16 =	vld [tilespmem:s13+$0x4010];
	_ =	sdelay $0x4  }
0xd9: {  	v17 =	vunpack.i.l.bf16.f32 v16  }
0xda: {  	v16 =	vunpack.i.u.bf16.f32 v16;
	[tilespmem:s31+$0xFFFFFFE0] =	vst v17  }
0xdb: {  	[tilespmem:s31+$0xFFFFFFF0] =	vst v16  }
0xdc: {  	v16 =	vld [tilespmem:s13+$0x4020];
	_ =	sdelay $0x4  }
0xdd: {  	v17 =	vunpack.i.u.bf16.f32 v16;
	v16 =	vunpack.i.l.bf16.f32 v16  }
0xde: {  	[tilespmem:s31+$0x10] =	vst v17  }
0xdf: {  	[tilespmem:s31+$0x0] =	vst v16  }
0xe0: {  	v16 =	vld [tilespmem:s13+$0x4030];
	_ =	sdelay $0x4  }
.Ltmp7:
0xe1: {  	v17 =	vunpack.i.u.bf16.f32 v16;
	v16 =	vunpack.i.l.bf16.f32 v16;
	(pc) =	sbr.rel @p1 .LBB2_12-.Ltmp7, $4  }
0xe2: {  	[tilespmem:s31+$0x20] =	vst v16  }
0xe3: {  	s13 =	sshra.s32 s15, $0x2;
	[tilespmem:s31+$0x30] =	vst v17  }
0xe4: {  	v16 =	vld [tilespmem:s13+$0x4000]  }
0xe5: {  	s15 =	sadd.s32 $0x100, s15  }
0xe6: {  	_ =	sdelay $0x2  }
0xe7: {  	s15 =	sadd.s32 $0x80, s31;
	v17 =	vunpack.i.l.bf16.f32 v16  }
0xe8: {  	v16 =	vunpack.i.u.bf16.f32 v16;
	[tilespmem:s15+$0xFFFFFFC0] =	vst v17  }
0xe9: {  	[tilespmem:s15+$0xFFFFFFD0] =	vst v16  }
0xea: {  	v16 =	vld [tilespmem:s13+$0x4010];
	_ =	sdelay $0x4  }
0xeb: {  	v17 =	vunpack.i.l.bf16.f32 v16  }
0xec: {  	v16 =	vunpack.i.u.bf16.f32 v16;
	[tilespmem:s15+$0xFFFFFFE0] =	vst v17  }
0xed: {  	[tilespmem:s15+$0xFFFFFFF0] =	vst v16  }
0xee: {  	v16 =	vld [tilespmem:s13+$0x4020];
	_ =	sdelay $0x4  }
0xef: {  	v17 =	vunpack.i.u.bf16.f32 v16  }
0xf0: {  	v16 =	vunpack.i.l.bf16.f32 v16;
	[tilespmem:s15+$0x10] =	vst v17  }
0xf1: {  	[tilespmem:s15+$0x0] =	vst v16  }
0xf2: {  	v16 =	vld [tilespmem:s13+$0x4030];
	_ =	sdelay $0x4  }
0xf3: {  	v17 =	vunpack.i.l.bf16.f32 v16  }
0xf4: {  	v16 =	vunpack.i.u.bf16.f32 v16;
	[tilespmem:s15+$0x20] =	vst v17  }
0xf5: {  	[tilespmem:s15+$0x30] =	vst v16;
	s15 =	sadd.s32 $0x1080, s10  }
0xf6: {  	[spmem:s5] =	stream.indirect.scatter.add.f32 [tilespmem:s28], [sflag:$0x2], $0x80, s15, s19, $0xb8;
	[tilespmem:$0x1E000] =	vst v63  }
0xf7: {  	s11 =	sadd.s32 @!p0 $0x180, s11;
	s13 =	simm.s32 @!p0 $0x40;
	s15 =	simm.s32 @!p0 $0x4000  }
0xf8: {  	[tilespmem:s15], [sflag:$0x1] =	stream.indirect.gather @!p0 [hbm4b:s8+s13], $0x40, s11, s13, $0xb8;
	[tilespmem:$0x1E000] =	vst v63  }
0xf9: {  	_ =	swait.ge [sflag:s26], $0x1000  }
0xfa: {  	[sflag:s26] =	ssyncset.done $0x0  }
0xfb: {  	[sflag:s26] =	ssyncadd.s32 $0xFFFFF000  }
0xfc: {  	_ =	swait.ge [sflag:s29], $0x2000  }
0xfd: {  	[sflag:s29] =	ssyncset.done $0x0  }
0xfe: {  	s31 =	simm.s32 $0x0;
	[sflag:s29] =	ssyncadd.s32 $0xFFFFE000  }
0xff: {  	v16 =	vld [tilespmem:s31+$0x5000];
	_ =	sdelay $0x4  }
0x100: {  	s11 =	simm.s32 $0x8040;
	v17 =	vunpack.i.l.bf16.f32 v16  }
0x101: {  	v16 =	vunpack.i.u.bf16.f32 v16;
	[tilespmem:s11+$0xFFFFFFC0] =	vst v17  }
0x102: {  	[tilespmem:s11+$0xFFFFFFD0] =	vst v16  }
0x103: {  	v16 =	vld [tilespmem:s31+$0x5010];
	_ =	sdelay $0x4  }
0x104: {  	v17 =	vunpack.i.l.bf16.f32 v16  }
0x105: {  	v16 =	vunpack.i.u.bf16.f32 v16;
	[tilespmem:s11+$0xFFFFFFE0] =	vst v17  }
0x106: {  	[tilespmem:s11+$0xFFFFFFF0] =	vst v16  }
0x107: {  	v16 =	vld [tilespmem:s31+$0x5020];
	_ =	sdelay $0x4  }
0x108: {  	v17 =	vunpack.i.u.bf16.f32 v16  }
0x109: {  	v16 =	vunpack.i.l.bf16.f32 v16;
	[tilespmem:s11+$0x10] =	vst v17  }
0x10a: {  	[tilespmem:s11+$0x0] =	vst v16  }
0x10b: {  	v16 =	vld [tilespmem:s31+$0x5030];
	_ =	sdelay $0x4  }
0x10c: {  	v17 =	vunpack.i.l.bf16.f32 v16  }
0x10d: {  	v16 =	vunpack.i.u.bf16.f32 v16;
	[tilespmem:s11+$0x20] =	vst v17  }
0x10e: {  	s13 =	simm.s32 $0x40;
	[tilespmem:s11+$0x30] =	vst v16  }
0x10f: {  	v16 =	vld [tilespmem:s13+$0x5000]  }
0x110: {  	s15 =	simm.s32 $0x200  }
.LBB2_14:
0x111: {  	p1 =	sne.s32 s15, $0x3F00;
	_ =	sdelay $0x2  }
0x112: {  	s11 =	sadd.s32 $0x80, s11;
	v17 =	vunpack.i.l.bf16.f32 v16  }
0x113: {  	v16 =	vunpack.i.u.bf16.f32 v16;
	[tilespmem:s11+$0xFFFFFFC0] =	vst v17  }
0x114: {  	[tilespmem:s11+$0xFFFFFFD0] =	vst v16  }
0x115: {  	v16 =	vld [tilespmem:s13+$0x5010];
	_ =	sdelay $0x4  }
0x116: {  	v17 =	vunpack.i.l.bf16.f32 v16  }
0x117: {  	v16 =	vunpack.i.u.bf16.f32 v16;
	[tilespmem:s11+$0xFFFFFFE0] =	vst v17  }
0x118: {  	[tilespmem:s11+$0xFFFFFFF0] =	vst v16  }
0x119: {  	v16 =	vld [tilespmem:s13+$0x5020];
	_ =	sdelay $0x4  }
0x11a: {  	v17 =	vunpack.i.u.bf16.f32 v16;
	v16 =	vunpack.i.l.bf16.f32 v16  }
0x11b: {  	[tilespmem:s11+$0x10] =	vst v17  }
0x11c: {  	[tilespmem:s11+$0x0] =	vst v16  }
0x11d: {  	v16 =	vld [tilespmem:s13+$0x5030];
	_ =	sdelay $0x4  }
.Ltmp8:
0x11e: {  	v17 =	vunpack.i.u.bf16.f32 v16;
	v16 =	vunpack.i.l.bf16.f32 v16;
	(pc) =	sbr.rel @p1 .LBB2_14-.Ltmp8, $4  }
0x11f: {  	[tilespmem:s11+$0x20] =	vst v16  }
0x120: {  	s13 =	sshra.s32 s15, $0x2;
	[tilespmem:s11+$0x30] =	vst v17  }
0x121: {  	v16 =	vld [tilespmem:s13+$0x5000]  }
0x122: {  	s15 =	sadd.s32 $0x100, s15  }
0x123: {  	_ =	sdelay $0x2  }
0x124: {  	s11 =	sadd.s32 $0x80, s11;
	v17 =	vunpack.i.l.bf16.f32 v16  }
0x125: {  	v16 =	vunpack.i.u.bf16.f32 v16;
	[tilespmem:s11+$0xFFFFFFC0] =	vst v17  }
0x126: {  	[tilespmem:s11+$0xFFFFFFD0] =	vst v16  }
0x127: {  	v16 =	vld [tilespmem:s13+$0x5010];
	_ =	sdelay $0x4  }
0x128: {  	v17 =	vunpack.i.l.bf16.f32 v16  }
0x129: {  	v16 =	vunpack.i.u.bf16.f32 v16;
	[tilespmem:s11+$0xFFFFFFE0] =	vst v17  }
0x12a: {  	[tilespmem:s11+$0xFFFFFFF0] =	vst v16  }
0x12b: {  	v16 =	vld [tilespmem:s13+$0x5020];
	_ =	sdelay $0x4  }
0x12c: {  	v17 =	vunpack.i.u.bf16.f32 v16  }
0x12d: {  	v16 =	vunpack.i.l.bf16.f32 v16;
	[tilespmem:s11+$0x10] =	vst v17  }
0x12e: {  	[tilespmem:s11+$0x0] =	vst v16  }
0x12f: {  	v16 =	vld [tilespmem:s13+$0x5030];
	_ =	sdelay $0x3  }
.Ltmp9:
0x130: {  	_ = 	snop;
	(pc) =	sbr.rel @p0 .LBB2_17-.Ltmp9, $4  }
0x131: {  	v17 =	vunpack.i.l.bf16.f32 v16  }
0x132: {  	v16 =	vunpack.i.u.bf16.f32 v16;
	[tilespmem:s11+$0x20] =	vst v17  }
0x133: {  	s31 =	sadd.s32 $0x10C0, s10;
	[tilespmem:s11+$0x30] =	vst v16  }
0x134: {  	[spmem:s5] =	stream.indirect.scatter.add.f32 [tilespmem:s30], [sflag:$0x2], $0x80, s31, s19, $0xb8;
	[tilespmem:$0x1E000] =	vst v63  }
.Ltmp10:
0x135: {  	(pc) =	sbr.rel .LBB2_3-.Ltmp10, $3  }
0x136: {  	_ =	sdelay $0x1  }
0x137: {  	s10 =	sadd.s32 $0x1C0, s10;
	s4 =	sadd.s32 $0x1, s4  }
0x138: {  	[tilespmem:s25], [sflag:$0x1] =	stream.indirect.gather [hbm4b:s8+s19], $0x40, s10, s19, $0xb8;
	[tilespmem:$0x1E000] =	vst v63  }
.LBB2_18:
0x139: {  	_ =	swait.ge [sflag:s29], $0x2000  }
0x13a: {  	[sflag:s29] =	ssyncset.done $0x0  }
0x13b: {  	[sflag:s29] =	ssyncadd.s32 $0xFFFFE000  }
0x13c: {  	_ =	swait.ge [sflag:s29], $0x2000  }
0x13d: {  	[sflag:s29] =	ssyncset.done $0x0  }
0x13e: {  	[sflag:s29] =	ssyncadd.s32 $0xFFFFE000  }
0x13f: {  	[bflag:$0x0] =	sbarrier.arrive $0xFFFF  }
0x140: {  	s1 =	simm.s32 $0x0;
	s4 =	rddreg [dreg:$0x8]  }
0x141: {  	[tilespmem:s30], [sflag:$0x3] =	stream.linear.gather [hbm4b:s4+s1], $0x280, $0x38;
	[tilespmem:$0x1E000] =	vst v63  }
0x142: {  	_ =	swait.ge [sflag:s17], $0x280  }
0x143: {  	[sflag:s17] =	ssyncset.done $0x0  }
0x144: {  	[sflag:s17] =	ssyncadd.s32 $0xFFFFFD80  }
0x145: {  	s10 =	simm.s32 $0x8400;
	s31 =	rddreg [dreg:$0x3]  }
0x146: {  	[tilespmem:s10], [sflag:$0x3] =	stream.linear.gather [hbm4b:s31+s1], $0x80, $0x38;
	[tilespmem:$0x1E000] =	vst v63  }
0x147: {  	_ =	swait.ge [sflag:s17], $0x80  }
0x148: {  	[sflag:s17] =	ssyncset.done $0x0  }
0x149: {  	[sflag:s17] =	ssyncadd.s32 $0xFFFFFF80  }
0x14a: {  	v16 =	vld [tilespmem:$0x8400]  }
0x14b: {  	v17 =	vld [tilespmem:$0x8410]  }
0x14c: {  	v18 =	vld [tilespmem:$0x8420]  }
0x14d: {  	v19 =	vld [tilespmem:$0x8430]  }
0x14e: {  	v20 =	vld [tilespmem:$0x8440]  }
0x14f: {  	v21 =	vld [tilespmem:$0x8450]  }
0x150: {  	v22 =	vld [tilespmem:$0x8460]  }
0x151: {  	v23 =	vld [tilespmem:$0x8470]  }
.LBB2_19:
0x152: {  	s4 =	sshll.u32 s1, $0x6  }
0x153: {  	s10 =	sadd.s32 s6, s4;
	s11 =	sand.u32 $0x3C0, s4  }
0x154: {  	s4 =	sshll.u32 s10, $0x7;
	s13 =	sor.u32 $0x8000, s11  }
0x155: {  	s15 =	sadd.s32 s4, s5;
	v24 =	vmov s13  }
0x156: {  	[tilespmem:s28], [sflag:$0x3] =	stream.linear.gather [spmem:s15], $0x2000, $0x38;
	[tilespmem:$0x1E000] =	vst v63  }
0x157: {  	_ =	swait.ge [sflag:s17], $0x2000  }
0x158: {  	s13 =	simm.s32 $0x0;
	[sflag:s17] =	ssyncset.done $0x0  }
0x159: {  	s10 =	sand.u32 $0x3FFFFFF0, s13;
	[sflag:s17] =	ssyncadd.s32 $0xFFFFE000  }
0x15a: {  	s15 =	simm.s32 $0x0;
	v25 =	vld.idx.msk [tilespmem:v24+s10+$0x0 ss:$0x1], $0xffff  }
0x15b: {  	s31 =	sand.u32 $0x3FFFF800, s15  }
0x15c: {  	v27 =	vld [tilespmem:s31+$0x6010];
	_ =	sdelay $0x2  }
0x15d: {  	v31 =	vperm.xlane v25, v0  }
0x15e: {  	v26 =	vld [tilespmem:s31+$0x6030]  }
0x15f: {  	v30 =	vld [tilespmem:s31+$0x6040];
	v27 =	vmul.f32 v27, v31;
	_ =	sdelay $0x1  }
0x160: {  	v32 =	vld [tilespmem:s31+$0x6050];
	v27 =	vadd.f32 v27, v17;
	_ =	sdelay $0x1  }
0x161: {  	v26 =	vmul.f32 v26, v31;
	v27 =	vmax.f32 v27, $0.0e+00  }
0x162: {  	v34 =	vld [tilespmem:s31+$0x6070];
	[tilespmem:s31+$0x6010] =	vst v27;
	v27 =	vmul.f32 v30, v31  }
0x163: {  	v26 =	vadd.f32 v26, v19  }
0x164: {  	v36 =	vld [tilespmem:s31+$0x6080];
	v46 =	vmul.f32 v32, v31;
	v27 =	vadd.f32 v27, v20  }
0x165: {  	v26 =	vmax.f32 v26, $0.0e+00  }
0x166: {  	[tilespmem:s31+$0x6030] =	vst v26;
	v26 =	vadd.f32 v46, v21;
	v27 =	vmax.f32 v27, $0.0e+00  }
0x167: {  	v37 =	vld [tilespmem:s31+$0x60A0];
	v39 =	vperm.xlane v25, v1;
	[tilespmem:s31+$0x6040] =	vst v27;
	v27 =	vmul.f32 v34, v31  }
0x168: {  	v26 =	vmax.f32 v26, $0.0e+00  }
0x169: {  	v38 =	vld [tilespmem:s31+$0x60B0];
	[tilespmem:s31+$0x6050] =	vst v26;
	v26 =	vmul.f32 v36, v39;
	v27 =	vadd.f32 v27, v23;
	_ =	sdelay $0x1  }
0x16a: {  	v26 =	vadd.f32 v26, v16;
	v27 =	vmax.f32 v27, $0.0e+00  }
0x16b: {  	v45 =	vld [tilespmem:s31+$0x60D0];
	[tilespmem:s31+$0x6070] =	vst v27;
	v27 =	vmul.f32 v37, v39  }
0x16c: {  	v26 =	vmax.f32 v26, $0.0e+00  }
0x16d: {  	v49 =	vld [tilespmem:s31+$0x60E0];
	[tilespmem:s31+$0x6080] =	vst v26;
	v26 =	vmul.f32 v38, v39;
	v27 =	vadd.f32 v27, v18;
	_ =	sdelay $0x1  }
0x16e: {  	v28 =	vld [tilespmem:s31+$0x6000];
	v26 =	vadd.f32 v26, v19;
	v27 =	vmax.f32 v27, $0.0e+00  }
0x16f: {  	v50 =	vld [tilespmem:s31+$0x6100];
	[tilespmem:s31+$0x60A0] =	vst v27;
	v27 =	vmul.f32 v45, v39  }
0x170: {  	v29 =	vld [tilespmem:s31+$0x6020];
	v26 =	vmax.f32 v26, $0.0e+00  }
0x171: {  	v51 =	vld [tilespmem:s31+$0x6110];
	[tilespmem:s31+$0x60B0] =	vst v26;
	v26 =	vmul.f32 v49, v39;
	v27 =	vadd.f32 v27, v21  }
0x172: {  	v55 =	vld [tilespmem:s31+$0x6120];
	v60 =	vperm.xlane v25, v2  }
0x173: {  	v28 =	vmul.f32 v28, v31;
	v26 =	vadd.f32 v26, v22;
	v27 =	vmax.f32 v27, $0.0e+00  }
0x174: {  	[tilespmem:s31+$0x60D0] =	vst v27;
	v27 =	vmul.f32 v50, v60  }
0x175: {  	v35 =	vld [tilespmem:s31+$0x6060];
	v29 =	vmul.f32 v29, v31;
	v28 =	vadd.f32 v28, v16;
	v26 =	vmax.f32 v26, $0.0e+00  }
0x176: {  	[tilespmem:s31+$0x60E0] =	vst v26;
	v26 =	vmul.f32 v51, v60;
	v27 =	vadd.f32 v27, v16  }
0x177: {  	v58 =	vld [tilespmem:s31+$0x6160];
	v41 =	vmul.f32 v55, v60;
	v43 =	vadd.f32 v29, v18;
	v28 =	vmax.f32 v28, $0.0e+00  }
0x178: {  	v33 =	vld [tilespmem:s31+$0x6090];
	[tilespmem:s31+$0x6000] =	vst v28;
	v26 =	vadd.f32 v26, v17;
	v27 =	vmax.f32 v27, $0.0e+00  }
0x179: {  	v28 =	vmax.f32 v43, $0.0e+00;
	[tilespmem:s31+$0x6100] =	vst v27;
	v27 =	vadd.f32 v41, v18  }
0x17a: {  	v48 =	vmul.f32 v35, v31;
	[tilespmem:s31+$0x6020] =	vst v28;
	v26 =	vmax.f32 v26, $0.0e+00  }
0x17b: {  	v47 =	vld [tilespmem:s31+$0x60C0];
	[tilespmem:s31+$0x6110] =	vst v26;
	v26 =	vmax.f32 v27, $0.0e+00  }
0x17c: {  	v63 =	vld [tilespmem:s31+$0x6190];
	v28 =	vadd.f32 v48, v22;
	[tilespmem:s31+$0x6120] =	vst v26;
	v26 =	vmul.f32 v58, v60  }
0x17d: {  	v52 =	vmul.f32 v33, v39  }
0x17e: {  	v28 =	vmax.f32 v28, $0.0e+00;
	v26 =	vadd.f32 v26, v22  }
0x17f: {  	v44 =	vld [tilespmem:s31+$0x60F0];
	v46 =	vperm.xlane v25, v3;
	[tilespmem:s31+$0x6060] =	vst v28;
	v28 =	vadd.f32 v52, v17  }
0x180: {  	v62 =	vld [tilespmem:s31+$0x61B0];
	v56 =	vmul.f32 v47, v39;
	v26 =	vmax.f32 v26, $0.0e+00  }
0x181: {  	v43 =	vld [tilespmem:s31+$0x61C0];
	v28 =	vmax.f32 v28, $0.0e+00;
	[tilespmem:s31+$0x6160] =	vst v26;
	v26 =	vmul.f32 v63, v46  }
0x182: {  	v57 =	vld [tilespmem:s31+$0x6140];
	[tilespmem:s31+$0x6090] =	vst v28;
	v28 =	vadd.f32 v56, v20  }
0x183: {  	v27 =	vld [tilespmem:s31+$0x61D0];
	v26 =	vadd.f32 v26, v17  }
0x184: {  	v61 =	vmul.f32 v44, v39;
	v48 =	vld [tilespmem:s31+$0x61E0];
	v28 =	vmax.f32 v28, $0.0e+00  }
0x185: {  	v29 =	vmul.f32 v62, v46;
	[tilespmem:s31+$0x60C0] =	vst v28;
	v26 =	vmax.f32 v26, $0.0e+00  }
0x186: {  	v28 =	vadd.f32 v61, v23;
	v45 =	vld [tilespmem:s31+$0x61F0];
	[tilespmem:s31+$0x6190] =	vst v26;
	v26 =	vmul.f32 v43, v46  }
0x187: {  	v32 =	vmul.f32 v57, v60;
	v57 =	vadd.f32 v29, v19  }
0x188: {  	v54 =	vld [tilespmem:s31+$0x6130];
	v28 =	vmax.f32 v28, $0.0e+00;
	v27 =	vmul.f32 v27, v46;
	v26 =	vadd.f32 v26, v20  }
0x189: {  	v59 =	vld [tilespmem:s31+$0x6170];
	v61 =	vmul.f32 v48, v46;
	[tilespmem:s31+$0x60F0] =	vst v28;
	v28 =	vmax.f32 v57, $0.0e+00  }
0x18a: {  	v42 =	vld [tilespmem:s31+$0x61A0];
	[tilespmem:s31+$0x61B0] =	vst v28;
	v27 =	vadd.f32 v27, v21;
	v26 =	vmax.f32 v26, $0.0e+00  }
0x18b: {  	v28 =	vadd.f32 v61, v22;
	[tilespmem:s31+$0x61C0] =	vst v26;
	v26 =	vmul.f32 v45, v46  }
0x18c: {  	v51 =	vld [tilespmem:s31+$0x6250];
	v27 =	vmax.f32 v27, $0.0e+00  }
0x18d: {  	v53 =	vld [tilespmem:s31+$0x6150];
	[tilespmem:s31+$0x61D0] =	vst v27;
	v27 =	vmax.f32 v28, $0.0e+00;
	v26 =	vadd.f32 v26, v23  }
0x18e: {  	v47 =	vmul.f32 v59, v60;
	v36 =	vmul.f32 v54, v60;
	[tilespmem:s31+$0x61E0] =	vst v27;
	v27 =	vld [tilespmem:s31+$0x6280]  }
0x18f: {  	v54 =	vmul.f32 v42, v46;
	v42 =	vperm.xlane v25, v4;
	v26 =	vmax.f32 v26, $0.0e+00  }
0x190: {  	[tilespmem:s31+$0x61F0] =	vst v26;
	v26 =	vld [tilespmem:s31+$0x6290]  }
0x191: {  	v49 =	vadd.f32 v47, v23;
	v47 =	vmul.f32 v51, v42;
	v51 =	vperm.xlane v25, v5  }
0x192: {  	v40 =	vld [tilespmem:s31+$0x6180];
	v33 =	vmul.f32 v53, v60  }
0x193: {  	v32 =	vadd.f32 v32, v20;
	v62 =	vld [tilespmem:s31+$0x62B0];
	v27 =	vmul.f32 v27, v51  }
0x194: {  	v53 =	vld [tilespmem:s31+$0x6210];
	v44 =	vadd.f32 v33, v21  }
0x195: {  	v32 =	vmax.f32 v32, $0.0e+00;
	v48 =	vld [tilespmem:s31+$0x62C0];
	v27 =	vadd.f32 v27, v16;
	v26 =	vmul.f32 v26, v51  }
0x196: {  	[tilespmem:s31+$0x6140] =	vst v32;
	v30 =	vmax.f32 v44, $0.0e+00  }
0x197: {  	[tilespmem:s31+$0x6150] =	vst v30;
	v27 =	vmax.f32 v27, $0.0e+00;
	v26 =	vadd.f32 v26, v17  }
0x198: {  	v30 =	vmax.f32 v49, $0.0e+00;
	v50 =	vmul.f32 v40, v46;
	v63 =	vld [tilespmem:s31+$0x6270];
	[tilespmem:s31+$0x6280] =	vst v27;
	v27 =	vmul.f32 v62, v51  }
0x199: {  	v32 =	vmul.f32 v53, v42;
	v53 =	vld [tilespmem:s31+$0x62F0];
	[tilespmem:s31+$0x6170] =	vst v30;
	v30 =	vadd.f32 v54, v18;
	v26 =	vmax.f32 v26, $0.0e+00  }
0x19a: {  	v54 =	vld [tilespmem:s31+$0x6300];
	v52 =	vadd.f32 v50, v16;
	[tilespmem:s31+$0x6290] =	vst v26;
	v26 =	vadd.f32 v27, v19;
	v27 =	vmul.f32 v48, v51  }
0x19b: {  	v60 =	vld [tilespmem:s31+$0x6240]  }
0x19c: {  	v31 =	vmax.f32 v52, $0.0e+00;
	v58 =	vmax.f32 v30, $0.0e+00;
	v45 =	vld [tilespmem:s31+$0x6310];
	v27 =	vadd.f32 v27, v20  }
0x19d: {  	[tilespmem:s31+$0x61A0] =	vst v58;
	v52 =	vmul.f32 v63, v42;
	v63 =	vperm.xlane v25, v6;
	v26 =	vmax.f32 v26, $0.0e+00  }
0x19e: {  	[tilespmem:s31+$0x62B0] =	vst v26;
	v26 =	vmul.f32 v53, v51;
	v27 =	vmax.f32 v27, $0.0e+00  }
0x19f: {  	v58 =	vld [tilespmem:s31+$0x6330];
	[tilespmem:s31+$0x62C0] =	vst v27;
	v27 =	vmul.f32 v54, v63  }
0x1a0: {  	v56 =	vld [tilespmem:s31+$0x6220];
	v26 =	vadd.f32 v26, v23  }
0x1a1: {  	v29 =	vmul.f32 v60, v42;
	v60 =	vld [tilespmem:s31+$0x6340];
	v40 =	vmul.f32 v45, v63;
	v27 =	vadd.f32 v27, v16  }
0x1a2: {  	v26 =	vmax.f32 v26, $0.0e+00  }
0x1a3: {  	v44 =	vld [tilespmem:s31+$0x62A0];
	[tilespmem:s31+$0x62F0] =	vst v26;
	v26 =	vadd.f32 v40, v17;
	v27 =	vmax.f32 v27, $0.0e+00  }
0x1a4: {  	v39 =	vld [tilespmem:s31+$0x6360];
	[tilespmem:s31+$0x6300] =	vst v27;
	v27 =	vmul.f32 v58, v63  }
0x1a5: {  	[tilespmem:s31+$0x6180] =	vst v31;
	v31 =	vmul.f32 v56, v42;
	v56 =	vld [tilespmem:s31+$0x6370];
	v26 =	vmax.f32 v26, $0.0e+00  }
0x1a6: {  	v43 =	vld [tilespmem:s31+$0x6260];
	[tilespmem:s31+$0x6310] =	vst v26;
	v26 =	vmul.f32 v60, v63;
	v27 =	vadd.f32 v27, v19  }
0x1a7: {  	v50 =	vld [tilespmem:s31+$0x62E0]  }
0x1a8: {  	v26 =	vadd.f32 v26, v20;
	v27 =	vmax.f32 v27, $0.0e+00  }
0x1a9: {  	v57 =	vmul.f32 v44, v51;
	v44 =	vld [tilespmem:s31+$0x6380];
	[tilespmem:s31+$0x6330] =	vst v27;
	v27 =	vmul.f32 v39, v63  }
0x1aa: {  	v59 =	vld [tilespmem:s31+$0x6230];
	v32 =	vadd.f32 v32, v17;
	v26 =	vmax.f32 v26, $0.0e+00  }
0x1ab: {  	v28 =	vmul.f32 v43, v42;
	v43 =	vld [tilespmem:s31+$0x6390];
	[tilespmem:s31+$0x6340] =	vst v26;
	v26 =	vmul.f32 v56, v63;
	v27 =	vadd.f32 v27, v22  }
0x1ac: {  	v55 =	vld [tilespmem:s31+$0x6200];
	v61 =	vmul.f32 v50, v51;
	v50 =	vperm.xlane v25, v7  }
0x1ad: {  	v32 =	vmax.f32 v32, $0.0e+00;
	v41 =	vld [tilespmem:s31+$0x63B0];
	v26 =	vadd.f32 v26, v23;
	v27 =	vmax.f32 v27, $0.0e+00  }
0x1ae: {  	v49 =	vadd.f32 v47, v21;
	v47 =	vld [tilespmem:s31+$0x63C0];
	v29 =	vadd.f32 v29, v20;
	[tilespmem:s31+$0x6360] =	vst v27;
	v27 =	vmul.f32 v44, v50  }
0x1af: {  	[tilespmem:s31+$0x6210] =	vst v32;
	v30 =	vmul.f32 v59, v42;
	v46 =	vld [tilespmem:s31+$0x62D0];
	v28 =	vadd.f32 v28, v22;
	v26 =	vmax.f32 v26, $0.0e+00  }
0x1b0: {  	v59 =	vld [tilespmem:s31+$0x6320];
	v29 =	vmax.f32 v29, $0.0e+00;
	[tilespmem:s31+$0x6370] =	vst v26;
	v26 =	vmul.f32 v43, v50;
	v27 =	vadd.f32 v27, v16  }
0x1b1: {  	v37 =	vmul.f32 v55, v42;
	v30 =	vadd.f32 v30, v19;
	[tilespmem:s31+$0x6240] =	vst v29;
	v28 =	vmax.f32 v28, $0.0e+00;
	v48 =	vld [tilespmem:s31+$0x63D0]  }
0x1b2: {  	v29 =	vadd.f32 v52, v23;
	[tilespmem:s31+$0x6260] =	vst v28;
	v26 =	vadd.f32 v26, v17;
	v27 =	vmax.f32 v27, $0.0e+00  }
0x1b3: {  	v30 =	vmax.f32 v30, $0.0e+00;
	v28 =	vadd.f32 v57, v18;
	[tilespmem:s31+$0x6380] =	vst v27;
	v27 =	vmul.f32 v41, v50  }
0x1b4: {  	[tilespmem:s31+$0x6230] =	vst v30;
	v55 =	vmax.f32 v29, $0.0e+00;
	v32 =	vmul.f32 v46, v51;
	v62 =	vld [tilespmem:s31+$0x6350];
	v26 =	vmax.f32 v26, $0.0e+00  }
0x1b5: {  	v28 =	vmax.f32 v28, $0.0e+00;
	v51 =	vld [tilespmem:s31+$0x63F0];
	[tilespmem:s31+$0x6390] =	vst v26;
	v26 =	vmul.f32 v47, v50;
	v27 =	vadd.f32 v27, v19  }
0x1b6: {  	v42 =	vmul.f32 v59, v63;
	[tilespmem:s31+$0x62A0] =	vst v28;
	v28 =	vadd.f32 v61, v22;
	v53 =	vld [tilespmem:s31+$0x6400];
	v59 =	vmul.f32 v48, v50  }
0x1b7: {  	[tilespmem:s31+$0x6270] =	vst v55;
	v26 =	vadd.f32 v26, v20;
	v27 =	vmax.f32 v27, $0.0e+00  }
0x1b8: {  	v30 =	vmax.f32 v49, $0.0e+00;
	v52 =	vld [tilespmem:s31+$0x63E0];
	v28 =	vmax.f32 v28, $0.0e+00;
	[tilespmem:s31+$0x63B0] =	vst v27;
	v27 =	vadd.f32 v59, v21  }
0x1b9: {  	v49 =	vld [tilespmem:s31+$0x6410];
	v46 =	vmul.f32 v62, v63;
	[tilespmem:s31+$0x62E0] =	vst v28;
	v63 =	vperm.xlane v25, v8;
	v26 =	vmax.f32 v26, $0.0e+00  }
0x1ba: {  	v54 =	vld [tilespmem:s31+$0x6420];
	[tilespmem:s31+$0x63C0] =	vst v26;
	v26 =	vmul.f32 v51, v50;
	v27 =	vmax.f32 v27, $0.0e+00  }
0x1bb: {  	v55 =	vld [tilespmem:s31+$0x6430];
	v28 =	vadd.f32 v42, v18;
	[tilespmem:s31+$0x63D0] =	vst v27;
	v27 =	vmul.f32 v53, v63  }
0x1bc: {  	v26 =	vadd.f32 v26, v23  }
0x1bd: {  	v61 =	vmul.f32 v52, v50;
	v28 =	vmax.f32 v28, $0.0e+00;
	v27 =	vadd.f32 v27, v16  }
0x1be: {  	[tilespmem:s31+$0x6320] =	vst v28;
	v28 =	vadd.f32 v46, v21;
	v60 =	vld [tilespmem:s31+$0x6440];
	v26 =	vmax.f32 v26, $0.0e+00  }
0x1bf: {  	v62 =	vld [tilespmem:s31+$0x6460];
	v40 =	vadd.f32 v61, v22;
	[tilespmem:s31+$0x63F0] =	vst v26;
	v26 =	vmul.f32 v54, v63;
	v27 =	vmax.f32 v27, $0.0e+00  }
0x1c0: {  	v45 =	vld [tilespmem:s31+$0x63A0];
	v28 =	vmax.f32 v28, $0.0e+00;
	v43 =	vmul.f32 v49, v63;
	[tilespmem:s31+$0x6400] =	vst v27;
	v27 =	vmul.f32 v55, v63  }
0x1c1: {  	v57 =	vld [tilespmem:s31+$0x6470];
	[tilespmem:s31+$0x6350] =	vst v28;
	v28 =	vmax.f32 v40, $0.0e+00;
	v26 =	vadd.f32 v26, v18  }
0x1c2: {  	[tilespmem:s31+$0x63E0] =	vst v28;
	v28 =	vadd.f32 v43, v17;
	v41 =	vld [tilespmem:s31+$0x6480];
	v27 =	vadd.f32 v27, v19  }
0x1c3: {  	v36 =	vadd.f32 v36, v19;
	v47 =	vmul.f32 v60, v63;
	v26 =	vmax.f32 v26, $0.0e+00  }
0x1c4: {  	v42 =	vld [tilespmem:s31+$0x6490];
	v28 =	vmax.f32 v28, $0.0e+00;
	[tilespmem:s31+$0x6420] =	vst v26;
	v26 =	vmax.f32 v27, $0.0e+00;
	v27 =	vmul.f32 v62, v63  }
0x1c5: {  	v34 =	vmul.f32 v45, v50;
	[tilespmem:s31+$0x6410] =	vst v28;
	v28 =	vadd.f32 v47, v20;
	v50 =	vperm.xlane v25, v9  }
0x1c6: {  	v36 =	vmax.f32 v36, $0.0e+00;
	[tilespmem:s31+$0x6430] =	vst v26;
	v26 =	vmul.f32 v57, v63;
	v27 =	vadd.f32 v27, v22  }
0x1c7: {  	[tilespmem:s31+$0x6130] =	vst v36;
	v45 =	vld [tilespmem:s31+$0x64B0];
	v28 =	vmax.f32 v28, $0.0e+00;
	v52 =	vmul.f32 v41, v50  }
0x1c8: {  	[tilespmem:s31+$0x6440] =	vst v28;
	v26 =	vadd.f32 v26, v23;
	v27 =	vmax.f32 v27, $0.0e+00  }
0x1c9: {  	v48 =	vld [tilespmem:s31+$0x64C0];
	v28 =	vadd.f32 v52, v16;
	[tilespmem:s31+$0x6460] =	vst v27;
	v27 =	vmul.f32 v42, v50  }
0x1ca: {  	v26 =	vmax.f32 v26, $0.0e+00  }
0x1cb: {  	[tilespmem:s31+$0x6470] =	vst v26;
	v26 =	vadd.f32 v27, v17;
	v27 =	vmax.f32 v28, $0.0e+00  }
0x1cc: {  	v49 =	vld [tilespmem:s31+$0x64E0];
	[tilespmem:s31+$0x6480] =	vst v27;
	v27 =	vmul.f32 v45, v50  }
0x1cd: {  	v26 =	vmax.f32 v26, $0.0e+00  }
0x1ce: {  	v51 =	vld [tilespmem:s31+$0x64F0];
	[tilespmem:s31+$0x6490] =	vst v26;
	v26 =	vmul.f32 v48, v50;
	v27 =	vadd.f32 v27, v19  }
0x1cf: {  	v56 =	vadd.f32 v34, v18  }
0x1d0: {  	[tilespmem:s31+$0x6250] =	vst v30;
	v26 =	vadd.f32 v26, v20;
	v27 =	vmax.f32 v27, $0.0e+00  }
0x1d1: {  	v30 =	vmax.f32 v56, $0.0e+00;
	v56 =	vld [tilespmem:s31+$0x6500];
	[tilespmem:s31+$0x64B0] =	vst v27;
	v27 =	vmul.f32 v49, v50  }
0x1d2: {  	v26 =	vmax.f32 v26, $0.0e+00  }
0x1d3: {  	v55 =	vld [tilespmem:s31+$0x6510];
	[tilespmem:s31+$0x64C0] =	vst v26;
	v26 =	vmul.f32 v51, v50;
	v27 =	vadd.f32 v27, v22  }
0x1d4: {  	v46 =	vld [tilespmem:s31+$0x64A0];
	v62 =	vperm.xlane v25, v10  }
0x1d5: {  	v58 =	vld [tilespmem:s31+$0x6450];
	v26 =	vadd.f32 v26, v23;
	v27 =	vmax.f32 v27, $0.0e+00  }
0x1d6: {  	v53 =	vld [tilespmem:s31+$0x6530];
	[tilespmem:s31+$0x64E0] =	vst v27;
	v27 =	vmul.f32 v56, v62  }
0x1d7: {  	v44 =	vld [tilespmem:s31+$0x64D0];
	v26 =	vmax.f32 v26, $0.0e+00  }
0x1d8: {  	v59 =	vld [tilespmem:s31+$0x6540];
	[tilespmem:s31+$0x64F0] =	vst v26;
	v26 =	vmul.f32 v55, v62;
	v27 =	vadd.f32 v27, v16  }
0x1d9: {  	v31 =	vadd.f32 v31, v18;
	v60 =	vld [tilespmem:s31+$0x6550]  }
0x1da: {  	v26 =	vadd.f32 v26, v17;
	v27 =	vmax.f32 v27, $0.0e+00  }
0x1db: {  	v31 =	vmax.f32 v31, $0.0e+00;
	[tilespmem:s31+$0x6500] =	vst v27;
	v27 =	vmul.f32 v53, v62  }
0x1dc: {  	v37 =	vadd.f32 v37, v16;
	[tilespmem:s31+$0x6220] =	vst v31;
	v31 =	vmul.f32 v58, v63;
	v26 =	vmax.f32 v26, $0.0e+00  }
0x1dd: {  	v58 =	vmul.f32 v44, v50;
	v63 =	vld [tilespmem:s31+$0x6570];
	[tilespmem:s31+$0x6510] =	vst v26;
	v26 =	vmul.f32 v59, v62;
	v27 =	vadd.f32 v27, v19  }
0x1de: {  	v37 =	vmax.f32 v37, $0.0e+00;
	v43 =	vld [tilespmem:s31+$0x6580];
	v54 =	vmul.f32 v46, v50;
	v50 =	vmul.f32 v60, v62  }
0x1df: {  	[tilespmem:s31+$0x6200] =	vst v37;
	v26 =	vadd.f32 v26, v20;
	v27 =	vmax.f32 v27, $0.0e+00  }
0x1e0: {  	[tilespmem:s31+$0x6530] =	vst v27;
	v27 =	vadd.f32 v50, v21  }
0x1e1: {  	v28 =	vadd.f32 v54, v18;
	v54 =	vperm.xlane v25, v11;
	v26 =	vmax.f32 v26, $0.0e+00  }
0x1e2: {  	v44 =	vld [tilespmem:s31+$0x65A0];
	[tilespmem:s31+$0x6540] =	vst v26;
	v26 =	vmul.f32 v63, v62;
	v27 =	vmax.f32 v27, $0.0e+00  }
0x1e3: {  	v45 =	vld [tilespmem:s31+$0x65B0];
	[tilespmem:s31+$0x6550] =	vst v27;
	v27 =	vmul.f32 v43, v54  }
0x1e4: {  	v26 =	vadd.f32 v26, v23  }
0x1e5: {  	v27 =	vadd.f32 v27, v16  }
0x1e6: {  	v57 =	vld [tilespmem:s31+$0x6520];
	v26 =	vmax.f32 v26, $0.0e+00  }
0x1e7: {  	v49 =	vld [tilespmem:s31+$0x65D0];
	[tilespmem:s31+$0x6570] =	vst v26;
	v26 =	vmul.f32 v44, v54;
	v27 =	vmax.f32 v27, $0.0e+00  }
0x1e8: {  	v53 =	vld [tilespmem:s31+$0x65E0];
	[tilespmem:s31+$0x6580] =	vst v27;
	v27 =	vmul.f32 v45, v54  }
0x1e9: {  	v42 =	vld [tilespmem:s31+$0x6560];
	v26 =	vadd.f32 v26, v18  }
0x1ea: {  	v61 =	vld [tilespmem:s31+$0x6590];
	v27 =	vadd.f32 v27, v19  }
0x1eb: {  	v26 =	vmax.f32 v26, $0.0e+00  }
0x1ec: {  	v56 =	vld [tilespmem:s31+$0x6600];
	[tilespmem:s31+$0x65A0] =	vst v26;
	v26 =	vmul.f32 v49, v54;
	v27 =	vmax.f32 v27, $0.0e+00  }
0x1ed: {  	v33 =	vmul.f32 v57, v62;
	v57 =	vld [tilespmem:s31+$0x6610];
	v28 =	vmax.f32 v28, $0.0e+00;
	[tilespmem:s31+$0x65B0] =	vst v27;
	v27 =	vmul.f32 v53, v54  }
0x1ee: {  	v47 =	vld [tilespmem:s31+$0x65F0];
	[tilespmem:s31+$0x64A0] =	vst v28;
	v28 =	vadd.f32 v58, v21;
	v52 =	vmul.f32 v42, v62;
	v26 =	vadd.f32 v26, v21  }
0x1ef: {  	v58 =	vmul.f32 v61, v54;
	v61 =	vld [tilespmem:s31+$0x6620];
	v42 =	vperm.xlane v25, v12;
	v27 =	vadd.f32 v27, v22  }
0x1f0: {  	v32 =	vadd.f32 v32, v21;
	v26 =	vmax.f32 v26, $0.0e+00  }
0x1f1: {  	[tilespmem:s31+$0x65D0] =	vst v26;
	v26 =	vmul.f32 v56, v42;
	v27 =	vmax.f32 v27, $0.0e+00  }
0x1f2: {  	v32 =	vmax.f32 v32, $0.0e+00;
	[tilespmem:s31+$0x65E0] =	vst v27;
	v27 =	vmul.f32 v57, v42  }
0x1f3: {  	v28 =	vmax.f32 v28, $0.0e+00;
	v51 =	vld [tilespmem:s31+$0x65C0];
	v55 =	vadd.f32 v52, v22;
	v26 =	vadd.f32 v26, v16  }
0x1f4: {  	[tilespmem:s31+$0x62D0] =	vst v32;
	v40 =	vld [tilespmem:s31+$0x6660];
	v43 =	vmul.f32 v47, v54;
	v47 =	vmul.f32 v61, v42;
	v27 =	vadd.f32 v27, v17  }
0x1f5: {  	v41 =	vld [tilespmem:s31+$0x6670];
	[tilespmem:s31+$0x64D0] =	vst v28;
	v26 =	vmax.f32 v26, $0.0e+00  }
0x1f6: {  	v28 =	vmax.f32 v55, $0.0e+00;
	v59 =	vld [tilespmem:s31+$0x6650];
	[tilespmem:s31+$0x6600] =	vst v26;
	v26 =	vmax.f32 v27, $0.0e+00;
	v27 =	vadd.f32 v47, v18  }
0x1f7: {  	[tilespmem:s31+$0x6560] =	vst v28;
	v28 =	vadd.f32 v58, v17;
	v44 =	vld [tilespmem:s31+$0x66B0]  }
0x1f8: {  	v62 =	vmul.f32 v51, v54;
	[tilespmem:s31+$0x6610] =	vst v26;
	v26 =	vmax.f32 v27, $0.0e+00;
	v27 =	vld [tilespmem:s31+$0x66D0]  }
0x1f9: {  	v46 =	vadd.f32 v33, v18;
	v28 =	vmax.f32 v28, $0.0e+00;
	v45 =	vld [tilespmem:s31+$0x6690];
	[tilespmem:s31+$0x6620] =	vst v26;
	v26 =	vmul.f32 v40, v42  }
0x1fa: {  	v31 =	vadd.f32 v31, v21;
	[tilespmem:s31+$0x6590] =	vst v28;
	v28 =	vadd.f32 v62, v20;
	v53 =	vperm.xlane v25, v13;
	v54 =	vld [tilespmem:s31+$0x66E0]  }
0x1fb: {  	v48 =	vmax.f32 v46, $0.0e+00;
	v46 =	vld [tilespmem:s31+$0x6680];
	v26 =	vadd.f32 v26, v22  }
0x1fc: {  	[tilespmem:s31+$0x63A0] =	vst v30;
	v31 =	vmax.f32 v31, $0.0e+00;
	v60 =	vld [tilespmem:s31+$0x6630];
	v28 =	vmax.f32 v28, $0.0e+00;
	v62 =	vmul.f32 v44, v53  }
0x1fd: {  	v63 =	vld [tilespmem:s31+$0x6640];
	[tilespmem:s31+$0x65C0] =	vst v28;
	v28 =	vadd.f32 v43, v23;
	v26 =	vmax.f32 v26, $0.0e+00;
	v27 =	vmul.f32 v27, v53  }
0x1fe: {  	v34 =	vmul.f32 v59, v42;
	v49 =	vld [tilespmem:s31+$0x66C0];
	v40 =	vadd.f32 v62, v19;
	[tilespmem:s31+$0x6660] =	vst v26;
	v26 =	vmul.f32 v45, v53  }
0x1ff: {  	[tilespmem:s31+$0x6450] =	vst v31;
	v59 =	vld [tilespmem:s31+$0x6710];
	v28 =	vmax.f32 v28, $0.0e+00;
	v43 =	vmul.f32 v54, v53;
	v27 =	vadd.f32 v27, v21  }
0x200: {  	[tilespmem:s31+$0x65F0] =	vst v28;
	v28 =	vmax.f32 v40, $0.0e+00;
	v26 =	vadd.f32 v26, v17  }
0x201: {  	v36 =	vmul.f32 v60, v42;
	[tilespmem:s31+$0x66B0] =	vst v28;
	v28 =	vadd.f32 v43, v22;
	v27 =	vmax.f32 v27, $0.0e+00  }
0x202: {  	v31 =	vmul.f32 v46, v53;
	v46 =	vperm.xlane v25, v14;
	v26 =	vmax.f32 v26, $0.0e+00;
	[tilespmem:s31+$0x66D0] =	vst v27  }
0x203: {  	v32 =	vmul.f32 v41, v42;
	v52 =	vld [tilespmem:s31+$0x66F0];
	v27 =	vmax.f32 v28, $0.0e+00;
	[tilespmem:s31+$0x6690] =	vst v26;
	v26 =	vmul.f32 v49, v53  }
0x204: {  	v36 =	vadd.f32 v36, v19;
	v35 =	vmul.f32 v63, v42;
	v42 =	vld [tilespmem:s31+$0x6740];
	[tilespmem:s31+$0x66E0] =	vst v27;
	v27 =	vmul.f32 v59, v46  }
0x205: {  	[tilespmem:s31+$0x6520] =	vst v48;
	v48 =	vld [tilespmem:s31+$0x66A0];
	v26 =	vadd.f32 v26, v20  }
0x206: {  	v36 =	vmax.f32 v36, $0.0e+00;
	v61 =	vld [tilespmem:s31+$0x6700];
	v27 =	vadd.f32 v27, v17  }
0x207: {  	v55 =	vadd.f32 v32, v23;
	[tilespmem:s31+$0x6630] =	vst v36;
	v50 =	vadd.f32 v34, v21;
	v45 =	vld [tilespmem:s31+$0x6770];
	v26 =	vmax.f32 v26, $0.0e+00  }
0x208: {  	v63 =	vld [tilespmem:s31+$0x6720];
	v35 =	vadd.f32 v35, v20;
	v27 =	vmax.f32 v27, $0.0e+00;
	[tilespmem:s31+$0x66C0] =	vst v26;
	v26 =	vmul.f32 v52, v53  }
0x209: {  	v41 =	vld [tilespmem:s31+$0x6730];
	v30 =	vmax.f32 v50, $0.0e+00;
	v58 =	vadd.f32 v31, v16;
	[tilespmem:s31+$0x6710] =	vst v27;
	v27 =	vmul.f32 v42, v46  }
0x20a: {  	[tilespmem:s31+$0x6650] =	vst v30;
	v51 =	vmax.f32 v35, $0.0e+00;
	v60 =	vmul.f32 v48, v53;
	v26 =	vadd.f32 v26, v23  }
0x20b: {  	[tilespmem:s31+$0x6640] =	vst v51;
	v25 =	vperm.xlane v25, v15;
	v30 =	vmax.f32 v58, $0.0e+00;
	v52 =	vld [tilespmem:s31+$0x67D0];
	v27 =	vadd.f32 v27, v20  }
0x20c: {  	v29 =	vadd.f32 v60, v18;
	[tilespmem:s31+$0x6680] =	vst v30;
	v54 =	vmul.f32 v45, v46;
	v53 =	vld [tilespmem:s31+$0x67C0];
	v26 =	vmax.f32 v26, $0.0e+00  }
0x20d: {  	v56 =	vld [tilespmem:s31+$0x6750];
	v37 =	vmul.f32 v61, v46;
	v27 =	vmax.f32 v27, $0.0e+00;
	[tilespmem:s31+$0x66F0] =	vst v26;
	v26 =	vmul.f32 v63, v46  }
0x20e: {  	v57 =	vmax.f32 v55, $0.0e+00;
	v30 =	vmul.f32 v41, v46;
	v47 =	vld [tilespmem:s31+$0x6760];
	[tilespmem:s31+$0x6740] =	vst v27;
	v27 =	vadd.f32 v54, v23  }
0x20f: {  	v48 =	vld [tilespmem:s31+$0x6780];
	[tilespmem:s31+$0x6670] =	vst v57;
	v29 =	vmax.f32 v29, $0.0e+00;
	v37 =	vadd.f32 v37, v16;
	v26 =	vadd.f32 v26, v18  }
0x210: {  	v50 =	vld [tilespmem:s31+$0x67A0];
	[tilespmem:s31+$0x66A0] =	vst v29;
	v51 =	vadd.f32 v30, v19;
	v30 =	vmul.f32 v52, v25;
	v27 =	vmax.f32 v27, $0.0e+00  }
0x211: {  	v49 =	vld [tilespmem:s31+$0x6790];
	[tilespmem:s31+$0x6770] =	vst v27;
	v27 =	vmul.f32 v53, v25;
	v26 =	vmax.f32 v26, $0.0e+00  }
0x212: {  	v44 =	vld [tilespmem:s31+$0x67B0];
	v37 =	vmax.f32 v37, $0.0e+00;
	v62 =	vadd.f32 v30, v21;
	[tilespmem:s31+$0x6720] =	vst v26;
	v26 =	vmul.f32 v56, v46  }
0x213: {  	v55 =	vld [tilespmem:s31+$0x67E0];
	[tilespmem:s31+$0x6700] =	vst v37;
	v29 =	vmax.f32 v51, $0.0e+00;
	v28 =	vmul.f32 v47, v46;
	v27 =	vadd.f32 v27, v20  }
0x214: {  	v57 =	vld [tilespmem:s31+$0x67F0];
	v31 =	vmul.f32 v48, v25;
	[tilespmem:s31+$0x6730] =	vst v29;
	v63 =	vmax.f32 v62, $0.0e+00;
	v26 =	vadd.f32 v26, v21  }
0x215: {  	v58 =	vmul.f32 v50, v25;
	v28 =	vadd.f32 v28, v22;
	[tilespmem:s31+$0x67D0] =	vst v63;
	v27 =	vmax.f32 v27, $0.0e+00  }
0x216: {  	v31 =	vadd.f32 v31, v16;
	v56 =	vmul.f32 v49, v25;
	[tilespmem:s31+$0x67C0] =	vst v27;
	v26 =	vmax.f32 v26, $0.0e+00  }
0x217: {  	v60 =	vadd.f32 v58, v18;
	v59 =	vmul.f32 v44, v25;
	[tilespmem:s31+$0x6750] =	vst v26;
	v26 =	vmax.f32 v28, $0.0e+00  }
0x218: {  	v61 =	vmul.f32 v55, v25;
	v29 =	vadd.f32 v56, v17;
	[tilespmem:s31+$0x6760] =	vst v26;
	v26 =	vmax.f32 v31, $0.0e+00  }
0x219: {  	v25 =	vmul.f32 v57, v25;
	v28 =	vadd.f32 v59, v19;
	[tilespmem:s31+$0x6780] =	vst v26;
	v26 =	vmax.f32 v60, $0.0e+00  }
0x21a: {  	v29 =	vmax.f32 v29, $0.0e+00;
	[tilespmem:s31+$0x67A0] =	vst v26;
	v26 =	vadd.f32 v61, v22  }
0x21b: {  	v25 =	vadd.f32 v25, v23;
	[tilespmem:s31+$0x6790] =	vst v29;
	v28 =	vmax.f32 v28, $0.0e+00  }
0x21c: {  	[tilespmem:s31+$0x67B0] =	vst v28;
	v26 =	vmax.f32 v26, $0.0e+00  }
0x21d: {  	s11 =	simm.s32 $0x2;
	s13 =	simm.s32 $0x10;
	s10 =	simm.s32 $0x1;
	v25 =	vmax.f32 v25, $0.0e+00;
	[tilespmem:s31+$0x67E0] =	vst v26  }
.LBB2_20:
0x21e: {  	p0 =	sne.s32 s11, $0x3;
	s13 =	sand.u32 $0x3FFFFFF0, s13;
	s10 =	sshll.u32 s10, $0xB;
	[tilespmem:s31+$0x67F0] =	vst v25  }
0x21f: {  	v25 =	vld.idx.msk [tilespmem:v24+s13+$0x0 ss:$0x1], $0xffff;
	s31 =	sand.u32 $0x3FFFF800, s10;
	s10 =	smov.u32 s11  }
0x220: {  	v27 =	vld [tilespmem:s31+$0x6030]  }
0x221: {  	v28 =	vld [tilespmem:s31+$0x6010]  }
0x222: {  	v29 =	vld [tilespmem:s31+$0x6000]  }
0x223: {  	v30 =	vld [tilespmem:s31+$0x6020]  }
0x224: {  	v31 =	vld [tilespmem:s31+$0x6040]  }
0x225: {  	v32 =	vperm.xlane v25, v0;
	v34 =	vperm.xlane v25, v1;
	v33 =	vld [tilespmem:s31+$0x6050]  }
0x226: {  	v36 =	vperm.xlane v25, v2;
	v26 =	vperm.xlane v25, v3;
	v35 =	vld [tilespmem:s31+$0x6090]  }
0x227: {  	v28 =	vmul.f32 v28, v32;
	v29 =	vmul.f32 v29, v32;
	v37 =	vld [tilespmem:s31+$0x6070]  }
0x228: {  	v27 =	vmul.f32 v27, v32;
	v30 =	vmul.f32 v30, v32;
	v38 =	vld [tilespmem:s31+$0x6060]  }
0x229: {  	v28 =	vadd.f32 v28, v17;
	v29 =	vadd.f32 v29, v16;
	v31 =	vmul.f32 v31, v32;
	v39 =	vld [tilespmem:s31+$0x6080]  }
0x22a: {  	v27 =	vadd.f32 v27, v19;
	v30 =	vadd.f32 v30, v18;
	v33 =	vmul.f32 v33, v32;
	v40 =	vld [tilespmem:s31+$0x60A0]  }
0x22b: {  	v28 =	vmax.f32 v28, $0.0e+00;
	v29 =	vmax.f32 v29, $0.0e+00;
	v31 =	vadd.f32 v31, v20;
	v41 =	vld [tilespmem:s31+$0x60B0]  }
0x22c: {  	v27 =	vmax.f32 v27, $0.0e+00;
	[tilespmem:s31+$0x6000] =	vst v29;
	v29 =	vmax.f32 v30, $0.0e+00;
	v30 =	vadd.f32 v33, v21;
	v33 =	vld [tilespmem:s31+$0x60F0]  }
0x22d: {  	[tilespmem:s31+$0x6010] =	vst v28;
	v28 =	vmax.f32 v31, $0.0e+00;
	v31 =	vmul.f32 v38, v32;
	v32 =	vmul.f32 v37, v32;
	v37 =	vld [tilespmem:s31+$0x60D0]  }
0x22e: {  	v35 =	vmul.f32 v35, v34;
	[tilespmem:s31+$0x6020] =	vst v29;
	v29 =	vmax.f32 v30, $0.0e+00;
	v30 =	vmul.f32 v39, v34;
	v38 =	vld [tilespmem:s31+$0x60C0]  }
0x22f: {  	[tilespmem:s31+$0x6030] =	vst v27;
	v27 =	vadd.f32 v31, v22;
	v31 =	vadd.f32 v32, v23;
	v32 =	vmul.f32 v40, v34;
	v39 =	vld [tilespmem:s31+$0x60E0]  }
0x230: {  	[tilespmem:s31+$0x6040] =	vst v28;
	v28 =	vadd.f32 v30, v16;
	v30 =	vadd.f32 v35, v17;
	v35 =	vmul.f32 v41, v34;
	v40 =	vld [tilespmem:s31+$0x6100]  }
0x231: {  	[tilespmem:s31+$0x6050] =	vst v29;
	v27 =	vmax.f32 v27, $0.0e+00;
	v29 =	vmax.f32 v31, $0.0e+00;
	v31 =	vadd.f32 v32, v18;
	v32 =	vld [tilespmem:s31+$0x6110]  }
0x232: {  	[tilespmem:s31+$0x6060] =	vst v27;
	v27 =	vmax.f32 v28, $0.0e+00;
	v28 =	vmax.f32 v30, $0.0e+00;
	v30 =	vadd.f32 v35, v19;
	v35 =	vld [tilespmem:s31+$0x6150]  }
0x233: {  	v37 =	vmul.f32 v37, v34;
	[tilespmem:s31+$0x6070] =	vst v29;
	v29 =	vmax.f32 v31, $0.0e+00;
	v31 =	vmul.f32 v38, v34;
	v38 =	vld [tilespmem:s31+$0x6130]  }
0x234: {  	v33 =	vmul.f32 v33, v34;
	[tilespmem:s31+$0x6080] =	vst v27;
	v27 =	vmax.f32 v30, $0.0e+00;
	v30 =	vmul.f32 v39, v34;
	v34 =	vld [tilespmem:s31+$0x6120]  }
0x235: {  	[tilespmem:s31+$0x6090] =	vst v28;
	v28 =	vadd.f32 v31, v20;
	v31 =	vadd.f32 v37, v21;
	v37 =	vmul.f32 v40, v36;
	v39 =	vld [tilespmem:s31+$0x6140]  }
0x236: {  	[tilespmem:s31+$0x60A0] =	vst v29;
	v29 =	vadd.f32 v30, v22;
	v30 =	vadd.f32 v33, v23;
	v32 =	vmul.f32 v32, v36;
	v33 =	vld [tilespmem:s31+$0x6160]  }
0x237: {  	[tilespmem:s31+$0x60B0] =	vst v27;
	v27 =	vmax.f32 v28, $0.0e+00;
	v28 =	vmax.f32 v31, $0.0e+00;
	v31 =	vadd.f32 v37, v16;
	v37 =	vld [tilespmem:s31+$0x6170]  }
0x238: {  	[tilespmem:s31+$0x60C0] =	vst v27;
	v27 =	vmax.f32 v29, $0.0e+00;
	v29 =	vmax.f32 v30, $0.0e+00;
	v30 =	vadd.f32 v32, v17;
	v32 =	vld [tilespmem:s31+$0x61B0]  }
0x239: {  	[tilespmem:s31+$0x60D0] =	vst v28;
	v28 =	vmax.f32 v31, $0.0e+00;
	v31 =	vmul.f32 v34, v36;
	v34 =	vmul.f32 v38, v36;
	v38 =	vld [tilespmem:s31+$0x6190]  }
0x23a: {  	v35 =	vmul.f32 v35, v36;
	[tilespmem:s31+$0x60E0] =	vst v27;
	v27 =	vmax.f32 v30, $0.0e+00;
	v30 =	vmul.f32 v39, v36;
	v39 =	vld [tilespmem:s31+$0x6180]  }
0x23b: {  	[tilespmem:s31+$0x60F0] =	vst v29;
	v29 =	vadd.f32 v31, v18;
	v31 =	vadd.f32 v34, v19;
	v33 =	vmul.f32 v33, v36;
	v34 =	vld [tilespmem:s31+$0x61A0]  }
0x23c: {  	[tilespmem:s31+$0x6100] =	vst v28;
	v28 =	vadd.f32 v30, v20;
	v30 =	vadd.f32 v35, v21;
	v35 =	vmul.f32 v37, v36;
	v36 =	vld [tilespmem:s31+$0x61C0]  }
0x23d: {  	[tilespmem:s31+$0x6110] =	vst v27;
	v27 =	vmax.f32 v29, $0.0e+00;
	v29 =	vmax.f32 v31, $0.0e+00;
	v31 =	vadd.f32 v33, v22;
	v33 =	vld [tilespmem:s31+$0x61D0]  }
0x23e: {  	[tilespmem:s31+$0x6120] =	vst v27;
	v27 =	vmax.f32 v28, $0.0e+00;
	v28 =	vmax.f32 v30, $0.0e+00;
	v30 =	vadd.f32 v35, v23  }
0x23f: {  	v35 =	vmul.f32 v38, v26;
	[tilespmem:s31+$0x6130] =	vst v29;
	v29 =	vmax.f32 v31, $0.0e+00;
	v31 =	vmul.f32 v39, v26;
	v37 =	vld [tilespmem:s31+$0x61F0]  }
0x240: {  	v32 =	vmul.f32 v32, v26;
	[tilespmem:s31+$0x6140] =	vst v27;
	v27 =	vmax.f32 v30, $0.0e+00;
	v30 =	vmul.f32 v34, v26;
	v34 =	vld [tilespmem:s31+$0x61E0]  }
0x241: {  	[tilespmem:s31+$0x6150] =	vst v28;
	v28 =	vadd.f32 v31, v16;
	v31 =	vadd.f32 v35, v17;
	v35 =	vmul.f32 v36, v26;
	v36 =	vld [tilespmem:s31+$0x6250]  }
0x242: {  	[tilespmem:s31+$0x6160] =	vst v29;
	v29 =	vadd.f32 v30, v18;
	v30 =	vadd.f32 v32, v19;
	v32 =	vmul.f32 v33, v26;
	v33 =	vld [tilespmem:s31+$0x6210]  }
0x243: {  	[tilespmem:s31+$0x6170] =	vst v27;
	v27 =	vmax.f32 v28, $0.0e+00;
	v28 =	vmax.f32 v31, $0.0e+00;
	v31 =	vadd.f32 v35, v20;
	v35 =	vld [tilespmem:s31+$0x6200]  }
0x244: {  	[tilespmem:s31+$0x6180] =	vst v27;
	v27 =	vmax.f32 v29, $0.0e+00;
	v29 =	vmax.f32 v30, $0.0e+00;
	v30 =	vadd.f32 v32, v21;
	v32 =	vld [tilespmem:s31+$0x6220]  }
0x245: {  	[tilespmem:s31+$0x6190] =	vst v28;
	v28 =	vmax.f32 v31, $0.0e+00;
	v31 =	vmul.f32 v34, v26;
	v26 =	vmul.f32 v37, v26;
	v34 =	vld [tilespmem:s31+$0x6230]  }
0x246: {  	v38 =	vperm.xlane v25, v5;
	[tilespmem:s31+$0x61A0] =	vst v27;
	v27 =	vmax.f32 v30, $0.0e+00;
	v30 =	vperm.xlane v25, v4;
	v37 =	vld [tilespmem:s31+$0x6240]  }
0x247: {  	v39 =	vperm.xlane v25, v6;
	[tilespmem:s31+$0x61B0] =	vst v29;
	v29 =	vadd.f32 v31, v22;
	v26 =	vadd.f32 v26, v23;
	v31 =	vld [tilespmem:s31+$0x62B0]  }
0x248: {  	[tilespmem:s31+$0x61C0] =	vst v28;
	v28 =	vmul.f32 v35, v30;
	v33 =	vmul.f32 v33, v30;
	v35 =	vld [tilespmem:s31+$0x6270]  }
0x249: {  	[tilespmem:s31+$0x61D0] =	vst v27;
	v27 =	vmax.f32 v29, $0.0e+00;
	v26 =	vmax.f32 v26, $0.0e+00;
	v29 =	vmul.f32 v32, v30;
	v32 =	vld [tilespmem:s31+$0x6260]  }
0x24a: {  	[tilespmem:s31+$0x61E0] =	vst v27;
	v27 =	vadd.f32 v28, v16;
	v28 =	vadd.f32 v33, v17;
	v33 =	vmul.f32 v34, v30;
	v34 =	vld [tilespmem:s31+$0x6280]  }
0x24b: {  	v36 =	vmul.f32 v36, v30;
	[tilespmem:s31+$0x61F0] =	vst v26;
	v26 =	vadd.f32 v29, v18;
	v29 =	vmul.f32 v37, v30;
	v37 =	vld [tilespmem:s31+$0x6290]  }
0x24c: {  	v27 =	vmax.f32 v27, $0.0e+00;
	v28 =	vmax.f32 v28, $0.0e+00;
	v33 =	vadd.f32 v33, v19;
	v40 =	vld [tilespmem:s31+$0x62A0]  }
0x24d: {  	[tilespmem:s31+$0x6200] =	vst v27;
	v26 =	vmax.f32 v26, $0.0e+00;
	v27 =	vadd.f32 v29, v20;
	v29 =	vadd.f32 v36, v21;
	v36 =	vld [tilespmem:s31+$0x6310]  }
0x24e: {  	[tilespmem:s31+$0x6210] =	vst v28;
	v28 =	vmax.f32 v33, $0.0e+00;
	v32 =	vmul.f32 v32, v30;
	v30 =	vmul.f32 v35, v30;
	v33 =	vld [tilespmem:s31+$0x62D0]  }
0x24f: {  	[tilespmem:s31+$0x6220] =	vst v26;
	v26 =	vmax.f32 v27, $0.0e+00;
	v27 =	vmax.f32 v29, $0.0e+00;
	v29 =	vmul.f32 v34, v38;
	v34 =	vld [tilespmem:s31+$0x62C0]  }
0x250: {  	[tilespmem:s31+$0x6230] =	vst v28;
	v28 =	vadd.f32 v32, v22;
	v30 =	vadd.f32 v30, v23;
	v32 =	vmul.f32 v37, v38;
	v35 =	vld [tilespmem:s31+$0x62E0]  }
0x251: {  	v31 =	vmul.f32 v31, v38;
	[tilespmem:s31+$0x6240] =	vst v26;
	v26 =	vadd.f32 v29, v16;
	v29 =	vmul.f32 v40, v38;
	v37 =	vld [tilespmem:s31+$0x62F0]  }
0x252: {  	[tilespmem:s31+$0x6250] =	vst v27;
	v27 =	vmax.f32 v28, $0.0e+00;
	v28 =	vmax.f32 v30, $0.0e+00;
	v30 =	vadd.f32 v32, v17;
	v32 =	vld [tilespmem:s31+$0x6300]  }
0x253: {  	[tilespmem:s31+$0x6260] =	vst v27;
	v26 =	vmax.f32 v26, $0.0e+00;
	v27 =	vadd.f32 v29, v18;
	v29 =	vadd.f32 v31, v19;
	v31 =	vld [tilespmem:s31+$0x6370]  }
0x254: {  	v33 =	vmul.f32 v33, v38;
	[tilespmem:s31+$0x6270] =	vst v28;
	v28 =	vmax.f32 v30, $0.0e+00;
	v30 =	vmul.f32 v34, v38;
	v34 =	vld [tilespmem:s31+$0x6330]  }
0x255: {  	[tilespmem:s31+$0x6280] =	vst v26;
	v26 =	vmax.f32 v27, $0.0e+00;
	v27 =	vmax.f32 v29, $0.0e+00;
	v29 =	vmul.f32 v35, v38;
	v35 =	vld [tilespmem:s31+$0x6320]  }
0x256: {  	[tilespmem:s31+$0x6290] =	vst v28;
	v28 =	vadd.f32 v30, v20;
	v30 =	vadd.f32 v33, v21;
	v33 =	vmul.f32 v37, v38;
	v37 =	vld [tilespmem:s31+$0x6340]  }
0x257: {  	[tilespmem:s31+$0x62A0] =	vst v26;
	v26 =	vadd.f32 v29, v22;
	v29 =	vmul.f32 v32, v39;
	v32 =	vmul.f32 v36, v39;
	v36 =	vld [tilespmem:s31+$0x6350]  }
0x258: {  	[tilespmem:s31+$0x62B0] =	vst v27;
	v27 =	vmax.f32 v28, $0.0e+00;
	v28 =	vmax.f32 v30, $0.0e+00;
	v30 =	vadd.f32 v33, v23;
	v33 =	vld [tilespmem:s31+$0x6360]  }
0x259: {  	[tilespmem:s31+$0x62C0] =	vst v27;
	v26 =	vmax.f32 v26, $0.0e+00;
	v27 =	vadd.f32 v29, v16;
	v29 =	vadd.f32 v32, v17  }
0x25a: {  	v32 =	vmul.f32 v34, v39;
	[tilespmem:s31+$0x62D0] =	vst v28;
	v28 =	vmax.f32 v30, $0.0e+00;
	v30 =	vmul.f32 v35, v39  }
0x25b: {  	[tilespmem:s31+$0x62E0] =	vst v26;
	v26 =	vmax.f32 v27, $0.0e+00;
	v27 =	vmax.f32 v29, $0.0e+00;
	v29 =	vmul.f32 v37, v39;
	v34 =	vld [tilespmem:s31+$0x63B0]  }
0x25c: {  	[tilespmem:s31+$0x62F0] =	vst v28;
	v28 =	vadd.f32 v30, v18;
	v30 =	vadd.f32 v32, v19;
	v32 =	vmul.f32 v36, v39;
	v35 =	vld [tilespmem:s31+$0x6390]  }
0x25d: {  	v31 =	vmul.f32 v31, v39;
	[tilespmem:s31+$0x6300] =	vst v26;
	v26 =	vadd.f32 v29, v20;
	v29 =	vmul.f32 v33, v39;
	v33 =	vld [tilespmem:s31+$0x6380]  }
0x25e: {  	[tilespmem:s31+$0x6310] =	vst v27;
	v27 =	vmax.f32 v28, $0.0e+00;
	v28 =	vmax.f32 v30, $0.0e+00;
	v30 =	vadd.f32 v32, v21;
	v32 =	vld [tilespmem:s31+$0x63A0]  }
0x25f: {  	[tilespmem:s31+$0x6320] =	vst v27;
	v26 =	vmax.f32 v26, $0.0e+00;
	v27 =	vadd.f32 v29, v22;
	v29 =	vadd.f32 v31, v23;
	v31 =	vld [tilespmem:s31+$0x63C0]  }
0x260: {  	v37 =	vperm.xlane v25, v8;
	[tilespmem:s31+$0x6330] =	vst v28;
	v28 =	vmax.f32 v30, $0.0e+00;
	v30 =	vperm.xlane v25, v7;
	v36 =	vld [tilespmem:s31+$0x63D0]  }
0x261: {  	v38 =	vperm.xlane v25, v9;
	[tilespmem:s31+$0x6340] =	vst v26;
	v26 =	vmax.f32 v27, $0.0e+00;
	v27 =	vmax.f32 v29, $0.0e+00;
	v29 =	vld [tilespmem:s31+$0x6410]  }
0x262: {  	[tilespmem:s31+$0x6350] =	vst v28;
	v28 =	vmul.f32 v33, v30;
	v33 =	vmul.f32 v35, v30;
	v35 =	vld [tilespmem:s31+$0x63F0]  }
0x263: {  	[tilespmem:s31+$0x6360] =	vst v26;
	v26 =	vmul.f32 v32, v30;
	v32 =	vmul.f32 v34, v30;
	v34 =	vld [tilespmem:s31+$0x63E0]  }
0x264: {  	[tilespmem:s31+$0x6370] =	vst v27;
	v27 =	vadd.f32 v28, v16;
	v28 =	vadd.f32 v33, v17;
	v31 =	vmul.f32 v31, v30;
	v33 =	vld [tilespmem:s31+$0x6400]  }
0x265: {  	v26 =	vadd.f32 v26, v18;
	v32 =	vadd.f32 v32, v19;
	v36 =	vmul.f32 v36, v30;
	v39 =	vld [tilespmem:s31+$0x6420]  }
0x266: {  	v27 =	vmax.f32 v27, $0.0e+00;
	v28 =	vmax.f32 v28, $0.0e+00;
	v31 =	vadd.f32 v31, v20;
	v40 =	vld [tilespmem:s31+$0x6430]  }
0x267: {  	[tilespmem:s31+$0x6380] =	vst v27;
	v26 =	vmax.f32 v26, $0.0e+00;
	v27 =	vmax.f32 v32, $0.0e+00;
	v32 =	vadd.f32 v36, v21;
	v36 =	vld [tilespmem:s31+$0x6470]  }
0x268: {  	[tilespmem:s31+$0x6390] =	vst v28;
	v28 =	vmax.f32 v31, $0.0e+00;
	v31 =	vmul.f32 v34, v30;
	v30 =	vmul.f32 v35, v30;
	v34 =	vld [tilespmem:s31+$0x6450]  }
0x269: {  	v29 =	vmul.f32 v29, v37;
	[tilespmem:s31+$0x63A0] =	vst v26;
	v26 =	vmax.f32 v32, $0.0e+00;
	v32 =	vmul.f32 v33, v37;
	v33 =	vld [tilespmem:s31+$0x6440]  }
0x26a: {  	[tilespmem:s31+$0x63B0] =	vst v27;
	v27 =	vadd.f32 v31, v22;
	v30 =	vadd.f32 v30, v23;
	v31 =	vmul.f32 v39, v37;
	v35 =	vld [tilespmem:s31+$0x6460]  }
0x26b: {  	v29 =	vadd.f32 v29, v17;
	[tilespmem:s31+$0x63C0] =	vst v28;
	v28 =	vadd.f32 v32, v16;
	v32 =	vmul.f32 v40, v37;
	v39 =	vld [tilespmem:s31+$0x6480]  }
0x26c: {  	[tilespmem:s31+$0x63D0] =	vst v26;
	v26 =	vmax.f32 v27, $0.0e+00;
	v27 =	vmax.f32 v30, $0.0e+00;
	v30 =	vadd.f32 v31, v18;
	v31 =	vld [tilespmem:s31+$0x6490]  }
0x26d: {  	[tilespmem:s31+$0x63E0] =	vst v26;
	v26 =	vmax.f32 v28, $0.0e+00;
	v28 =	vmax.f32 v29, $0.0e+00;
	v29 =	vadd.f32 v32, v19;
	v32 =	vld [tilespmem:s31+$0x64D0]  }
0x26e: {  	[tilespmem:s31+$0x63F0] =	vst v27;
	v27 =	vmax.f32 v30, $0.0e+00;
	v30 =	vmul.f32 v33, v37;
	v33 =	vmul.f32 v34, v37;
	v34 =	vld [tilespmem:s31+$0x64B0]  }
0x26f: {  	[tilespmem:s31+$0x6400] =	vst v26;
	v26 =	vmax.f32 v29, $0.0e+00;
	v29 =	vmul.f32 v35, v37;
	v35 =	vmul.f32 v36, v37;
	v36 =	vld [tilespmem:s31+$0x64A0]  }
0x270: {  	[tilespmem:s31+$0x6410] =	vst v28;
	v28 =	vadd.f32 v30, v20;
	v30 =	vadd.f32 v33, v21;
	v33 =	vmul.f32 v39, v38;
	v37 =	vld [tilespmem:s31+$0x64C0]  }
0x271: {  	[tilespmem:s31+$0x6420] =	vst v27;
	v27 =	vadd.f32 v29, v22;
	v29 =	vadd.f32 v35, v23;
	v31 =	vmul.f32 v31, v38;
	v35 =	vld [tilespmem:s31+$0x64E0]  }
0x272: {  	[tilespmem:s31+$0x6430] =	vst v26;
	v26 =	vmax.f32 v28, $0.0e+00;
	v28 =	vmax.f32 v30, $0.0e+00;
	v30 =	vadd.f32 v33, v16;
	v33 =	vld [tilespmem:s31+$0x64F0]  }
0x273: {  	[tilespmem:s31+$0x6440] =	vst v26;
	v26 =	vmax.f32 v27, $0.0e+00;
	v27 =	vmax.f32 v29, $0.0e+00;
	v29 =	vadd.f32 v31, v17  }
0x274: {  	v31 =	vmul.f32 v34, v38;
	[tilespmem:s31+$0x6450] =	vst v28;
	v28 =	vmax.f32 v30, $0.0e+00;
	v30 =	vmul.f32 v36, v38  }
0x275: {  	v32 =	vmul.f32 v32, v38;
	[tilespmem:s31+$0x6460] =	vst v26;
	v26 =	vmax.f32 v29, $0.0e+00;
	v29 =	vmul.f32 v37, v38;
	v34 =	vld [tilespmem:s31+$0x6530]  }
0x276: {  	[tilespmem:s31+$0x6470] =	vst v27;
	v27 =	vadd.f32 v30, v18;
	v30 =	vadd.f32 v31, v19;
	v31 =	vmul.f32 v35, v38;
	v35 =	vld [tilespmem:s31+$0x6510]  }
0x277: {  	[tilespmem:s31+$0x6480] =	vst v28;
	v28 =	vadd.f32 v29, v20;
	v29 =	vadd.f32 v32, v21;
	v32 =	vmul.f32 v33, v38;
	v33 =	vld [tilespmem:s31+$0x6500]  }
0x278: {  	[tilespmem:s31+$0x6490] =	vst v26;
	v26 =	vmax.f32 v27, $0.0e+00;
	v27 =	vmax.f32 v30, $0.0e+00;
	v30 =	vadd.f32 v31, v22;
	v31 =	vld [tilespmem:s31+$0x6520]  }
0x279: {  	[tilespmem:s31+$0x64A0] =	vst v26;
	v26 =	vmax.f32 v28, $0.0e+00;
	v28 =	vmax.f32 v29, $0.0e+00;
	v29 =	vadd.f32 v32, v23;
	v32 =	vld [tilespmem:s31+$0x6540]  }
0x27a: {  	v37 =	vperm.xlane v25, v11;
	[tilespmem:s31+$0x64B0] =	vst v27;
	v27 =	vmax.f32 v30, $0.0e+00;
	v30 =	vperm.xlane v25, v10;
	v36 =	vld [tilespmem:s31+$0x6550]  }
0x27b: {  	v39 =	vperm.xlane v25, v12;
	[tilespmem:s31+$0x64C0] =	vst v26;
	v29 =	vmax.f32 v29, $0.0e+00;
	v38 =	vld [tilespmem:s31+$0x6590];
	v26 =	vperm.xlane v25, v13  }
0x27c: {  	[tilespmem:s31+$0x64D0] =	vst v28;
	v28 =	vmul.f32 v33, v30;
	v33 =	vmul.f32 v35, v30;
	v35 =	vld [tilespmem:s31+$0x6570]  }
0x27d: {  	[tilespmem:s31+$0x64E0] =	vst v27;
	v27 =	vmul.f32 v31, v30;
	v31 =	vmul.f32 v34, v30;
	v34 =	vld [tilespmem:s31+$0x6560]  }
0x27e: {  	[tilespmem:s31+$0x64F0] =	vst v29;
	v28 =	vadd.f32 v28, v16;
	v29 =	vadd.f32 v33, v17;
	v32 =	vmul.f32 v32, v30;
	v33 =	vld [tilespmem:s31+$0x6580]  }
0x27f: {  	v27 =	vadd.f32 v27, v18;
	v31 =	vadd.f32 v31, v19;
	v36 =	vmul.f32 v36, v30;
	v40 =	vld [tilespmem:s31+$0x65A0]  }
0x280: {  	v28 =	vmax.f32 v28, $0.0e+00;
	v29 =	vmax.f32 v29, $0.0e+00;
	v32 =	vadd.f32 v32, v20;
	v41 =	vld [tilespmem:s31+$0x65B0]  }
0x281: {  	[tilespmem:s31+$0x6500] =	vst v28;
	v27 =	vmax.f32 v27, $0.0e+00;
	v28 =	vmax.f32 v31, $0.0e+00;
	v31 =	vadd.f32 v36, v21;
	v36 =	vld [tilespmem:s31+$0x65F0]  }
0x282: {  	[tilespmem:s31+$0x6510] =	vst v29;
	v29 =	vmax.f32 v32, $0.0e+00;
	v32 =	vmul.f32 v34, v30;
	v30 =	vmul.f32 v35, v30;
	v34 =	vld [tilespmem:s31+$0x65D0]  }
0x283: {  	[tilespmem:s31+$0x6520] =	vst v27;
	v27 =	vmax.f32 v31, $0.0e+00;
	v31 =	vmul.f32 v33, v37;
	v33 =	vmul.f32 v38, v37;
	v35 =	vld [tilespmem:s31+$0x65C0]  }
0x284: {  	[tilespmem:s31+$0x6530] =	vst v28;
	v28 =	vadd.f32 v32, v22;
	v30 =	vadd.f32 v30, v23;
	v32 =	vmul.f32 v40, v37;
	v38 =	vld [tilespmem:s31+$0x65E0]  }
0x285: {  	[tilespmem:s31+$0x6540] =	vst v29;
	v29 =	vadd.f32 v31, v16;
	v31 =	vadd.f32 v33, v17;
	v33 =	vmul.f32 v41, v37;
	v40 =	vld [tilespmem:s31+$0x6600]  }
0x286: {  	[tilespmem:s31+$0x6550] =	vst v27;
	v27 =	vmax.f32 v28, $0.0e+00;
	v28 =	vmax.f32 v30, $0.0e+00;
	v30 =	vadd.f32 v32, v18;
	v32 =	vld [tilespmem:s31+$0x6610]  }
0x287: {  	[tilespmem:s31+$0x6560] =	vst v27;
	v27 =	vmax.f32 v29, $0.0e+00;
	v29 =	vmax.f32 v31, $0.0e+00;
	v31 =	vadd.f32 v33, v19;
	v33 =	vld [tilespmem:s31+$0x6650]  }
0x288: {  	v34 =	vmul.f32 v34, v37;
	[tilespmem:s31+$0x6570] =	vst v28;
	v28 =	vmax.f32 v30, $0.0e+00;
	v30 =	vmul.f32 v35, v37;
	v35 =	vld [tilespmem:s31+$0x6630]  }
0x289: {  	v36 =	vmul.f32 v36, v37;
	[tilespmem:s31+$0x6580] =	vst v27;
	v27 =	vmax.f32 v31, $0.0e+00;
	v31 =	vmul.f32 v38, v37;
	v37 =	vld [tilespmem:s31+$0x6620]  }
0x28a: {  	[tilespmem:s31+$0x6590] =	vst v29;
	v29 =	vadd.f32 v30, v20;
	v30 =	vadd.f32 v34, v21;
	v34 =	vmul.f32 v40, v39;
	v38 =	vld [tilespmem:s31+$0x6640]  }
0x28b: {  	[tilespmem:s31+$0x65A0] =	vst v28;
	v28 =	vadd.f32 v31, v22;
	v31 =	vadd.f32 v36, v23;
	v32 =	vmul.f32 v32, v39;
	v36 =	vld [tilespmem:s31+$0x6660]  }
0x28c: {  	[tilespmem:s31+$0x65B0] =	vst v27;
	v27 =	vmax.f32 v29, $0.0e+00;
	v29 =	vmax.f32 v30, $0.0e+00;
	v30 =	vadd.f32 v34, v16;
	v34 =	vld [tilespmem:s31+$0x6670]  }
0x28d: {  	[tilespmem:s31+$0x65C0] =	vst v27;
	v27 =	vmax.f32 v28, $0.0e+00;
	v28 =	vmax.f32 v31, $0.0e+00;
	v31 =	vadd.f32 v32, v17;
	v32 =	vld [tilespmem:s31+$0x66B0]  }
0x28e: {  	v35 =	vmul.f32 v35, v39;
	[tilespmem:s31+$0x65D0] =	vst v29;
	v29 =	vmax.f32 v30, $0.0e+00;
	v30 =	vmul.f32 v37, v39;
	v37 =	vld [tilespmem:s31+$0x6690]  }
0x28f: {  	v33 =	vmul.f32 v33, v39;
	[tilespmem:s31+$0x65E0] =	vst v27;
	v27 =	vmax.f32 v31, $0.0e+00;
	v31 =	vmul.f32 v38, v39;
	v38 =	vld [tilespmem:s31+$0x6680]  }
0x290: {  	[tilespmem:s31+$0x65F0] =	vst v28;
	v28 =	vadd.f32 v30, v18;
	v30 =	vadd.f32 v35, v19;
	v35 =	vmul.f32 v36, v39;
	v36 =	vld [tilespmem:s31+$0x66A0]  }
0x291: {  	[tilespmem:s31+$0x6600] =	vst v29;
	v29 =	vadd.f32 v31, v20;
	v31 =	vadd.f32 v33, v21;
	v33 =	vmul.f32 v34, v39;
	v34 =	vld [tilespmem:s31+$0x66C0]  }
0x292: {  	[tilespmem:s31+$0x6610] =	vst v27;
	v27 =	vmax.f32 v28, $0.0e+00;
	v28 =	vmax.f32 v30, $0.0e+00;
	v30 =	vadd.f32 v35, v22;
	v35 =	vld [tilespmem:s31+$0x66D0]  }
0x293: {  	[tilespmem:s31+$0x6620] =	vst v27;
	v27 =	vmax.f32 v29, $0.0e+00;
	v29 =	vmax.f32 v31, $0.0e+00;
	v31 =	vadd.f32 v33, v23  }
0x294: {  	v33 =	vmul.f32 v37, v26;
	[tilespmem:s31+$0x6630] =	vst v28;
	v28 =	vmax.f32 v30, $0.0e+00;
	v30 =	vmul.f32 v38, v26;
	v37 =	vld [tilespmem:s31+$0x66F0]  }
0x295: {  	v32 =	vmul.f32 v32, v26;
	[tilespmem:s31+$0x6640] =	vst v27;
	v27 =	vmax.f32 v31, $0.0e+00;
	v31 =	vmul.f32 v36, v26;
	v36 =	vld [tilespmem:s31+$0x66E0]  }
0x296: {  	[tilespmem:s31+$0x6650] =	vst v29;
	v29 =	vadd.f32 v30, v16;
	v30 =	vadd.f32 v33, v17;
	v33 =	vmul.f32 v34, v26;
	v34 =	vld [tilespmem:s31+$0x6750]  }
0x297: {  	[tilespmem:s31+$0x6660] =	vst v28;
	v28 =	vadd.f32 v31, v18;
	v31 =	vadd.f32 v32, v19;
	v32 =	vmul.f32 v35, v26;
	v35 =	vld [tilespmem:s31+$0x6710]  }
0x298: {  	[tilespmem:s31+$0x6670] =	vst v27;
	v27 =	vmax.f32 v29, $0.0e+00;
	v29 =	vmax.f32 v30, $0.0e+00;
	v30 =	vadd.f32 v33, v20;
	v33 =	vld [tilespmem:s31+$0x6700]  }
0x299: {  	[tilespmem:s31+$0x6680] =	vst v27;
	v27 =	vmax.f32 v28, $0.0e+00;
	v28 =	vmax.f32 v31, $0.0e+00;
	v31 =	vadd.f32 v32, v21;
	v32 =	vld [tilespmem:s31+$0x6720]  }
0x29a: {  	[tilespmem:s31+$0x6690] =	vst v29;
	v29 =	vmax.f32 v30, $0.0e+00;
	v30 =	vmul.f32 v36, v26;
	v26 =	vmul.f32 v37, v26;
	v36 =	vld [tilespmem:s31+$0x6730]  }
0x29b: {  	[tilespmem:s31+$0x66A0] =	vst v27;
	v27 =	vmax.f32 v31, $0.0e+00;
	v31 =	vperm.xlane v25, v14;
	v37 =	vld [tilespmem:s31+$0x6740];
	v25 =	vperm.xlane v25, v15  }
0x29c: {  	[tilespmem:s31+$0x66B0] =	vst v28;
	v28 =	vadd.f32 v30, v22;
	v26 =	vadd.f32 v26, v23;
	v30 =	vld [tilespmem:s31+$0x67B0]  }
0x29d: {  	[tilespmem:s31+$0x66C0] =	vst v29;
	v29 =	vmul.f32 v33, v31;
	v33 =	vmul.f32 v35, v31;
	v35 =	vld [tilespmem:s31+$0x6770]  }
0x29e: {  	[tilespmem:s31+$0x66D0] =	vst v27;
	v27 =	vmax.f32 v28, $0.0e+00;
	v26 =	vmax.f32 v26, $0.0e+00;
	v28 =	vmul.f32 v32, v31;
	v32 =	vld [tilespmem:s31+$0x6760]  }
0x29f: {  	[tilespmem:s31+$0x66E0] =	vst v27;
	v27 =	vadd.f32 v29, v16;
	v29 =	vadd.f32 v33, v17;
	v33 =	vmul.f32 v36, v31;
	v36 =	vld [tilespmem:s31+$0x6780]  }
0x2a0: {  	v34 =	vmul.f32 v34, v31;
	[tilespmem:s31+$0x66F0] =	vst v26;
	v26 =	vadd.f32 v28, v18;
	v28 =	vmul.f32 v37, v31;
	v37 =	vld [tilespmem:s31+$0x6790]  }
0x2a1: {  	v27 =	vmax.f32 v27, $0.0e+00;
	v29 =	vmax.f32 v29, $0.0e+00;
	v33 =	vadd.f32 v33, v19;
	v38 =	vld [tilespmem:s31+$0x67A0]  }
0x2a2: {  	[tilespmem:s31+$0x6700] =	vst v27;
	v26 =	vmax.f32 v26, $0.0e+00;
	v27 =	vadd.f32 v28, v20;
	v28 =	vadd.f32 v34, v21  }
0x2a3: {  	[tilespmem:s31+$0x6710] =	vst v29;
	v29 =	vmax.f32 v33, $0.0e+00;
	v32 =	vmul.f32 v32, v31;
	v31 =	vmul.f32 v35, v31;
	v33 =	vld [tilespmem:s31+$0x67D0]  }
0x2a4: {  	[tilespmem:s31+$0x6720] =	vst v26;
	v26 =	vmax.f32 v27, $0.0e+00;
	v27 =	vmax.f32 v28, $0.0e+00;
	v28 =	vmul.f32 v36, v25;
	v34 =	vld [tilespmem:s31+$0x67C0]  }
0x2a5: {  	[tilespmem:s31+$0x6730] =	vst v29;
	v29 =	vadd.f32 v32, v22;
	v31 =	vadd.f32 v31, v23;
	v32 =	vmul.f32 v37, v25;
	v35 =	vld [tilespmem:s31+$0x67E0]  }
0x2a6: {  	v30 =	vmul.f32 v30, v25;
	[tilespmem:s31+$0x6740] =	vst v26;
	v26 =	vadd.f32 v28, v16;
	v28 =	vmul.f32 v38, v25;
	v36 =	vld [tilespmem:s31+$0x67F0]  }
0x2a7: {  	[tilespmem:s31+$0x6750] =	vst v27;
	v27 =	vmax.f32 v29, $0.0e+00;
	v29 =	vmax.f32 v31, $0.0e+00;
	v31 =	vadd.f32 v32, v17  }
0x2a8: {  	[tilespmem:s31+$0x6760] =	vst v27;
	v26 =	vmax.f32 v26, $0.0e+00;
	v27 =	vadd.f32 v28, v18;
	v28 =	vadd.f32 v30, v19  }
0x2a9: {  	[tilespmem:s31+$0x6770] =	vst v29;
	v29 =	vmax.f32 v31, $0.0e+00;
	v30 =	vmul.f32 v34, v25;
	v31 =	vmul.f32 v33, v25  }
0x2aa: {  	[tilespmem:s31+$0x6780] =	vst v26;
	v26 =	vmax.f32 v27, $0.0e+00;
	v27 =	vmax.f32 v28, $0.0e+00;
	v28 =	vmul.f32 v35, v25  }
0x2ab: {  	[tilespmem:s31+$0x6790] =	vst v29;
	v29 =	vadd.f32 v30, v20;
	v30 =	vadd.f32 v31, v21;
	v25 =	vmul.f32 v36, v25  }
.Ltmp11:
0x2ac: {  	[tilespmem:s31+$0x67A0] =	vst v26;
	v26 =	vadd.f32 v28, v22;
	(pc) =	sbr.rel @p0 .LBB2_20-.Ltmp11, $4  }
0x2ad: {  	[tilespmem:s31+$0x67B0] =	vst v27;
	v27 =	vmax.f32 v29, $0.0e+00;
	v28 =	vmax.f32 v30, $0.0e+00;
	v25 =	vadd.f32 v25, v23  }
0x2ae: {  	[tilespmem:s31+$0x67C0] =	vst v27;
	v26 =	vmax.f32 v26, $0.0e+00  }
0x2af: {  	[tilespmem:s31+$0x67D0] =	vst v28;
	v25 =	vmax.f32 v25, $0.0e+00  }
0x2b0: {  	s11 =	sadd.s32 $0x1, s11;
	s13 =	sshll.u32 s10, $0x4;
	[tilespmem:s31+$0x67E0] =	vst v26  }
0x2b1: {  	_ =	sdelay $0x2  }
0x2b2: {  	s11 =	sand.u32 $0x3FFFFFF0, s13;
	s10 =	sshll.u32 s10, $0xB;
	[tilespmem:s31+$0x67F0] =	vst v25  }
0x2b3: {  	v24 =	vld.idx.msk [tilespmem:v24+s11+$0x0 ss:$0x1], $0xffff;
	s10 =	sand.u32 $0x3FFFF800, s10  }
0x2b4: {  	v25 =	vld [tilespmem:s10+$0x6030]  }
0x2b5: {  	v26 =	vld [tilespmem:s10+$0x6010]  }
0x2b6: {  	v27 =	vld [tilespmem:s10+$0x6000]  }
0x2b7: {  	v28 =	vld [tilespmem:s10+$0x6020]  }
0x2b8: {  	v29 =	vld [tilespmem:s10+$0x6040]  }
0x2b9: {  	v31 =	vld [tilespmem:s10+$0x6050]  }
0x2ba: {  	v33 =	vld [tilespmem:s10+$0x6090]  }
0x2bb: {  	v35 =	vld [tilespmem:s10+$0x6070]  }
0x2bc: {  	v37 =	vld [tilespmem:s10+$0x6060]  }
0x2bd: {  	v38 =	vld [tilespmem:s10+$0x6080]  }
0x2be: {  	v39 =	vld [tilespmem:s10+$0x60A0];
	v30 =	vperm.xlane v24, v0  }
0x2bf: {  	v40 =	vld [tilespmem:s10+$0x60B0];
	v32 =	vperm.xlane v24, v1  }
0x2c0: {  	v41 =	vld [tilespmem:s10+$0x60F0];
	v34 =	vperm.xlane v24, v2;
	v27 =	vmul.f32 v27, v30  }
0x2c1: {  	v58 =	vld [tilespmem:s10+$0x60D0];
	v26 =	vmul.f32 v26, v30;
	v28 =	vmul.f32 v28, v30  }
0x2c2: {  	v42 =	vld [tilespmem:s10+$0x60C0];
	v36 =	vmul.f32 v25, v30;
	v25 =	vperm.xlane v24, v3  }
0x2c3: {  	v61 =	vld [tilespmem:s10+$0x60E0];
	v29 =	vmul.f32 v29, v30;
	v31 =	vmul.f32 v31, v30  }
0x2c4: {  	v63 =	vld [tilespmem:s10+$0x6100];
	v37 =	vmul.f32 v37, v30;
	v30 =	vmul.f32 v35, v30  }
0x2c5: {  	v45 =	vld [tilespmem:s10+$0x6110];
	v38 =	vmul.f32 v38, v32;
	v33 =	vmul.f32 v33, v32  }
0x2c6: {  	v49 =	vld [tilespmem:s10+$0x6130];
	v62 =	vmul.f32 v39, v32;
	v44 =	vmul.f32 v40, v32  }
0x2c7: {  	v53 =	vld [tilespmem:s10+$0x6140];
	v48 =	vmul.f32 v42, v32;
	v35 =	vmul.f32 v58, v32;
	v27 =	vadd.f32 v27, v16  }
0x2c8: {  	v47 =	vld [tilespmem:s10+$0x6150];
	v50 =	vmul.f32 v61, v32;
	v32 =	vmul.f32 v41, v32;
	v26 =	vadd.f32 v26, v17  }
0x2c9: {  	v57 =	vld [tilespmem:s10+$0x6170];
	v54 =	vmul.f32 v63, v34;
	v28 =	vadd.f32 v28, v18;
	v27 =	vmax.f32 v27, $0.0e+00  }
0x2ca: {  	v56 =	vmul.f32 v45, v34;
	v36 =	vadd.f32 v36, v19;
	v26 =	vmax.f32 v26, $0.0e+00;
	[tilespmem:s10+$0x6000] =	vst v27  }
0x2cb: {  	v61 =	vmul.f32 v49, v34;
	v29 =	vadd.f32 v29, v20;
	v28 =	vmax.f32 v28, $0.0e+00;
	[tilespmem:s10+$0x6010] =	vst v26  }
0x2cc: {  	v42 =	vmul.f32 v53, v34;
	v31 =	vadd.f32 v31, v21;
	v36 =	vmax.f32 v36, $0.0e+00;
	[tilespmem:s10+$0x6020] =	vst v28  }
0x2cd: {  	v43 =	vmul.f32 v47, v34;
	v60 =	vadd.f32 v37, v22;
	v29 =	vmax.f32 v29, $0.0e+00;
	[tilespmem:s10+$0x6030] =	vst v36  }
0x2ce: {  	v51 =	vld [tilespmem:s10+$0x6120];
	v49 =	vmul.f32 v57, v34;
	v30 =	vadd.f32 v30, v23;
	v59 =	vmax.f32 v31, $0.0e+00;
	[tilespmem:s10+$0x6040] =	vst v29  }
0x2cf: {  	v40 =	vperm.xlane v24, v5;
	v38 =	vadd.f32 v38, v16;
	v31 =	vmax.f32 v60, $0.0e+00;
	[tilespmem:s10+$0x6050] =	vst v59  }
0x2d0: {  	v55 =	vld [tilespmem:s10+$0x6160];
	v33 =	vadd.f32 v33, v17;
	v32 =	vadd.f32 v32, v23;
	v30 =	vmax.f32 v30, $0.0e+00;
	[tilespmem:s10+$0x6060] =	vst v31  }
0x2d1: {  	v58 =	vld [tilespmem:s10+$0x61B0];
	v41 =	vperm.xlane v24, v6;
	v52 =	vadd.f32 v35, v21;
	v46 =	vmax.f32 v38, $0.0e+00;
	[tilespmem:s10+$0x6070] =	vst v30  }
0x2d2: {  	v47 =	vld [tilespmem:s10+$0x61A0];
	v35 =	vadd.f32 v43, v21;
	v33 =	vmax.f32 v33, $0.0e+00;
	v32 =	vmax.f32 v32, $0.0e+00;
	[tilespmem:s10+$0x6080] =	vst v46  }
0x2d3: {  	v60 =	vmul.f32 v51, v34;
	v26 =	vadd.f32 v62, v18;
	v28 =	vadd.f32 v44, v19;
	[tilespmem:s10+$0x6090] =	vst v33  }
0x2d4: {  	v35 =	vmax.f32 v35, $0.0e+00;
	v29 =	vadd.f32 v48, v20;
	v27 =	vadd.f32 v50, v22;
	[tilespmem:s10+$0x60F0] =	vst v32  }
0x2d5: {  	v57 =	vld [tilespmem:s10+$0x61E0];
	v31 =	vmax.f32 v52, $0.0e+00;
	v30 =	vadd.f32 v54, v16;
	v59 =	vadd.f32 v56, v17;
	[tilespmem:s10+$0x6150] =	vst v35  }
0x2d6: {  	v51 =	vld [tilespmem:s10+$0x61D0];
	v46 =	vadd.f32 v61, v19;
	v48 =	vmul.f32 v55, v34;
	[tilespmem:s10+$0x60D0] =	vst v31;
	v26 =	vmax.f32 v26, $0.0e+00  }
0x2d7: {  	v38 =	vld [tilespmem:s10+$0x6250];
	v56 =	vmul.f32 v47, v25;
	v33 =	vmul.f32 v58, v25;
	v28 =	vmax.f32 v28, $0.0e+00;
	[tilespmem:s10+$0x60A0] =	vst v26  }
0x2d8: {  	v62 =	vld [tilespmem:s10+$0x6190];
	v47 =	vperm.xlane v24, v4;
	v45 =	vadd.f32 v60, v18;
	v29 =	vmax.f32 v29, $0.0e+00;
	[tilespmem:s10+$0x60B0] =	vst v28  }
0x2d9: {  	v44 =	vld [tilespmem:s10+$0x6180];
	v27 =	vmax.f32 v27, $0.0e+00;
	v63 =	vmax.f32 v30, $0.0e+00;
	v30 =	vadd.f32 v42, v20;
	[tilespmem:s10+$0x60C0] =	vst v29  }
0x2da: {  	v50 =	vld [tilespmem:s10+$0x61C0];
	v36 =	vmax.f32 v46, $0.0e+00;
	v31 =	vadd.f32 v48, v22;
	v33 =	vadd.f32 v33, v19;
	[tilespmem:s10+$0x60E0] =	vst v27  }
0x2db: {  	v54 =	vld [tilespmem:s10+$0x61F0];
	v26 =	vmax.f32 v59, $0.0e+00;
	v29 =	vmax.f32 v45, $0.0e+00;
	[tilespmem:s10+$0x6100] =	vst v63;
	v27 =	vadd.f32 v49, v23  }
0x2dc: {  	v61 =	vld [tilespmem:s10+$0x6200];
	[tilespmem:s10+$0x6130] =	vst v36;
	v30 =	vmax.f32 v30, $0.0e+00;
	v55 =	vmax.f32 v31, $0.0e+00;
	v31 =	vadd.f32 v56, v18  }
0x2dd: {  	v59 =	vld [tilespmem:s10+$0x6210];
	[tilespmem:s10+$0x6110] =	vst v26;
	v60 =	vmul.f32 v51, v25;
	v33 =	vmax.f32 v33, $0.0e+00;
	v38 =	vmul.f32 v38, v47  }
0x2de: {  	v45 =	vld [tilespmem:s10+$0x6230];
	[tilespmem:s10+$0x6120] =	vst v29;
	v52 =	vmul.f32 v44, v25;
	v53 =	vmul.f32 v62, v25;
	v27 =	vmax.f32 v27, $0.0e+00  }
0x2df: {  	v48 =	vld [tilespmem:s10+$0x6240];
	v34 =	vmul.f32 v50, v25;
	[tilespmem:s10+$0x6140] =	vst v30;
	v44 =	vmul.f32 v57, v25;
	v63 =	vadd.f32 v60, v21  }
0x2e0: {  	v56 =	vld [tilespmem:s10+$0x6280];
	[tilespmem:s10+$0x6160] =	vst v55;
	v25 =	vmul.f32 v54, v25;
	v43 =	vadd.f32 v38, v21;
	v28 =	vadd.f32 v52, v16  }
0x2e1: {  	v62 =	vld [tilespmem:s10+$0x6220];
	v50 =	vmul.f32 v61, v47;
	[tilespmem:s10+$0x61B0] =	vst v33;
	v58 =	vadd.f32 v53, v17;
	v34 =	vadd.f32 v34, v20  }
0x2e2: {  	v54 =	vld [tilespmem:s10+$0x6260];
	v31 =	vmax.f32 v31, $0.0e+00;
	[tilespmem:s10+$0x6170] =	vst v27;
	v49 =	vadd.f32 v44, v22;
	v25 =	vadd.f32 v25, v23  }
0x2e3: {  	v30 =	vld [tilespmem:s10+$0x62B0];
	[tilespmem:s10+$0x61A0] =	vst v31;
	v26 =	vmax.f32 v63, $0.0e+00;
	v51 =	vmul.f32 v59, v47;
	v55 =	vmul.f32 v45, v47  }
0x2e4: {  	v38 =	vld [tilespmem:s10+$0x6310];
	v28 =	vmax.f32 v28, $0.0e+00;
	v29 =	vmax.f32 v58, $0.0e+00;
	v46 =	vmax.f32 v34, $0.0e+00;
	[tilespmem:s10+$0x61D0] =	vst v26  }
0x2e5: {  	v52 =	vld [tilespmem:s10+$0x6270];
	v25 =	vmax.f32 v25, $0.0e+00;
	v58 =	vmul.f32 v48, v47;
	v48 =	vmax.f32 v43, $0.0e+00;
	[tilespmem:s10+$0x6180] =	vst v28  }
0x2e6: {  	v31 =	vld [tilespmem:s10+$0x6370];
	[tilespmem:s10+$0x6190] =	vst v29;
	v28 =	vmax.f32 v49, $0.0e+00;
	v53 =	vmul.f32 v62, v47;
	v29 =	vadd.f32 v50, v16  }
0x2e7: {  	v59 =	vld [tilespmem:s10+$0x6290];
	v32 =	vadd.f32 v51, v17;
	[tilespmem:s10+$0x61C0] =	vst v46;
	v62 =	vadd.f32 v55, v19;
	v45 =	vmul.f32 v54, v47  }
0x2e8: {  	v63 =	vld [tilespmem:s10+$0x62A0];
	[tilespmem:s10+$0x61F0] =	vst v25;
	v49 =	vmul.f32 v56, v40;
	v30 =	vmul.f32 v30, v40;
	v42 =	vadd.f32 v58, v20  }
0x2e9: {  	v46 =	vld [tilespmem:s10+$0x62D0];
	[tilespmem:s10+$0x6250] =	vst v48;
	v57 =	vadd.f32 v53, v18;
	v60 =	vmax.f32 v29, $0.0e+00;
	v61 =	vmax.f32 v32, $0.0e+00  }
0x2ea: {  	v50 =	vld [tilespmem:s10+$0x62C0];
	[tilespmem:s10+$0x61E0] =	vst v28;
	v44 =	vmax.f32 v62, $0.0e+00;
	v34 =	vmul.f32 v52, v47;
	v51 =	vadd.f32 v45, v22  }
0x2eb: {  	v54 =	vld [tilespmem:s10+$0x62E0];
	v55 =	vadd.f32 v49, v16;
	v30 =	vadd.f32 v30, v19;
	v31 =	vmul.f32 v31, v41;
	[tilespmem:s10+$0x6200] =	vst v60  }
0x2ec: {  	v48 =	vld [tilespmem:s10+$0x6320];
	v32 =	vperm.xlane v24, v8;
	v47 =	vmax.f32 v42, $0.0e+00;
	[tilespmem:s10+$0x6210] =	vst v61;
	v53 =	vmul.f32 v59, v40  }
0x2ed: {  	v56 =	vmul.f32 v63, v40;
	[tilespmem:s10+$0x6230] =	vst v44;
	v61 =	vld [tilespmem:s10+$0x6300];
	v27 =	vmax.f32 v57, $0.0e+00;
	v52 =	vadd.f32 v34, v23  }
0x2ee: {  	v44 =	vld [tilespmem:s10+$0x6330];
	v58 =	vmax.f32 v51, $0.0e+00;
	[tilespmem:s10+$0x6240] =	vst v47;
	v62 =	vmax.f32 v55, $0.0e+00;
	v34 =	vperm.xlane v24, v11  }
0x2ef: {  	v57 =	vld [tilespmem:s10+$0x62F0];
	[tilespmem:s10+$0x6220] =	vst v27;
	v60 =	vadd.f32 v53, v17;
	v63 =	vadd.f32 v56, v18;
	v43 =	vmul.f32 v50, v40  }
0x2f0: {  	v51 =	vld [tilespmem:s10+$0x6340];
	v35 =	vmul.f32 v46, v40;
	[tilespmem:s10+$0x6260] =	vst v58;
	v46 =	vmax.f32 v30, $0.0e+00;
	v47 =	vmul.f32 v54, v40  }
0x2f1: {  	v55 =	vld [tilespmem:s10+$0x6350];
	[tilespmem:s10+$0x6280] =	vst v62;
	v54 =	vmul.f32 v38, v41;
	v59 =	vmax.f32 v52, $0.0e+00;
	v42 =	vmax.f32 v60, $0.0e+00  }
0x2f2: {  	[tilespmem:s10+$0x62B0] =	vst v46;
	v45 =	vmax.f32 v63, $0.0e+00;
	v49 =	vadd.f32 v43, v20;
	v50 =	vadd.f32 v35, v21  }
0x2f3: {  	v46 =	vld [tilespmem:s10+$0x6390];
	[tilespmem:s10+$0x6270] =	vst v59;
	v52 =	vadd.f32 v47, v22;
	v62 =	vadd.f32 v54, v17;
	v53 =	vmul.f32 v61, v41  }
0x2f4: {  	v59 =	vld [tilespmem:s10+$0x6360];
	[tilespmem:s10+$0x6290] =	vst v42;
	v42 =	vmul.f32 v44, v41;
	v33 =	vmul.f32 v57, v40;
	v56 =	vmax.f32 v49, $0.0e+00  }
0x2f5: {  	v43 =	vld [tilespmem:s10+$0x63B0];
	[tilespmem:s10+$0x62A0] =	vst v45;
	v57 =	vmax.f32 v50, $0.0e+00;
	v40 =	vmul.f32 v48, v41;
	v45 =	vmul.f32 v51, v41  }
0x2f6: {  	v49 =	vmul.f32 v55, v41;
	v50 =	vld [tilespmem:s10+$0x6380];
	v61 =	vadd.f32 v53, v16;
	[tilespmem:s10+$0x62C0] =	vst v56;
	v48 =	vadd.f32 v42, v19  }
0x2f7: {  	v60 =	vmax.f32 v52, $0.0e+00;
	[tilespmem:s10+$0x62D0] =	vst v57;
	v53 =	vld [tilespmem:s10+$0x63A0];
	v58 =	vadd.f32 v33, v23;
	v47 =	vadd.f32 v40, v18  }
0x2f8: {  	v44 =	vmax.f32 v62, $0.0e+00;
	[tilespmem:s10+$0x62E0] =	vst v60;
	v57 =	vld [tilespmem:s10+$0x63C0];
	v51 =	vadd.f32 v45, v20;
	v56 =	vadd.f32 v49, v21  }
0x2f9: {  	v60 =	vld [tilespmem:s10+$0x63D0];
	[tilespmem:s10+$0x6310] =	vst v44;
	v26 =	vmax.f32 v61, $0.0e+00;
	v52 =	vmul.f32 v59, v41;
	v59 =	vperm.xlane v24, v7  }
0x2fa: {  	v45 =	vld [tilespmem:s10+$0x63F0];
	v55 =	vmax.f32 v48, $0.0e+00;
	v61 =	vadd.f32 v31, v23;
	v63 =	vmax.f32 v58, $0.0e+00;
	[tilespmem:s10+$0x6300] =	vst v26  }
0x2fb: {  	v49 =	vld [tilespmem:s10+$0x6400];
	v54 =	vmax.f32 v47, $0.0e+00;
	v25 =	vmax.f32 v51, $0.0e+00;
	[tilespmem:s10+$0x6330] =	vst v55;
	v44 =	vmul.f32 v50, v59  }
0x2fc: {  	v48 =	vld [tilespmem:s10+$0x63E0];
	v62 =	vmax.f32 v56, $0.0e+00;
	[tilespmem:s10+$0x62F0] =	vst v63;
	v35 =	vmul.f32 v46, v59;
	v47 =	vmul.f32 v43, v59  }
0x2fd: {  	v51 =	vld [tilespmem:s10+$0x6420];
	v58 =	vadd.f32 v52, v22;
	[tilespmem:s10+$0x6340] =	vst v25;
	v25 =	vperm.xlane v24, v9;
	v46 =	vmul.f32 v53, v59  }
0x2fe: {  	v56 =	vld [tilespmem:s10+$0x6470];
	[tilespmem:s10+$0x6320] =	vst v54;
	v28 =	vmax.f32 v61, $0.0e+00;
	v50 =	vmul.f32 v57, v59;
	v52 =	vmul.f32 v60, v59  }
0x2ff: {  	v63 =	vld [tilespmem:s10+$0x6410];
	[tilespmem:s10+$0x6350] =	vst v62;
	v26 =	vmax.f32 v58, $0.0e+00;
	v27 =	vadd.f32 v44, v16;
	v35 =	vadd.f32 v35, v17  }
0x300: {  	v61 =	vld [tilespmem:s10+$0x6440];
	[tilespmem:s10+$0x6370] =	vst v28;
	v33 =	vadd.f32 v47, v19;
	v30 =	vmul.f32 v45, v59;
	v29 =	vadd.f32 v46, v18  }
0x301: {  	v53 =	vld [tilespmem:s10+$0x6430];
	[tilespmem:s10+$0x6360] =	vst v26;
	v54 =	vadd.f32 v50, v20;
	v26 =	vadd.f32 v52, v21;
	v27 =	vmax.f32 v27, $0.0e+00  }
0x302: {  	v57 =	vmul.f32 v48, v59;
	v59 =	vmul.f32 v49, v32;
	v35 =	vmax.f32 v35, $0.0e+00;
	[tilespmem:s10+$0x6380] =	vst v27  }
0x303: {  	v58 =	vld [tilespmem:s10+$0x6450];
	v55 =	vmax.f32 v33, $0.0e+00;
	v62 =	vadd.f32 v30, v23;
	v41 =	vmul.f32 v51, v32;
	[tilespmem:s10+$0x6390] =	vst v35  }
0x304: {  	v44 =	vld [tilespmem:s10+$0x6480];
	v29 =	vmax.f32 v29, $0.0e+00;
	v28 =	vmax.f32 v54, $0.0e+00;
	v60 =	vmul.f32 v63, v32;
	[tilespmem:s10+$0x63B0] =	vst v55  }
0x305: {  	v46 =	vld [tilespmem:s10+$0x6490];
	v26 =	vmax.f32 v26, $0.0e+00;
	v27 =	vadd.f32 v57, v22;
	v52 =	vmul.f32 v61, v32;
	[tilespmem:s10+$0x63A0] =	vst v29  }
0x306: {  	v50 =	vld [tilespmem:s10+$0x64D0];
	v42 =	vadd.f32 v59, v16;
	v55 =	vmul.f32 v56, v32;
	[tilespmem:s10+$0x63C0] =	vst v28;
	v45 =	vmul.f32 v53, v32  }
0x307: {  	v63 =	vld [tilespmem:s10+$0x6460];
	v29 =	vmax.f32 v62, $0.0e+00;
	[tilespmem:s10+$0x63D0] =	vst v26;
	v47 =	vadd.f32 v41, v18;
	v43 =	vadd.f32 v60, v17  }
0x308: {  	v56 =	vld [tilespmem:s10+$0x64A0];
	v27 =	vmax.f32 v27, $0.0e+00;
	v48 =	vmax.f32 v42, $0.0e+00;
	v36 =	vmul.f32 v58, v32;
	[tilespmem:s10+$0x63F0] =	vst v29  }
0x309: {  	v61 =	vld [tilespmem:s10+$0x64E0];
	v28 =	vadd.f32 v52, v20;
	v59 =	vmul.f32 v44, v25;
	v30 =	vadd.f32 v55, v23;
	[tilespmem:s10+$0x63E0] =	vst v27  }
0x30a: {  	v53 =	vld [tilespmem:s10+$0x64B0];
	v55 =	vperm.xlane v24, v10;
	v51 =	vadd.f32 v45, v19;
	v26 =	vmax.f32 v47, $0.0e+00;
	[tilespmem:s10+$0x6400] =	vst v48  }
0x30b: {  	v58 =	vld [tilespmem:s10+$0x64C0];
	v60 =	vmul.f32 v46, v25;
	v49 =	vmax.f32 v43, $0.0e+00;
	v57 =	vadd.f32 v36, v21;
	[tilespmem:s10+$0x6420] =	vst v26  }
0x30c: {  	v44 =	vld [tilespmem:s10+$0x6510];
	v28 =	vmax.f32 v28, $0.0e+00;
	v62 =	vadd.f32 v59, v16;
	v30 =	vmax.f32 v30, $0.0e+00;
	[tilespmem:s10+$0x6410] =	vst v49  }
0x30d: {  	v46 =	vld [tilespmem:s10+$0x6500];
	v43 =	vmul.f32 v50, v25;
	v54 =	vmul.f32 v63, v32;
	v27 =	vmax.f32 v51, $0.0e+00;
	[tilespmem:s10+$0x6440] =	vst v28  }
0x30e: {  	v48 =	vld [tilespmem:s10+$0x6520];
	v26 =	vadd.f32 v60, v17;
	v40 =	vmul.f32 v56, v25;
	[tilespmem:s10+$0x6470] =	vst v30;
	v47 =	vmul.f32 v61, v25  }
0x30f: {  	v63 =	vld [tilespmem:s10+$0x64F0];
	v31 =	vmax.f32 v57, $0.0e+00;
	[tilespmem:s10+$0x6430] =	vst v27;
	v41 =	vmul.f32 v53, v25;
	v27 =	vmax.f32 v62, $0.0e+00  }
0x310: {  	v49 =	vld [tilespmem:s10+$0x6530];
	v33 =	vadd.f32 v43, v21;
	v29 =	vadd.f32 v54, v22;
	[tilespmem:s10+$0x6450] =	vst v31;
	v42 =	vmul.f32 v58, v25  }
0x311: {  	v60 =	vld [tilespmem:s10+$0x6560];
	v26 =	vmax.f32 v26, $0.0e+00;
	v28 =	vadd.f32 v40, v18;
	[tilespmem:s10+$0x6480] =	vst v27;
	v52 =	vadd.f32 v47, v22  }
0x312: {  	v57 =	vld [tilespmem:s10+$0x6550];
	v35 =	vmul.f32 v44, v55;
	v45 =	vadd.f32 v41, v19;
	[tilespmem:s10+$0x6490] =	vst v26;
	v56 =	vmax.f32 v33, $0.0e+00  }
0x313: {  	v62 =	vld [tilespmem:s10+$0x6580];
	v32 =	vmul.f32 v46, v55;
	v36 =	vmul.f32 v48, v55;
	v29 =	vmax.f32 v29, $0.0e+00;
	[tilespmem:s10+$0x64D0] =	vst v56  }
0x314: {  	v54 =	vld [tilespmem:s10+$0x6540];
	v31 =	vadd.f32 v42, v20;
	v50 =	vmax.f32 v28, $0.0e+00;
	v26 =	vmax.f32 v52, $0.0e+00;
	[tilespmem:s10+$0x6460] =	vst v29  }
0x315: {  	v58 =	vld [tilespmem:s10+$0x6570];
	v28 =	vperm.xlane v24, v12;
	v43 =	vadd.f32 v35, v17;
	v25 =	vmul.f32 v63, v25;
	[tilespmem:s10+$0x64A0] =	vst v50  }
0x316: {  	v47 =	vld [tilespmem:s10+$0x65B0];
	v51 =	vmax.f32 v45, $0.0e+00;
	v61 =	vmul.f32 v49, v55;
	v32 =	vadd.f32 v32, v16;
	[tilespmem:s10+$0x64E0] =	vst v26  }
0x317: {  	v46 =	vld [tilespmem:s10+$0x65A0];
	v44 =	vadd.f32 v36, v18;
	v49 =	vmul.f32 v60, v55;
	v53 =	vmax.f32 v31, $0.0e+00;
	[tilespmem:s10+$0x64B0] =	vst v51  }
0x318: {  	v45 =	vmul.f32 v57, v55;
	v26 =	vmax.f32 v43, $0.0e+00;
	v51 =	vmul.f32 v62, v34;
	[tilespmem:s10+$0x64C0] =	vst v53  }
0x319: {  	v52 =	vld [tilespmem:s10+$0x65C0];
	v25 =	vadd.f32 v25, v23;
	v30 =	vmul.f32 v54, v55;
	v32 =	vmax.f32 v32, $0.0e+00;
	[tilespmem:s10+$0x6510] =	vst v26  }
0x31a: {  	v42 =	vld [tilespmem:s10+$0x6630];
	v27 =	vadd.f32 v61, v19;
	v48 =	vmax.f32 v44, $0.0e+00;
	v31 =	vmul.f32 v58, v55;
	[tilespmem:s10+$0x6500] =	vst v32  }
0x31b: {  	v63 =	vld [tilespmem:s10+$0x6590];
	v26 =	vadd.f32 v49, v22;
	v36 =	vmul.f32 v47, v34;
	[tilespmem:s10+$0x6520] =	vst v48;
	v59 =	vmax.f32 v25, $0.0e+00  }
0x31c: {  	v50 =	vld [tilespmem:s10+$0x65D0];
	v29 =	vadd.f32 v45, v21;
	v33 =	vmul.f32 v46, v34;
	v27 =	vmax.f32 v27, $0.0e+00;
	[tilespmem:s10+$0x64F0] =	vst v59  }
0x31d: {  	v54 =	vld [tilespmem:s10+$0x65E0];
	v56 =	vadd.f32 v51, v16;
	v25 =	vperm.xlane v24, v13;
	v26 =	vmax.f32 v26, $0.0e+00;
	[tilespmem:s10+$0x6530] =	vst v27  }
0x31e: {  	v55 =	vld [tilespmem:s10+$0x65F0];
	v30 =	vadd.f32 v30, v20;
	v31 =	vadd.f32 v31, v23;
	v29 =	vmax.f32 v29, $0.0e+00;
	[tilespmem:s10+$0x6560] =	vst v26  }
0x31f: {  	v58 =	vld [tilespmem:s10+$0x6600];
	v40 =	vadd.f32 v36, v19;
	v41 =	vmul.f32 v52, v34;
	v62 =	vmax.f32 v56, $0.0e+00;
	[tilespmem:s10+$0x6550] =	vst v29  }
0x320: {  	v61 =	vld [tilespmem:s10+$0x6610];
	v53 =	vmul.f32 v63, v34;
	v60 =	vadd.f32 v33, v18;
	v30 =	vmax.f32 v30, $0.0e+00;
	[tilespmem:s10+$0x6580] =	vst v62  }
0x321: {  	v44 =	vld [tilespmem:s10+$0x6620];
	v35 =	vmul.f32 v50, v34;
	v56 =	vmul.f32 v42, v28;
	v59 =	vmax.f32 v31, $0.0e+00;
	[tilespmem:s10+$0x6540] =	vst v30  }
0x322: {  	v46 =	vld [tilespmem:s10+$0x6650];
	v32 =	vmax.f32 v40, $0.0e+00;
	v29 =	vadd.f32 v41, v20;
	v57 =	vadd.f32 v53, v17;
	[tilespmem:s10+$0x6570] =	vst v59  }
0x323: {  	v45 =	vld [tilespmem:s10+$0x6640];
	v31 =	vmax.f32 v60, $0.0e+00;
	v43 =	vmul.f32 v54, v34;
	v34 =	vmul.f32 v55, v34;
	[tilespmem:s10+$0x65B0] =	vst v32  }
0x324: {  	v48 =	vld [tilespmem:s10+$0x6660];
	v35 =	vadd.f32 v35, v21;
	v38 =	vmul.f32 v58, v28;
	[tilespmem:s10+$0x65A0] =	vst v31;
	v29 =	vmax.f32 v29, $0.0e+00  }
0x325: {  	v51 =	vld [tilespmem:s10+$0x6670];
	v33 =	vmul.f32 v61, v28;
	v63 =	vmax.f32 v57, $0.0e+00;
	v26 =	vadd.f32 v43, v22;
	[tilespmem:s10+$0x65C0] =	vst v29  }
0x326: {  	v39 =	vld [tilespmem:s10+$0x66D0];
	v27 =	vmul.f32 v44, v28;
	v47 =	vadd.f32 v34, v23;
	v49 =	vmax.f32 v35, $0.0e+00;
	[tilespmem:s10+$0x6590] =	vst v63  }
0x327: {  	v54 =	vld [tilespmem:s10+$0x6690];
	v59 =	vmul.f32 v46, v28;
	v50 =	vadd.f32 v38, v16;
	[tilespmem:s10+$0x65D0] =	vst v49;
	v26 =	vmax.f32 v26, $0.0e+00  }
0x328: {  	v58 =	vld [tilespmem:s10+$0x6680];
	v53 =	vadd.f32 v33, v17;
	v57 =	vmul.f32 v45, v28;
	v52 =	vmax.f32 v47, $0.0e+00;
	[tilespmem:s10+$0x65E0] =	vst v26  }
0x329: {  	v60 =	vld [tilespmem:s10+$0x66A0];
	v27 =	vadd.f32 v27, v18;
	v35 =	vadd.f32 v56, v19;
	v55 =	vmax.f32 v50, $0.0e+00;
	[tilespmem:s10+$0x65F0] =	vst v52  }
0x32a: {  	v61 =	vld [tilespmem:s10+$0x66B0];
	v34 =	vmul.f32 v48, v28;
	v28 =	vmul.f32 v51, v28;
	v31 =	vmax.f32 v53, $0.0e+00;
	[tilespmem:s10+$0x6600] =	vst v55  }
0x32b: {  	v62 =	vadd.f32 v59, v21;
	v27 =	vmax.f32 v27, $0.0e+00;
	v38 =	vmax.f32 v35, $0.0e+00;
	[tilespmem:s10+$0x6610] =	vst v31  }
0x32c: {  	v34 =	vadd.f32 v34, v22;
	v28 =	vadd.f32 v28, v23;
	v35 =	vmul.f32 v39, v25;
	[tilespmem:s10+$0x6620] =	vst v27  }
0x32d: {  	v43 =	vld [tilespmem:s10+$0x66E0];
	v26 =	vadd.f32 v57, v20;
	v40 =	vmax.f32 v62, $0.0e+00;
	[tilespmem:s10+$0x6630] =	vst v38;
	v30 =	vmul.f32 v58, v25  }
0x32e: {  	v56 =	vld [tilespmem:s10+$0x6730];
	v32 =	vmul.f32 v54, v25;
	v42 =	vmul.f32 v60, v25;
	v41 =	vmax.f32 v34, $0.0e+00;
	[tilespmem:s10+$0x6650] =	vst v40  }
0x32f: {  	v63 =	vld [tilespmem:s10+$0x66C0];
	v45 =	vmul.f32 v61, v25;
	v28 =	vmax.f32 v28, $0.0e+00;
	v54 =	vadd.f32 v35, v21;
	[tilespmem:s10+$0x6660] =	vst v41  }
0x330: {  	v44 =	vld [tilespmem:s10+$0x66F0];
	v57 =	vperm.xlane v24, v14;
	v26 =	vmax.f32 v26, $0.0e+00;
	v46 =	vadd.f32 v30, v16;
	[tilespmem:s10+$0x6670] =	vst v28  }
0x331: {  	v49 =	vld [tilespmem:s10+$0x6700];
	v24 =	vperm.xlane v24, v15;
	v47 =	vadd.f32 v32, v17;
	[tilespmem:s10+$0x6640] =	vst v26;
	v32 =	vmax.f32 v54, $0.0e+00  }
0x332: {  	v59 =	vld [tilespmem:s10+$0x6750];
	v34 =	vadd.f32 v45, v19;
	v55 =	vmul.f32 v43, v25;
	v27 =	vmax.f32 v46, $0.0e+00;
	[tilespmem:s10+$0x66D0] =	vst v32  }
0x333: {  	v50 =	vld [tilespmem:s10+$0x6710];
	v29 =	vmul.f32 v56, v57;
	v26 =	vadd.f32 v42, v18;
	v51 =	vmax.f32 v47, $0.0e+00;
	[tilespmem:s10+$0x6680] =	vst v27  }
0x334: {  	v53 =	vld [tilespmem:s10+$0x6720];
	v48 =	vmul.f32 v63, v25;
	v34 =	vmax.f32 v34, $0.0e+00;
	v28 =	vadd.f32 v55, v22;
	[tilespmem:s10+$0x6690] =	vst v51  }
0x335: {  	v62 =	vld [tilespmem:s10+$0x6770];
	v25 =	vmul.f32 v44, v25;
	v29 =	vadd.f32 v29, v19;
	v26 =	vmax.f32 v26, $0.0e+00;
	[tilespmem:s10+$0x66B0] =	vst v34  }
0x336: {  	v58 =	vld [tilespmem:s10+$0x6740];
	v31 =	vmul.f32 v49, v57;
	v52 =	vadd.f32 v48, v20;
	[tilespmem:s10+$0x66A0] =	vst v26;
	v28 =	vmax.f32 v28, $0.0e+00  }
0x337: {  	v61 =	vld [tilespmem:s10+$0x6760];
	v40 =	vmul.f32 v59, v57;
	v25 =	vadd.f32 v25, v23;
	v29 =	vmax.f32 v29, $0.0e+00;
	[tilespmem:s10+$0x66E0] =	vst v28  }
0x338: {  	v39 =	vld [tilespmem:s10+$0x6790];
	v60 =	vmul.f32 v50, v57;
	v31 =	vadd.f32 v31, v16;
	v30 =	vmax.f32 v52, $0.0e+00;
	[tilespmem:s10+$0x6730] =	vst v29  }
0x339: {  	v41 =	vld [tilespmem:s10+$0x67A0];
	v27 =	vmul.f32 v53, v57;
	v32 =	vadd.f32 v40, v21;
	v25 =	vmax.f32 v25, $0.0e+00;
	[tilespmem:s10+$0x66C0] =	vst v30  }
0x33a: {  	v37 =	vld [tilespmem:s10+$0x6780];
	v44 =	vmul.f32 v62, v57;
	v63 =	vadd.f32 v60, v17;
	v31 =	vmax.f32 v31, $0.0e+00;
	[tilespmem:s10+$0x66F0] =	vst v25  }
0x33b: {  	v42 =	vld [tilespmem:s10+$0x67B0];
	v26 =	vmul.f32 v58, v57;
	v38 =	vadd.f32 v27, v18;
	v47 =	vmax.f32 v32, $0.0e+00;
	[tilespmem:s10+$0x6700] =	vst v31  }
0x33c: {  	v49 =	vld [tilespmem:s10+$0x67E0];
	v43 =	vmul.f32 v61, v57;
	v48 =	vadd.f32 v44, v23;
	v28 =	vmax.f32 v63, $0.0e+00;
	[tilespmem:s10+$0x6750] =	vst v47  }
0x33d: {  	v46 =	vld [tilespmem:s10+$0x67D0];
	v27 =	vmul.f32 v39, v24;
	v26 =	vadd.f32 v26, v20;
	v25 =	vmax.f32 v38, $0.0e+00;
	[tilespmem:s10+$0x6710] =	vst v28  }
0x33e: {  	v45 =	vld [tilespmem:s10+$0x67C0];
	v51 =	vmul.f32 v41, v24;
	v28 =	vadd.f32 v43, v22;
	v54 =	vmax.f32 v48, $0.0e+00;
	[tilespmem:s10+$0x6720] =	vst v25  }
0x33f: {  	v52 =	vld [tilespmem:s10+$0x67F0];
	v30 =	vmul.f32 v37, v24;
	v27 =	vadd.f32 v27, v17;
	v26 =	vmax.f32 v26, $0.0e+00;
	[tilespmem:s10+$0x6770] =	vst v54  }
0x340: {  	v53 =	vmul.f32 v42, v24;
	v55 =	vadd.f32 v51, v18;
	[tilespmem:s10+$0x6740] =	vst v26;
	v28 =	vmax.f32 v28, $0.0e+00  }
0x341: {  	v58 =	vmul.f32 v49, v24;
	v50 =	vadd.f32 v30, v16;
	v27 =	vmax.f32 v27, $0.0e+00;
	[tilespmem:s10+$0x6760] =	vst v28  }
0x342: {  	v56 =	vmul.f32 v46, v24;
	v29 =	vadd.f32 v53, v19;
	v57 =	vmax.f32 v55, $0.0e+00;
	[tilespmem:s10+$0x6790] =	vst v27  }
0x343: {  	v25 =	vmul.f32 v45, v24;
	v61 =	vadd.f32 v58, v22;
	v26 =	vmax.f32 v50, $0.0e+00;
	[tilespmem:s10+$0x67A0] =	vst v57  }
0x344: {  	v60 =	vadd.f32 v56, v21;
	v59 =	vmax.f32 v29, $0.0e+00;
	v24 =	vmul.f32 v52, v24;
	[tilespmem:s10+$0x6780] =	vst v26  }
0x345: {  	v25 =	vadd.f32 v25, v20;
	v63 =	vmax.f32 v61, $0.0e+00;
	[tilespmem:s10+$0x67B0] =	vst v59  }
0x346: {  	v62 =	vmax.f32 v60, $0.0e+00;
	[tilespmem:s10+$0x67E0] =	vst v63;
	v24 =	vadd.f32 v24, v23  }
0x347: {  	s4 =	sadd.s32 s14, s4;
	s1 =	sadd.s32 $0x1, s1;
	v25 =	vmax.f32 v25, $0.0e+00;
	[tilespmem:s10+$0x67D0] =	vst v62  }
0x348: {  	s4 =	sshrl.u32 s4, $0x3;
	p0 =	sne.s32 s1, $0xA;
	[tilespmem:s10+$0x67C0] =	vst v25;
	v24 =	vmax.f32 v24, $0.0e+00  }
.Ltmp12:
0x349: {  	s4 =	sadd.s32 s9, s4;
	[tilespmem:s10+$0x67F0] =	vst v24;
	(pc) =	sbr.rel @p0 .LBB2_19-.Ltmp12, $4  }
0x34a: {  	[hbm4b:s4+s7] =	stream.linear.scatter [tilespmem:s28], [sflag:$0x3], $0x2000, $0x38;
	[tilespmem:$0x1E000] =	vst v63  }
0x34b: {  	_ =	swait.ge [sflag:s17], $0x2000  }
0x34c: {  	[sflag:s17] =	ssyncset.done $0x0  }
0x34d: {  	[sflag:s17] =	ssyncadd.s32 $0xFFFFE000  }
0x34e: {  	s3 =	sadd.s32 $0x1, s3;
	s1 =	rddreg [dreg:$0x9]  }
0x34f: {  	p0 =	sne.s32 s3, s1  }
.Ltmp13:
0x350: {  	_ = 	snop;
	(pc) =	sbr.rel @p0 .LBB2_1-.Ltmp13, $1  }
0x351: {  	_ =	sdelay $0x3  }
0x352: {  	_ =	sfence.sel $0x180000  }
0x353: {  	[bflag:$0x0] =	sbarrier.arrive $0xFFFF  }
0x354: {  	_ =	strace $0x9000004A  }
0x355: {  	s0 =	stileid.u32;
	[bflag:$0x2] =	sbarrier.arrive $0xFFFF  }
0x356: {  	p0 =	sne.s32 s0, $0x0;
	s0 =	rddreg [dreg:$0x5]  }
0x357: {  	s0 =	sadd.s32 @!p0 $0x100000, s0  }
0x358: {  	[sflag:s0] =	ssyncadd.tile.s32 @!p0 $0x1;
	_ =	shalt  }
.Lfunc_end2:
_tile_overlayer_lowered:
.L_overlay_start_2:
0x359: {  	(tag) =	ssettag $0x2  }
0x35a: {  	s0 =	rddreg [dreg:$0x0];
	s2 =	stileid.u32  }
0x35b: {  	s1 =	rddreg [dreg:$0x1];
	p0 =	sne.s32 s2, $0x0  }
0x35c: {  	s3 =	rddreg [dreg:$0x2];
	[bflag:$0x3] =	sbarrier.arrive $0xFFFF;
	s2 =	simm.s32 @!p0 $0x1C03  }
0x35d: {  	[timem:s3], [sflag:s2] =	dma.local @!p0 [hbm:s0], s1  }
0x35e: {  	s0 =	simm.s32 @!p0 $0x3  }
0x35f: {  	_ =	swait.ge @!p0 [sflag:s0], s1  }
0x360: {  	s1 =	ssub.s32 @!p0 $0x0, s1;
	[sflag:s0] =	ssyncset.done @!p0 $0x0  }
0x361: {  	[sflag:s0] =	ssyncadd.s32 @!p0 s1  }
0x362: {  	[bflag:$0x3] =	sbarrier.arrive $0xFFFF  }
0x363: {  	_ =	shalt  }

</sc_bundles>
